<compile_context>
chip_gen: v7x
topology: tpu7x:2x2x1
jax: 0.10.2.dev20260603
libtpu: 0.0.44.dev20260713+nightly
codegen_flags: <defaults>
</compile_context>

<pallas_src>
import functools

import jax
import jax.numpy as jnp
from jax import lax
from jax.experimental import pallas as pl
from jax.experimental.pallas import tpu as pltpu
from jax.experimental.pallas import tpu_sc as plsc

NC = 2
NSC = 16
NT = NC * NSC
CH = 128


def _ceil(a, b):
    return -(-a // b)


def _pad_block(n, pad, dtype):
    if isinstance(pad, tuple):
        return (jnp.arange(n, dtype=jnp.int32) % pad[1]).astype(dtype)
    return jnp.full((n,), pad, dtype)


def _pack_flat(arr, n_tiles, pad):
    e = arr.shape[0]
    per = _ceil(_ceil(e, n_tiles), CH) * CH
    total = n_tiles * per
    arr = jnp.concatenate([arr, _pad_block(total - e, pad, arr.dtype)])
    return arr.reshape(n_tiles, per // CH, CH), per // CH


def _pack_grouped(arr, n_groups, pad):
    eg = arr.shape[0] // n_groups
    per = _ceil(_ceil(eg, NSC), CH) * CH
    a = arr.reshape(n_groups, NSC, eg // NSC)
    padb = jnp.broadcast_to(
        _pad_block(per - eg // NSC, pad, arr.dtype),
        (n_groups, NSC, per - eg // NSC))
    a = jnp.concatenate([a, padb], axis=2)
    return a.reshape(n_groups, NSC, per // CH, CH), per // CH



def _sc_mesh():
    return plsc.VectorSubcoreMesh(core_axis_name="c", subcore_axis_name="s",
                                  num_cores=NC, num_subcores=NSC)


def _zero_fill_2d(zrow, acc, row0, n_blocks, f):
    def zbody(i, carry):
        for j in range(f // 16):
            zrow[i, pl.ds(16 * j, 16)] = jnp.zeros((16,), jnp.float32)
        return carry

    lax.fori_loop(0, 16, zbody, 0)

    def fbody(i, carry):
        pltpu.sync_copy(zrow, acc.at[pl.ds(row0 + 16 * i, 16)])
        return carry

    lax.fori_loop(0, n_blocks, fbody, 0)


def _agg_rows_full(table, src_pk, dst_pk, r_pad, f, n_chunks):
    rows_per = r_pad // NSC

    @functools.partial(
        pl.kernel,
        out_type=jax.ShapeDtypeStruct((2 * r_pad, f), jnp.float32),
        mesh=_sc_mesh(),
        scratch_types=[
            pltpu.VMEM((n_chunks, CH), jnp.int32),
            pltpu.VMEM((n_chunks, CH), jnp.int32),
            pltpu.VMEM((CH, f), jnp.float32),
            pltpu.VMEM((16, f), jnp.float32),
            pltpu.VMEM((16, f), jnp.float32),
            pltpu.VMEM_SHARED((r_pad, f), jnp.float32),
            pltpu.SemaphoreType.DMA,
        ],
    )
    def k(table_h, src_h, dst_h, out_h, sidx, didx, buf, zrow, tbuf, acc,
          sem):
        cid = lax.axis_index("c")
        sid = lax.axis_index("s")
        wid = cid * NSC + sid
        _zero_fill_2d(zrow, acc, sid * rows_per, rows_per // 16, f)
        pltpu.sync_copy(src_h.at[wid], sidx)
        pltpu.sync_copy(dst_h.at[wid], didx)
        plsc.subcore_barrier()

        def body(c, carry):
            pltpu.async_copy(table_h.at[sidx.at[c]], buf, sem).wait()
            pltpu.sync_copy(buf, acc.at[didx.at[c]], add=True)
            return carry

        lax.fori_loop(0, n_chunks, body, 0)
        plsc.subcore_barrier()

        def obody(i, carry):
            pltpu.sync_copy(
                acc.at[pl.ds(sid * rows_per + 16 * i, 16)], tbuf)
            pltpu.sync_copy(
                tbuf,
                out_h.at[pl.ds(cid * r_pad + sid * rows_per + 16 * i, 16)])
            return carry

        lax.fori_loop(0, rows_per // 16, obody, 0)

    return k(table, src_pk, dst_pk)


def _agg_rows_grouped(table, src_pk, dst_pk, ns_out, spr, nr, f, n_chunks):
    r_acc = spr * ns_out
    r_pad = _ceil(r_acc + 1, 256) * 256
    rows_per = r_pad // NSC
    out_per = r_acc // NSC
    src_pk = src_pk.reshape(2 * nr * NSC, n_chunks, CH)
    dst_pk = dst_pk.reshape(2 * nr * NSC, n_chunks, CH)

    @functools.partial(
        pl.kernel,
        out_type=jax.ShapeDtypeStruct((2 * nr * r_pad, f), jnp.float32),
        mesh=_sc_mesh(),
        scratch_types=[
            pltpu.VMEM((n_chunks, CH), jnp.int32),
            pltpu.VMEM((n_chunks, CH), jnp.int32),
            pltpu.VMEM((CH, f), jnp.float32),
            pltpu.VMEM((16, f), jnp.float32),
            pltpu.VMEM((16, f), jnp.float32),
            pltpu.VMEM_SHARED((r_pad, f), jnp.float32),
            pltpu.SemaphoreType.DMA,
        ],
    )
    def k(table_h, src_h, dst_h, out_h, sidx, didx, buf, zrow, tbuf, acc,
          sem):
        cid = lax.axis_index("c")
        sid = lax.axis_index("s")
        for r in range(nr):
            grp = cid * nr + r
            _zero_fill_2d(zrow, acc, sid * rows_per, rows_per // 16, f)
            pltpu.sync_copy(src_h.at[grp * NSC + sid], sidx)
            pltpu.sync_copy(dst_h.at[grp * NSC + sid], didx)
            plsc.subcore_barrier()

            def body(c, carry):
                pltpu.async_copy(table_h.at[sidx.at[c]], buf, sem).wait()
                pltpu.sync_copy(buf, acc.at[didx.at[c]], add=True)
                return carry

            lax.fori_loop(0, n_chunks, body, 0)
            plsc.subcore_barrier()

            def obody(i, carry):
                pltpu.sync_copy(
                    acc.at[pl.ds(sid * rows_per + 16 * i, 16)], tbuf)
                pltpu.sync_copy(
                    tbuf,
                    out_h.at[pl.ds(grp * r_pad + sid * rows_per + 16 * i,
                                   16)])
                return carry

            lax.fori_loop(0, rows_per // 16, obody, 0)
            plsc.subcore_barrier()

    out = k(table, src_pk, dst_pk)
    return out.reshape(2 * nr, r_pad, f)[:, :r_acc, :].reshape(
        2 * nr * r_acc, f)


def _agg_scalars(vals_pk, dst_pk, r_pad, n_chunks):
    rows_per = r_pad // NSC
    assert rows_per % 2048 == 0

    @functools.partial(
        pl.kernel,
        out_type=jax.ShapeDtypeStruct((2 * r_pad,), jnp.float32),
        mesh=_sc_mesh(),
        scratch_types=[
            pltpu.VMEM((n_chunks, CH), jnp.float32),
            pltpu.VMEM((n_chunks, CH), jnp.int32),
            pltpu.VMEM((2048,), jnp.float32),
            pltpu.VMEM((2048,), jnp.float32),
            pltpu.VMEM_SHARED((r_pad,), jnp.float32),
            pltpu.SemaphoreType.DMA,
        ],
    )
    def k(vals_h, dst_h, out_h, vbuf, didx, zbuf, obuf, acc, sem):
        cid = lax.axis_index("c")
        sid = lax.axis_index("s")
        wid = cid * NSC + sid

        def zbody(i, carry):
            zbuf[pl.ds(16 * i, 16)] = jnp.zeros((16,), jnp.float32)
            return carry

        lax.fori_loop(0, 128, zbody, 0)

        def fbody(i, carry):
            pltpu.sync_copy(
                zbuf, acc.at[pl.ds(sid * rows_per + 2048 * i, 2048)])
            return carry

        lax.fori_loop(0, rows_per // 2048, fbody, 0)
        pltpu.sync_copy(vals_h.at[wid], vbuf)
        pltpu.sync_copy(dst_h.at[wid], didx)
        plsc.subcore_barrier()

        def body(c, carry):
            pltpu.sync_copy(vbuf.at[c], acc.at[didx.at[c]], add=True)
            return carry

        lax.fori_loop(0, n_chunks, body, 0)
        plsc.subcore_barrier()

        def obody(i, carry):
            pltpu.sync_copy(
                acc.at[pl.ds(sid * rows_per + 2048 * i, 2048)], obuf)
            pltpu.sync_copy(
                obuf,
                out_h.at[pl.ds(cid * r_pad + sid * rows_per + 2048 * i,
                               2048)])
            return carry

        lax.fori_loop(0, rows_per // 2048, obody, 0)

    return k(vals_pk, dst_pk)


def _remap_edges(new_idx_f, src_f, dst_f, S, NS, ES, KK, ZR, RP):
    EH = ES * S // NT
    SPRp = 8
    SKK = S * KK

    @functools.partial(
        pl.kernel,
        out_type=(
            jax.ShapeDtypeStruct((S * ES,), jnp.int32),
            jax.ShapeDtypeStruct((S * ES,), jnp.int32),
            jax.ShapeDtypeStruct((S * ES,), jnp.int32),
            jax.ShapeDtypeStruct((S * ES,), jnp.float32),
        ),
        mesh=_sc_mesh(),
        scratch_types=[
            pltpu.VMEM((NS,), jnp.int32),
            pltpu.VMEM((EH,), jnp.int32),
            pltpu.VMEM((EH,), jnp.int32),
            pltpu.VMEM((EH,), jnp.int32),
            pltpu.VMEM((EH,), jnp.int32),
            pltpu.VMEM((EH,), jnp.int32),
            pltpu.VMEM((EH,), jnp.float32),
        ],
        compiler_params=pltpu.CompilerParams(needs_layout_passes=False),
    )
    def k(tab_h, src_h, dst_h, o1_h, o2_h, o3_h, o4_h,
          table, sbuf, dbuf, o1, o2, o3, o4):
        cid = lax.axis_index("c")
        sid = lax.axis_index("s")
        wid = cid * NSC + sid
        g = wid // 2
        gbase = wid * EH
        pltpu.sync_copy(tab_h.at[pl.ds(g * NS, NS)], table)
        pltpu.sync_copy(src_h.at[pl.ds(gbase, EH)], sbuf)
        pltpu.sync_copy(dst_h.at[pl.ds(gbase, EH)], dbuf)

        def body(i, carry):
            sl = pl.ds(16 * i, 16)
            nsv = plsc.load_gather(table, [sbuf[sl]])
            ndv = plsc.load_gather(table, [dbuf[sl]])
            m = (nsv >= 0) & (ndv >= 0)
            e = gbase + 16 * i + lax.broadcasted_iota(jnp.int32, (16,), 0)
            o1[sl] = jnp.where(m, g * KK + nsv, SKK + e % ZR)
            o2[sl] = jnp.where(m, (g % SPRp) * KK + ndv, e % (SPRp * KK))
            o3[sl] = jnp.where(m, g * KK + ndv, e % RP)
            o4[sl] = m.astype(jnp.float32)
            return carry

        lax.fori_loop(0, EH // 16, body, 0)
        pltpu.sync_copy(o1, o1_h.at[pl.ds(gbase, EH)])
        pltpu.sync_copy(o2, o2_h.at[pl.ds(gbase, EH)])
        pltpu.sync_copy(o3, o3_h.at[pl.ds(gbase, EH)])
        pltpu.sync_copy(o4, o4_h.at[pl.ds(gbase, EH)])

    return k(new_idx_f, src_f, dst_f)



def _mm_kernel(x_ref, w_ref, o_ref):
    o_ref[...] = jnp.dot(x_ref[...], w_ref[...],
                         preferred_element_type=jnp.float32)


def _mm(x, w, block_m):
    m, kdim = x.shape
    _, n = w.shape
    assert m % block_m == 0
    return pl.pallas_call(
        _mm_kernel,
        out_shape=jax.ShapeDtypeStruct((m, n), jnp.float32),
        grid=(m // block_m,),
        in_specs=[
            pl.BlockSpec((block_m, kdim), lambda i: (i, 0)),
            pl.BlockSpec((kdim, n), lambda i: (0, 0)),
        ],
        out_specs=pl.BlockSpec((block_m, n), lambda i: (i, 0)),
    )(x, w)


def _mhsa(x, Wqkv, bqkv, Wout, bout, H):
    S, E = x.shape
    hd = E // H
    qkv = (x @ Wqkv.T + bqkv).reshape(S, 1, 3, H, hd).transpose(2, 0, 3, 1, 4)
    q, k, v = qkv[0], qkv[1], qkv[2]
    attn = jax.nn.softmax((q @ jnp.swapaxes(k, -2, -1)) / (hd ** 0.5), axis=-1)
    out = (attn @ v).transpose(0, 2, 1, 3).reshape(S, 1, E)
    return out @ Wout.T + bout



def kernel(x, edge_index, sub_x, sub_edge_index, orig_idx, W1, b1, W2, b2,
           Wp, bp, Ws, bs, Wqkv, bqkv, Wout, bout, Wf, bf):
    N = x.shape[0]
    S, NS, D = sub_x.shape
    ES = sub_edge_index.shape[2]
    NH = W1.shape[1]
    C = Wf.shape[1]
    KK = NS // 2
    f32 = jnp.float32

    src_s = sub_edge_index[:, 0, :]
    dst_s = sub_edge_index[:, 1, :]
    gids = jnp.arange(S, dtype=jnp.int32)[:, None]

    R1, R2 = S * NS, N
    RD = R1 + R2
    RD_pad = _ceil(RD + 1, NSC * 2048) * NSC * 2048
    dummy_d = RD
    dsub_flat = (gids * NS + dst_s).reshape(-1)
    deg_dst = jnp.concatenate([dsub_flat, R1 + edge_index[1]])
    deg_dst_pk, nch_d = _pack_flat(deg_dst, NT, ("spread", RD))
    ones_pk, _ = _pack_flat(jnp.ones(deg_dst.shape, f32), NT, 0.0)
    deg2 = _agg_scalars(ones_pk, deg_dst_pk, RD_pad, nch_d)
    deg_all = deg2[:RD] + deg2[RD_pad:RD_pad + RD] + 1.0
    dinv_sub = (deg_all[:R1] ** -0.5).reshape(S, NS)
    dinv_f = deg_all[R1:] ** -0.5

    dv = dinv_sub.reshape(-1, 1)
    SPR = 4
    NR = S // (2 * SPR)
    zrow_s = S * NS
    src_flat = (gids * NS + src_s).reshape(-1)
    dstm_flat = ((gids % SPR) * NS + dst_s).reshape(-1)
    src_pk, nch_s = _pack_grouped(src_flat, 2 * NR, zrow_s)
    dst_pk, _ = _pack_grouped(dstm_flat, 2 * NR, ("spread", SPR * NS))
    zpad8 = jnp.zeros((8, NH), f32)
    z0 = sub_x.reshape(S * NS, D) * dv
    y0 = _agg_rows_grouped(jnp.concatenate([z0, zpad8]), src_pk, dst_pk,
                           NS, SPR, NR, D, nch_s)
    x1 = jax.nn.relu(dv * _mm(y0 + z0, W1, 2000) + b1)

    Wcat = jnp.concatenate(
        [W2, Wp, jnp.zeros((NH, 7), f32)], axis=1)
    z1 = x1 * dv
    y1 = _agg_rows_grouped(jnp.concatenate([z1, zpad8]), src_pk, dst_pk,
                           NS, SPR, NR, NH, nch_s)
    h2 = dv * _mm(y1 + z1, Wcat, 2000)
    xn = jax.nn.relu(h2[:, :NH] + b2).reshape(S, NS, NH)
    score = (h2[:, NH] + bp[0]).reshape(S, NS)

    topv, perm = jax.lax.top_k(score, KK)
    x1r = x1.reshape(S, NS, NH)
    x_pool = jnp.take_along_axis(x1r, perm[:, :, None], axis=1) \
        * jnp.tanh(topv)[:, :, None]
    new_idx = jnp.full((S, NS), -1, jnp.int32).at[
        jnp.arange(S)[:, None], perm].set(
            jnp.broadcast_to(jnp.arange(KK, dtype=jnp.int32), (S, KK)))

    emb1 = jnp.concatenate(
        [jnp.max(x_pool, axis=1), jnp.mean(x_pool, axis=1)], axis=1)

    RP1, RP2 = S * KK, N * S
    RP = RP1 + RP2
    RP_pad = _ceil(RP + 1, NSC * 2048) * NSC * 2048
    ZR = 2048
    srcp_flat, dstp_flat, pd_dst, pd_val = _remap_edges(
        new_idx.reshape(-1), src_s.reshape(-1), dst_s.reshape(-1),
        S, NS, ES, KK, ZR, RP)

    cnt_dst = RP1 + (orig_idx.astype(jnp.int32) * S + gids).reshape(-1)
    pc_dst = jnp.concatenate([pd_dst, cnt_dst])
    pc_val = jnp.concatenate([pd_val, jnp.ones((S * NS,), f32)])
    pc_dst_pk, nch_p = _pack_flat(pc_dst, NT, ("spread", RP))
    pc_val_pk, _ = _pack_flat(pc_val, NT, 0.0)
    pc2 = _agg_scalars(pc_val_pk, pc_dst_pk, RP_pad, nch_p)
    pc = pc2[:RP] + pc2[RP_pad:RP_pad + RP]
    dinv_p = ((pc[:RP1] + 1.0) ** -0.5).reshape(S, KK)
    counts = pc[RP1:].reshape(N, S)

    dvp = dinv_p.reshape(-1, 1)
    SPRp = 8
    srcp_pk, nch_pp = _pack_grouped(srcp_flat, 2, S * KK)
    dstp_pk, _ = _pack_grouped(dstp_flat, 2, 0)
    zp = x_pool.reshape(S * KK, NH) * dvp
    zp_t = jnp.concatenate([zp, jnp.zeros((ZR, NH), f32)])
    yp = _agg_rows_grouped(zp_t, srcp_pk, dstp_pk, KK, SPRp, 1, NH, nch_pp)
    xs = jax.nn.relu(dvp * _mm(yp + zp, Ws, 2000) + bs)
    xs = xs.reshape(S, KK, NH)
    emb2 = jnp.concatenate(
        [jnp.max(xs, axis=1), jnp.mean(xs, axis=1)], axis=1)
    sub_embs = emb1 + emb2

    att = _mhsa(sub_embs, Wqkv, bqkv, Wout, bout, 2)[:, 0, :]

    NG_pad = _ceil(N + 1, 256) * 256
    g_src = jnp.arange(S * NS, dtype=jnp.int32)
    g_dst = orig_idx.astype(jnp.int32).reshape(-1)
    g_src_pk, nch_g = _pack_flat(g_src, NT, S * NS)
    g_dst_pk, _ = _pack_flat(g_dst, NT, ("spread", N))
    g2 = _agg_rows_full(
        jnp.concatenate([xn.reshape(S * NS, NH), zpad8]), g_src_pk,
        g_dst_pk, NG_pad, NH, nch_g)
    global0 = g2[:N] + g2[NG_pad:NG_pad + N]
    global1 = _mm(counts, att, 2000)
    global_emb = jnp.concatenate([global0, global1], axis=1)

    xwf = _mm(global_emb, Wf, 2000)
    zf = jnp.pad(xwf * dinv_f[:, None], ((0, 8), (0, 128 - C)))
    f_src_pk, nch_f = _pack_flat(edge_index[0], NT, N)
    f_dst_pk, _ = _pack_flat(edge_index[1], NT, ("spread", N))
    f2 = _agg_rows_full(zf, f_src_pk, f_dst_pk, NG_pad, 128, nch_f)
    aggf = f2[:N, :C] + f2[NG_pad:NG_pad + N, :C]
    logits = dinv_f[:, None] * (aggf + xwf * dinv_f[:, None]) + bf
    return jax.nn.log_softmax(logits, axis=-1), global_emb

# --- scband reference (transcript-rebuilt; emitter-appended) ---
"""Pipeline reference for scband-node-classifier-39711267619039 (READ-ONLY COPY).

The authoritative reference and input builder live on the scoring server;
editing this copy changes nothing except your own understanding.
"""

import jax, jax.numpy as jnp
import numpy as np


def _gcn(x, W, b, src, dst, n, edge_mask=None):
    xw = x @ W
    loop = jnp.arange(n)
    s = jnp.concatenate([src, loop])
    d = jnp.concatenate([dst, loop])
    if edge_mask is None:
        m = jnp.ones(s.shape[0], x.dtype)
    else:
        m = jnp.concatenate([edge_mask.astype(x.dtype), jnp.ones(n, x.dtype)])
    deg = jnp.zeros(n, x.dtype).at[d].add(m)
    dinv = jnp.where(deg > 0, deg ** -0.5, 0.0)
    norm = dinv[s] * dinv[d] * m
    out = jnp.zeros((n, W.shape[1]), x.dtype).at[d].add(xw[s] * norm[:, None])
    return out + b


def _mhsa(x, Wqkv, bqkv, Wout, bout, H):
    S, E = x.shape
    hd = E // H
    qkv = (x @ Wqkv.T + bqkv).reshape(S, 1, 3, H, hd).transpose(2, 0, 3, 1, 4)
    q, k, v = qkv[0], qkv[1], qkv[2]
    attn = jax.nn.softmax((q @ jnp.swapaxes(k, -2, -1)) / (hd ** 0.5), axis=-1)
    out = (attn @ v).transpose(0, 2, 1, 3).reshape(S, 1, E)
    return out @ Wout.T + bout


def _forward(x, edge_index, sub_x, sub_edge_index, orig_idx, W1, b1, W2, b2, Wp, bp, Ws, bs, Wqkv, bqkv, Wout, bout, Wf, bf):
    N = x.shape[0]
    nhid = W1.shape[1]

    def per_sub(sx, sei):
        src, dst = sei[0], sei[1]
        n = sx.shape[0]
        x1 = jax.nn.relu(_gcn(sx, W1, b1, src, dst, n))
        xn = jax.nn.relu(_gcn(x1, W2, b2, src, dst, n))
        # SAGPooling(nhid, ratio=0.5): score via GCN, top-k select, gate with tanh
        score = _gcn(x1, Wp, bp, src, dst, n)[:, 0]
        kk = n // 2
        topv, perm = jax.lax.top_k(score, kk)
        x_pool = x1[perm] * jnp.tanh(topv)[:, None]
        new_idx = jnp.full((n,), -1).at[perm].set(jnp.arange(kk))
        ns = new_idx[src]
        nd = new_idx[dst]
        emask = (ns >= 0) & (nd >= 0)
        ns = jnp.where(emask, ns, 0)
        nd = jnp.where(emask, nd, 0)
        # single graph per subgraph -> batch is all zeros; gmp/gap collapse to max/mean
        emb1 = jnp.concatenate([jnp.max(x_pool, axis=0), jnp.mean(x_pool, axis=0)])
        xs = jax.nn.relu(_gcn(x_pool, Ws, bs, ns, nd, kk, emask))
        emb2 = jnp.concatenate([jnp.max(xs, axis=0), jnp.mean(xs, axis=0)])
        return xn, emb1 + emb2

    node_embs, sub_embs = jax.vmap(per_sub)(sub_x, sub_edge_index)
    att = _mhsa(sub_embs, Wqkv, bqkv, Wout, bout, 2)[:, 0, :]
    S, n_sub = orig_idx.shape
    combined = jnp.concatenate([node_embs, jnp.broadcast_to(att[:, None, :], (S, n_sub, att.shape[-1]))], axis=-1)
    global_emb = jnp.zeros((N, 3 * nhid), x.dtype).at[orig_idx.reshape(-1)].add(combined.reshape(-1, 3 * nhid))
    logits = _gcn(global_emb, Wf, bf, edge_index[0], edge_index[1], N)
    return jax.nn.log_softmax(logits, axis=-1), global_emb


def setup_inputs(seed: int = 0) -> dict:
    key = jax.random.key(seed)
    N, E, D, NH, S, NS, ES, C = 10000, 320000, 128, 128, 16, 2000, 16000, 64
    ks = jax.random.split(key, 20)
    sc = 0.05
    inp = {}
    inp['x'] = jax.random.normal(ks[0], (N, D), jnp.float32)
    inp['edge_index'] = jax.random.randint(ks[1], (2, E), 0, N)
    inp['sub_x'] = jax.random.normal(ks[2], (S, NS, D), jnp.float32)
    inp['sub_edge_index'] = jax.random.randint(ks[3], (S, 2, ES), 0, NS)
    inp['orig_idx'] = jax.random.randint(ks[4], (S, NS), 0, N)
    inp['W1'] = jax.random.normal(ks[5], (D, NH), jnp.float32) * sc
    inp['b1'] = jnp.zeros((NH,), jnp.float32)
    inp['W2'] = jax.random.normal(ks[6], (NH, NH), jnp.float32) * sc
    inp['b2'] = jnp.zeros((NH,), jnp.float32)
    inp['Wp'] = jax.random.normal(ks[7], (NH, 1), jnp.float32) * sc
    inp['bp'] = jnp.zeros((1,), jnp.float32)
    inp['Ws'] = jax.random.normal(ks[8], (NH, NH), jnp.float32) * sc
    inp['bs'] = jnp.zeros((NH,), jnp.float32)
    inp['Wqkv'] = jax.random.normal(ks[9], (3 * 2 * NH, 2 * NH), jnp.float32) * sc
    inp['bqkv'] = jnp.zeros((3 * 2 * NH,), jnp.float32)
    inp['Wout'] = jax.random.normal(ks[10], (2 * NH, 2 * NH), jnp.float32) * sc
    inp['bout'] = jnp.zeros((2 * NH,), jnp.float32)
    inp['Wf'] = jax.random.normal(ks[11], (3 * NH, C), jnp.float32) * sc
    inp['bf'] = jnp.zeros((C,), jnp.float32)
    return inp


def reference(x, edge_index, sub_x, sub_edge_index, orig_idx, W1, b1, W2, b2, Wp, bp, Ws, bs, Wqkv, bqkv, Wout, bout, Wf, bf):
    return _forward(x, edge_index, sub_x, sub_edge_index, orig_idx, W1, b1, W2, b2, Wp, bp, Ws, bs, Wqkv, bqkv, Wout, bout, Wf, bf)

if __name__ == "__main__":
    import jax
    _d = setup_inputs()
    print(jax.jit(kernel)(*tuple(_d.values())))

</pallas_src>

<mosaic_0001>
#map = affine_map<(d0, d1) -> (0)>
module attributes {stable_mosaic.version = 14 : i64} {
  func.func @k(%arg0: i32, %arg1: i32, %arg2: memref<32000xi32, #tpu.memory_space<hbm>>, %arg3: memref<256000xi32, #tpu.memory_space<hbm>>, %arg4: memref<256000xi32, #tpu.memory_space<hbm>>, %arg5: memref<256000xi32, #tpu.memory_space<hbm>>, %arg6: memref<256000xi32, #tpu.memory_space<hbm>>, %arg7: memref<256000xi32, #tpu.memory_space<hbm>>, %arg8: memref<256000xf32, #tpu.memory_space<hbm>>, %arg9: memref<2000xi32, #tpu.memory_space<vmem>>, %arg10: memref<8000xi32, #tpu.memory_space<vmem>>, %arg11: memref<8000xi32, #tpu.memory_space<vmem>>, %arg12: memref<8000xi32, #tpu.memory_space<vmem>>, %arg13: memref<8000xi32, #tpu.memory_space<vmem>>, %arg14: memref<8000xi32, #tpu.memory_space<vmem>>, %arg15: memref<8000xf32, #tpu.memory_space<vmem>>) attributes {dimension_semantics = [#tpu.dimension_semantics<core_parallel>, #tpu.dimension_semantics<subcore_parallel>], iteration_bounds = array<i64: 2, 16>, scalar_prefetch = 0 : i64, scratch_operands = 7 : i64, tpu.core_type = #tpu.core_type<sc_vector_subcore>, window_params = [{transform_indices = #map}, {transform_indices = #map}, {transform_indices = #map}, {transform_indices = #map}, {transform_indices = #map}, {transform_indices = #map}, {transform_indices = #map}]} {
    %mul3A = arith.constant 16 : i32
    %mul3A_0 = arith.muli %arg0, %mul3A : i32
    %add3A = arith.addi %mul3A_0, %arg1 : i32
    %jit3A = arith.constant 2 : i32
    %div3A = arith.divsi %add3A, %jit3A : i32
    %sign3A = arith.constant 0 : i32
    %sign3A_1 = arith.cmpi sgt, %add3A, %sign3A : i32
    %sign3A_2 = arith.extui %sign3A_1 : i1 to i32
    %sign3A_3 = arith.constant 0 : i32
    %sign3A_4 = arith.cmpi slt, %add3A, %sign3A_3 : i32
    %sign3A_5 = arith.extui %sign3A_4 : i1 to i32
    %sign3A_6 = arith.subi %sign3A_2, %sign3A_5 : i32
    %sign3A_7 = arith.constant 0 : i32
    %sign3A_8 = arith.cmpi sgt, %jit3A, %sign3A_7 : i32
    %sign3A_9 = arith.extui %sign3A_8 : i1 to i32
    %sign3A_10 = arith.constant 0 : i32
    %sign3A_11 = arith.cmpi slt, %jit3A, %sign3A_10 : i32
    %sign3A_12 = arith.extui %sign3A_11 : i1 to i32
    %sign3A_13 = arith.subi %sign3A_9, %sign3A_12 : i32
    %ne3A = arith.cmpi ne, %sign3A_6, %sign3A_13 : i32
    %rem3A = arith.remsi %add3A, %jit3A : i32
    %ne3A_14 = arith.constant 0 : i32
    %ne3A_15 = arith.cmpi ne, %rem3A, %ne3A_14 : i32
    %and3A = arith.andi %ne3A, %ne3A_15 : i1
    %sub3A = arith.constant 1 : i32
    %sub3A_16 = arith.subi %div3A, %sub3A : i32
    %select_n3A = arith.select %and3A, %sub3A_16, %div3A : i32
    %mul3A_17 = arith.constant 8000 : i32
    %mul3A_18 = arith.muli %add3A, %mul3A_17 : i32
    %mul3A_19 = arith.constant 2000 : i32
    %mul3A_20 = arith.muli %select_n3A, %mul3A_19 : i32
    "tpu.region"() ({
      %run_scoped3A = tpu.sem_alloc : memref<!tpu.dma_semaphore, #tpu.memory_space<semaphore_mem>>
      %dma_start3A = tpu.memref_slice %arg2[%mul3A_20] : memref<32000xi32, #tpu.memory_space<hbm>> -> memref<2000xi32, #tpu.memory_space<hbm>>
      %dma_start3A_26 = tpu.memref_slice %arg2[%mul3A_20] : memref<32000xi32, #tpu.memory_space<hbm>> -> memref<2000xi32, #tpu.memory_space<hbm>>
      tpu.enqueue_dma source(%dma_start3A_26 : memref<2000xi32, #tpu.memory_space<hbm>>) target(%arg9 : memref<2000xi32, #tpu.memory_space<vmem>>) target_semaphore(%run_scoped3A : memref<!tpu.dma_semaphore, #tpu.memory_space<semaphore_mem>>)
      %dma_wait3A = tpu.memref_slice %arg2[%mul3A_20] : memref<32000xi32, #tpu.memory_space<hbm>> -> memref<2000xi32, #tpu.memory_space<hbm>>
      %dma_wait3A_27 = tpu.memref_slice %arg2[%mul3A_20] : memref<32000xi32, #tpu.memory_space<hbm>> -> memref<2000xi32, #tpu.memory_space<hbm>>
      tpu.wait_dma2 semaphore(%run_scoped3A : memref<!tpu.dma_semaphore, #tpu.memory_space<semaphore_mem>>) src(%dma_wait3A_27 : memref<2000xi32, #tpu.memory_space<hbm>>) dst(%arg9 : memref<2000xi32, #tpu.memory_space<vmem>>)
      tpu.yield
    }) : () -> ()
    "tpu.region"() ({
      %run_scoped3A = tpu.sem_alloc : memref<!tpu.dma_semaphore, #tpu.memory_space<semaphore_mem>>
      %dma_start3A = tpu.memref_slice %arg3[%mul3A_18] : memref<256000xi32, #tpu.memory_space<hbm>> -> memref<8000xi32, #tpu.memory_space<hbm>>
      %dma_start3A_26 = tpu.memref_slice %arg3[%mul3A_18] : memref<256000xi32, #tpu.memory_space<hbm>> -> memref<8000xi32, #tpu.memory_space<hbm>>
      tpu.enqueue_dma source(%dma_start3A_26 : memref<8000xi32, #tpu.memory_space<hbm>>) target(%arg10 : memref<8000xi32, #tpu.memory_space<vmem>>) target_semaphore(%run_scoped3A : memref<!tpu.dma_semaphore, #tpu.memory_space<semaphore_mem>>)
      %dma_wait3A = tpu.memref_slice %arg3[%mul3A_18] : memref<256000xi32, #tpu.memory_space<hbm>> -> memref<8000xi32, #tpu.memory_space<hbm>>
      %dma_wait3A_27 = tpu.memref_slice %arg3[%mul3A_18] : memref<256000xi32, #tpu.memory_space<hbm>> -> memref<8000xi32, #tpu.memory_space<hbm>>
      tpu.wait_dma2 semaphore(%run_scoped3A : memref<!tpu.dma_semaphore, #tpu.memory_space<semaphore_mem>>) src(%dma_wait3A_27 : memref<8000xi32, #tpu.memory_space<hbm>>) dst(%arg10 : memref<8000xi32, #tpu.memory_space<vmem>>)
      tpu.yield
    }) : () -> ()
    "tpu.region"() ({
      %run_scoped3A = tpu.sem_alloc : memref<!tpu.dma_semaphore, #tpu.memory_space<semaphore_mem>>
      %dma_start3A = tpu.memref_slice %arg4[%mul3A_18] : memref<256000xi32, #tpu.memory_space<hbm>> -> memref<8000xi32, #tpu.memory_space<hbm>>
      %dma_start3A_26 = tpu.memref_slice %arg4[%mul3A_18] : memref<256000xi32, #tpu.memory_space<hbm>> -> memref<8000xi32, #tpu.memory_space<hbm>>
      tpu.enqueue_dma source(%dma_start3A_26 : memref<8000xi32, #tpu.memory_space<hbm>>) target(%arg11 : memref<8000xi32, #tpu.memory_space<vmem>>) target_semaphore(%run_scoped3A : memref<!tpu.dma_semaphore, #tpu.memory_space<semaphore_mem>>)
      %dma_wait3A = tpu.memref_slice %arg4[%mul3A_18] : memref<256000xi32, #tpu.memory_space<hbm>> -> memref<8000xi32, #tpu.memory_space<hbm>>
      %dma_wait3A_27 = tpu.memref_slice %arg4[%mul3A_18] : memref<256000xi32, #tpu.memory_space<hbm>> -> memref<8000xi32, #tpu.memory_space<hbm>>
      tpu.wait_dma2 semaphore(%run_scoped3A : memref<!tpu.dma_semaphore, #tpu.memory_space<semaphore_mem>>) src(%dma_wait3A_27 : memref<8000xi32, #tpu.memory_space<hbm>>) dst(%arg11 : memref<8000xi32, #tpu.memory_space<vmem>>)
      tpu.yield
    }) : () -> ()
    %scan3A = arith.constant 0 : i32
    %scan3A_21 = arith.constant 0 : i32
    %scan3A_22 = arith.constant 500 : i32
    %scan3A_23 = arith.addi %scan3A_21, %scan3A_22 : i32
    %scan3A_24 = arith.constant 1 : i32
    scf.for %scan3A_26 = %scan3A_21 to %scan3A_23 step %scan3A_24  : i32 {
      %mul3A_27 = arith.constant 16 : i32
      %mul3A_28 = arith.muli %mul3A_27, %scan3A_26 : i32
      %get3A = arith.index_cast %mul3A_28 : i32 to index
      %get3A_29 = tpu.vector_load %arg10[%get3A] {strides = array<i32>} : memref<8000xi32, #tpu.memory_space<vmem>>, vector<16xi32>,
      %gather3A = tpu.vector_load_idx %arg9[%get3A_29] : memref<2000xi32, #tpu.memory_space<vmem>>[vector<16xi32>], vector<16xi32>,
      %get3A_30 = arith.index_cast %mul3A_28 : i32 to index
      %get3A_31 = tpu.vector_load %arg11[%get3A_30] {strides = array<i32>} : memref<8000xi32, #tpu.memory_space<vmem>>, vector<16xi32>,
      %gather3A_32 = tpu.vector_load_idx %arg9[%get3A_31] : memref<2000xi32, #tpu.memory_space<vmem>>[vector<16xi32>], vector<16xi32>,
      %ge3A = arith.constant 0 : i32
      %ge3A_33 = vector.broadcast %ge3A : i32 to vector<16xi32>
      %ge3A_34 = arith.cmpi sge, %gather3A, %ge3A_33 : vector<16xi32>
      %ge3A_35 = arith.constant 0 : i32
      %ge3A_36 = vector.broadcast %ge3A_35 : i32 to vector<16xi32>
      %ge3A_37 = arith.cmpi sge, %gather3A_32, %ge3A_36 : vector<16xi32>
      %and3A_38 = arith.andi %ge3A_34, %ge3A_37 : vector<16xi1>
      %mul3A_39 = arith.constant 16 : i32
      %mul3A_40 = arith.muli %mul3A_39, %scan3A_26 : i32
      %add3A_41 = arith.addi %mul3A_18, %mul3A_40 : i32
      %iota3A = tpu.iota {dimensions = array<i32: 0>} : vector<16xi32>
      %add3A_42 = vector.broadcast %add3A_41 : i32 to vector<16xi32>
      %add3A_43 = arith.addi %add3A_42, %iota3A : vector<16xi32>
      %mul3A_44 = arith.constant 1000 : i32
      %mul3A_45 = arith.muli %select_n3A, %mul3A_44 : i32
      %add3A_46 = vector.broadcast %mul3A_45 : i32 to vector<16xi32>
      %add3A_47 = arith.addi %add3A_46, %gather3A : vector<16xi32>
      %jit3A_48 = arith.constant 2048 : i32
      %eq3A = arith.constant 0 : i32
      %eq3A_49 = arith.cmpi eq, %jit3A_48, %eq3A : i32
      %jit3A_50 = arith.constant 1 : i32
      %select_n3A_51 = arith.select %eq3A_49, %jit3A_50, %jit3A_48 : i32
      %rem3A_52 = vector.broadcast %select_n3A_51 : i32 to vector<16xi32>
      %rem3A_53 = arith.remsi %add3A_43, %rem3A_52 : vector<16xi32>
      %ne3A_54 = arith.constant 0 : i32
      %ne3A_55 = vector.broadcast %ne3A_54 : i32 to vector<16xi32>
      %ne3A_56 = arith.cmpi ne, %rem3A_53, %ne3A_55 : vector<16xi32>
      %lt3A = arith.constant 0 : i32
      %lt3A_57 = vector.broadcast %lt3A : i32 to vector<16xi32>
      %lt3A_58 = arith.cmpi slt, %rem3A_53, %lt3A_57 : vector<16xi32>
      %lt3A_59 = arith.constant 0 : i32
      %lt3A_60 = arith.cmpi slt, %select_n3A_51, %lt3A_59 : i32
      %ne3A_61 = vector.broadcast %lt3A_60 : i1 to vector<16xi1>
      %ne3A_62 = vector.broadcast %ne3A_61 : vector<16xi1> to vector<16xi1>
      %ne3A_63 = arith.xori %lt3A_58, %ne3A_62 : vector<16xi1>
      %and3A_64 = arith.andi %ne3A_63, %ne3A_56 : vector<16xi1>
      %add3A_65 = vector.broadcast %select_n3A_51 : i32 to vector<16xi32>
      %add3A_66 = arith.addi %rem3A_53, %add3A_65 : vector<16xi32>
      %select_n3A_67 = arith.select %and3A_64, %add3A_66, %rem3A_53 : vector<16xi1>, vector<16xi32>
      %add3A_68 = arith.constant 16000 : i32
      %add3A_69 = vector.broadcast %add3A_68 : i32 to vector<16xi32>
      %add3A_70 = arith.addi %add3A_69, %select_n3A_67 : vector<16xi32>
      %select_n3A_71 = arith.select %and3A_38, %add3A_47, %add3A_70 : vector<16xi1>, vector<16xi32>
      %swap3A = arith.index_cast %mul3A_28 : i32 to index
      %swap3A_72 = tpu.vector_load %arg12[%swap3A] {strides = array<i32>} : memref<8000xi32, #tpu.memory_space<vmem>>, vector<16xi32>,
      tpu.vector_store %arg12[%swap3A], %select_n3A_71 {strides = array<i32>} : memref<8000xi32, #tpu.memory_space<vmem>>, vector<16xi32>,
      %jit3A_73 = arith.constant 8 : i32
      %eq3A_74 = arith.constant 0 : i32
      %eq3A_75 = arith.cmpi eq, %jit3A_73, %eq3A_74 : i32
      %jit3A_76 = arith.constant 1 : i32
      %select_n3A_77 = arith.select %eq3A_75, %jit3A_76, %jit3A_73 : i32
      %rem3A_78 = arith.remsi %select_n3A, %select_n3A_77 : i32
      %ne3A_79 = arith.constant 0 : i32
      %ne3A_80 = arith.cmpi ne, %rem3A_78, %ne3A_79 : i32
      %lt3A_81 = arith.constant 0 : i32
      %lt3A_82 = arith.cmpi slt, %rem3A_78, %lt3A_81 : i32
      %lt3A_83 = arith.constant 0 : i32
      %lt3A_84 = arith.cmpi slt, %select_n3A_77, %lt3A_83 : i32
      %ne3A_85 = arith.xori %lt3A_82, %lt3A_84 : i1
      %and3A_86 = arith.andi %ne3A_85, %ne3A_80 : i1
      %add3A_87 = arith.addi %rem3A_78, %select_n3A_77 : i32
      %select_n3A_88 = arith.select %and3A_86, %add3A_87, %rem3A_78 : i32
      %mul3A_89 = arith.constant 1000 : i32
      %mul3A_90 = arith.muli %select_n3A_88, %mul3A_89 : i32
      %add3A_91 = vector.broadcast %mul3A_90 : i32 to vector<16xi32>
      %add3A_92 = arith.addi %add3A_91, %gather3A_32 : vector<16xi32>
      %jit3A_93 = arith.constant 8000 : i32
      %eq3A_94 = arith.constant 0 : i32
      %eq3A_95 = arith.cmpi eq, %jit3A_93, %eq3A_94 : i32
      %jit3A_96 = arith.constant 1 : i32
      %select_n3A_97 = arith.select %eq3A_95, %jit3A_96, %jit3A_93 : i32
      %rem3A_98 = vector.broadcast %select_n3A_97 : i32 to vector<16xi32>
      %rem3A_99 = arith.remsi %add3A_43, %rem3A_98 : vector<16xi32>
      %ne3A_100 = arith.constant 0 : i32
      %ne3A_101 = vector.broadcast %ne3A_100 : i32 to vector<16xi32>
      %ne3A_102 = arith.cmpi ne, %rem3A_99, %ne3A_101 : vector<16xi32>
      %lt3A_103 = arith.constant 0 : i32
      %lt3A_104 = vector.broadcast %lt3A_103 : i32 to vector<16xi32>
      %lt3A_105 = arith.cmpi slt, %rem3A_99, %lt3A_104 : vector<16xi32>
      %lt3A_106 = arith.constant 0 : i32
      %lt3A_107 = arith.cmpi slt, %select_n3A_97, %lt3A_106 : i32
      %ne3A_108 = vector.broadcast %lt3A_107 : i1 to vector<16xi1>
      %ne3A_109 = vector.broadcast %ne3A_108 : vector<16xi1> to vector<16xi1>
      %ne3A_110 = arith.xori %lt3A_105, %ne3A_109 : vector<16xi1>
      %and3A_111 = arith.andi %ne3A_110, %ne3A_102 : vector<16xi1>
      %add3A_112 = vector.broadcast %select_n3A_97 : i32 to vector<16xi32>
      %add3A_113 = arith.addi %rem3A_99, %add3A_112 : vector<16xi32>
      %select_n3A_114 = arith.select %and3A_111, %add3A_113, %rem3A_99 : vector<16xi1>, vector<16xi32>
      %select_n3A_115 = arith.select %and3A_38, %add3A_92, %select_n3A_114 : vector<16xi1>, vector<16xi32>
      %swap3A_116 = arith.index_cast %mul3A_28 : i32 to index
      %swap3A_117 = tpu.vector_load %arg13[%swap3A_116] {strides = array<i32>} : memref<8000xi32, #tpu.memory_space<vmem>>, vector<16xi32>,
      tpu.vector_store %arg13[%swap3A_116], %select_n3A_115 {strides = array<i32>} : memref<8000xi32, #tpu.memory_space<vmem>>, vector<16xi32>,
      %mul3A_118 = arith.constant 1000 : i32
      %mul3A_119 = arith.muli %select_n3A, %mul3A_118 : i32
      %add3A_120 = vector.broadcast %mul3A_119 : i32 to vector<16xi32>
      %add3A_121 = arith.addi %add3A_120, %gather3A_32 : vector<16xi32>
      %jit3A_122 = arith.constant 176000 : i32
      %eq3A_123 = arith.constant 0 : i32
      %eq3A_124 = arith.cmpi eq, %jit3A_122, %eq3A_123 : i32
      %jit3A_125 = arith.constant 1 : i32
      %select_n3A_126 = arith.select %eq3A_124, %jit3A_125, %jit3A_122 : i32
      %rem3A_127 = vector.broadcast %select_n3A_126 : i32 to vector<16xi32>
      %rem3A_128 = arith.remsi %add3A_43, %rem3A_127 : vector<16xi32>
      %ne3A_129 = arith.constant 0 : i32
      %ne3A_130 = vector.broadcast %ne3A_129 : i32 to vector<16xi32>
      %ne3A_131 = arith.cmpi ne, %rem3A_128, %ne3A_130 : vector<16xi32>
      %lt3A_132 = arith.constant 0 : i32
      %lt3A_133 = vector.broadcast %lt3A_132 : i32 to vector<16xi32>
      %lt3A_134 = arith.cmpi slt, %rem3A_128, %lt3A_133 : vector<16xi32>
      %lt3A_135 = arith.constant 0 : i32
      %lt3A_136 = arith.cmpi slt, %select_n3A_126, %lt3A_135 : i32
      %ne3A_137 = vector.broadcast %lt3A_136 : i1 to vector<16xi1>
      %ne3A_138 = vector.broadcast %ne3A_137 : vector<16xi1> to vector<16xi1>
      %ne3A_139 = arith.xori %lt3A_134, %ne3A_138 : vector<16xi1>
      %and3A_140 = arith.andi %ne3A_139, %ne3A_131 : vector<16xi1>
      %add3A_141 = vector.broadcast %select_n3A_126 : i32 to vector<16xi32>
      %add3A_142 = arith.addi %rem3A_128, %add3A_141 : vector<16xi32>
      %select_n3A_143 = arith.select %and3A_140, %add3A_142, %rem3A_128 : vector<16xi1>, vector<16xi32>
      %select_n3A_144 = arith.select %and3A_38, %add3A_121, %select_n3A_143 : vector<16xi1>, vector<16xi32>
      %swap3A_145 = arith.index_cast %mul3A_28 : i32 to index
      %swap3A_146 = tpu.vector_load %arg14[%swap3A_145] {strides = array<i32>} : memref<8000xi32, #tpu.memory_space<vmem>>, vector<16xi32>,
      tpu.vector_store %arg14[%swap3A_145], %select_n3A_144 {strides = array<i32>} : memref<8000xi32, #tpu.memory_space<vmem>>, vector<16xi32>,
      %convert_element_type3A = arith.extui %and3A_38 : vector<16xi1> to vector<16xi32>
      %convert_element_type3A_147 = arith.sitofp %convert_element_type3A : vector<16xi32> to vector<16xf32>
      %swap3A_148 = arith.index_cast %mul3A_28 : i32 to index
      %swap3A_149 = tpu.vector_load %arg15[%swap3A_148] {strides = array<i32>} : memref<8000xf32, #tpu.memory_space<vmem>>, vector<16xf32>,
      tpu.vector_store %arg15[%swap3A_148], %convert_element_type3A_147 {strides = array<i32>} : memref<8000xf32, #tpu.memory_space<vmem>>, vector<16xf32>,
    }
    %scan3A_25 = arith.constant 500 : i32
    "tpu.region"() ({
      %run_scoped3A = tpu.sem_alloc : memref<!tpu.dma_semaphore, #tpu.memory_space<semaphore_mem>>
      %dma_start3A = tpu.memref_slice %arg5[%mul3A_18] : memref<256000xi32, #tpu.memory_space<hbm>> -> memref<8000xi32, #tpu.memory_space<hbm>>
      %dma_start3A_26 = tpu.memref_slice %arg5[%mul3A_18] : memref<256000xi32, #tpu.memory_space<hbm>> -> memref<8000xi32, #tpu.memory_space<hbm>>
      tpu.enqueue_dma source(%arg12 : memref<8000xi32, #tpu.memory_space<vmem>>) target(%dma_start3A_26 : memref<8000xi32, #tpu.memory_space<hbm>>) target_semaphore(%run_scoped3A : memref<!tpu.dma_semaphore, #tpu.memory_space<semaphore_mem>>)
      %dma_wait3A = tpu.memref_slice %arg5[%mul3A_18] : memref<256000xi32, #tpu.memory_space<hbm>> -> memref<8000xi32, #tpu.memory_space<hbm>>
      %dma_wait3A_27 = tpu.memref_slice %arg5[%mul3A_18] : memref<256000xi32, #tpu.memory_space<hbm>> -> memref<8000xi32, #tpu.memory_space<hbm>>
      tpu.wait_dma2 semaphore(%run_scoped3A : memref<!tpu.dma_semaphore, #tpu.memory_space<semaphore_mem>>) src(%arg12 : memref<8000xi32, #tpu.memory_space<vmem>>) dst(%dma_wait3A_27 : memref<8000xi32, #tpu.memory_space<hbm>>)
      tpu.yield
    }) : () -> ()
    "tpu.region"() ({
      %run_scoped3A = tpu.sem_alloc : memref<!tpu.dma_semaphore, #tpu.memory_space<semaphore_mem>>
      %dma_start3A = tpu.memref_slice %arg6[%mul3A_18] : memref<256000xi32, #tpu.memory_space<hbm>> -> memref<8000xi32, #tpu.memory_space<hbm>>
      %dma_start3A_26 = tpu.memref_slice %arg6[%mul3A_18] : memref<256000xi32, #tpu.memory_space<hbm>> -> memref<8000xi32, #tpu.memory_space<hbm>>
      tpu.enqueue_dma source(%arg13 : memref<8000xi32, #tpu.memory_space<vmem>>) target(%dma_start3A_26 : memref<8000xi32, #tpu.memory_space<hbm>>) target_semaphore(%run_scoped3A : memref<!tpu.dma_semaphore, #tpu.memory_space<semaphore_mem>>)
      %dma_wait3A = tpu.memref_slice %arg6[%mul3A_18] : memref<256000xi32, #tpu.memory_space<hbm>> -> memref<8000xi32, #tpu.memory_space<hbm>>
      %dma_wait3A_27 = tpu.memref_slice %arg6[%mul3A_18] : memref<256000xi32, #tpu.memory_space<hbm>> -> memref<8000xi32, #tpu.memory_space<hbm>>
      tpu.wait_dma2 semaphore(%run_scoped3A : memref<!tpu.dma_semaphore, #tpu.memory_space<semaphore_mem>>) src(%arg13 : memref<8000xi32, #tpu.memory_space<vmem>>) dst(%dma_wait3A_27 : memref<8000xi32, #tpu.memory_space<hbm>>)
      tpu.yield
    }) : () -> ()
    "tpu.region"() ({
      %run_scoped3A = tpu.sem_alloc : memref<!tpu.dma_semaphore, #tpu.memory_space<semaphore_mem>>
      %dma_start3A = tpu.memref_slice %arg7[%mul3A_18] : memref<256000xi32, #tpu.memory_space<hbm>> -> memref<8000xi32, #tpu.memory_space<hbm>>
      %dma_start3A_26 = tpu.memref_slice %arg7[%mul3A_18] : memref<256000xi32, #tpu.memory_space<hbm>> -> memref<8000xi32, #tpu.memory_space<hbm>>
      tpu.enqueue_dma source(%arg14 : memref<8000xi32, #tpu.memory_space<vmem>>) target(%dma_start3A_26 : memref<8000xi32, #tpu.memory_space<hbm>>) target_semaphore(%run_scoped3A : memref<!tpu.dma_semaphore, #tpu.memory_space<semaphore_mem>>)
      %dma_wait3A = tpu.memref_slice %arg7[%mul3A_18] : memref<256000xi32, #tpu.memory_space<hbm>> -> memref<8000xi32, #tpu.memory_space<hbm>>
      %dma_wait3A_27 = tpu.memref_slice %arg7[%mul3A_18] : memref<256000xi32, #tpu.memory_space<hbm>> -> memref<8000xi32, #tpu.memory_space<hbm>>
      tpu.wait_dma2 semaphore(%run_scoped3A : memref<!tpu.dma_semaphore, #tpu.memory_space<semaphore_mem>>) src(%arg14 : memref<8000xi32, #tpu.memory_space<vmem>>) dst(%dma_wait3A_27 : memref<8000xi32, #tpu.memory_space<hbm>>)
      tpu.yield
    }) : () -> ()
    "tpu.region"() ({
      %run_scoped3A = tpu.sem_alloc : memref<!tpu.dma_semaphore, #tpu.memory_space<semaphore_mem>>
      %dma_start3A = tpu.memref_slice %arg8[%mul3A_18] : memref<256000xf32, #tpu.memory_space<hbm>> -> memref<8000xf32, #tpu.memory_space<hbm>>
      %dma_start3A_26 = tpu.memref_slice %arg8[%mul3A_18] : memref<256000xf32, #tpu.memory_space<hbm>> -> memref<8000xf32, #tpu.memory_space<hbm>>
      tpu.enqueue_dma source(%arg15 : memref<8000xf32, #tpu.memory_space<vmem>>) target(%dma_start3A_26 : memref<8000xf32, #tpu.memory_space<hbm>>) target_semaphore(%run_scoped3A : memref<!tpu.dma_semaphore, #tpu.memory_space<semaphore_mem>>)
      %dma_wait3A = tpu.memref_slice %arg8[%mul3A_18] : memref<256000xf32, #tpu.memory_space<hbm>> -> memref<8000xf32, #tpu.memory_space<hbm>>
      %dma_wait3A_27 = tpu.memref_slice %arg8[%mul3A_18] : memref<256000xf32, #tpu.memory_space<hbm>> -> memref<8000xf32, #tpu.memory_space<hbm>>
      tpu.wait_dma2 semaphore(%run_scoped3A : memref<!tpu.dma_semaphore, #tpu.memory_space<semaphore_mem>>) src(%arg15 : memref<8000xf32, #tpu.memory_space<vmem>>) dst(%dma_wait3A_27 : memref<8000xf32, #tpu.memory_space<hbm>>)
      tpu.yield
    }) : () -> ()
    return
  }
}

#map = affine_map<(d0, d1) -> (0, 0)>
#map1 = affine_map<(d0, d1) -> (0, 0, 0)>
module attributes {stable_mosaic.version = 14 : i64} {
  func.func @k(%arg0: i32, %arg1: i32, %arg2: memref<32008x128xf32, #tpu.memory_space<hbm>>, %arg3: memref<64x32x128xi32, #tpu.memory_space<hbm>>, %arg4: memref<64x32x128xi32, #tpu.memory_space<hbm>>, %arg5: memref<32768x128xf32, #tpu.memory_space<hbm>>, %arg6: memref<32x128xi32, #tpu.memory_space<vmem>>, %arg7: memref<32x128xi32, #tpu.memory_space<vmem>>, %arg8: memref<128x128xf32, #tpu.memory_space<vmem>>, %arg9: memref<16x128xf32, #tpu.memory_space<vmem>>, %arg10: memref<16x128xf32, #tpu.memory_space<vmem>>, %arg11: memref<8192x128xf32, #tpu.memory_space<vmem_shared>>, %arg12: memref<!tpu.dma_semaphore, #tpu.memory_space<semaphore_mem>>) attributes {dimension_semantics = [#tpu.dimension_semantics<core_parallel>, #tpu.dimension_semantics<subcore_parallel>], iteration_bounds = array<i64: 2, 16>, scalar_prefetch = 0 : i64, scratch_operands = 7 : i64, tpu.core_type = #tpu.core_type<sc_vector_subcore>, window_params = [{transform_indices = #map}, {transform_indices = #map1}, {transform_indices = #map1}, {transform_indices = #map}]} {
    %mul3A = arith.constant 2 : i32
    %mul3A_0 = arith.muli %arg0, %mul3A : i32
    %add3A = arith.constant 0 : i32
    %add3A_1 = arith.addi %mul3A_0, %add3A : i32
    %mul3A_2 = arith.constant 512 : i32
    %mul3A_3 = arith.muli %arg1, %mul3A_2 : i32
    %scan3A = arith.constant 0 : i32
    %scan3A_4 = arith.constant 0 : i32
    %scan3A_5 = arith.constant 16 : i32
    %scan3A_6 = arith.addi %scan3A_4, %scan3A_5 : i32
    %scan3A_7 = arith.constant 1 : i32
    scf.for %scan3A_74 = %scan3A_4 to %scan3A_6 step %scan3A_7  : i32 {
      %broadcast_in_dim3A = arith.constant 0.000000e+00 : f32
      %broadcast_in_dim3A_75 = vector.broadcast %broadcast_in_dim3A : f32 to vector<16xf32>
      %swap3A = arith.index_cast %scan3A_74 : i32 to index
      %swap3A_76 = arith.constant 0 : index
      %swap3A_77 = tpu.vector_load %arg9[%swap3A, %swap3A_76] {strides = array<i32>} : memref<16x128xf32, #tpu.memory_space<vmem>>, vector<1x16xf32>,
      %swap3A_78 = vector.shape_cast %swap3A_77 : vector<1x16xf32> to vector<16xf32>
      %swap3A_79 = vector.shape_cast %broadcast_in_dim3A_75 : vector<16xf32> to vector<1x16xf32>
      tpu.vector_store %arg9[%swap3A, %swap3A_76], %swap3A_79 {strides = array<i32>} : memref<16x128xf32, #tpu.memory_space<vmem>>, vector<1x16xf32>,
      %broadcast_in_dim3A_80 = arith.constant 0.000000e+00 : f32
      %broadcast_in_dim3A_81 = vector.broadcast %broadcast_in_dim3A_80 : f32 to vector<16xf32>
      %swap3A_82 = arith.index_cast %scan3A_74 : i32 to index
      %swap3A_83 = arith.constant 16 : index
      %swap3A_84 = tpu.vector_load %arg9[%swap3A_82, %swap3A_83] {strides = array<i32>} : memref<16x128xf32, #tpu.memory_space<vmem>>, vector<1x16xf32>,
      %swap3A_85 = vector.shape_cast %swap3A_84 : vector<1x16xf32> to vector<16xf32>
      %swap3A_86 = vector.shape_cast %broadcast_in_dim3A_81 : vector<16xf32> to vector<1x16xf32>
      tpu.vector_store %arg9[%swap3A_82, %swap3A_83], %swap3A_86 {strides = array<i32>} : memref<16x128xf32, #tpu.memory_space<vmem>>, vector<1x16xf32>,
      %broadcast_in_dim3A_87 = arith.constant 0.000000e+00 : f32
      %broadcast_in_dim3A_88 = vector.broadcast %broadcast_in_dim3A_87 : f32 to vector<16xf32>
      %swap3A_89 = arith.index_cast %scan3A_74 : i32 to index
      %swap3A_90 = arith.constant 32 : index
      %swap3A_91 = tpu.vector_load %arg9[%swap3A_89, %swap3A_90] {strides = array<i32>} : memref<16x128xf32, #tpu.memory_space<vmem>>, vector<1x16xf32>,
      %swap3A_92 = vector.shape_cast %swap3A_91 : vector<1x16xf32> to vector<16xf32>
      %swap3A_93 = vector.shape_cast %broadcast_in_dim3A_88 : vector<16xf32> to vector<1x16xf32>
      tpu.vector_store %arg9[%swap3A_89, %swap3A_90], %swap3A_93 {strides = array<i32>} : memref<16x128xf32, #tpu.memory_space<vmem>>, vector<1x16xf32>,
      %broadcast_in_dim3A_94 = arith.constant 0.000000e+00 : f32
      %broadcast_in_dim3A_95 = vector.broadcast %broadcast_in_dim3A_94 : f32 to vector<16xf32>
      %swap3A_96 = arith.index_cast %scan3A_74 : i32 to index
      %swap3A_97 = arith.constant 48 : index
      %swap3A_98 = tpu.vector_load %arg9[%swap3A_96, %swap3A_97] {strides = array<i32>} : memref<16x128xf32, #tpu.memory_space<vmem>>, vector<1x16xf32>,
      %swap3A_99 = vector.shape_cast %swap3A_98 : vector<1x16xf32> to vector<16xf32>
      %swap3A_100 = vector.shape_cast %broadcast_in_dim3A_95 : vector<16xf32> to vector<1x16xf32>
      tpu.vector_store %arg9[%swap3A_96, %swap3A_97], %swap3A_100 {strides = array<i32>} : memref<16x128xf32, #tpu.memory_space<vmem>>, vector<1x16xf32>,
      %broadcast_in_dim3A_101 = arith.constant 0.000000e+00 : f32
      %broadcast_in_dim3A_102 = vector.broadcast %broadcast_in_dim3A_101 : f32 to vector<16xf32>
      %swap3A_103 = arith.index_cast %scan3A_74 : i32 to index
      %swap3A_104 = arith.constant 64 : index
      %swap3A_105 = tpu.vector_load %arg9[%swap3A_103, %swap3A_104] {strides = array<i32>} : memref<16x128xf32, #tpu.memory_space<vmem>>, vector<1x16xf32>,
      %swap3A_106 = vector.shape_cast %swap3A_105 : vector<1x16xf32> to vector<16xf32>
      %swap3A_107 = vector.shape_cast %broadcast_in_dim3A_102 : vector<16xf32> to vector<1x16xf32>
      tpu.vector_store %arg9[%swap3A_103, %swap3A_104], %swap3A_107 {strides = array<i32>} : memref<16x128xf32, #tpu.memory_space<vmem>>, vector<1x16xf32>,
      %broadcast_in_dim3A_108 = arith.constant 0.000000e+00 : f32
      %broadcast_in_dim3A_109 = vector.broadcast %broadcast_in_dim3A_108 : f32 to vector<16xf32>
      %swap3A_110 = arith.index_cast %scan3A_74 : i32 to index
      %swap3A_111 = arith.constant 80 : index
      %swap3A_112 = tpu.vector_load %arg9[%swap3A_110, %swap3A_111] {strides = array<i32>} : memref<16x128xf32, #tpu.memory_space<vmem>>, vector<1x16xf32>,
      %swap3A_113 = vector.shape_cast %swap3A_112 : vector<1x16xf32> to vector<16xf32>
      %swap3A_114 = vector.shape_cast %broadcast_in_dim3A_109 : vector<16xf32> to vector<1x16xf32>
      tpu.vector_store %arg9[%swap3A_110, %swap3A_111], %swap3A_114 {strides = array<i32>} : memref<16x128xf32, #tpu.memory_space<vmem>>, vector<1x16xf32>,
      %broadcast_in_dim3A_115 = arith.constant 0.000000e+00 : f32
      %broadcast_in_dim3A_116 = vector.broadcast %broadcast_in_dim3A_115 : f32 to vector<16xf32>
      %swap3A_117 = arith.index_cast %scan3A_74 : i32 to index
      %swap3A_118 = arith.constant 96 : index
      %swap3A_119 = tpu.vector_load %arg9[%swap3A_117, %swap3A_118] {strides = array<i32>} : memref<16x128xf32, #tpu.memory_space<vmem>>, vector<1x16xf32>,
      %swap3A_120 = vector.shape_cast %swap3A_119 : vector<1x16xf32> to vector<16xf32>
      %swap3A_121 = vector.shape_cast %broadcast_in_dim3A_116 : vector<16xf32> to vector<1x16xf32>
      tpu.vector_store %arg9[%swap3A_117, %swap3A_118], %swap3A_121 {strides = array<i32>} : memref<16x128xf32, #tpu.memory_space<vmem>>, vector<1x16xf32>,
      %broadcast_in_dim3A_122 = arith.constant 0.000000e+00 : f32
      %broadcast_in_dim3A_123 = vector.broadcast %broadcast_in_dim3A_122 : f32 to vector<16xf32>
      %swap3A_124 = arith.index_cast %scan3A_74 : i32 to index
      %swap3A_125 = arith.constant 112 : index
      %swap3A_126 = tpu.vector_load %arg9[%swap3A_124, %swap3A_125] {strides = array<i32>} : memref<16x128xf32, #tpu.memory_space<vmem>>, vector<1x16xf32>,
      %swap3A_127 = vector.shape_cast %swap3A_126 : vector<1x16xf32> to vector<16xf32>
      %swap3A_128 = vector.shape_cast %broadcast_in_dim3A_123 : vector<16xf32> to vector<1x16xf32>
      tpu.vector_store %arg9[%swap3A_124, %swap3A_125], %swap3A_128 {strides = array<i32>} : memref<16x128xf32, #tpu.memory_space<vmem>>, vector<1x16xf32>,
    }
    %scan3A_8 = arith.constant 16 : i32
    %scan3A_9 = arith.constant 0 : i32
    %scan3A_10 = arith.constant 0 : i32
    %scan3A_11 = arith.constant 32 : i32
    %scan3A_12 = arith.addi %scan3A_10, %scan3A_11 : i32
    %scan3A_13 = arith.constant 1 : i32
    scf.for %scan3A_74 = %scan3A_10 to %scan3A_12 step %scan3A_13  : i32 {
      %mul3A_75 = arith.constant 16 : i32
      %mul3A_76 = arith.muli %mul3A_75, %scan3A_74 : i32
      %add3A_77 = arith.addi %mul3A_3, %mul3A_76 : i32
      "tpu.region"() ({
        %run_scoped3A = tpu.sem_alloc : memref<!tpu.dma_semaphore, #tpu.memory_space<semaphore_mem>>
        %dma_start3A = arith.constant 0 : i32
        %dma_start3A_78 = tpu.memref_slice %arg11[%add3A_77, %dma_start3A] : memref<8192x128xf32, #tpu.memory_space<vmem_shared>> -> memref<16x128xf32, #tpu.memory_space<vmem_shared>>
        %dma_start3A_79 = arith.constant 0 : i32
        %dma_start3A_80 = tpu.memref_slice %arg11[%add3A_77, %dma_start3A_79] : memref<8192x128xf32, #tpu.memory_space<vmem_shared>> -> memref<16x128xf32, #tpu.memory_space<vmem_shared>>
        tpu.enqueue_dma source(%arg9 : memref<16x128xf32, #tpu.memory_space<vmem>>) target(%dma_start3A_80 : memref<16x128xf32, #tpu.memory_space<vmem_shared>>) target_semaphore(%run_scoped3A : memref<!tpu.dma_semaphore, #tpu.memory_space<semaphore_mem>>)
        %dma_wait3A = arith.constant 0 : i32
        %dma_wait3A_81 = tpu.memref_slice %arg11[%add3A_77, %dma_wait3A] : memref<8192x128xf32, #tpu.memory_space<vmem_shared>> -> memref<16x128xf32, #tpu.memory_space<vmem_shared>>
        %dma_wait3A_82 = arith.constant 0 : i32
        %dma_wait3A_83 = tpu.memref_slice %arg11[%add3A_77, %dma_wait3A_82] : memref<8192x128xf32, #tpu.memory_space<vmem_shared>> -> memref<16x128xf32, #tpu.memory_space<vmem_shared>>
        tpu.wait_dma2 semaphore(%run_scoped3A : memref<!tpu.dma_semaphore, #tpu.memory_space<semaphore_mem>>) src(%arg9 : memref<16x128xf32, #tpu.memory_space<vmem>>) dst(%dma_wait3A_83 : memref<16x128xf32, #tpu.memory_space<vmem_shared>>)
        tpu.yield
      }) : () -> ()
    }
    %scan3A_14 = arith.constant 32 : i32
    %mul3A_15 = arith.constant 16 : i32
    %mul3A_16 = arith.muli %add3A_1, %mul3A_15 : i32
    %add3A_17 = arith.addi %mul3A_16, %arg1 : i32
    "tpu.region"() ({
      %run_scoped3A = tpu.sem_alloc : memref<!tpu.dma_semaphore, #tpu.memory_space<semaphore_mem>>
      %dma_start3A = arith.constant 0 : i32
      %dma_start3A_74 = arith.constant 0 : i32
      %dma_start3A_75 = tpu.memref_slice %arg3[%add3A_17, %dma_start3A, %dma_start3A_74] : memref<64x32x128xi32, #tpu.memory_space<hbm>> -> memref<1x32x128xi32, #tpu.memory_space<hbm>>
      %dma_start3A_76 = tpu.memref_squeeze %dma_start3A_75 : memref<1x32x128xi32, #tpu.memory_space<hbm>> -> memref<32x128xi32, #tpu.memory_space<hbm>>
      %dma_start3A_77 = arith.constant 0 : i32
      %dma_start3A_78 = arith.constant 0 : i32
      %dma_start3A_79 = tpu.memref_slice %arg3[%add3A_17, %dma_start3A_77, %dma_start3A_78] : memref<64x32x128xi32, #tpu.memory_space<hbm>> -> memref<1x32x128xi32, #tpu.memory_space<hbm>>
      %dma_start3A_80 = tpu.memref_squeeze %dma_start3A_79 : memref<1x32x128xi32, #tpu.memory_space<hbm>> -> memref<32x128xi32, #tpu.memory_space<hbm>>
      tpu.enqueue_dma source(%dma_start3A_80 : memref<32x128xi32, #tpu.memory_space<hbm>>) target(%arg6 : memref<32x128xi32, #tpu.memory_space<vmem>>) target_semaphore(%run_scoped3A : memref<!tpu.dma_semaphore, #tpu.memory_space<semaphore_mem>>)
      %dma_wait3A = arith.constant 0 : i32
      %dma_wait3A_81 = arith.constant 0 : i32
      %dma_wait3A_82 = tpu.memref_slice %arg3[%add3A_17, %dma_wait3A, %dma_wait3A_81] : memref<64x32x128xi32, #tpu.memory_space<hbm>> -> memref<1x32x128xi32, #tpu.memory_space<hbm>>
      %dma_wait3A_83 = tpu.memref_squeeze %dma_wait3A_82 : memref<1x32x128xi32, #tpu.memory_space<hbm>> -> memref<32x128xi32, #tpu.memory_space<hbm>>
      %dma_wait3A_84 = arith.constant 0 : i32
      %dma_wait3A_85 = arith.constant 0 : i32
      %dma_wait3A_86 = tpu.memref_slice %arg3[%add3A_17, %dma_wait3A_84, %dma_wait3A_85] : memref<64x32x128xi32, #tpu.memory_space<hbm>> -> memref<1x32x128xi32, #tpu.memory_space<hbm>>
      %dma_wait3A_87 = tpu.memref_squeeze %dma_wait3A_86 : memref<1x32x128xi32, #tpu.memory_space<hbm>> -> memref<32x128xi32, #tpu.memory_space<hbm>>
      tpu.wait_dma2 semaphore(%run_scoped3A : memref<!tpu.dma_semaphore, #tpu.memory_space<semaphore_mem>>) src(%dma_wait3A_87 : memref<32x128xi32, #tpu.memory_space<hbm>>) dst(%arg6 : memref<32x128xi32, #tpu.memory_space<vmem>>)
      tpu.yield
    }) : () -> ()
    %mul3A_18 = arith.constant 16 : i32
    %mul3A_19 = arith.muli %add3A_1, %mul3A_18 : i32
    %add3A_20 = arith.addi %mul3A_19, %arg1 : i32
    "tpu.region"() ({
      %run_scoped3A = tpu.sem_alloc : memref<!tpu.dma_semaphore, #tpu.memory_space<semaphore_mem>>
      %dma_start3A = arith.constant 0 : i32
      %dma_start3A_74 = arith.constant 0 : i32
      %dma_start3A_75 = tpu.memref_slice %arg4[%add3A_20, %dma_start3A, %dma_start3A_74] : memref<64x32x128xi32, #tpu.memory_space<hbm>> -> memref<1x32x128xi32, #tpu.memory_space<hbm>>
      %dma_start3A_76 = tpu.memref_squeeze %dma_start3A_75 : memref<1x32x128xi32, #tpu.memory_space<hbm>> -> memref<32x128xi32, #tpu.memory_space<hbm>>
      %dma_start3A_77 = arith.constant 0 : i32
      %dma_start3A_78 = arith.constant 0 : i32
      %dma_start3A_79 = tpu.memref_slice %arg4[%add3A_20, %dma_start3A_77, %dma_start3A_78] : memref<64x32x128xi32, #tpu.memory_space<hbm>> -> memref<1x32x128xi32, #tpu.memory_space<hbm>>
      %dma_start3A_80 = tpu.memref_squeeze %dma_start3A_79 : memref<1x32x128xi32, #tpu.memory_space<hbm>> -> memref<32x128xi32, #tpu.memory_space<hbm>>
      tpu.enqueue_dma source(%dma_start3A_80 : memref<32x128xi32, #tpu.memory_space<hbm>>) target(%arg7 : memref<32x128xi32, #tpu.memory_space<vmem>>) target_semaphore(%run_scoped3A : memref<!tpu.dma_semaphore, #tpu.memory_space<semaphore_mem>>)
      %dma_wait3A = arith.constant 0 : i32
      %dma_wait3A_81 = arith.constant 0 : i32
      %dma_wait3A_82 = tpu.memref_slice %arg4[%add3A_20, %dma_wait3A, %dma_wait3A_81] : memref<64x32x128xi32, #tpu.memory_space<hbm>> -> memref<1x32x128xi32, #tpu.memory_space<hbm>>
      %dma_wait3A_83 = tpu.memref_squeeze %dma_wait3A_82 : memref<1x32x128xi32, #tpu.memory_space<hbm>> -> memref<32x128xi32, #tpu.memory_space<hbm>>
      %dma_wait3A_84 = arith.constant 0 : i32
      %dma_wait3A_85 = arith.constant 0 : i32
      %dma_wait3A_86 = tpu.memref_slice %arg4[%add3A_20, %dma_wait3A_84, %dma_wait3A_85] : memref<64x32x128xi32, #tpu.memory_space<hbm>> -> memref<1x32x128xi32, #tpu.memory_space<hbm>>
      %dma_wait3A_87 = tpu.memref_squeeze %dma_wait3A_86 : memref<1x32x128xi32, #tpu.memory_space<hbm>> -> memref<32x128xi32, #tpu.memory_space<hbm>>
      tpu.wait_dma2 semaphore(%run_scoped3A : memref<!tpu.dma_semaphore, #tpu.memory_space<semaphore_mem>>) src(%dma_wait3A_87 : memref<32x128xi32, #tpu.memory_space<hbm>>) dst(%arg7 : memref<32x128xi32, #tpu.memory_space<vmem>>)
      tpu.yield
    }) : () -> ()
    %barrier3A = arith.constant 0 : index
    tpu.barrier barrier_id(%barrier3A)
    %scan3A_21 = arith.constant 0 : i32
    %scan3A_22 = arith.constant 0 : i32
    %scan3A_23 = arith.constant 32 : i32
    %scan3A_24 = arith.addi %scan3A_22, %scan3A_23 : i32
    %scan3A_25 = arith.constant 1 : i32
    scf.for %scan3A_74 = %scan3A_22 to %scan3A_24 step %scan3A_25  : i32 {
      %dma_start3A = arith.constant 0 : i32
      %dma_start3A_75 = tpu.memref_slice %arg6[%scan3A_74, %dma_start3A] : memref<32x128xi32, #tpu.memory_space<vmem>> -> memref<1x128xi32, #tpu.memory_space<vmem>>
      %dma_start3A_76 = tpu.memref_squeeze %dma_start3A_75 : memref<1x128xi32, #tpu.memory_space<vmem>> -> memref<128xi32, #tpu.memory_space<vmem>>
      %dma_start3A_77 = arith.constant 0 : i32
      %dma_start3A_78 = arith.constant 0 : i32
      %dma_start3A_79 = tpu.memref_slice %arg2[%dma_start3A_77, %dma_start3A_78] : memref<32008x128xf32, #tpu.memory_space<hbm>> -> memref<32008x128xf32, #tpu.memory_space<hbm>>
      tpu.enqueue_indirect_dma source(%dma_start3A_79 : memref<32008x128xf32, #tpu.memory_space<hbm>>) target(%arg8 : memref<128x128xf32, #tpu.memory_space<vmem>>) offsets(%dma_start3A_76 : memref<128xi32, #tpu.memory_space<vmem>>) semaphore(%arg12 : memref<!tpu.dma_semaphore, #tpu.memory_space<semaphore_mem>>)
      %dma_wait3A = arith.constant 0 : i32
      %dma_wait3A_80 = tpu.memref_slice %arg6[%scan3A_74, %dma_wait3A] : memref<32x128xi32, #tpu.memory_space<vmem>> -> memref<1x128xi32, #tpu.memory_space<vmem>>
      %dma_wait3A_81 = tpu.memref_squeeze %dma_wait3A_80 : memref<1x128xi32, #tpu.memory_space<vmem>> -> memref<128xi32, #tpu.memory_space<vmem>>
      %dma_wait3A_82 = arith.constant 0 : i32
      %dma_wait3A_83 = arith.constant 0 : i32
      %dma_wait3A_84 = tpu.memref_slice %arg2[%dma_wait3A_82, %dma_wait3A_83] : memref<32008x128xf32, #tpu.memory_space<hbm>> -> memref<32008x128xf32, #tpu.memory_space<hbm>>
      tpu.wait_indirect_dma semaphore(%arg12 : memref<!tpu.dma_semaphore, #tpu.memory_space<semaphore_mem>>) src(%dma_wait3A_84 : memref<32008x128xf32, #tpu.memory_space<hbm>>) dst(%arg8 : memref<128x128xf32, #tpu.memory_space<vmem>>)
      "tpu.region"() ({
        %run_scoped3A = tpu.sem_alloc : memref<!tpu.dma_semaphore, #tpu.memory_space<semaphore_mem>>
        %dma_start3A_85 = arith.constant 0 : i32
        %dma_start3A_86 = tpu.memref_slice %arg7[%scan3A_74, %dma_start3A_85] : memref<32x128xi32, #tpu.memory_space<vmem>> -> memref<1x128xi32, #tpu.memory_space<vmem>>
        %dma_start3A_87 = tpu.memref_squeeze %dma_start3A_86 : memref<1x128xi32, #tpu.memory_space<vmem>> -> memref<128xi32, #tpu.memory_space<vmem>>
        %dma_start3A_88 = arith.constant 0 : i32
        %dma_start3A_89 = arith.constant 0 : i32
        %dma_start3A_90 = tpu.memref_slice %arg11[%dma_start3A_88, %dma_start3A_89] : memref<8192x128xf32, #tpu.memory_space<vmem_shared>> -> memref<8192x128xf32, #tpu.memory_space<vmem_shared>>
        tpu.enqueue_indirect_dma source(%arg8 : memref<128x128xf32, #tpu.memory_space<vmem>>) target(%dma_start3A_90 : memref<8192x128xf32, #tpu.memory_space<vmem_shared>>) offsets(%dma_start3A_87 : memref<128xi32, #tpu.memory_space<vmem>>) semaphore(%run_scoped3A : memref<!tpu.dma_semaphore, #tpu.memory_space<semaphore_mem>>) {add = true}
        %dma_wait3A_91 = arith.constant 0 : i32
        %dma_wait3A_92 = tpu.memref_slice %arg7[%scan3A_74, %dma_wait3A_91] : memref<32x128xi32, #tpu.memory_space<vmem>> -> memref<1x128xi32, #tpu.memory_space<vmem>>
        %dma_wait3A_93 = tpu.memref_squeeze %dma_wait3A_92 : memref<1x128xi32, #tpu.memory_space<vmem>> -> memref<128xi32, #tpu.memory_space<vmem>>
        %dma_wait3A_94 = arith.constant 0 : i32
        %dma_wait3A_95 = arith.constant 0 : i32
        %dma_wait3A_96 = tpu.memref_slice %arg11[%dma_wait3A_94, %dma_wait3A_95] : memref<8192x128xf32, #tpu.memory_space<vmem_shared>> -> memref<8192x128xf32, #tpu.memory_space<vmem_shared>>
        tpu.wait_indirect_dma semaphore(%run_scoped3A : memref<!tpu.dma_semaphore, #tpu.memory_space<semaphore_mem>>) src(%arg8 : memref<128x128xf32, #tpu.memory_space<vmem>>) dst(%dma_wait3A_96 : memref<8192x128xf32, #tpu.memory_space<vmem_shared>>)
        tpu.yield
      }) : () -> ()
    }
    %scan3A_26 = arith.constant 32 : i32
    %barrier3A_27 = arith.constant 0 : index
    tpu.barrier barrier_id(%barrier3A_27)
    %scan3A_28 = arith.constant 0 : i32
    %scan3A_29 = arith.constant 0 : i32
    %scan3A_30 = arith.constant 32 : i32
    %scan3A_31 = arith.addi %scan3A_29, %scan3A_30 : i32
    %scan3A_32 = arith.constant 1 : i32
    scf.for %scan3A_74 = %scan3A_29 to %scan3A_31 step %scan3A_32  : i32 {
      %mul3A_75 = arith.constant 512 : i32
      %mul3A_76 = arith.muli %arg1, %mul3A_75 : i32
      %mul3A_77 = arith.constant 16 : i32
      %mul3A_78 = arith.muli %mul3A_77, %scan3A_74 : i32
      %add3A_79 = arith.addi %mul3A_76, %mul3A_78 : i32
      "tpu.region"() ({
        %run_scoped3A = tpu.sem_alloc : memref<!tpu.dma_semaphore, #tpu.memory_space<semaphore_mem>>
        %dma_start3A = arith.constant 0 : i32
        %dma_start3A_88 = tpu.memref_slice %arg11[%add3A_79, %dma_start3A] : memref<8192x128xf32, #tpu.memory_space<vmem_shared>> -> memref<16x128xf32, #tpu.memory_space<vmem_shared>>
        %dma_start3A_89 = arith.constant 0 : i32
        %dma_start3A_90 = tpu.memref_slice %arg11[%add3A_79, %dma_start3A_89] : memref<8192x128xf32, #tpu.memory_space<vmem_shared>> -> memref<16x128xf32, #tpu.memory_space<vmem_shared>>
        tpu.enqueue_dma source(%dma_start3A_90 : memref<16x128xf32, #tpu.memory_space<vmem_shared>>) target(%arg10 : memref<16x128xf32, #tpu.memory_space<vmem>>) target_semaphore(%run_scoped3A : memref<!tpu.dma_semaphore, #tpu.memory_space<semaphore_mem>>)
        %dma_wait3A = arith.constant 0 : i32
        %dma_wait3A_91 = tpu.memref_slice %arg11[%add3A_79, %dma_wait3A] : memref<8192x128xf32, #tpu.memory_space<vmem_shared>> -> memref<16x128xf32, #tpu.memory_space<vmem_shared>>
        %dma_wait3A_92 = arith.constant 0 : i32
        %dma_wait3A_93 = tpu.memref_slice %arg11[%add3A_79, %dma_wait3A_92] : memref<8192x128xf32, #tpu.memory_space<vmem_shared>> -> memref<16x128xf32, #tpu.memory_space<vmem_shared>>
        tpu.wait_dma2 semaphore(%run_scoped3A : memref<!tpu.dma_semaphore, #tpu.memory_space<semaphore_mem>>) src(%dma_wait3A_93 : memref<16x128xf32, #tpu.memory_space<vmem_shared>>) dst(%arg10 : memref<16x128xf32, #tpu.memory_space<vmem>>)
        tpu.yield
      }) : () -> ()
      %mul3A_80 = arith.constant 8192 : i32
      %mul3A_81 = arith.muli %add3A_1, %mul3A_80 : i32
      %mul3A_82 = arith.constant 512 : i32
      %mul3A_83 = arith.muli %arg1, %mul3A_82 : i32
      %add3A_84 = arith.addi %mul3A_81, %mul3A_83 : i32
      %mul3A_85 = arith.constant 16 : i32
      %mul3A_86 = arith.muli %mul3A_85, %scan3A_74 : i32
      %add3A_87 = arith.addi %add3A_84, %mul3A_86 : i32
      "tpu.region"() ({
        %run_scoped3A = tpu.sem_alloc : memref<!tpu.dma_semaphore, #tpu.memory_space<semaphore_mem>>
        %dma_start3A = arith.constant 0 : i32
        %dma_start3A_88 = tpu.memref_slice %arg5[%add3A_87, %dma_start3A] : memref<32768x128xf32, #tpu.memory_space<hbm>> -> memref<16x128xf32, #tpu.memory_space<hbm>>
        %dma_start3A_89 = arith.constant 0 : i32
        %dma_start3A_90 = tpu.memref_slice %arg5[%add3A_87, %dma_start3A_89] : memref<32768x128xf32, #tpu.memory_space<hbm>> -> memref<16x128xf32, #tpu.memory_space<hbm>>
        tpu.enqueue_dma source(%arg10 : memref<16x128xf32, #tpu.memory_space<vmem>>) target(%dma_start3A_90 : memref<16x128xf32, #tpu.memory_space<hbm>>) target_semaphore(%run_scoped3A : memref<!tpu.dma_semaphore, #tpu.memory_space<semaphore_mem>>)
        %dma_wait3A = arith.constant 0 : i32
        %dma_wait3A_91 = tpu.memref_slice %arg5[%add3A_87, %dma_wait3A] : memref<32768x128xf32, #tpu.memory_space<hbm>> -> memref<16x128xf32, #tpu.memory_space<hbm>>
        %dma_wait3A_92 = arith.constant 0 : i32
        %dma_wait3A_93 = tpu.memref_slice %arg5[%add3A_87, %dma_wait3A_92] : memref<32768x128xf32, #tpu.memory_space<hbm>> -> memref<16x128xf32, #tpu.memory_space<hbm>>
        tpu.wait_dma2 semaphore(%run_scoped3A : memref<!tpu.dma_semaphore, #tpu.memory_space<semaphore_mem>>) src(%arg10 : memref<16x128xf32, #tpu.memory_space<vmem>>) dst(%dma_wait3A_93 : memref<16x128xf32, #tpu.memory_space<hbm>>)
        tpu.yield
      }) : () -> ()
    }
    %scan3A_33 = arith.constant 32 : i32
    %barrier3A_34 = arith.constant 0 : index
    tpu.barrier barrier_id(%barrier3A_34)
    %mul3A_35 = arith.constant 2 : i32
    %mul3A_36 = arith.muli %arg0, %mul3A_35 : i32
    %add3A_37 = arith.constant 1 : i32
    %add3A_38 = arith.addi %mul3A_36, %add3A_37 : i32
    %mul3A_39 = arith.constant 512 : i32
    %mul3A_40 = arith.muli %arg1, %mul3A_39 : i32
    %scan3A_41 = arith.constant 0 : i32
    %scan3A_42 = arith.constant 0 : i32
    %scan3A_43 = arith.constant 16 : i32
    %scan3A_44 = arith.addi %scan3A_42, %scan3A_43 : i32
    %scan3A_45 = arith.constant 1 : i32
    scf.for %scan3A_74 = %scan3A_42 to %scan3A_44 step %scan3A_45  : i32 {
      %broadcast_in_dim3A = arith.constant 0.000000e+00 : f32
      %broadcast_in_dim3A_75 = vector.broadcast %broadcast_in_dim3A : f32 to vector<16xf32>
      %swap3A = arith.index_cast %scan3A_74 : i32 to index
      %swap3A_76 = arith.constant 0 : index
      %swap3A_77 = tpu.vector_load %arg9[%swap3A, %swap3A_76] {strides = array<i32>} : memref<16x128xf32, #tpu.memory_space<vmem>>, vector<1x16xf32>,
      %swap3A_78 = vector.shape_cast %swap3A_77 : vector<1x16xf32> to vector<16xf32>
      %swap3A_79 = vector.shape_cast %broadcast_in_dim3A_75 : vector<16xf32> to vector<1x16xf32>
      tpu.vector_store %arg9[%swap3A, %swap3A_76], %swap3A_79 {strides = array<i32>} : memref<16x128xf32, #tpu.memory_space<vmem>>, vector<1x16xf32>,
      %broadcast_in_dim3A_80 = arith.constant 0.000000e+00 : f32
      %broadcast_in_dim3A_81 = vector.broadcast %broadcast_in_dim3A_80 : f32 to vector<16xf32>
      %swap3A_82 = arith.index_cast %scan3A_74 : i32 to index
      %swap3A_83 = arith.constant 16 : index
      %swap3A_84 = tpu.vector_load %arg9[%swap3A_82, %swap3A_83] {strides = array<i32>} : memref<16x128xf32, #tpu.memory_space<vmem>>, vector<1x16xf32>,
      %swap3A_85 = vector.shape_cast %swap3A_84 : vector<1x16xf32> to vector<16xf32>
      %swap3A_86 = vector.shape_cast %broadcast_in_dim3A_81 : vector<16xf32> to vector<1x16xf32>
      tpu.vector_store %arg9[%swap3A_82, %swap3A_83], %swap3A_86 {strides = array<i32>} : memref<16x128xf32, #tpu.memory_space<vmem>>, vector<1x16xf32>,
      %broadcast_in_dim3A_87 = arith.constant 0.000000e+00 : f32
      %broadcast_in_dim3A_88 = vector.broadcast %broadcast_in_dim3A_87 : f32 to vector<16xf32>
      %swap3A_89 = arith.index_cast %scan3A_74 : i32 to index
      %swap3A_90 = arith.constant 32 : index
      %swap3A_91 = tpu.vector_load %arg9[%swap3A_89, %swap3A_90] {strides = array<i32>} : memref<16x128xf32, #tpu.memory_space<vmem>>, vector<1x16xf32>,
      %swap3A_92 = vector.shape_cast %swap3A_91 : vector<1x16xf32> to vector<16xf32>
      %swap3A_93 = vector.shape_cast %broadcast_in_dim3A_88 : vector<16xf32> to vector<1x16xf32>
      tpu.vector_store %arg9[%swap3A_89, %swap3A_90], %swap3A_93 {strides = array<i32>} : memref<16x128xf32, #tpu.memory_space<vmem>>, vector<1x16xf32>,
      %broadcast_in_dim3A_94 = arith.constant 0.000000e+00 : f32
      %broadcast_in_dim3A_95 = vector.broadcast %broadcast_in_dim3A_94 : f32 to vector<16xf32>
      %swap3A_96 = arith.index_cast %scan3A_74 : i32 to index
      %swap3A_97 = arith.constant 48 : index
      %swap3A_98 = tpu.vector_load %arg9[%swap3A_96, %swap3A_97] {strides = array<i32>} : memref<16x128xf32, #tpu.memory_space<vmem>>, vector<1x16xf32>,
      %swap3A_99 = vector.shape_cast %swap3A_98 : vector<1x16xf32> to vector<16xf32>
      %swap3A_100 = vector.shape_cast %broadcast_in_dim3A_95 : vector<16xf32> to vector<1x16xf32>
      tpu.vector_store %arg9[%swap3A_96, %swap3A_97], %swap3A_100 {strides = array<i32>} : memref<16x128xf32, #tpu.memory_space<vmem>>, vector<1x16xf32>,
      %broadcast_in_dim3A_101 = arith.constant 0.000000e+00 : f32
      %broadcast_in_dim3A_102 = vector.broadcast %broadcast_in_dim3A_101 : f32 to vector<16xf32>
      %swap3A_103 = arith.index_cast %scan3A_74 : i32 to index
      %swap3A_104 = arith.constant 64 : index
      %swap3A_105 = tpu.vector_load %arg9[%swap3A_103, %swap3A_104] {strides = array<i32>} : memref<16x128xf32, #tpu.memory_space<vmem>>, vector<1x16xf32>,
      %swap3A_106 = vector.shape_cast %swap3A_105 : vector<1x16xf32> to vector<16xf32>
      %swap3A_107 = vector.shape_cast %broadcast_in_dim3A_102 : vector<16xf32> to vector<1x16xf32>
      tpu.vector_store %arg9[%swap3A_103, %swap3A_104], %swap3A_107 {strides = array<i32>} : memref<16x128xf32, #tpu.memory_space<vmem>>, vector<1x16xf32>,
      %broadcast_in_dim3A_108 = arith.constant 0.000000e+00 : f32
      %broadcast_in_dim3A_109 = vector.broadcast %broadcast_in_dim3A_108 : f32 to vector<16xf32>
      %swap3A_110 = arith.index_cast %scan3A_74 : i32 to index
      %swap3A_111 = arith.constant 80 : index
      %swap3A_112 = tpu.vector_load %arg9[%swap3A_110, %swap3A_111] {strides = array<i32>} : memref<16x128xf32, #tpu.memory_space<vmem>>, vector<1x16xf32>,
      %swap3A_113 = vector.shape_cast %swap3A_112 : vector<1x16xf32> to vector<16xf32>
      %swap3A_114 = vector.shape_cast %broadcast_in_dim3A_109 : vector<16xf32> to vector<1x16xf32>
      tpu.vector_store %arg9[%swap3A_110, %swap3A_111], %swap3A_114 {strides = array<i32>} : memref<16x128xf32, #tpu.memory_space<vmem>>, vector<1x16xf32>,
      %broadcast_in_dim3A_115 = arith.constant 0.000000e+00 : f32
      %broadcast_in_dim3A_116 = vector.broadcast %broadcast_in_dim3A_115 : f32 to vector<16xf32>
      %swap3A_117 = arith.index_cast %scan3A_74 : i32 to index
      %swap3A_118 = arith.constant 96 : index
      %swap3A_119 = tpu.vector_load %arg9[%swap3A_117, %swap3A_118] {strides = array<i32>} : memref<16x128xf32, #tpu.memory_space<vmem>>, vector<1x16xf32>,
      %swap3A_120 = vector.shape_cast %swap3A_119 : vector<1x16xf32> to vector<16xf32>
      %swap3A_121 = vector.shape_cast %broadcast_in_dim3A_116 : vector<16xf32> to vector<1x16xf32>
      tpu.vector_store %arg9[%swap3A_117, %swap3A_118], %swap3A_121 {strides = array<i32>} : memref<16x128xf32, #tpu.memory_space<vmem>>, vector<1x16xf32>,
      %broadcast_in_dim3A_122 = arith.constant 0.000000e+00 : f32
      %broadcast_in_dim3A_123 = vector.broadcast %broadcast_in_dim3A_122 : f32 to vector<16xf32>
      %swap3A_124 = arith.index_cast %scan3A_74 : i32 to index
      %swap3A_125 = arith.constant 112 : index
      %swap3A_126 = tpu.vector_load %arg9[%swap3A_124, %swap3A_125] {strides = array<i32>} : memref<16x128xf32, #tpu.memory_space<vmem>>, vector<1x16xf32>,
      %swap3A_127 = vector.shape_cast %swap3A_126 : vector<1x16xf32> to vector<16xf32>
      %swap3A_128 = vector.shape_cast %broadcast_in_dim3A_123 : vector<16xf32> to vector<1x16xf32>
      tpu.vector_store %arg9[%swap3A_124, %swap3A_125], %swap3A_128 {strides = array<i32>} : memref<16x128xf32, #tpu.memory_space<vmem>>, vector<1x16xf32>,
    }
    %scan3A_46 = arith.constant 16 : i32
    %scan3A_47 = arith.constant 0 : i32
    %scan3A_48 = arith.constant 0 : i32
    %scan3A_49 = arith.constant 32 : i32
    %scan3A_50 = arith.addi %scan3A_48, %scan3A_49 : i32
    %scan3A_51 = arith.constant 1 : i32
    scf.for %scan3A_74 = %scan3A_48 to %scan3A_50 step %scan3A_51  : i32 {
      %mul3A_75 = arith.constant 16 : i32
      %mul3A_76 = arith.muli %mul3A_75, %scan3A_74 : i32
      %add3A_77 = arith.addi %mul3A_40, %mul3A_76 : i32
      "tpu.region"() ({
        %run_scoped3A = tpu.sem_alloc : memref<!tpu.dma_semaphore, #tpu.memory_space<semaphore_mem>>
        %dma_start3A = arith.constant 0 : i32
        %dma_start3A_78 = tpu.memref_slice %arg11[%add3A_77, %dma_start3A] : memref<8192x128xf32, #tpu.memory_space<vmem_shared>> -> memref<16x128xf32, #tpu.memory_space<vmem_shared>>
        %dma_start3A_79 = arith.constant 0 : i32
        %dma_start3A_80 = tpu.memref_slice %arg11[%add3A_77, %dma_start3A_79] : memref<8192x128xf32, #tpu.memory_space<vmem_shared>> -> memref<16x128xf32, #tpu.memory_space<vmem_shared>>
        tpu.enqueue_dma source(%arg9 : memref<16x128xf32, #tpu.memory_space<vmem>>) target(%dma_start3A_80 : memref<16x128xf32, #tpu.memory_space<vmem_shared>>) target_semaphore(%run_scoped3A : memref<!tpu.dma_semaphore, #tpu.memory_space<semaphore_mem>>)
        %dma_wait3A = arith.constant 0 : i32
        %dma_wait3A_81 = tpu.memref_slice %arg11[%add3A_77, %dma_wait3A] : memref<8192x128xf32, #tpu.memory_space<vmem_shared>> -> memref<16x128xf32, #tpu.memory_space<vmem_shared>>
        %dma_wait3A_82 = arith.constant 0 : i32
        %dma_wait3A_83 = tpu.memref_slice %arg11[%add3A_77, %dma_wait3A_82] : memref<8192x128xf32, #tpu.memory_space<vmem_shared>> -> memref<16x128xf32, #tpu.memory_space<vmem_shared>>
        tpu.wait_dma2 semaphore(%run_scoped3A : memref<!tpu.dma_semaphore, #tpu.memory_space<semaphore_mem>>) src(%arg9 : memref<16x128xf32, #tpu.memory_space<vmem>>) dst(%dma_wait3A_83 : memref<16x128xf32, #tpu.memory_space<vmem_shared>>)
        tpu.yield
      }) : () -> ()
    }
    %scan3A_52 = arith.constant 32 : i32
    %mul3A_53 = arith.constant 16 : i32
    %mul3A_54 = arith.muli %add3A_38, %mul3A_53 : i32
    %add3A_55 = arith.addi %mul3A_54, %arg1 : i32
    "tpu.region"() ({
      %run_scoped3A = tpu.sem_alloc : memref<!tpu.dma_semaphore, #tpu.memory_space<semaphore_mem>>
      %dma_start3A = arith.constant 0 : i32
      %dma_start3A_74 = arith.constant 0 : i32
      %dma_start3A_75 = tpu.memref_slice %arg3[%add3A_55, %dma_start3A, %dma_start3A_74] : memref<64x32x128xi32, #tpu.memory_space<hbm>> -> memref<1x32x128xi32, #tpu.memory_space<hbm>>
      %dma_start3A_76 = tpu.memref_squeeze %dma_start3A_75 : memref<1x32x128xi32, #tpu.memory_space<hbm>> -> memref<32x128xi32, #tpu.memory_space<hbm>>
      %dma_start3A_77 = arith.constant 0 : i32
      %dma_start3A_78 = arith.constant 0 : i32
      %dma_start3A_79 = tpu.memref_slice %arg3[%add3A_55, %dma_start3A_77, %dma_start3A_78] : memref<64x32x128xi32, #tpu.memory_space<hbm>> -> memref<1x32x128xi32, #tpu.memory_space<hbm>>
      %dma_start3A_80 = tpu.memref_squeeze %dma_start3A_79 : memref<1x32x128xi32, #tpu.memory_space<hbm>> -> memref<32x128xi32, #tpu.memory_space<hbm>>
      tpu.enqueue_dma source(%dma_start3A_80 : memref<32x128xi32, #tpu.memory_space<hbm>>) target(%arg6 : memref<32x128xi32, #tpu.memory_space<vmem>>) target_semaphore(%run_scoped3A : memref<!tpu.dma_semaphore, #tpu.memory_space<semaphore_mem>>)
      %dma_wait3A = arith.constant 0 : i32
      %dma_wait3A_81 = arith.constant 0 : i32
      %dma_wait3A_82 = tpu.memref_slice %arg3[%add3A_55, %dma_wait3A, %dma_wait3A_81] : memref<64x32x128xi32, #tpu.memory_space<hbm>> -> memref<1x32x128xi32, #tpu.memory_space<hbm>>
      %dma_wait3A_83 = tpu.memref_squeeze %dma_wait3A_82 : memref<1x32x128xi32, #tpu.memory_space<hbm>> -> memref<32x128xi32, #tpu.memory_space<hbm>>
      %dma_wait3A_84 = arith.constant 0 : i32
      %dma_wait3A_85 = arith.constant 0 : i32
      %dma_wait3A_86 = tpu.memref_slice %arg3[%add3A_55, %dma_wait3A_84, %dma_wait3A_85] : memref<64x32x128xi32, #tpu.memory_space<hbm>> -> memref<1x32x128xi32, #tpu.memory_space<hbm>>
      %dma_wait3A_87 = tpu.memref_squeeze %dma_wait3A_86 : memref<1x32x128xi32, #tpu.memory_space<hbm>> -> memref<32x128xi32, #tpu.memory_space<hbm>>
      tpu.wait_dma2 semaphore(%run_scoped3A : memref<!tpu.dma_semaphore, #tpu.memory_space<semaphore_mem>>) src(%dma_wait3A_87 : memref<32x128xi32, #tpu.memory_space<hbm>>) dst(%arg6 : memref<32x128xi32, #tpu.memory_space<vmem>>)
      tpu.yield
    }) : () -> ()
    %mul3A_56 = arith.constant 16 : i32
    %mul3A_57 = arith.muli %add3A_38, %mul3A_56 : i32
    %add3A_58 = arith.addi %mul3A_57, %arg1 : i32
    "tpu.region"() ({
      %run_scoped3A = tpu.sem_alloc : memref<!tpu.dma_semaphore, #tpu.memory_space<semaphore_mem>>
      %dma_start3A = arith.constant 0 : i32
      %dma_start3A_74 = arith.constant 0 : i32
      %dma_start3A_75 = tpu.memref_slice %arg4[%add3A_58, %dma_start3A, %dma_start3A_74] : memref<64x32x128xi32, #tpu.memory_space<hbm>> -> memref<1x32x128xi32, #tpu.memory_space<hbm>>
      %dma_start3A_76 = tpu.memref_squeeze %dma_start3A_75 : memref<1x32x128xi32, #tpu.memory_space<hbm>> -> memref<32x128xi32, #tpu.memory_space<hbm>>
      %dma_start3A_77 = arith.constant 0 : i32
      %dma_start3A_78 = arith.constant 0 : i32
      %dma_start3A_79 = tpu.memref_slice %arg4[%add3A_58, %dma_start3A_77, %dma_start3A_78] : memref<64x32x128xi32, #tpu.memory_space<hbm>> -> memref<1x32x128xi32, #tpu.memory_space<hbm>>
      %dma_start3A_80 = tpu.memref_squeeze %dma_start3A_79 : memref<1x32x128xi32, #tpu.memory_space<hbm>> -> memref<32x128xi32, #tpu.memory_space<hbm>>
      tpu.enqueue_dma source(%dma_start3A_80 : memref<32x128xi32, #tpu.memory_space<hbm>>) target(%arg7 : memref<32x128xi32, #tpu.memory_space<vmem>>) target_semaphore(%run_scoped3A : memref<!tpu.dma_semaphore, #tpu.memory_space<semaphore_mem>>)
      %dma_wait3A = arith.constant 0 : i32
      %dma_wait3A_81 = arith.constant 0 : i32
      %dma_wait3A_82 = tpu.memref_slice %arg4[%add3A_58, %dma_wait3A, %dma_wait3A_81] : memref<64x32x128xi32, #tpu.memory_space<hbm>> -> memref<1x32x128xi32, #tpu.memory_space<hbm>>
      %dma_wait3A_83 = tpu.memref_squeeze %dma_wait3A_82 : memref<1x32x128xi32, #tpu.memory_space<hbm>> -> memref<32x128xi32, #tpu.memory_space<hbm>>
      %dma_wait3A_84 = arith.constant 0 : i32
      %dma_wait3A_85 = arith.constant 0 : i32
      %dma_wait3A_86 = tpu.memref_slice %arg4[%add3A_58, %dma_wait3A_84, %dma_wait3A_85] : memref<64x32x128xi32, #tpu.memory_space<hbm>> -> memref<1x32x128xi32, #tpu.memory_space<hbm>>
      %dma_wait3A_87 = tpu.memref_squeeze %dma_wait3A_86 : memref<1x32x128xi32, #tpu.memory_space<hbm>> -> memref<32x128xi32, #tpu.memory_space<hbm>>
      tpu.wait_dma2 semaphore(%run_scoped3A : memref<!tpu.dma_semaphore, #tpu.memory_space<semaphore_mem>>) src(%dma_wait3A_87 : memref<32x128xi32, #tpu.memory_space<hbm>>) dst(%arg7 : memref<32x128xi32, #tpu.memory_space<vmem>>)
      tpu.yield
    }) : () -> ()
    %barrier3A_59 = arith.constant 0 : index
    tpu.barrier barrier_id(%barrier3A_59)
    %scan3A_60 = arith.constant 0 : i32
    %scan3A_61 = arith.constant 0 : i32
    %scan3A_62 = arith.constant 32 : i32
    %scan3A_63 = arith.addi %scan3A_61, %scan3A_62 : i32
    %scan3A_64 = arith.constant 1 : i32
    scf.for %scan3A_74 = %scan3A_61 to %scan3A_63 step %scan3A_64  : i32 {
      %dma_start3A = arith.constant 0 : i32
      %dma_start3A_75 = tpu.memref_slice %arg6[%scan3A_74, %dma_start3A] : memref<32x128xi32, #tpu.memory_space<vmem>> -> memref<1x128xi32, #tpu.memory_space<vmem>>
      %dma_start3A_76 = tpu.memref_squeeze %dma_start3A_75 : memref<1x128xi32, #tpu.memory_space<vmem>> -> memref<128xi32, #tpu.memory_space<vmem>>
      %dma_start3A_77 = arith.constant 0 : i32
      %dma_start3A_78 = arith.constant 0 : i32
      %dma_start3A_79 = tpu.memref_slice %arg2[%dma_start3A_77, %dma_start3A_78] : memref<32008x128xf32, #tpu.memory_space<hbm>> -> memref<32008x128xf32, #tpu.memory_space<hbm>>
      tpu.enqueue_indirect_dma source(%dma_start3A_79 : memref<32008x128xf32, #tpu.memory_space<hbm>>) target(%arg8 : memref<128x128xf32, #tpu.memory_space<vmem>>) offsets(%dma_start3A_76 : memref<128xi32, #tpu.memory_space<vmem>>) semaphore(%arg12 : memref<!tpu.dma_semaphore, #tpu.memory_space<semaphore_mem>>)
      %dma_wait3A = arith.constant 0 : i32
      %dma_wait3A_80 = tpu.memref_slice %arg6[%scan3A_74, %dma_wait3A] : memref<32x128xi32, #tpu.memory_space<vmem>> -> memref<1x128xi32, #tpu.memory_space<vmem>>
      %dma_wait3A_81 = tpu.memref_squeeze %dma_wait3A_80 : memref<1x128xi32, #tpu.memory_space<vmem>> -> memref<128xi32, #tpu.memory_space<vmem>>
      %dma_wait3A_82 = arith.constant 0 : i32
      %dma_wait3A_83 = arith.constant 0 : i32
      %dma_wait3A_84 = tpu.memref_slice %arg2[%dma_wait3A_82, %dma_wait3A_83] : memref<32008x128xf32, #tpu.memory_space<hbm>> -> memref<32008x128xf32, #tpu.memory_space<hbm>>
      tpu.wait_indirect_dma semaphore(%arg12 : memref<!tpu.dma_semaphore, #tpu.memory_space<semaphore_mem>>) src(%dma_wait3A_84 : memref<32008x128xf32, #tpu.memory_space<hbm>>) dst(%arg8 : memref<128x128xf32, #tpu.memory_space<vmem>>)
      "tpu.region"() ({
        %run_scoped3A = tpu.sem_alloc : memref<!tpu.dma_semaphore, #tpu.memory_space<semaphore_mem>>
        %dma_start3A_85 = arith.constant 0 : i32
        %dma_start3A_86 = tpu.memref_slice %arg7[%scan3A_74, %dma_start3A_85] : memref<32x128xi32, #tpu.memory_space<vmem>> -> memref<1x128xi32, #tpu.memory_space<vmem>>
        %dma_start3A_87 = tpu.memref_squeeze %dma_start3A_86 : memref<1x128xi32, #tpu.memory_space<vmem>> -> memref<128xi32, #tpu.memory_space<vmem>>
        %dma_start3A_88 = arith.constant 0 : i32
        %dma_start3A_89 = arith.constant 0 : i32
        %dma_start3A_90 = tpu.memref_slice %arg11[%dma_start3A_88, %dma_start3A_89] : memref<8192x128xf32, #tpu.memory_space<vmem_shared>> -> memref<8192x128xf32, #tpu.memory_space<vmem_shared>>
        tpu.enqueue_indirect_dma source(%arg8 : memref<128x128xf32, #tpu.memory_space<vmem>>) target(%dma_start3A_90 : memref<8192x128xf32, #tpu.memory_space<vmem_shared>>) offsets(%dma_start3A_87 : memref<128xi32, #tpu.memory_space<vmem>>) semaphore(%run_scoped3A : memref<!tpu.dma_semaphore, #tpu.memory_space<semaphore_mem>>) {add = true}
        %dma_wait3A_91 = arith.constant 0 : i32
        %dma_wait3A_92 = tpu.memref_slice %arg7[%scan3A_74, %dma_wait3A_91] : memref<32x128xi32, #tpu.memory_space<vmem>> -> memref<1x128xi32, #tpu.memory_space<vmem>>
        %dma_wait3A_93 = tpu.memref_squeeze %dma_wait3A_92 : memref<1x128xi32, #tpu.memory_space<vmem>> -> memref<128xi32, #tpu.memory_space<vmem>>
        %dma_wait3A_94 = arith.constant 0 : i32
        %dma_wait3A_95 = arith.constant 0 : i32
        %dma_wait3A_96 = tpu.memref_slice %arg11[%dma_wait3A_94, %dma_wait3A_95] : memref<8192x128xf32, #tpu.memory_space<vmem_shared>> -> memref<8192x128xf32, #tpu.memory_space<vmem_shared>>
        tpu.wait_indirect_dma semaphore(%run_scoped3A : memref<!tpu.dma_semaphore, #tpu.memory_space<semaphore_mem>>) src(%arg8 : memref<128x128xf32, #tpu.memory_space<vmem>>) dst(%dma_wait3A_96 : memref<8192x128xf32, #tpu.memory_space<vmem_shared>>)
        tpu.yield
      }) : () -> ()
    }
    %scan3A_65 = arith.constant 32 : i32
    %barrier3A_66 = arith.constant 0 : index
    tpu.barrier barrier_id(%barrier3A_66)
    %scan3A_67 = arith.constant 0 : i32
    %scan3A_68 = arith.constant 0 : i32
    %scan3A_69 = arith.constant 32 : i32
    %scan3A_70 = arith.addi %scan3A_68, %scan3A_69 : i32
    %scan3A_71 = arith.constant 1 : i32
    scf.for %scan3A_74 = %scan3A_68 to %scan3A_70 step %scan3A_71  : i32 {
      %mul3A_75 = arith.constant 512 : i32
      %mul3A_76 = arith.muli %arg1, %mul3A_75 : i32
      %mul3A_77 = arith.constant 16 : i32
      %mul3A_78 = arith.muli %mul3A_77, %scan3A_74 : i32
      %add3A_79 = arith.addi %mul3A_76, %mul3A_78 : i32
      "tpu.region"() ({
        %run_scoped3A = tpu.sem_alloc : memref<!tpu.dma_semaphore, #tpu.memory_space<semaphore_mem>>
        %dma_start3A = arith.constant 0 : i32
        %dma_start3A_88 = tpu.memref_slice %arg11[%add3A_79, %dma_start3A] : memref<8192x128xf32, #tpu.memory_space<vmem_shared>> -> memref<16x128xf32, #tpu.memory_space<vmem_shared>>
        %dma_start3A_89 = arith.constant 0 : i32
        %dma_start3A_90 = tpu.memref_slice %arg11[%add3A_79, %dma_start3A_89] : memref<8192x128xf32, #tpu.memory_space<vmem_shared>> -> memref<16x128xf32, #tpu.memory_space<vmem_shared>>
        tpu.enqueue_dma source(%dma_start3A_90 : memref<16x128xf32, #tpu.memory_space<vmem_shared>>) target(%arg10 : memref<16x128xf32, #tpu.memory_space<vmem>>) target_semaphore(%run_scoped3A : memref<!tpu.dma_semaphore, #tpu.memory_space<semaphore_mem>>)
        %dma_wait3A = arith.constant 0 : i32
        %dma_wait3A_91 = tpu.memref_slice %arg11[%add3A_79, %dma_wait3A] : memref<8192x128xf32, #tpu.memory_space<vmem_shared>> -> memref<16x128xf32, #tpu.memory_space<vmem_shared>>
        %dma_wait3A_92 = arith.constant 0 : i32
        %dma_wait3A_93 = tpu.memref_slice %arg11[%add3A_79, %dma_wait3A_92] : memref<8192x128xf32, #tpu.memory_space<vmem_shared>> -> memref<16x128xf32, #tpu.memory_space<vmem_shared>>
        tpu.wait_dma2 semaphore(%run_scoped3A : memref<!tpu.dma_semaphore, #tpu.memory_space<semaphore_mem>>) src(%dma_wait3A_93 : memref<16x128xf32, #tpu.memory_space<vmem_shared>>) dst(%arg10 : memref<16x128xf32, #tpu.memory_space<vmem>>)
        tpu.yield
      }) : () -> ()
      %mul3A_80 = arith.constant 8192 : i32
      %mul3A_81 = arith.muli %add3A_38, %mul3A_80 : i32
      %mul3A_82 = arith.constant 512 : i32
      %mul3A_83 = arith.muli %arg1, %mul3A_82 : i32
      %add3A_84 = arith.addi %mul3A_81, %mul3A_83 : i32
      %mul3A_85 = arith.constant 16 : i32
      %mul3A_86 = arith.muli %mul3A_85, %scan3A_74 : i32
      %add3A_87 = arith.addi %add3A_84, %mul3A_86 : i32
      "tpu.region"() ({
        %run_scoped3A = tpu.sem_alloc : memref<!tpu.dma_semaphore, #tpu.memory_space<semaphore_mem>>
        %dma_start3A = arith.constant 0 : i32
        %dma_start3A_88 = tpu.memref_slice %arg5[%add3A_87, %dma_start3A] : memref<32768x128xf32, #tpu.memory_space<hbm>> -> memref<16x128xf32, #tpu.memory_space<hbm>>
        %dma_start3A_89 = arith.constant 0 : i32
        %dma_start3A_90 = tpu.memref_slice %arg5[%add3A_87, %dma_start3A_89] : memref<32768x128xf32, #tpu.memory_space<hbm>> -> memref<16x128xf32, #tpu.memory_space<hbm>>
        tpu.enqueue_dma source(%arg10 : memref<16x128xf32, #tpu.memory_space<vmem>>) target(%dma_start3A_90 : memref<16x128xf32, #tpu.memory_space<hbm>>) target_semaphore(%run_scoped3A : memref<!tpu.dma_semaphore, #tpu.memory_space<semaphore_mem>>)
        %dma_wait3A = arith.constant 0 : i32
        %dma_wait3A_91 = tpu.memref_slice %arg5[%add3A_87, %dma_wait3A] : memref<32768x128xf32, #tpu.memory_space<hbm>> -> memref<16x128xf32, #tpu.memory_space<hbm>>
        %dma_wait3A_92 = arith.constant 0 : i32
        %dma_wait3A_93 = tpu.memref_slice %arg5[%add3A_87, %dma_wait3A_92] : memref<32768x128xf32, #tpu.memory_space<hbm>> -> memref<16x128xf32, #tpu.memory_space<hbm>>
        tpu.wait_dma2 semaphore(%run_scoped3A : memref<!tpu.dma_semaphore, #tpu.memory_space<semaphore_mem>>) src(%arg10 : memref<16x128xf32, #tpu.memory_space<vmem>>) dst(%dma_wait3A_93 : memref<16x128xf32, #tpu.memory_space<hbm>>)
        tpu.yield
      }) : () -> ()
    }
    %scan3A_72 = arith.constant 32 : i32
    %barrier3A_73 = arith.constant 0 : index
    tpu.barrier barrier_id(%barrier3A_73)
    return
  }
}

#map = affine_map<(d0, d1) -> (0, 0)>
#map1 = affine_map<(d0, d1) -> (0, 0, 0)>
module attributes {stable_mosaic.version = 14 : i64} {
  func.func @k(%arg0: i32, %arg1: i32, %arg2: memref<32008x128xf32, #tpu.memory_space<hbm>>, %arg3: memref<64x32x128xi32, #tpu.memory_space<hbm>>, %arg4: memref<64x32x128xi32, #tpu.memory_space<hbm>>, %arg5: memref<32768x128xf32, #tpu.memory_space<hbm>>, %arg6: memref<32x128xi32, #tpu.memory_space<vmem>>, %arg7: memref<32x128xi32, #tpu.memory_space<vmem>>, %arg8: memref<128x128xf32, #tpu.memory_space<vmem>>, %arg9: memref<16x128xf32, #tpu.memory_space<vmem>>, %arg10: memref<16x128xf32, #tpu.memory_space<vmem>>, %arg11: memref<8192x128xf32, #tpu.memory_space<vmem_shared>>, %arg12: memref<!tpu.dma_semaphore, #tpu.memory_space<semaphore_mem>>) attributes {dimension_semantics = [#tpu.dimension_semantics<core_parallel>, #tpu.dimension_semantics<subcore_parallel>], iteration_bounds = array<i64: 2, 16>, scalar_prefetch = 0 : i64, scratch_operands = 7 : i64, tpu.core_type = #tpu.core_type<sc_vector_subcore>, window_params = [{transform_indices = #map}, {transform_indices = #map1}, {transform_indices = #map1}, {transform_indices = #map}]} {
    %mul3A = arith.constant 2 : i32
    %mul3A_0 = arith.muli %arg0, %mul3A : i32
    %add3A = arith.constant 0 : i32
    %add3A_1 = arith.addi %mul3A_0, %add3A : i32
    %mul3A_2 = arith.constant 512 : i32
    %mul3A_3 = arith.muli %arg1, %mul3A_2 : i32
    %scan3A = arith.constant 0 : i32
    %scan3A_4 = arith.constant 0 : i32
    %scan3A_5 = arith.constant 16 : i32
    %scan3A_6 = arith.addi %scan3A_4, %scan3A_5 : i32
    %scan3A_7 = arith.constant 1 : i32
    scf.for %scan3A_74 = %scan3A_4 to %scan3A_6 step %scan3A_7  : i32 {
      %broadcast_in_dim3A = arith.constant 0.000000e+00 : f32
      %broadcast_in_dim3A_75 = vector.broadcast %broadcast_in_dim3A : f32 to vector<16xf32>
      %swap3A = arith.index_cast %scan3A_74 : i32 to index
      %swap3A_76 = arith.constant 0 : index
      %swap3A_77 = tpu.vector_load %arg9[%swap3A, %swap3A_76] {strides = array<i32>} : memref<16x128xf32, #tpu.memory_space<vmem>>, vector<1x16xf32>,
      %swap3A_78 = vector.shape_cast %swap3A_77 : vector<1x16xf32> to vector<16xf32>
      %swap3A_79 = vector.shape_cast %broadcast_in_dim3A_75 : vector<16xf32> to vector<1x16xf32>
      tpu.vector_store %arg9[%swap3A, %swap3A_76], %swap3A_79 {strides = array<i32>} : memref<16x128xf32, #tpu.memory_space<vmem>>, vector<1x16xf32>,
      %broadcast_in_dim3A_80 = arith.constant 0.000000e+00 : f32
      %broadcast_in_dim3A_81 = vector.broadcast %broadcast_in_dim3A_80 : f32 to vector<16xf32>
      %swap3A_82 = arith.index_cast %scan3A_74 : i32 to index
      %swap3A_83 = arith.constant 16 : index
      %swap3A_84 = tpu.vector_load %arg9[%swap3A_82, %swap3A_83] {strides = array<i32>} : memref<16x128xf32, #tpu.memory_space<vmem>>, vector<1x16xf32>,
      %swap3A_85 = vector.shape_cast %swap3A_84 : vector<1x16xf32> to vector<16xf32>
      %swap3A_86 = vector.shape_cast %broadcast_in_dim3A_81 : vector<16xf32> to vector<1x16xf32>
      tpu.vector_store %arg9[%swap3A_82, %swap3A_83], %swap3A_86 {strides = array<i32>} : memref<16x128xf32, #tpu.memory_space<vmem>>, vector<1x16xf32>,
      %broadcast_in_dim3A_87 = arith.constant 0.000000e+00 : f32
      %broadcast_in_dim3A_88 = vector.broadcast %broadcast_in_dim3A_87 : f32 to vector<16xf32>
      %swap3A_89 = arith.index_cast %scan3A_74 : i32 to index
      %swap3A_90 = arith.constant 32 : index
      %swap3A_91 = tpu.vector_load %arg9[%swap3A_89, %swap3A_90] {strides = array<i32>} : memref<16x128xf32, #tpu.memory_space<vmem>>, vector<1x16xf32>,
      %swap3A_92 = vector.shape_cast %swap3A_91 : vector<1x16xf32> to vector<16xf32>
      %swap3A_93 = vector.shape_cast %broadcast_in_dim3A_88 : vector<16xf32> to vector<1x16xf32>
      tpu.vector_store %arg9[%swap3A_89, %swap3A_90], %swap3A_93 {strides = array<i32>} : memref<16x128xf32, #tpu.memory_space<vmem>>, vector<1x16xf32>,
      %broadcast_in_dim3A_94 = arith.constant 0.000000e+00 : f32
      %broadcast_in_dim3A_95 = vector.broadcast %broadcast_in_dim3A_94 : f32 to vector<16xf32>
      %swap3A_96 = arith.index_cast %scan3A_74 : i32 to index
      %swap3A_97 = arith.constant 48 : index
      %swap3A_98 = tpu.vector_load %arg9[%swap3A_96, %swap3A_97] {strides = array<i32>} : memref<16x128xf32, #tpu.memory_space<vmem>>, vector<1x16xf32>,
      %swap3A_99 = vector.shape_cast %swap3A_98 : vector<1x16xf32> to vector<16xf32>
      %swap3A_100 = vector.shape_cast %broadcast_in_dim3A_95 : vector<16xf32> to vector<1x16xf32>
      tpu.vector_store %arg9[%swap3A_96, %swap3A_97], %swap3A_100 {strides = array<i32>} : memref<16x128xf32, #tpu.memory_space<vmem>>, vector<1x16xf32>,
      %broadcast_in_dim3A_101 = arith.constant 0.000000e+00 : f32
      %broadcast_in_dim3A_102 = vector.broadcast %broadcast_in_dim3A_101 : f32 to vector<16xf32>
      %swap3A_103 = arith.index_cast %scan3A_74 : i32 to index
      %swap3A_104 = arith.constant 64 : index
      %swap3A_105 = tpu.vector_load %arg9[%swap3A_103, %swap3A_104] {strides = array<i32>} : memref<16x128xf32, #tpu.memory_space<vmem>>, vector<1x16xf32>,
      %swap3A_106 = vector.shape_cast %swap3A_105 : vector<1x16xf32> to vector<16xf32>
      %swap3A_107 = vector.shape_cast %broadcast_in_dim3A_102 : vector<16xf32> to vector<1x16xf32>
      tpu.vector_store %arg9[%swap3A_103, %swap3A_104], %swap3A_107 {strides = array<i32>} : memref<16x128xf32, #tpu.memory_space<vmem>>, vector<1x16xf32>,
      %broadcast_in_dim3A_108 = arith.constant 0.000000e+00 : f32
      %broadcast_in_dim3A_109 = vector.broadcast %broadcast_in_dim3A_108 : f32 to vector<16xf32>
      %swap3A_110 = arith.index_cast %scan3A_74 : i32 to index
      %swap3A_111 = arith.constant 80 : index
      %swap3A_112 = tpu.vector_load %arg9[%swap3A_110, %swap3A_111] {strides = array<i32>} : memref<16x128xf32, #tpu.memory_space<vmem>>, vector<1x16xf32>,
      %swap3A_113 = vector.shape_cast %swap3A_112 : vector<1x16xf32> to vector<16xf32>
      %swap3A_114 = vector.shape_cast %broadcast_in_dim3A_109 : vector<16xf32> to vector<1x16xf32>
      tpu.vector_store %arg9[%swap3A_110, %swap3A_111], %swap3A_114 {strides = array<i32>} : memref<16x128xf32, #tpu.memory_space<vmem>>, vector<1x16xf32>,
      %broadcast_in_dim3A_115 = arith.constant 0.000000e+00 : f32
      %broadcast_in_dim3A_116 = vector.broadcast %broadcast_in_dim3A_115 : f32 to vector<16xf32>
      %swap3A_117 = arith.index_cast %scan3A_74 : i32 to index
      %swap3A_118 = arith.constant 96 : index
      %swap3A_119 = tpu.vector_load %arg9[%swap3A_117, %swap3A_118] {strides = array<i32>} : memref<16x128xf32, #tpu.memory_space<vmem>>, vector<1x16xf32>,
      %swap3A_120 = vector.shape_cast %swap3A_119 : vector<1x16xf32> to vector<16xf32>
      %swap3A_121 = vector.shape_cast %broadcast_in_dim3A_116 : vector<16xf32> to vector<1x16xf32>
      tpu.vector_store %arg9[%swap3A_117, %swap3A_118], %swap3A_121 {strides = array<i32>} : memref<16x128xf32, #tpu.memory_space<vmem>>, vector<1x16xf32>,
      %broadcast_in_dim3A_122 = arith.constant 0.000000e+00 : f32
      %broadcast_in_dim3A_123 = vector.broadcast %broadcast_in_dim3A_122 : f32 to vector<16xf32>
      %swap3A_124 = arith.index_cast %scan3A_74 : i32 to index
      %swap3A_125 = arith.constant 112 : index
      %swap3A_126 = tpu.vector_load %arg9[%swap3A_124, %swap3A_125] {strides = array<i32>} : memref<16x128xf32, #tpu.memory_space<vmem>>, vector<1x16xf32>,
      %swap3A_127 = vector.shape_cast %swap3A_126 : vector<1x16xf32> to vector<16xf32>
      %swap3A_128 = vector.shape_cast %broadcast_in_dim3A_123 : vector<16xf32> to vector<1x16xf32>
      tpu.vector_store %arg9[%swap3A_124, %swap3A_125], %swap3A_128 {strides = array<i32>} : memref<16x128xf32, #tpu.memory_space<vmem>>, vector<1x16xf32>,
    }
    %scan3A_8 = arith.constant 16 : i32
    %scan3A_9 = arith.constant 0 : i32
    %scan3A_10 = arith.constant 0 : i32
    %scan3A_11 = arith.constant 32 : i32
    %scan3A_12 = arith.addi %scan3A_10, %scan3A_11 : i32
    %scan3A_13 = arith.constant 1 : i32
    scf.for %scan3A_74 = %scan3A_10 to %scan3A_12 step %scan3A_13  : i32 {
      %mul3A_75 = arith.constant 16 : i32
      %mul3A_76 = arith.muli %mul3A_75, %scan3A_74 : i32
      %add3A_77 = arith.addi %mul3A_3, %mul3A_76 : i32
      "tpu.region"() ({
        %run_scoped3A = tpu.sem_alloc : memref<!tpu.dma_semaphore, #tpu.memory_space<semaphore_mem>>
        %dma_start3A = arith.constant 0 : i32
        %dma_start3A_78 = tpu.memref_slice %arg11[%add3A_77, %dma_start3A] : memref<8192x128xf32, #tpu.memory_space<vmem_shared>> -> memref<16x128xf32, #tpu.memory_space<vmem_shared>>
        %dma_start3A_79 = arith.constant 0 : i32
        %dma_start3A_80 = tpu.memref_slice %arg11[%add3A_77, %dma_start3A_79] : memref<8192x128xf32, #tpu.memory_space<vmem_shared>> -> memref<16x128xf32, #tpu.memory_space<vmem_shared>>
        tpu.enqueue_dma source(%arg9 : memref<16x128xf32, #tpu.memory_space<vmem>>) target(%dma_start3A_80 : memref<16x128xf32, #tpu.memory_space<vmem_shared>>) target_semaphore(%run_scoped3A : memref<!tpu.dma_semaphore, #tpu.memory_space<semaphore_mem>>)
        %dma_wait3A = arith.constant 0 : i32
        %dma_wait3A_81 = tpu.memref_slice %arg11[%add3A_77, %dma_wait3A] : memref<8192x128xf32, #tpu.memory_space<vmem_shared>> -> memref<16x128xf32, #tpu.memory_space<vmem_shared>>
        %dma_wait3A_82 = arith.constant 0 : i32
        %dma_wait3A_83 = tpu.memref_slice %arg11[%add3A_77, %dma_wait3A_82] : memref<8192x128xf32, #tpu.memory_space<vmem_shared>> -> memref<16x128xf32, #tpu.memory_space<vmem_shared>>
        tpu.wait_dma2 semaphore(%run_scoped3A : memref<!tpu.dma_semaphore, #tpu.memory_space<semaphore_mem>>) src(%arg9 : memref<16x128xf32, #tpu.memory_space<vmem>>) dst(%dma_wait3A_83 : memref<16x128xf32, #tpu.memory_space<vmem_shared>>)
        tpu.yield
      }) : () -> ()
    }
    %scan3A_14 = arith.constant 32 : i32
    %mul3A_15 = arith.constant 16 : i32
    %mul3A_16 = arith.muli %add3A_1, %mul3A_15 : i32
    %add3A_17 = arith.addi %mul3A_16, %arg1 : i32
    "tpu.region"() ({
      %run_scoped3A = tpu.sem_alloc : memref<!tpu.dma_semaphore, #tpu.memory_space<semaphore_mem>>
      %dma_start3A = arith.constant 0 : i32
      %dma_start3A_74 = arith.constant 0 : i32
      %dma_start3A_75 = tpu.memref_slice %arg3[%add3A_17, %dma_start3A, %dma_start3A_74] : memref<64x32x128xi32, #tpu.memory_space<hbm>> -> memref<1x32x128xi32, #tpu.memory_space<hbm>>
      %dma_start3A_76 = tpu.memref_squeeze %dma_start3A_75 : memref<1x32x128xi32, #tpu.memory_space<hbm>> -> memref<32x128xi32, #tpu.memory_space<hbm>>
      %dma_start3A_77 = arith.constant 0 : i32
      %dma_start3A_78 = arith.constant 0 : i32
      %dma_start3A_79 = tpu.memref_slice %arg3[%add3A_17, %dma_start3A_77, %dma_start3A_78] : memref<64x32x128xi32, #tpu.memory_space<hbm>> -> memref<1x32x128xi32, #tpu.memory_space<hbm>>
      %dma_start3A_80 = tpu.memref_squeeze %dma_start3A_79 : memref<1x32x128xi32, #tpu.memory_space<hbm>> -> memref<32x128xi32, #tpu.memory_space<hbm>>
      tpu.enqueue_dma source(%dma_start3A_80 : memref<32x128xi32, #tpu.memory_space<hbm>>) target(%arg6 : memref<32x128xi32, #tpu.memory_space<vmem>>) target_semaphore(%run_scoped3A : memref<!tpu.dma_semaphore, #tpu.memory_space<semaphore_mem>>)
      %dma_wait3A = arith.constant 0 : i32
      %dma_wait3A_81 = arith.constant 0 : i32
      %dma_wait3A_82 = tpu.memref_slice %arg3[%add3A_17, %dma_wait3A, %dma_wait3A_81] : memref<64x32x128xi32, #tpu.memory_space<hbm>> -> memref<1x32x128xi32, #tpu.memory_space<hbm>>
      %dma_wait3A_83 = tpu.memref_squeeze %dma_wait3A_82 : memref<1x32x128xi32, #tpu.memory_space<hbm>> -> memref<32x128xi32, #tpu.memory_space<hbm>>
      %dma_wait3A_84 = arith.constant 0 : i32
      %dma_wait3A_85 = arith.constant 0 : i32
      %dma_wait3A_86 = tpu.memref_slice %arg3[%add3A_17, %dma_wait3A_84, %dma_wait3A_85] : memref<64x32x128xi32, #tpu.memory_space<hbm>> -> memref<1x32x128xi32, #tpu.memory_space<hbm>>
      %dma_wait3A_87 = tpu.memref_squeeze %dma_wait3A_86 : memref<1x32x128xi32, #tpu.memory_space<hbm>> -> memref<32x128xi32, #tpu.memory_space<hbm>>
      tpu.wait_dma2 semaphore(%run_scoped3A : memref<!tpu.dma_semaphore, #tpu.memory_space<semaphore_mem>>) src(%dma_wait3A_87 : memref<32x128xi32, #tpu.memory_space<hbm>>) dst(%arg6 : memref<32x128xi32, #tpu.memory_space<vmem>>)
      tpu.yield
    }) : () -> ()
    %mul3A_18 = arith.constant 16 : i32
    %mul3A_19 = arith.muli %add3A_1, %mul3A_18 : i32
    %add3A_20 = arith.addi %mul3A_19, %arg1 : i32
    "tpu.region"() ({
      %run_scoped3A = tpu.sem_alloc : memref<!tpu.dma_semaphore, #tpu.memory_space<semaphore_mem>>
      %dma_start3A = arith.constant 0 : i32
      %dma_start3A_74 = arith.constant 0 : i32
      %dma_start3A_75 = tpu.memref_slice %arg4[%add3A_20, %dma_start3A, %dma_start3A_74] : memref<64x32x128xi32, #tpu.memory_space<hbm>> -> memref<1x32x128xi32, #tpu.memory_space<hbm>>
      %dma_start3A_76 = tpu.memref_squeeze %dma_start3A_75 : memref<1x32x128xi32, #tpu.memory_space<hbm>> -> memref<32x128xi32, #tpu.memory_space<hbm>>
      %dma_start3A_77 = arith.constant 0 : i32
      %dma_start3A_78 = arith.constant 0 : i32
      %dma_start3A_79 = tpu.memref_slice %arg4[%add3A_20, %dma_start3A_77, %dma_start3A_78] : memref<64x32x128xi32, #tpu.memory_space<hbm>> -> memref<1x32x128xi32, #tpu.memory_space<hbm>>
      %dma_start3A_80 = tpu.memref_squeeze %dma_start3A_79 : memref<1x32x128xi32, #tpu.memory_space<hbm>> -> memref<32x128xi32, #tpu.memory_space<hbm>>
      tpu.enqueue_dma source(%dma_start3A_80 : memref<32x128xi32, #tpu.memory_space<hbm>>) target(%arg7 : memref<32x128xi32, #tpu.memory_space<vmem>>) target_semaphore(%run_scoped3A : memref<!tpu.dma_semaphore, #tpu.memory_space<semaphore_mem>>)
      %dma_wait3A = arith.constant 0 : i32
      %dma_wait3A_81 = arith.constant 0 : i32
      %dma_wait3A_82 = tpu.memref_slice %arg4[%add3A_20, %dma_wait3A, %dma_wait3A_81] : memref<64x32x128xi32, #tpu.memory_space<hbm>> -> memref<1x32x128xi32, #tpu.memory_space<hbm>>
      %dma_wait3A_83 = tpu.memref_squeeze %dma_wait3A_82 : memref<1x32x128xi32, #tpu.memory_space<hbm>> -> memref<32x128xi32, #tpu.memory_space<hbm>>
      %dma_wait3A_84 = arith.constant 0 : i32
      %dma_wait3A_85 = arith.constant 0 : i32
      %dma_wait3A_86 = tpu.memref_slice %arg4[%add3A_20, %dma_wait3A_84, %dma_wait3A_85] : memref<64x32x128xi32, #tpu.memory_space<hbm>> -> memref<1x32x128xi32, #tpu.memory_space<hbm>>
      %dma_wait3A_87 = tpu.memref_squeeze %dma_wait3A_86 : memref<1x32x128xi32, #tpu.memory_space<hbm>> -> memref<32x128xi32, #tpu.memory_space<hbm>>
      tpu.wait_dma2 semaphore(%run_scoped3A : memref<!tpu.dma_semaphore, #tpu.memory_space<semaphore_mem>>) src(%dma_wait3A_87 : memref<32x128xi32, #tpu.memory_space<hbm>>) dst(%arg7 : memref<32x128xi32, #tpu.memory_space<vmem>>)
      tpu.yield
    }) : () -> ()
    %barrier3A = arith.constant 0 : index
    tpu.barrier barrier_id(%barrier3A)
    %scan3A_21 = arith.constant 0 : i32
    %scan3A_22 = arith.constant 0 : i32
    %scan3A_23 = arith.constant 32 : i32
    %scan3A_24 = arith.addi %scan3A_22, %scan3A_23 : i32
    %scan3A_25 = arith.constant 1 : i32
    scf.for %scan3A_74 = %scan3A_22 to %scan3A_24 step %scan3A_25  : i32 {
      %dma_start3A = arith.constant 0 : i32
      %dma_start3A_75 = tpu.memref_slice %arg6[%scan3A_74, %dma_start3A] : memref<32x128xi32, #tpu.memory_space<vmem>> -> memref<1x128xi32, #tpu.memory_space<vmem>>
      %dma_start3A_76 = tpu.memref_squeeze %dma_start3A_75 : memref<1x128xi32, #tpu.memory_space<vmem>> -> memref<128xi32, #tpu.memory_space<vmem>>
      %dma_start3A_77 = arith.constant 0 : i32
      %dma_start3A_78 = arith.constant 0 : i32
      %dma_start3A_79 = tpu.memref_slice %arg2[%dma_start3A_77, %dma_start3A_78] : memref<32008x128xf32, #tpu.memory_space<hbm>> -> memref<32008x128xf32, #tpu.memory_space<hbm>>
      tpu.enqueue_indirect_dma source(%dma_start3A_79 : memref<32008x128xf32, #tpu.memory_space<hbm>>) target(%arg8 : memref<128x128xf32, #tpu.memory_space<vmem>>) offsets(%dma_start3A_76 : memref<128xi32, #tpu.memory_space<vmem>>) semaphore(%arg12 : memref<!tpu.dma_semaphore, #tpu.memory_space<semaphore_mem>>)
      %dma_wait3A = arith.constant 0 : i32
      %dma_wait3A_80 = tpu.memref_slice %arg6[%scan3A_74, %dma_wait3A] : memref<32x128xi32, #tpu.memory_space<vmem>> -> memref<1x128xi32, #tpu.memory_space<vmem>>
      %dma_wait3A_81 = tpu.memref_squeeze %dma_wait3A_80 : memref<1x128xi32, #tpu.memory_space<vmem>> -> memref<128xi32, #tpu.memory_space<vmem>>
      %dma_wait3A_82 = arith.constant 0 : i32
      %dma_wait3A_83 = arith.constant 0 : i32
      %dma_wait3A_84 = tpu.memref_slice %arg2[%dma_wait3A_82, %dma_wait3A_83] : memref<32008x128xf32, #tpu.memory_space<hbm>> -> memref<32008x128xf32, #tpu.memory_space<hbm>>
      tpu.wait_indirect_dma semaphore(%arg12 : memref<!tpu.dma_semaphore, #tpu.memory_space<semaphore_mem>>) src(%dma_wait3A_84 : memref<32008x128xf32, #tpu.memory_space<hbm>>) dst(%arg8 : memref<128x128xf32, #tpu.memory_space<vmem>>)
      "tpu.region"() ({
        %run_scoped3A = tpu.sem_alloc : memref<!tpu.dma_semaphore, #tpu.memory_space<semaphore_mem>>
        %dma_start3A_85 = arith.constant 0 : i32
        %dma_start3A_86 = tpu.memref_slice %arg7[%scan3A_74, %dma_start3A_85] : memref<32x128xi32, #tpu.memory_space<vmem>> -> memref<1x128xi32, #tpu.memory_space<vmem>>
        %dma_start3A_87 = tpu.memref_squeeze %dma_start3A_86 : memref<1x128xi32, #tpu.memory_space<vmem>> -> memref<128xi32, #tpu.memory_space<vmem>>
        %dma_start3A_88 = arith.constant 0 : i32
        %dma_start3A_89 = arith.constant 0 : i32
        %dma_start3A_90 = tpu.memref_slice %arg11[%dma_start3A_88, %dma_start3A_89] : memref<8192x128xf32, #tpu.memory_space<vmem_shared>> -> memref<8192x128xf32, #tpu.memory_space<vmem_shared>>
        tpu.enqueue_indirect_dma source(%arg8 : memref<128x128xf32, #tpu.memory_space<vmem>>) target(%dma_start3A_90 : memref<8192x128xf32, #tpu.memory_space<vmem_shared>>) offsets(%dma_start3A_87 : memref<128xi32, #tpu.memory_space<vmem>>) semaphore(%run_scoped3A : memref<!tpu.dma_semaphore, #tpu.memory_space<semaphore_mem>>) {add = true}
        %dma_wait3A_91 = arith.constant 0 : i32
        %dma_wait3A_92 = tpu.memref_slice %arg7[%scan3A_74, %dma_wait3A_91] : memref<32x128xi32, #tpu.memory_space<vmem>> -> memref<1x128xi32, #tpu.memory_space<vmem>>
        %dma_wait3A_93 = tpu.memref_squeeze %dma_wait3A_92 : memref<1x128xi32, #tpu.memory_space<vmem>> -> memref<128xi32, #tpu.memory_space<vmem>>
        %dma_wait3A_94 = arith.constant 0 : i32
        %dma_wait3A_95 = arith.constant 0 : i32
        %dma_wait3A_96 = tpu.memref_slice %arg11[%dma_wait3A_94, %dma_wait3A_95] : memref<8192x128xf32, #tpu.memory_space<vmem_shared>> -> memref<8192x128xf32, #tpu.memory_space<vmem_shared>>
        tpu.wait_indirect_dma semaphore(%run_scoped3A : memref<!tpu.dma_semaphore, #tpu.memory_space<semaphore_mem>>) src(%arg8 : memref<128x128xf32, #tpu.memory_space<vmem>>) dst(%dma_wait3A_96 : memref<8192x128xf32, #tpu.memory_space<vmem_shared>>)
        tpu.yield
      }) : () -> ()
    }
    %scan3A_26 = arith.constant 32 : i32
    %barrier3A_27 = arith.constant 0 : index
    tpu.barrier barrier_id(%barrier3A_27)
    %scan3A_28 = arith.constant 0 : i32
    %scan3A_29 = arith.constant 0 : i32
    %scan3A_30 = arith.constant 32 : i32
    %scan3A_31 = arith.addi %scan3A_29, %scan3A_30 : i32
    %scan3A_32 = arith.constant 1 : i32
    scf.for %scan3A_74 = %scan3A_29 to %scan3A_31 step %scan3A_32  : i32 {
      %mul3A_75 = arith.constant 512 : i32
      %mul3A_76 = arith.muli %arg1, %mul3A_75 : i32
      %mul3A_77 = arith.constant 16 : i32
      %mul3A_78 = arith.muli %mul3A_77, %scan3A_74 : i32
      %add3A_79 = arith.addi %mul3A_76, %mul3A_78 : i32
      "tpu.region"() ({
        %run_scoped3A = tpu.sem_alloc : memref<!tpu.dma_semaphore, #tpu.memory_space<semaphore_mem>>
        %dma_start3A = arith.constant 0 : i32
        %dma_start3A_88 = tpu.memref_slice %arg11[%add3A_79, %dma_start3A] : memref<8192x128xf32, #tpu.memory_space<vmem_shared>> -> memref<16x128xf32, #tpu.memory_space<vmem_shared>>
        %dma_start3A_89 = arith.constant 0 : i32
        %dma_start3A_90 = tpu.memref_slice %arg11[%add3A_79, %dma_start3A_89] : memref<8192x128xf32, #tpu.memory_space<vmem_shared>> -> memref<16x128xf32, #tpu.memory_space<vmem_shared>>
        tpu.enqueue_dma source(%dma_start3A_90 : memref<16x128xf32, #tpu.memory_space<vmem_shared>>) target(%arg10 : memref<16x128xf32, #tpu.memory_space<vmem>>) target_semaphore(%run_scoped3A : memref<!tpu.dma_semaphore, #tpu.memory_space<semaphore_mem>>)
        %dma_wait3A = arith.constant 0 : i32
        %dma_wait3A_91 = tpu.memref_slice %arg11[%add3A_79, %dma_wait3A] : memref<8192x128xf32, #tpu.memory_space<vmem_shared>> -> memref<16x128xf32, #tpu.memory_space<vmem_shared>>
        %dma_wait3A_92 = arith.constant 0 : i32
        %dma_wait3A_93 = tpu.memref_slice %arg11[%add3A_79, %dma_wait3A_92] : memref<8192x128xf32, #tpu.memory_space<vmem_shared>> -> memref<16x128xf32, #tpu.memory_space<vmem_shared>>
        tpu.wait_dma2 semaphore(%run_scoped3A : memref<!tpu.dma_semaphore, #tpu.memory_space<semaphore_mem>>) src(%dma_wait3A_93 : memref<16x128xf32, #tpu.memory_space<vmem_shared>>) dst(%arg10 : memref<16x128xf32, #tpu.memory_space<vmem>>)
        tpu.yield
      }) : () -> ()
      %mul3A_80 = arith.constant 8192 : i32
      %mul3A_81 = arith.muli %add3A_1, %mul3A_80 : i32
      %mul3A_82 = arith.constant 512 : i32
      %mul3A_83 = arith.muli %arg1, %mul3A_82 : i32
      %add3A_84 = arith.addi %mul3A_81, %mul3A_83 : i32
      %mul3A_85 = arith.constant 16 : i32
      %mul3A_86 = arith.muli %mul3A_85, %scan3A_74 : i32
      %add3A_87 = arith.addi %add3A_84, %mul3A_86 : i32
      "tpu.region"() ({
        %run_scoped3A = tpu.sem_alloc : memref<!tpu.dma_semaphore, #tpu.memory_space<semaphore_mem>>
        %dma_start3A = arith.constant 0 : i32
        %dma_start3A_88 = tpu.memref_slice %arg5[%add3A_87, %dma_start3A] : memref<32768x128xf32, #tpu.memory_space<hbm>> -> memref<16x128xf32, #tpu.memory_space<hbm>>
        %dma_start3A_89 = arith.constant 0 : i32
        %dma_start3A_90 = tpu.memref_slice %arg5[%add3A_87, %dma_start3A_89] : memref<32768x128xf32, #tpu.memory_space<hbm>> -> memref<16x128xf32, #tpu.memory_space<hbm>>
        tpu.enqueue_dma source(%arg10 : memref<16x128xf32, #tpu.memory_space<vmem>>) target(%dma_start3A_90 : memref<16x128xf32, #tpu.memory_space<hbm>>) target_semaphore(%run_scoped3A : memref<!tpu.dma_semaphore, #tpu.memory_space<semaphore_mem>>)
        %dma_wait3A = arith.constant 0 : i32
        %dma_wait3A_91 = tpu.memref_slice %arg5[%add3A_87, %dma_wait3A] : memref<32768x128xf32, #tpu.memory_space<hbm>> -> memref<16x128xf32, #tpu.memory_space<hbm>>
        %dma_wait3A_92 = arith.constant 0 : i32
        %dma_wait3A_93 = tpu.memref_slice %arg5[%add3A_87, %dma_wait3A_92] : memref<32768x128xf32, #tpu.memory_space<hbm>> -> memref<16x128xf32, #tpu.memory_space<hbm>>
        tpu.wait_dma2 semaphore(%run_scoped3A : memref<!tpu.dma_semaphore, #tpu.memory_space<semaphore_mem>>) src(%arg10 : memref<16x128xf32, #tpu.memory_space<vmem>>) dst(%dma_wait3A_93 : memref<16x128xf32, #tpu.memory_space<hbm>>)
        tpu.yield
      }) : () -> ()
    }
    %scan3A_33 = arith.constant 32 : i32
    %barrier3A_34 = arith.constant 0 : index
    tpu.barrier barrier_id(%barrier3A_34)
    %mul3A_35 = arith.constant 2 : i32
    %mul3A_36 = arith.muli %arg0, %mul3A_35 : i32
    %add3A_37 = arith.constant 1 : i32
    %add3A_38 = arith.addi %mul3A_36, %add3A_37 : i32
    %mul3A_39 = arith.constant 512 : i32
    %mul3A_40 = arith.muli %arg1, %mul3A_39 : i32
    %scan3A_41 = arith.constant 0 : i32
    %scan3A_42 = arith.constant 0 : i32
    %scan3A_43 = arith.constant 16 : i32
    %scan3A_44 = arith.addi %scan3A_42, %scan3A_43 : i32
    %scan3A_45 = arith.constant 1 : i32
    scf.for %scan3A_74 = %scan3A_42 to %scan3A_44 step %scan3A_45  : i32 {
      %broadcast_in_dim3A = arith.constant 0.000000e+00 : f32
      %broadcast_in_dim3A_75 = vector.broadcast %broadcast_in_dim3A : f32 to vector<16xf32>
      %swap3A = arith.index_cast %scan3A_74 : i32 to index
      %swap3A_76 = arith.constant 0 : index
      %swap3A_77 = tpu.vector_load %arg9[%swap3A, %swap3A_76] {strides = array<i32>} : memref<16x128xf32, #tpu.memory_space<vmem>>, vector<1x16xf32>,
      %swap3A_78 = vector.shape_cast %swap3A_77 : vector<1x16xf32> to vector<16xf32>
      %swap3A_79 = vector.shape_cast %broadcast_in_dim3A_75 : vector<16xf32> to vector<1x16xf32>
      tpu.vector_store %arg9[%swap3A, %swap3A_76], %swap3A_79 {strides = array<i32>} : memref<16x128xf32, #tpu.memory_space<vmem>>, vector<1x16xf32>,
      %broadcast_in_dim3A_80 = arith.constant 0.000000e+00 : f32
      %broadcast_in_dim3A_81 = vector.broadcast %broadcast_in_dim3A_80 : f32 to vector<16xf32>
      %swap3A_82 = arith.index_cast %scan3A_74 : i32 to index
      %swap3A_83 = arith.constant 16 : index
      %swap3A_84 = tpu.vector_load %arg9[%swap3A_82, %swap3A_83] {strides = array<i32>} : memref<16x128xf32, #tpu.memory_space<vmem>>, vector<1x16xf32>,
      %swap3A_85 = vector.shape_cast %swap3A_84 : vector<1x16xf32> to vector<16xf32>
      %swap3A_86 = vector.shape_cast %broadcast_in_dim3A_81 : vector<16xf32> to vector<1x16xf32>
      tpu.vector_store %arg9[%swap3A_82, %swap3A_83], %swap3A_86 {strides = array<i32>} : memref<16x128xf32, #tpu.memory_space<vmem>>, vector<1x16xf32>,
      %broadcast_in_dim3A_87 = arith.constant 0.000000e+00 : f32
      %broadcast_in_dim3A_88 = vector.broadcast %broadcast_in_dim3A_87 : f32 to vector<16xf32>
      %swap3A_89 = arith.index_cast %scan3A_74 : i32 to index
      %swap3A_90 = arith.constant 32 : index
      %swap3A_91 = tpu.vector_load %arg9[%swap3A_89, %swap3A_90] {strides = array<i32>} : memref<16x128xf32, #tpu.memory_space<vmem>>, vector<1x16xf32>,
      %swap3A_92 = vector.shape_cast %swap3A_91 : vector<1x16xf32> to vector<16xf32>
      %swap3A_93 = vector.shape_cast %broadcast_in_dim3A_88 : vector<16xf32> to vector<1x16xf32>
      tpu.vector_store %arg9[%swap3A_89, %swap3A_90], %swap3A_93 {strides = array<i32>} : memref<16x128xf32, #tpu.memory_space<vmem>>, vector<1x16xf32>,
      %broadcast_in_dim3A_94 = arith.constant 0.000000e+00 : f32
      %broadcast_in_dim3A_95 = vector.broadcast %broadcast_in_dim3A_94 : f32 to vector<16xf32>
      %swap3A_96 = arith.index_cast %scan3A_74 : i32 to index
      %swap3A_97 = arith.constant 48 : index
      %swap3A_98 = tpu.vector_load %arg9[%swap3A_96, %swap3A_97] {strides = array<i32>} : memref<16x128xf32, #tpu.memory_space<vmem>>, vector<1x16xf32>,
      %swap3A_99 = vector.shape_cast %swap3A_98 : vector<1x16xf32> to vector<16xf32>
      %swap3A_100 = vector.shape_cast %broadcast_in_dim3A_95 : vector<16xf32> to vector<1x16xf32>
      tpu.vector_store %arg9[%swap3A_96, %swap3A_97], %swap3A_100 {strides = array<i32>} : memref<16x128xf32, #tpu.memory_space<vmem>>, vector<1x16xf32>,
      %broadcast_in_dim3A_101 = arith.constant 0.000000e+00 : f32
      %broadcast_in_dim3A_102 = vector.broadcast %broadcast_in_dim3A_101 : f32 to vector<16xf32>
      %swap3A_103 = arith.index_cast %scan3A_74 : i32 to index
      %swap3A_104 = arith.constant 64 : index
      %swap3A_105 = tpu.vector_load %arg9[%swap3A_103, %swap3A_104] {strides = array<i32>} : memref<16x128xf32, #tpu.memory_space<vmem>>, vector<1x16xf32>,
      %swap3A_106 = vector.shape_cast %swap3A_105 : vector<1x16xf32> to vector<16xf32>
      %swap3A_107 = vector.shape_cast %broadcast_in_dim3A_102 : vector<16xf32> to vector<1x16xf32>
      tpu.vector_store %arg9[%swap3A_103, %swap3A_104], %swap3A_107 {strides = array<i32>} : memref<16x128xf32, #tpu.memory_space<vmem>>, vector<1x16xf32>,
      %broadcast_in_dim3A_108 = arith.constant 0.000000e+00 : f32
      %broadcast_in_dim3A_109 = vector.broadcast %broadcast_in_dim3A_108 : f32 to vector<16xf32>
      %swap3A_110 = arith.index_cast %scan3A_74 : i32 to index
      %swap3A_111 = arith.constant 80 : index
      %swap3A_112 = tpu.vector_load %arg9[%swap3A_110, %swap3A_111] {strides = array<i32>} : memref<16x128xf32, #tpu.memory_space<vmem>>, vector<1x16xf32>,
      %swap3A_113 = vector.shape_cast %swap3A_112 : vector<1x16xf32> to vector<16xf32>
      %swap3A_114 = vector.shape_cast %broadcast_in_dim3A_109 : vector<16xf32> to vector<1x16xf32>
      tpu.vector_store %arg9[%swap3A_110, %swap3A_111], %swap3A_114 {strides = array<i32>} : memref<16x128xf32, #tpu.memory_space<vmem>>, vector<1x16xf32>,
      %broadcast_in_dim3A_115 = arith.constant 0.000000e+00 : f32
      %broadcast_in_dim3A_116 = vector.broadcast %broadcast_in_dim3A_115 : f32 to vector<16xf32>
      %swap3A_117 = arith.index_cast %scan3A_74 : i32 to index
      %swap3A_118 = arith.constant 96 : index
      %swap3A_119 = tpu.vector_load %arg9[%swap3A_117, %swap3A_118] {strides = array<i32>} : memref<16x128xf32, #tpu.memory_space<vmem>>, vector<1x16xf32>,
      %swap3A_120 = vector.shape_cast %swap3A_119 : vector<1x16xf32> to vector<16xf32>
      %swap3A_121 = vector.shape_cast %broadcast_in_dim3A_116 : vector<16xf32> to vector<1x16xf32>
      tpu.vector_store %arg9[%swap3A_117, %swap3A_118], %swap3A_121 {strides = array<i32>} : memref<16x128xf32, #tpu.memory_space<vmem>>, vector<1x16xf32>,
      %broadcast_in_dim3A_122 = arith.constant 0.000000e+00 : f32
      %broadcast_in_dim3A_123 = vector.broadcast %broadcast_in_dim3A_122 : f32 to vector<16xf32>
      %swap3A_124 = arith.index_cast %scan3A_74 : i32 to index
      %swap3A_125 = arith.constant 112 : index
      %swap3A_126 = tpu.vector_load %arg9[%swap3A_124, %swap3A_125] {strides = array<i32>} : memref<16x128xf32, #tpu.memory_space<vmem>>, vector<1x16xf32>,
      %swap3A_127 = vector.shape_cast %swap3A_126 : vector<1x16xf32> to vector<16xf32>
      %swap3A_128 = vector.shape_cast %broadcast_in_dim3A_123 : vector<16xf32> to vector<1x16xf32>
      tpu.vector_store %arg9[%swap3A_124, %swap3A_125], %swap3A_128 {strides = array<i32>} : memref<16x128xf32, #tpu.memory_space<vmem>>, vector<1x16xf32>,
    }
    %scan3A_46 = arith.constant 16 : i32
    %scan3A_47 = arith.constant 0 : i32
    %scan3A_48 = arith.constant 0 : i32
    %scan3A_49 = arith.constant 32 : i32
    %scan3A_50 = arith.addi %scan3A_48, %scan3A_49 : i32
    %scan3A_51 = arith.constant 1 : i32
    scf.for %scan3A_74 = %scan3A_48 to %scan3A_50 step %scan3A_51  : i32 {
      %mul3A_75 = arith.constant 16 : i32
      %mul3A_76 = arith.muli %mul3A_75, %scan3A_74 : i32
      %add3A_77 = arith.addi %mul3A_40, %mul3A_76 : i32
      "tpu.region"() ({
        %run_scoped3A = tpu.sem_alloc : memref<!tpu.dma_semaphore, #tpu.memory_space<semaphore_mem>>
        %dma_start3A = arith.constant 0 : i32
        %dma_start3A_78 = tpu.memref_slice %arg11[%add3A_77, %dma_start3A] : memref<8192x128xf32, #tpu.memory_space<vmem_shared>> -> memref<16x128xf32, #tpu.memory_space<vmem_shared>>
        %dma_start3A_79 = arith.constant 0 : i32
        %dma_start3A_80 = tpu.memref_slice %arg11[%add3A_77, %dma_start3A_79] : memref<8192x128xf32, #tpu.memory_space<vmem_shared>> -> memref<16x128xf32, #tpu.memory_space<vmem_shared>>
        tpu.enqueue_dma source(%arg9 : memref<16x128xf32, #tpu.memory_space<vmem>>) target(%dma_start3A_80 : memref<16x128xf32, #tpu.memory_space<vmem_shared>>) target_semaphore(%run_scoped3A : memref<!tpu.dma_semaphore, #tpu.memory_space<semaphore_mem>>)
        %dma_wait3A = arith.constant 0 : i32
        %dma_wait3A_81 = tpu.memref_slice %arg11[%add3A_77, %dma_wait3A] : memref<8192x128xf32, #tpu.memory_space<vmem_shared>> -> memref<16x128xf32, #tpu.memory_space<vmem_shared>>
        %dma_wait3A_82 = arith.constant 0 : i32
        %dma_wait3A_83 = tpu.memref_slice %arg11[%add3A_77, %dma_wait3A_82] : memref<8192x128xf32, #tpu.memory_space<vmem_shared>> -> memref<16x128xf32, #tpu.memory_space<vmem_shared>>
        tpu.wait_dma2 semaphore(%run_scoped3A : memref<!tpu.dma_semaphore, #tpu.memory_space<semaphore_mem>>) src(%arg9 : memref<16x128xf32, #tpu.memory_space<vmem>>) dst(%dma_wait3A_83 : memref<16x128xf32, #tpu.memory_space<vmem_shared>>)
        tpu.yield
      }) : () -> ()
    }
    %scan3A_52 = arith.constant 32 : i32
    %mul3A_53 = arith.constant 16 : i32
    %mul3A_54 = arith.muli %add3A_38, %mul3A_53 : i32
    %add3A_55 = arith.addi %mul3A_54, %arg1 : i32
    "tpu.region"() ({
      %run_scoped3A = tpu.sem_alloc : memref<!tpu.dma_semaphore, #tpu.memory_space<semaphore_mem>>
      %dma_start3A = arith.constant 0 : i32
      %dma_start3A_74 = arith.constant 0 : i32
      %dma_start3A_75 = tpu.memref_slice %arg3[%add3A_55, %dma_start3A, %dma_start3A_74] : memref<64x32x128xi32, #tpu.memory_space<hbm>> -> memref<1x32x128xi32, #tpu.memory_space<hbm>>
      %dma_start3A_76 = tpu.memref_squeeze %dma_start3A_75 : memref<1x32x128xi32, #tpu.memory_space<hbm>> -> memref<32x128xi32, #tpu.memory_space<hbm>>
      %dma_start3A_77 = arith.constant 0 : i32
      %dma_start3A_78 = arith.constant 0 : i32
      %dma_start3A_79 = tpu.memref_slice %arg3[%add3A_55, %dma_start3A_77, %dma_start3A_78] : memref<64x32x128xi32, #tpu.memory_space<hbm>> -> memref<1x32x128xi32, #tpu.memory_space<hbm>>
      %dma_start3A_80 = tpu.memref_squeeze %dma_start3A_79 : memref<1x32x128xi32, #tpu.memory_space<hbm>> -> memref<32x128xi32, #tpu.memory_space<hbm>>
      tpu.enqueue_dma source(%dma_start3A_80 : memref<32x128xi32, #tpu.memory_space<hbm>>) target(%arg6 : memref<32x128xi32, #tpu.memory_space<vmem>>) target_semaphore(%run_scoped3A : memref<!tpu.dma_semaphore, #tpu.memory_space<semaphore_mem>>)
      %dma_wait3A = arith.constant 0 : i32
      %dma_wait3A_81 = arith.constant 0 : i32
      %dma_wait3A_82 = tpu.memref_slice %arg3[%add3A_55, %dma_wait3A, %dma_wait3A_81] : memref<64x32x128xi32, #tpu.memory_space<hbm>> -> memref<1x32x128xi32, #tpu.memory_space<hbm>>
      %dma_wait3A_83 = tpu.memref_squeeze %dma_wait3A_82 : memref<1x32x128xi32, #tpu.memory_space<hbm>> -> memref<32x128xi32, #tpu.memory_space<hbm>>
      %dma_wait3A_84 = arith.constant 0 : i32
      %dma_wait3A_85 = arith.constant 0 : i32
      %dma_wait3A_86 = tpu.memref_slice %arg3[%add3A_55, %dma_wait3A_84, %dma_wait3A_85] : memref<64x32x128xi32, #tpu.memory_space<hbm>> -> memref<1x32x128xi32, #tpu.memory_space<hbm>>
      %dma_wait3A_87 = tpu.memref_squeeze %dma_wait3A_86 : memref<1x32x128xi32, #tpu.memory_space<hbm>> -> memref<32x128xi32, #tpu.memory_space<hbm>>
      tpu.wait_dma2 semaphore(%run_scoped3A : memref<!tpu.dma_semaphore, #tpu.memory_space<semaphore_mem>>) src(%dma_wait3A_87 : memref<32x128xi32, #tpu.memory_space<hbm>>) dst(%arg6 : memref<32x128xi32, #tpu.memory_space<vmem>>)
      tpu.yield
    }) : () -> ()
    %mul3A_56 = arith.constant 16 : i32
    %mul3A_57 = arith.muli %add3A_38, %mul3A_56 : i32
    %add3A_58 = arith.addi %mul3A_57, %arg1 : i32
    "tpu.region"() ({
      %run_scoped3A = tpu.sem_alloc : memref<!tpu.dma_semaphore, #tpu.memory_space<semaphore_mem>>
      %dma_start3A = arith.constant 0 : i32
      %dma_start3A_74 = arith.constant 0 : i32
      %dma_start3A_75 = tpu.memref_slice %arg4[%add3A_58, %dma_start3A, %dma_start3A_74] : memref<64x32x128xi32, #tpu.memory_space<hbm>> -> memref<1x32x128xi32, #tpu.memory_space<hbm>>
      %dma_start3A_76 = tpu.memref_squeeze %dma_start3A_75 : memref<1x32x128xi32, #tpu.memory_space<hbm>> -> memref<32x128xi32, #tpu.memory_space<hbm>>
      %dma_start3A_77 = arith.constant 0 : i32
      %dma_start3A_78 = arith.constant 0 : i32
      %dma_start3A_79 = tpu.memref_slice %arg4[%add3A_58, %dma_start3A_77, %dma_start3A_78] : memref<64x32x128xi32, #tpu.memory_space<hbm>> -> memref<1x32x128xi32, #tpu.memory_space<hbm>>
      %dma_start3A_80 = tpu.memref_squeeze %dma_start3A_79 : memref<1x32x128xi32, #tpu.memory_space<hbm>> -> memref<32x128xi32, #tpu.memory_space<hbm>>
      tpu.enqueue_dma source(%dma_start3A_80 : memref<32x128xi32, #tpu.memory_space<hbm>>) target(%arg7 : memref<32x128xi32, #tpu.memory_space<vmem>>) target_semaphore(%run_scoped3A : memref<!tpu.dma_semaphore, #tpu.memory_space<semaphore_mem>>)
      %dma_wait3A = arith.constant 0 : i32
      %dma_wait3A_81 = arith.constant 0 : i32
      %dma_wait3A_82 = tpu.memref_slice %arg4[%add3A_58, %dma_wait3A, %dma_wait3A_81] : memref<64x32x128xi32, #tpu.memory_space<hbm>> -> memref<1x32x128xi32, #tpu.memory_space<hbm>>
      %dma_wait3A_83 = tpu.memref_squeeze %dma_wait3A_82 : memref<1x32x128xi32, #tpu.memory_space<hbm>> -> memref<32x128xi32, #tpu.memory_space<hbm>>
      %dma_wait3A_84 = arith.constant 0 : i32
      %dma_wait3A_85 = arith.constant 0 : i32
      %dma_wait3A_86 = tpu.memref_slice %arg4[%add3A_58, %dma_wait3A_84, %dma_wait3A_85] : memref<64x32x128xi32, #tpu.memory_space<hbm>> -> memref<1x32x128xi32, #tpu.memory_space<hbm>>
      %dma_wait3A_87 = tpu.memref_squeeze %dma_wait3A_86 : memref<1x32x128xi32, #tpu.memory_space<hbm>> -> memref<32x128xi32, #tpu.memory_space<hbm>>
      tpu.wait_dma2 semaphore(%run_scoped3A : memref<!tpu.dma_semaphore, #tpu.memory_space<semaphore_mem>>) src(%dma_wait3A_87 : memref<32x128xi32, #tpu.memory_space<hbm>>) dst(%arg7 : memref<32x128xi32, #tpu.memory_space<vmem>>)
      tpu.yield
    }) : () -> ()
    %barrier3A_59 = arith.constant 0 : index
    tpu.barrier barrier_id(%barrier3A_59)
    %scan3A_60 = arith.constant 0 : i32
    %scan3A_61 = arith.constant 0 : i32
    %scan3A_62 = arith.constant 32 : i32
    %scan3A_63 = arith.addi %scan3A_61, %scan3A_62 : i32
    %scan3A_64 = arith.constant 1 : i32
    scf.for %scan3A_74 = %scan3A_61 to %scan3A_63 step %scan3A_64  : i32 {
      %dma_start3A = arith.constant 0 : i32
      %dma_start3A_75 = tpu.memref_slice %arg6[%scan3A_74, %dma_start3A] : memref<32x128xi32, #tpu.memory_space<vmem>> -> memref<1x128xi32, #tpu.memory_space<vmem>>
      %dma_start3A_76 = tpu.memref_squeeze %dma_start3A_75 : memref<1x128xi32, #tpu.memory_space<vmem>> -> memref<128xi32, #tpu.memory_space<vmem>>
      %dma_start3A_77 = arith.constant 0 : i32
      %dma_start3A_78 = arith.constant 0 : i32
      %dma_start3A_79 = tpu.memref_slice %arg2[%dma_start3A_77, %dma_start3A_78] : memref<32008x128xf32, #tpu.memory_space<hbm>> -> memref<32008x128xf32, #tpu.memory_space<hbm>>
      tpu.enqueue_indirect_dma source(%dma_start3A_79 : memref<32008x128xf32, #tpu.memory_space<hbm>>) target(%arg8 : memref<128x128xf32, #tpu.memory_space<vmem>>) offsets(%dma_start3A_76 : memref<128xi32, #tpu.memory_space<vmem>>) semaphore(%arg12 : memref<!tpu.dma_semaphore, #tpu.memory_space<semaphore_mem>>)
      %dma_wait3A = arith.constant 0 : i32
      %dma_wait3A_80 = tpu.memref_slice %arg6[%scan3A_74, %dma_wait3A] : memref<32x128xi32, #tpu.memory_space<vmem>> -> memref<1x128xi32, #tpu.memory_space<vmem>>
      %dma_wait3A_81 = tpu.memref_squeeze %dma_wait3A_80 : memref<1x128xi32, #tpu.memory_space<vmem>> -> memref<128xi32, #tpu.memory_space<vmem>>
      %dma_wait3A_82 = arith.constant 0 : i32
      %dma_wait3A_83 = arith.constant 0 : i32
      %dma_wait3A_84 = tpu.memref_slice %arg2[%dma_wait3A_82, %dma_wait3A_83] : memref<32008x128xf32, #tpu.memory_space<hbm>> -> memref<32008x128xf32, #tpu.memory_space<hbm>>
      tpu.wait_indirect_dma semaphore(%arg12 : memref<!tpu.dma_semaphore, #tpu.memory_space<semaphore_mem>>) src(%dma_wait3A_84 : memref<32008x128xf32, #tpu.memory_space<hbm>>) dst(%arg8 : memref<128x128xf32, #tpu.memory_space<vmem>>)
      "tpu.region"() ({
        %run_scoped3A = tpu.sem_alloc : memref<!tpu.dma_semaphore, #tpu.memory_space<semaphore_mem>>
        %dma_start3A_85 = arith.constant 0 : i32
        %dma_start3A_86 = tpu.memref_slice %arg7[%scan3A_74, %dma_start3A_85] : memref<32x128xi32, #tpu.memory_space<vmem>> -> memref<1x128xi32, #tpu.memory_space<vmem>>
        %dma_start3A_87 = tpu.memref_squeeze %dma_start3A_86 : memref<1x128xi32, #tpu.memory_space<vmem>> -> memref<128xi32, #tpu.memory_space<vmem>>
        %dma_start3A_88 = arith.constant 0 : i32
        %dma_start3A_89 = arith.constant 0 : i32
        %dma_start3A_90 = tpu.memref_slice %arg11[%dma_start3A_88, %dma_start3A_89] : memref<8192x128xf32, #tpu.memory_space<vmem_shared>> -> memref<8192x128xf32, #tpu.memory_space<vmem_shared>>
        tpu.enqueue_indirect_dma source(%arg8 : memref<128x128xf32, #tpu.memory_space<vmem>>) target(%dma_start3A_90 : memref<8192x128xf32, #tpu.memory_space<vmem_shared>>) offsets(%dma_start3A_87 : memref<128xi32, #tpu.memory_space<vmem>>) semaphore(%run_scoped3A : memref<!tpu.dma_semaphore, #tpu.memory_space<semaphore_mem>>) {add = true}
        %dma_wait3A_91 = arith.constant 0 : i32
        %dma_wait3A_92 = tpu.memref_slice %arg7[%scan3A_74, %dma_wait3A_91] : memref<32x128xi32, #tpu.memory_space<vmem>> -> memref<1x128xi32, #tpu.memory_space<vmem>>
        %dma_wait3A_93 = tpu.memref_squeeze %dma_wait3A_92 : memref<1x128xi32, #tpu.memory_space<vmem>> -> memref<128xi32, #tpu.memory_space<vmem>>
        %dma_wait3A_94 = arith.constant 0 : i32
        %dma_wait3A_95 = arith.constant 0 : i32
        %dma_wait3A_96 = tpu.memref_slice %arg11[%dma_wait3A_94, %dma_wait3A_95] : memref<8192x128xf32, #tpu.memory_space<vmem_shared>> -> memref<8192x128xf32, #tpu.memory_space<vmem_shared>>
        tpu.wait_indirect_dma semaphore(%run_scoped3A : memref<!tpu.dma_semaphore, #tpu.memory_space<semaphore_mem>>) src(%arg8 : memref<128x128xf32, #tpu.memory_space<vmem>>) dst(%dma_wait3A_96 : memref<8192x128xf32, #tpu.memory_space<vmem_shared>>)
        tpu.yield
      }) : () -> ()
    }
    %scan3A_65 = arith.constant 32 : i32
    %barrier3A_66 = arith.constant 0 : index
    tpu.barrier barrier_id(%barrier3A_66)
    %scan3A_67 = arith.constant 0 : i32
    %scan3A_68 = arith.constant 0 : i32
    %scan3A_69 = arith.constant 32 : i32
    %scan3A_70 = arith.addi %scan3A_68, %scan3A_69 : i32
    %scan3A_71 = arith.constant 1 : i32
    scf.for %scan3A_74 = %scan3A_68 to %scan3A_70 step %scan3A_71  : i32 {
      %mul3A_75 = arith.constant 512 : i32
      %mul3A_76 = arith.muli %arg1, %mul3A_75 : i32
      %mul3A_77 = arith.constant 16 : i32
      %mul3A_78 = arith.muli %mul3A_77, %scan3A_74 : i32
      %add3A_79 = arith.addi %mul3A_76, %mul3A_78 : i32
      "tpu.region"() ({
        %run_scoped3A = tpu.sem_alloc : memref<!tpu.dma_semaphore, #tpu.memory_space<semaphore_mem>>
        %dma_start3A = arith.constant 0 : i32
        %dma_start3A_88 = tpu.memref_slice %arg11[%add3A_79, %dma_start3A] : memref<8192x128xf32, #tpu.memory_space<vmem_shared>> -> memref<16x128xf32, #tpu.memory_space<vmem_shared>>
        %dma_start3A_89 = arith.constant 0 : i32
        %dma_start3A_90 = tpu.memref_slice %arg11[%add3A_79, %dma_start3A_89] : memref<8192x128xf32, #tpu.memory_space<vmem_shared>> -> memref<16x128xf32, #tpu.memory_space<vmem_shared>>
        tpu.enqueue_dma source(%dma_start3A_90 : memref<16x128xf32, #tpu.memory_space<vmem_shared>>) target(%arg10 : memref<16x128xf32, #tpu.memory_space<vmem>>) target_semaphore(%run_scoped3A : memref<!tpu.dma_semaphore, #tpu.memory_space<semaphore_mem>>)
        %dma_wait3A = arith.constant 0 : i32
        %dma_wait3A_91 = tpu.memref_slice %arg11[%add3A_79, %dma_wait3A] : memref<8192x128xf32, #tpu.memory_space<vmem_shared>> -> memref<16x128xf32, #tpu.memory_space<vmem_shared>>
        %dma_wait3A_92 = arith.constant 0 : i32
        %dma_wait3A_93 = tpu.memref_slice %arg11[%add3A_79, %dma_wait3A_92] : memref<8192x128xf32, #tpu.memory_space<vmem_shared>> -> memref<16x128xf32, #tpu.memory_space<vmem_shared>>
        tpu.wait_dma2 semaphore(%run_scoped3A : memref<!tpu.dma_semaphore, #tpu.memory_space<semaphore_mem>>) src(%dma_wait3A_93 : memref<16x128xf32, #tpu.memory_space<vmem_shared>>) dst(%arg10 : memref<16x128xf32, #tpu.memory_space<vmem>>)
        tpu.yield
      }) : () -> ()
      %mul3A_80 = arith.constant 8192 : i32
      %mul3A_81 = arith.muli %add3A_38, %mul3A_80 : i32
      %mul3A_82 = arith.constant 512 : i32
      %mul3A_83 = arith.muli %arg1, %mul3A_82 : i32
      %add3A_84 = arith.addi %mul3A_81, %mul3A_83 : i32
      %mul3A_85 = arith.constant 16 : i32
      %mul3A_86 = arith.muli %mul3A_85, %scan3A_74 : i32
      %add3A_87 = arith.addi %add3A_84, %mul3A_86 : i32
      "tpu.region"() ({
        %run_scoped3A = tpu.sem_alloc : memref<!tpu.dma_semaphore, #tpu.memory_space<semaphore_mem>>
        %dma_start3A = arith.constant 0 : i32
        %dma_start3A_88 = tpu.memref_slice %arg5[%add3A_87, %dma_start3A] : memref<32768x128xf32, #tpu.memory_space<hbm>> -> memref<16x128xf32, #tpu.memory_space<hbm>>
        %dma_start3A_89 = arith.constant 0 : i32
        %dma_start3A_90 = tpu.memref_slice %arg5[%add3A_87, %dma_start3A_89] : memref<32768x128xf32, #tpu.memory_space<hbm>> -> memref<16x128xf32, #tpu.memory_space<hbm>>
        tpu.enqueue_dma source(%arg10 : memref<16x128xf32, #tpu.memory_space<vmem>>) target(%dma_start3A_90 : memref<16x128xf32, #tpu.memory_space<hbm>>) target_semaphore(%run_scoped3A : memref<!tpu.dma_semaphore, #tpu.memory_space<semaphore_mem>>)
        %dma_wait3A = arith.constant 0 : i32
        %dma_wait3A_91 = tpu.memref_slice %arg5[%add3A_87, %dma_wait3A] : memref<32768x128xf32, #tpu.memory_space<hbm>> -> memref<16x128xf32, #tpu.memory_space<hbm>>
        %dma_wait3A_92 = arith.constant 0 : i32
        %dma_wait3A_93 = tpu.memref_slice %arg5[%add3A_87, %dma_wait3A_92] : memref<32768x128xf32, #tpu.memory_space<hbm>> -> memref<16x128xf32, #tpu.memory_space<hbm>>
        tpu.wait_dma2 semaphore(%run_scoped3A : memref<!tpu.dma_semaphore, #tpu.memory_space<semaphore_mem>>) src(%arg10 : memref<16x128xf32, #tpu.memory_space<vmem>>) dst(%dma_wait3A_93 : memref<16x128xf32, #tpu.memory_space<hbm>>)
        tpu.yield
      }) : () -> ()
    }
    %scan3A_72 = arith.constant 32 : i32
    %barrier3A_73 = arith.constant 0 : index
    tpu.barrier barrier_id(%barrier3A_73)
    return
  }
}

#map = affine_map<(d0, d1) -> (0, 0, 0)>
#map1 = affine_map<(d0, d1) -> (0)>
module attributes {stable_mosaic.version = 14 : i64} {
  func.func @k(%arg0: i32, %arg1: i32, %arg2: memref<32x141x128xf32, #tpu.memory_space<hbm>>, %arg3: memref<32x141x128xi32, #tpu.memory_space<hbm>>, %arg4: memref<131072xf32, #tpu.memory_space<hbm>>, %arg5: memref<141x128xf32, #tpu.memory_space<vmem>>, %arg6: memref<141x128xi32, #tpu.memory_space<vmem>>, %arg7: memref<2048xf32, #tpu.memory_space<vmem>>, %arg8: memref<2048xf32, #tpu.memory_space<vmem>>, %arg9: memref<65536xf32, #tpu.memory_space<vmem_shared>>, %arg10: memref<!tpu.dma_semaphore, #tpu.memory_space<semaphore_mem>>) attributes {dimension_semantics = [#tpu.dimension_semantics<core_parallel>, #tpu.dimension_semantics<subcore_parallel>], iteration_bounds = array<i64: 2, 16>, scalar_prefetch = 0 : i64, scratch_operands = 6 : i64, tpu.core_type = #tpu.core_type<sc_vector_subcore>, window_params = [{transform_indices = #map}, {transform_indices = #map}, {transform_indices = #map1}]} {
    %mul3A = arith.constant 16 : i32
    %mul3A_0 = arith.muli %arg0, %mul3A : i32
    %add3A = arith.addi %mul3A_0, %arg1 : i32
    %scan3A = arith.constant 0 : i32
    %scan3A_1 = arith.constant 0 : i32
    %scan3A_2 = arith.constant 128 : i32
    %scan3A_3 = arith.addi %scan3A_1, %scan3A_2 : i32
    %scan3A_4 = arith.constant 1 : i32
    scf.for %scan3A_25 = %scan3A_1 to %scan3A_3 step %scan3A_4  : i32 {
      %broadcast_in_dim3A = arith.constant 0.000000e+00 : f32
      %broadcast_in_dim3A_26 = vector.broadcast %broadcast_in_dim3A : f32 to vector<16xf32>
      %mul3A_27 = arith.constant 16 : i32
      %mul3A_28 = arith.muli %mul3A_27, %scan3A_25 : i32
      %swap3A = arith.index_cast %mul3A_28 : i32 to index
      %swap3A_29 = tpu.vector_load %arg7[%swap3A] {strides = array<i32>} : memref<2048xf32, #tpu.memory_space<vmem>>, vector<16xf32>,
      %swap3A_30 = vector.shape_cast %swap3A_29 : vector<16xf32> to vector<16xf32>
      %swap3A_31 = vector.shape_cast %broadcast_in_dim3A_26 : vector<16xf32> to vector<16xf32>
      tpu.vector_store %arg7[%swap3A], %swap3A_31 {strides = array<i32>} : memref<2048xf32, #tpu.memory_space<vmem>>, vector<16xf32>,
    }
    %scan3A_5 = arith.constant 128 : i32
    %scan3A_6 = arith.constant 0 : i32
    %scan3A_7 = arith.constant 0 : i32
    %scan3A_8 = arith.constant 2 : i32
    %scan3A_9 = arith.addi %scan3A_7, %scan3A_8 : i32
    %scan3A_10 = arith.constant 1 : i32
    scf.for %scan3A_25 = %scan3A_7 to %scan3A_9 step %scan3A_10  : i32 {
      %mul3A_26 = arith.constant 4096 : i32
      %mul3A_27 = arith.muli %arg1, %mul3A_26 : i32
      %mul3A_28 = arith.constant 2048 : i32
      %mul3A_29 = arith.muli %mul3A_28, %scan3A_25 : i32
      %add3A_30 = arith.addi %mul3A_27, %mul3A_29 : i32
      "tpu.region"() ({
        %run_scoped3A = tpu.sem_alloc : memref<!tpu.dma_semaphore, #tpu.memory_space<semaphore_mem>>
        %dma_start3A = tpu.memref_slice %arg9[%add3A_30] : memref<65536xf32, #tpu.memory_space<vmem_shared>> -> memref<2048xf32, #tpu.memory_space<vmem_shared>>
        %dma_start3A_31 = tpu.memref_slice %arg9[%add3A_30] : memref<65536xf32, #tpu.memory_space<vmem_shared>> -> memref<2048xf32, #tpu.memory_space<vmem_shared>>
        tpu.enqueue_dma source(%arg7 : memref<2048xf32, #tpu.memory_space<vmem>>) target(%dma_start3A_31 : memref<2048xf32, #tpu.memory_space<vmem_shared>>) target_semaphore(%run_scoped3A : memref<!tpu.dma_semaphore, #tpu.memory_space<semaphore_mem>>)
        %dma_wait3A = tpu.memref_slice %arg9[%add3A_30] : memref<65536xf32, #tpu.memory_space<vmem_shared>> -> memref<2048xf32, #tpu.memory_space<vmem_shared>>
        %dma_wait3A_32 = tpu.memref_slice %arg9[%add3A_30] : memref<65536xf32, #tpu.memory_space<vmem_shared>> -> memref<2048xf32, #tpu.memory_space<vmem_shared>>
        tpu.wait_dma2 semaphore(%run_scoped3A : memref<!tpu.dma_semaphore, #tpu.memory_space<semaphore_mem>>) src(%arg7 : memref<2048xf32, #tpu.memory_space<vmem>>) dst(%dma_wait3A_32 : memref<2048xf32, #tpu.memory_space<vmem_shared>>)
        tpu.yield
      }) : () -> ()
    }
    %scan3A_11 = arith.constant 2 : i32
    "tpu.region"() ({
      %run_scoped3A = tpu.sem_alloc : memref<!tpu.dma_semaphore, #tpu.memory_space<semaphore_mem>>
      %dma_start3A = arith.constant 0 : i32
      %dma_start3A_25 = arith.constant 0 : i32
      %dma_start3A_26 = tpu.memref_slice %arg2[%add3A, %dma_start3A, %dma_start3A_25] : memref<32x141x128xf32, #tpu.memory_space<hbm>> -> memref<1x141x128xf32, #tpu.memory_space<hbm>>
      %dma_start3A_27 = tpu.memref_squeeze %dma_start3A_26 : memref<1x141x128xf32, #tpu.memory_space<hbm>> -> memref<141x128xf32, #tpu.memory_space<hbm>>
      %dma_start3A_28 = arith.constant 0 : i32
      %dma_start3A_29 = arith.constant 0 : i32
      %dma_start3A_30 = tpu.memref_slice %arg2[%add3A, %dma_start3A_28, %dma_start3A_29] : memref<32x141x128xf32, #tpu.memory_space<hbm>> -> memref<1x141x128xf32, #tpu.memory_space<hbm>>
      %dma_start3A_31 = tpu.memref_squeeze %dma_start3A_30 : memref<1x141x128xf32, #tpu.memory_space<hbm>> -> memref<141x128xf32, #tpu.memory_space<hbm>>
      tpu.enqueue_dma source(%dma_start3A_31 : memref<141x128xf32, #tpu.memory_space<hbm>>) target(%arg5 : memref<141x128xf32, #tpu.memory_space<vmem>>) target_semaphore(%run_scoped3A : memref<!tpu.dma_semaphore, #tpu.memory_space<semaphore_mem>>)
      %dma_wait3A = arith.constant 0 : i32
      %dma_wait3A_32 = arith.constant 0 : i32
      %dma_wait3A_33 = tpu.memref_slice %arg2[%add3A, %dma_wait3A, %dma_wait3A_32] : memref<32x141x128xf32, #tpu.memory_space<hbm>> -> memref<1x141x128xf32, #tpu.memory_space<hbm>>
      %dma_wait3A_34 = tpu.memref_squeeze %dma_wait3A_33 : memref<1x141x128xf32, #tpu.memory_space<hbm>> -> memref<141x128xf32, #tpu.memory_space<hbm>>
      %dma_wait3A_35 = arith.constant 0 : i32
      %dma_wait3A_36 = arith.constant 0 : i32
      %dma_wait3A_37 = tpu.memref_slice %arg2[%add3A, %dma_wait3A_35, %dma_wait3A_36] : memref<32x141x128xf32, #tpu.memory_space<hbm>> -> memref<1x141x128xf32, #tpu.memory_space<hbm>>
      %dma_wait3A_38 = tpu.memref_squeeze %dma_wait3A_37 : memref<1x141x128xf32, #tpu.memory_space<hbm>> -> memref<141x128xf32, #tpu.memory_space<hbm>>
      tpu.wait_dma2 semaphore(%run_scoped3A : memref<!tpu.dma_semaphore, #tpu.memory_space<semaphore_mem>>) src(%dma_wait3A_38 : memref<141x128xf32, #tpu.memory_space<hbm>>) dst(%arg5 : memref<141x128xf32, #tpu.memory_space<vmem>>)
      tpu.yield
    }) : () -> ()
    "tpu.region"() ({
      %run_scoped3A = tpu.sem_alloc : memref<!tpu.dma_semaphore, #tpu.memory_space<semaphore_mem>>
      %dma_start3A = arith.constant 0 : i32
      %dma_start3A_25 = arith.constant 0 : i32
      %dma_start3A_26 = tpu.memref_slice %arg3[%add3A, %dma_start3A, %dma_start3A_25] : memref<32x141x128xi32, #tpu.memory_space<hbm>> -> memref<1x141x128xi32, #tpu.memory_space<hbm>>
      %dma_start3A_27 = tpu.memref_squeeze %dma_start3A_26 : memref<1x141x128xi32, #tpu.memory_space<hbm>> -> memref<141x128xi32, #tpu.memory_space<hbm>>
      %dma_start3A_28 = arith.constant 0 : i32
      %dma_start3A_29 = arith.constant 0 : i32
      %dma_start3A_30 = tpu.memref_slice %arg3[%add3A, %dma_start3A_28, %dma_start3A_29] : memref<32x141x128xi32, #tpu.memory_space<hbm>> -> memref<1x141x128xi32, #tpu.memory_space<hbm>>
      %dma_start3A_31 = tpu.memref_squeeze %dma_start3A_30 : memref<1x141x128xi32, #tpu.memory_space<hbm>> -> memref<141x128xi32, #tpu.memory_space<hbm>>
      tpu.enqueue_dma source(%dma_start3A_31 : memref<141x128xi32, #tpu.memory_space<hbm>>) target(%arg6 : memref<141x128xi32, #tpu.memory_space<vmem>>) target_semaphore(%run_scoped3A : memref<!tpu.dma_semaphore, #tpu.memory_space<semaphore_mem>>)
      %dma_wait3A = arith.constant 0 : i32
      %dma_wait3A_32 = arith.constant 0 : i32
      %dma_wait3A_33 = tpu.memref_slice %arg3[%add3A, %dma_wait3A, %dma_wait3A_32] : memref<32x141x128xi32, #tpu.memory_space<hbm>> -> memref<1x141x128xi32, #tpu.memory_space<hbm>>
      %dma_wait3A_34 = tpu.memref_squeeze %dma_wait3A_33 : memref<1x141x128xi32, #tpu.memory_space<hbm>> -> memref<141x128xi32, #tpu.memory_space<hbm>>
      %dma_wait3A_35 = arith.constant 0 : i32
      %dma_wait3A_36 = arith.constant 0 : i32
      %dma_wait3A_37 = tpu.memref_slice %arg3[%add3A, %dma_wait3A_35, %dma_wait3A_36] : memref<32x141x128xi32, #tpu.memory_space<hbm>> -> memref<1x141x128xi32, #tpu.memory_space<hbm>>
      %dma_wait3A_38 = tpu.memref_squeeze %dma_wait3A_37 : memref<1x141x128xi32, #tpu.memory_space<hbm>> -> memref<141x128xi32, #tpu.memory_space<hbm>>
      tpu.wait_dma2 semaphore(%run_scoped3A : memref<!tpu.dma_semaphore, #tpu.memory_space<semaphore_mem>>) src(%dma_wait3A_38 : memref<141x128xi32, #tpu.memory_space<hbm>>) dst(%arg6 : memref<141x128xi32, #tpu.memory_space<vmem>>)
      tpu.yield
    }) : () -> ()
    %barrier3A = arith.constant 0 : index
    tpu.barrier barrier_id(%barrier3A)
    %scan3A_12 = arith.constant 0 : i32
    %scan3A_13 = arith.constant 0 : i32
    %scan3A_14 = arith.constant 141 : i32
    %scan3A_15 = arith.addi %scan3A_13, %scan3A_14 : i32
    %scan3A_16 = arith.constant 1 : i32
    scf.for %scan3A_25 = %scan3A_13 to %scan3A_15 step %scan3A_16  : i32 {
      "tpu.region"() ({
        %run_scoped3A = tpu.sem_alloc : memref<!tpu.dma_semaphore, #tpu.memory_space<semaphore_mem>>
        %dma_start3A = arith.constant 0 : i32
        %dma_start3A_26 = tpu.memref_slice %arg5[%scan3A_25, %dma_start3A] : memref<141x128xf32, #tpu.memory_space<vmem>> -> memref<1x128xf32, #tpu.memory_space<vmem>>
        %dma_start3A_27 = tpu.memref_squeeze %dma_start3A_26 : memref<1x128xf32, #tpu.memory_space<vmem>> -> memref<128xf32, #tpu.memory_space<vmem>>
        %dma_start3A_28 = arith.constant 0 : i32
        %dma_start3A_29 = tpu.memref_slice %arg6[%scan3A_25, %dma_start3A_28] : memref<141x128xi32, #tpu.memory_space<vmem>> -> memref<1x128xi32, #tpu.memory_space<vmem>>
        %dma_start3A_30 = tpu.memref_squeeze %dma_start3A_29 : memref<1x128xi32, #tpu.memory_space<vmem>> -> memref<128xi32, #tpu.memory_space<vmem>>
        %dma_start3A_31 = arith.constant 0 : i32
        %dma_start3A_32 = tpu.memref_slice %arg9[%dma_start3A_31] : memref<65536xf32, #tpu.memory_space<vmem_shared>> -> memref<65536xf32, #tpu.memory_space<vmem_shared>>
        tpu.enqueue_indirect_dma source(%dma_start3A_27 : memref<128xf32, #tpu.memory_space<vmem>>) target(%dma_start3A_32 : memref<65536xf32, #tpu.memory_space<vmem_shared>>) offsets(%dma_start3A_30 : memref<128xi32, #tpu.memory_space<vmem>>) semaphore(%run_scoped3A : memref<!tpu.dma_semaphore, #tpu.memory_space<semaphore_mem>>) {add = true}
        %dma_wait3A = arith.constant 0 : i32
        %dma_wait3A_33 = tpu.memref_slice %arg5[%scan3A_25, %dma_wait3A] : memref<141x128xf32, #tpu.memory_space<vmem>> -> memref<1x128xf32, #tpu.memory_space<vmem>>
        %dma_wait3A_34 = tpu.memref_squeeze %dma_wait3A_33 : memref<1x128xf32, #tpu.memory_space<vmem>> -> memref<128xf32, #tpu.memory_space<vmem>>
        %dma_wait3A_35 = arith.constant 0 : i32
        %dma_wait3A_36 = tpu.memref_slice %arg6[%scan3A_25, %dma_wait3A_35] : memref<141x128xi32, #tpu.memory_space<vmem>> -> memref<1x128xi32, #tpu.memory_space<vmem>>
        %dma_wait3A_37 = tpu.memref_squeeze %dma_wait3A_36 : memref<1x128xi32, #tpu.memory_space<vmem>> -> memref<128xi32, #tpu.memory_space<vmem>>
        %dma_wait3A_38 = arith.constant 0 : i32
        %dma_wait3A_39 = tpu.memref_slice %arg9[%dma_wait3A_38] : memref<65536xf32, #tpu.memory_space<vmem_shared>> -> memref<65536xf32, #tpu.memory_space<vmem_shared>>
        tpu.wait_indirect_dma semaphore(%run_scoped3A : memref<!tpu.dma_semaphore, #tpu.memory_space<semaphore_mem>>) src(%dma_wait3A_34 : memref<128xf32, #tpu.memory_space<vmem>>) dst(%dma_wait3A_39 : memref<65536xf32, #tpu.memory_space<vmem_shared>>)
        tpu.yield
      }) : () -> ()
    }
    %scan3A_17 = arith.constant 141 : i32
    %barrier3A_18 = arith.constant 0 : index
    tpu.barrier barrier_id(%barrier3A_18)
    %scan3A_19 = arith.constant 0 : i32
    %scan3A_20 = arith.constant 0 : i32
    %scan3A_21 = arith.constant 2 : i32
    %scan3A_22 = arith.addi %scan3A_20, %scan3A_21 : i32
    %scan3A_23 = arith.constant 1 : i32
    scf.for %scan3A_25 = %scan3A_20 to %scan3A_22 step %scan3A_23  : i32 {
      %mul3A_26 = arith.constant 4096 : i32
      %mul3A_27 = arith.muli %arg1, %mul3A_26 : i32
      %mul3A_28 = arith.constant 2048 : i32
      %mul3A_29 = arith.muli %mul3A_28, %scan3A_25 : i32
      %add3A_30 = arith.addi %mul3A_27, %mul3A_29 : i32
      "tpu.region"() ({
        %run_scoped3A = tpu.sem_alloc : memref<!tpu.dma_semaphore, #tpu.memory_space<semaphore_mem>>
        %dma_start3A = tpu.memref_slice %arg9[%add3A_30] : memref<65536xf32, #tpu.memory_space<vmem_shared>> -> memref<2048xf32, #tpu.memory_space<vmem_shared>>
        %dma_start3A_39 = tpu.memref_slice %arg9[%add3A_30] : memref<65536xf32, #tpu.memory_space<vmem_shared>> -> memref<2048xf32, #tpu.memory_space<vmem_shared>>
        tpu.enqueue_dma source(%dma_start3A_39 : memref<2048xf32, #tpu.memory_space<vmem_shared>>) target(%arg8 : memref<2048xf32, #tpu.memory_space<vmem>>) target_semaphore(%run_scoped3A : memref<!tpu.dma_semaphore, #tpu.memory_space<semaphore_mem>>)
        %dma_wait3A = tpu.memref_slice %arg9[%add3A_30] : memref<65536xf32, #tpu.memory_space<vmem_shared>> -> memref<2048xf32, #tpu.memory_space<vmem_shared>>
        %dma_wait3A_40 = tpu.memref_slice %arg9[%add3A_30] : memref<65536xf32, #tpu.memory_space<vmem_shared>> -> memref<2048xf32, #tpu.memory_space<vmem_shared>>
        tpu.wait_dma2 semaphore(%run_scoped3A : memref<!tpu.dma_semaphore, #tpu.memory_space<semaphore_mem>>) src(%dma_wait3A_40 : memref<2048xf32, #tpu.memory_space<vmem_shared>>) dst(%arg8 : memref<2048xf32, #tpu.memory_space<vmem>>)
        tpu.yield
      }) : () -> ()
      %mul3A_31 = arith.constant 65536 : i32
      %mul3A_32 = arith.muli %arg0, %mul3A_31 : i32
      %mul3A_33 = arith.constant 4096 : i32
      %mul3A_34 = arith.muli %arg1, %mul3A_33 : i32
      %add3A_35 = arith.addi %mul3A_32, %mul3A_34 : i32
      %mul3A_36 = arith.constant 2048 : i32
      %mul3A_37 = arith.muli %mul3A_36, %scan3A_25 : i32
      %add3A_38 = arith.addi %add3A_35, %mul3A_37 : i32
      "tpu.region"() ({
        %run_scoped3A = tpu.sem_alloc : memref<!tpu.dma_semaphore, #tpu.memory_space<semaphore_mem>>
        %dma_start3A = tpu.memref_slice %arg4[%add3A_38] : memref<131072xf32, #tpu.memory_space<hbm>> -> memref<2048xf32, #tpu.memory_space<hbm>>
        %dma_start3A_39 = tpu.memref_slice %arg4[%add3A_38] : memref<131072xf32, #tpu.memory_space<hbm>> -> memref<2048xf32, #tpu.memory_space<hbm>>
        tpu.enqueue_dma source(%arg8 : memref<2048xf32, #tpu.memory_space<vmem>>) target(%dma_start3A_39 : memref<2048xf32, #tpu.memory_space<hbm>>) target_semaphore(%run_scoped3A : memref<!tpu.dma_semaphore, #tpu.memory_space<semaphore_mem>>)
        %dma_wait3A = tpu.memref_slice %arg4[%add3A_38] : memref<131072xf32, #tpu.memory_space<hbm>> -> memref<2048xf32, #tpu.memory_space<hbm>>
        %dma_wait3A_40 = tpu.memref_slice %arg4[%add3A_38] : memref<131072xf32, #tpu.memory_space<hbm>> -> memref<2048xf32, #tpu.memory_space<hbm>>
        tpu.wait_dma2 semaphore(%run_scoped3A : memref<!tpu.dma_semaphore, #tpu.memory_space<semaphore_mem>>) src(%arg8 : memref<2048xf32, #tpu.memory_space<vmem>>) dst(%dma_wait3A_40 : memref<2048xf32, #tpu.memory_space<hbm>>)
        tpu.yield
      }) : () -> ()
    }
    %scan3A_24 = arith.constant 2 : i32
    return
  }
}

#map = affine_map<(d0, d1) -> (0, 0, 0)>
#map1 = affine_map<(d0, d1) -> (0)>
module attributes {stable_mosaic.version = 14 : i64} {
  func.func @k(%arg0: i32, %arg1: i32, %arg2: memref<32x71x128xf32, #tpu.memory_space<hbm>>, %arg3: memref<32x71x128xi32, #tpu.memory_space<hbm>>, %arg4: memref<393216xf32, #tpu.memory_space<hbm>>, %arg5: memref<71x128xf32, #tpu.memory_space<vmem>>, %arg6: memref<71x128xi32, #tpu.memory_space<vmem>>, %arg7: memref<2048xf32, #tpu.memory_space<vmem>>, %arg8: memref<2048xf32, #tpu.memory_space<vmem>>, %arg9: memref<196608xf32, #tpu.memory_space<vmem_shared>>, %arg10: memref<!tpu.dma_semaphore, #tpu.memory_space<semaphore_mem>>) attributes {dimension_semantics = [#tpu.dimension_semantics<core_parallel>, #tpu.dimension_semantics<subcore_parallel>], iteration_bounds = array<i64: 2, 16>, scalar_prefetch = 0 : i64, scratch_operands = 6 : i64, tpu.core_type = #tpu.core_type<sc_vector_subcore>, window_params = [{transform_indices = #map}, {transform_indices = #map}, {transform_indices = #map1}]} {
    %mul3A = arith.constant 16 : i32
    %mul3A_0 = arith.muli %arg0, %mul3A : i32
    %add3A = arith.addi %mul3A_0, %arg1 : i32
    %scan3A = arith.constant 0 : i32
    %scan3A_1 = arith.constant 0 : i32
    %scan3A_2 = arith.constant 128 : i32
    %scan3A_3 = arith.addi %scan3A_1, %scan3A_2 : i32
    %scan3A_4 = arith.constant 1 : i32
    scf.for %scan3A_25 = %scan3A_1 to %scan3A_3 step %scan3A_4  : i32 {
      %broadcast_in_dim3A = arith.constant 0.000000e+00 : f32
      %broadcast_in_dim3A_26 = vector.broadcast %broadcast_in_dim3A : f32 to vector<16xf32>
      %mul3A_27 = arith.constant 16 : i32
      %mul3A_28 = arith.muli %mul3A_27, %scan3A_25 : i32
      %swap3A = arith.index_cast %mul3A_28 : i32 to index
      %swap3A_29 = tpu.vector_load %arg7[%swap3A] {strides = array<i32>} : memref<2048xf32, #tpu.memory_space<vmem>>, vector<16xf32>,
      %swap3A_30 = vector.shape_cast %swap3A_29 : vector<16xf32> to vector<16xf32>
      %swap3A_31 = vector.shape_cast %broadcast_in_dim3A_26 : vector<16xf32> to vector<16xf32>
      tpu.vector_store %arg7[%swap3A], %swap3A_31 {strides = array<i32>} : memref<2048xf32, #tpu.memory_space<vmem>>, vector<16xf32>,
    }
    %scan3A_5 = arith.constant 128 : i32
    %scan3A_6 = arith.constant 0 : i32
    %scan3A_7 = arith.constant 0 : i32
    %scan3A_8 = arith.constant 6 : i32
    %scan3A_9 = arith.addi %scan3A_7, %scan3A_8 : i32
    %scan3A_10 = arith.constant 1 : i32
    scf.for %scan3A_25 = %scan3A_7 to %scan3A_9 step %scan3A_10  : i32 {
      %mul3A_26 = arith.constant 12288 : i32
      %mul3A_27 = arith.muli %arg1, %mul3A_26 : i32
      %mul3A_28 = arith.constant 2048 : i32
      %mul3A_29 = arith.muli %mul3A_28, %scan3A_25 : i32
      %add3A_30 = arith.addi %mul3A_27, %mul3A_29 : i32
      "tpu.region"() ({
        %run_scoped3A = tpu.sem_alloc : memref<!tpu.dma_semaphore, #tpu.memory_space<semaphore_mem>>
        %dma_start3A = tpu.memref_slice %arg9[%add3A_30] : memref<196608xf32, #tpu.memory_space<vmem_shared>> -> memref<2048xf32, #tpu.memory_space<vmem_shared>>
        %dma_start3A_31 = tpu.memref_slice %arg9[%add3A_30] : memref<196608xf32, #tpu.memory_space<vmem_shared>> -> memref<2048xf32, #tpu.memory_space<vmem_shared>>
        tpu.enqueue_dma source(%arg7 : memref<2048xf32, #tpu.memory_space<vmem>>) target(%dma_start3A_31 : memref<2048xf32, #tpu.memory_space<vmem_shared>>) target_semaphore(%run_scoped3A : memref<!tpu.dma_semaphore, #tpu.memory_space<semaphore_mem>>)
        %dma_wait3A = tpu.memref_slice %arg9[%add3A_30] : memref<196608xf32, #tpu.memory_space<vmem_shared>> -> memref<2048xf32, #tpu.memory_space<vmem_shared>>
        %dma_wait3A_32 = tpu.memref_slice %arg9[%add3A_30] : memref<196608xf32, #tpu.memory_space<vmem_shared>> -> memref<2048xf32, #tpu.memory_space<vmem_shared>>
        tpu.wait_dma2 semaphore(%run_scoped3A : memref<!tpu.dma_semaphore, #tpu.memory_space<semaphore_mem>>) src(%arg7 : memref<2048xf32, #tpu.memory_space<vmem>>) dst(%dma_wait3A_32 : memref<2048xf32, #tpu.memory_space<vmem_shared>>)
        tpu.yield
      }) : () -> ()
    }
    %scan3A_11 = arith.constant 6 : i32
    "tpu.region"() ({
      %run_scoped3A = tpu.sem_alloc : memref<!tpu.dma_semaphore, #tpu.memory_space<semaphore_mem>>
      %dma_start3A = arith.constant 0 : i32
      %dma_start3A_25 = arith.constant 0 : i32
      %dma_start3A_26 = tpu.memref_slice %arg2[%add3A, %dma_start3A, %dma_start3A_25] : memref<32x71x128xf32, #tpu.memory_space<hbm>> -> memref<1x71x128xf32, #tpu.memory_space<hbm>>
      %dma_start3A_27 = tpu.memref_squeeze %dma_start3A_26 : memref<1x71x128xf32, #tpu.memory_space<hbm>> -> memref<71x128xf32, #tpu.memory_space<hbm>>
      %dma_start3A_28 = arith.constant 0 : i32
      %dma_start3A_29 = arith.constant 0 : i32
      %dma_start3A_30 = tpu.memref_slice %arg2[%add3A, %dma_start3A_28, %dma_start3A_29] : memref<32x71x128xf32, #tpu.memory_space<hbm>> -> memref<1x71x128xf32, #tpu.memory_space<hbm>>
      %dma_start3A_31 = tpu.memref_squeeze %dma_start3A_30 : memref<1x71x128xf32, #tpu.memory_space<hbm>> -> memref<71x128xf32, #tpu.memory_space<hbm>>
      tpu.enqueue_dma source(%dma_start3A_31 : memref<71x128xf32, #tpu.memory_space<hbm>>) target(%arg5 : memref<71x128xf32, #tpu.memory_space<vmem>>) target_semaphore(%run_scoped3A : memref<!tpu.dma_semaphore, #tpu.memory_space<semaphore_mem>>)
      %dma_wait3A = arith.constant 0 : i32
      %dma_wait3A_32 = arith.constant 0 : i32
      %dma_wait3A_33 = tpu.memref_slice %arg2[%add3A, %dma_wait3A, %dma_wait3A_32] : memref<32x71x128xf32, #tpu.memory_space<hbm>> -> memref<1x71x128xf32, #tpu.memory_space<hbm>>
      %dma_wait3A_34 = tpu.memref_squeeze %dma_wait3A_33 : memref<1x71x128xf32, #tpu.memory_space<hbm>> -> memref<71x128xf32, #tpu.memory_space<hbm>>
      %dma_wait3A_35 = arith.constant 0 : i32
      %dma_wait3A_36 = arith.constant 0 : i32
      %dma_wait3A_37 = tpu.memref_slice %arg2[%add3A, %dma_wait3A_35, %dma_wait3A_36] : memref<32x71x128xf32, #tpu.memory_space<hbm>> -> memref<1x71x128xf32, #tpu.memory_space<hbm>>
      %dma_wait3A_38 = tpu.memref_squeeze %dma_wait3A_37 : memref<1x71x128xf32, #tpu.memory_space<hbm>> -> memref<71x128xf32, #tpu.memory_space<hbm>>
      tpu.wait_dma2 semaphore(%run_scoped3A : memref<!tpu.dma_semaphore, #tpu.memory_space<semaphore_mem>>) src(%dma_wait3A_38 : memref<71x128xf32, #tpu.memory_space<hbm>>) dst(%arg5 : memref<71x128xf32, #tpu.memory_space<vmem>>)
      tpu.yield
    }) : () -> ()
    "tpu.region"() ({
      %run_scoped3A = tpu.sem_alloc : memref<!tpu.dma_semaphore, #tpu.memory_space<semaphore_mem>>
      %dma_start3A = arith.constant 0 : i32
      %dma_start3A_25 = arith.constant 0 : i32
      %dma_start3A_26 = tpu.memref_slice %arg3[%add3A, %dma_start3A, %dma_start3A_25] : memref<32x71x128xi32, #tpu.memory_space<hbm>> -> memref<1x71x128xi32, #tpu.memory_space<hbm>>
      %dma_start3A_27 = tpu.memref_squeeze %dma_start3A_26 : memref<1x71x128xi32, #tpu.memory_space<hbm>> -> memref<71x128xi32, #tpu.memory_space<hbm>>
      %dma_start3A_28 = arith.constant 0 : i32
      %dma_start3A_29 = arith.constant 0 : i32
      %dma_start3A_30 = tpu.memref_slice %arg3[%add3A, %dma_start3A_28, %dma_start3A_29] : memref<32x71x128xi32, #tpu.memory_space<hbm>> -> memref<1x71x128xi32, #tpu.memory_space<hbm>>
      %dma_start3A_31 = tpu.memref_squeeze %dma_start3A_30 : memref<1x71x128xi32, #tpu.memory_space<hbm>> -> memref<71x128xi32, #tpu.memory_space<hbm>>
      tpu.enqueue_dma source(%dma_start3A_31 : memref<71x128xi32, #tpu.memory_space<hbm>>) target(%arg6 : memref<71x128xi32, #tpu.memory_space<vmem>>) target_semaphore(%run_scoped3A : memref<!tpu.dma_semaphore, #tpu.memory_space<semaphore_mem>>)
      %dma_wait3A = arith.constant 0 : i32
      %dma_wait3A_32 = arith.constant 0 : i32
      %dma_wait3A_33 = tpu.memref_slice %arg3[%add3A, %dma_wait3A, %dma_wait3A_32] : memref<32x71x128xi32, #tpu.memory_space<hbm>> -> memref<1x71x128xi32, #tpu.memory_space<hbm>>
      %dma_wait3A_34 = tpu.memref_squeeze %dma_wait3A_33 : memref<1x71x128xi32, #tpu.memory_space<hbm>> -> memref<71x128xi32, #tpu.memory_space<hbm>>
      %dma_wait3A_35 = arith.constant 0 : i32
      %dma_wait3A_36 = arith.constant 0 : i32
      %dma_wait3A_37 = tpu.memref_slice %arg3[%add3A, %dma_wait3A_35, %dma_wait3A_36] : memref<32x71x128xi32, #tpu.memory_space<hbm>> -> memref<1x71x128xi32, #tpu.memory_space<hbm>>
      %dma_wait3A_38 = tpu.memref_squeeze %dma_wait3A_37 : memref<1x71x128xi32, #tpu.memory_space<hbm>> -> memref<71x128xi32, #tpu.memory_space<hbm>>
      tpu.wait_dma2 semaphore(%run_scoped3A : memref<!tpu.dma_semaphore, #tpu.memory_space<semaphore_mem>>) src(%dma_wait3A_38 : memref<71x128xi32, #tpu.memory_space<hbm>>) dst(%arg6 : memref<71x128xi32, #tpu.memory_space<vmem>>)
      tpu.yield
    }) : () -> ()
    %barrier3A = arith.constant 0 : index
    tpu.barrier barrier_id(%barrier3A)
    %scan3A_12 = arith.constant 0 : i32
    %scan3A_13 = arith.constant 0 : i32
    %scan3A_14 = arith.constant 71 : i32
    %scan3A_15 = arith.addi %scan3A_13, %scan3A_14 : i32
    %scan3A_16 = arith.constant 1 : i32
    scf.for %scan3A_25 = %scan3A_13 to %scan3A_15 step %scan3A_16  : i32 {
      "tpu.region"() ({
        %run_scoped3A = tpu.sem_alloc : memref<!tpu.dma_semaphore, #tpu.memory_space<semaphore_mem>>
        %dma_start3A = arith.constant 0 : i32
        %dma_start3A_26 = tpu.memref_slice %arg5[%scan3A_25, %dma_start3A] : memref<71x128xf32, #tpu.memory_space<vmem>> -> memref<1x128xf32, #tpu.memory_space<vmem>>
        %dma_start3A_27 = tpu.memref_squeeze %dma_start3A_26 : memref<1x128xf32, #tpu.memory_space<vmem>> -> memref<128xf32, #tpu.memory_space<vmem>>
        %dma_start3A_28 = arith.constant 0 : i32
        %dma_start3A_29 = tpu.memref_slice %arg6[%scan3A_25, %dma_start3A_28] : memref<71x128xi32, #tpu.memory_space<vmem>> -> memref<1x128xi32, #tpu.memory_space<vmem>>
        %dma_start3A_30 = tpu.memref_squeeze %dma_start3A_29 : memref<1x128xi32, #tpu.memory_space<vmem>> -> memref<128xi32, #tpu.memory_space<vmem>>
        %dma_start3A_31 = arith.constant 0 : i32
        %dma_start3A_32 = tpu.memref_slice %arg9[%dma_start3A_31] : memref<196608xf32, #tpu.memory_space<vmem_shared>> -> memref<196608xf32, #tpu.memory_space<vmem_shared>>
        tpu.enqueue_indirect_dma source(%dma_start3A_27 : memref<128xf32, #tpu.memory_space<vmem>>) target(%dma_start3A_32 : memref<196608xf32, #tpu.memory_space<vmem_shared>>) offsets(%dma_start3A_30 : memref<128xi32, #tpu.memory_space<vmem>>) semaphore(%run_scoped3A : memref<!tpu.dma_semaphore, #tpu.memory_space<semaphore_mem>>) {add = true}
        %dma_wait3A = arith.constant 0 : i32
        %dma_wait3A_33 = tpu.memref_slice %arg5[%scan3A_25, %dma_wait3A] : memref<71x128xf32, #tpu.memory_space<vmem>> -> memref<1x128xf32, #tpu.memory_space<vmem>>
        %dma_wait3A_34 = tpu.memref_squeeze %dma_wait3A_33 : memref<1x128xf32, #tpu.memory_space<vmem>> -> memref<128xf32, #tpu.memory_space<vmem>>
        %dma_wait3A_35 = arith.constant 0 : i32
        %dma_wait3A_36 = tpu.memref_slice %arg6[%scan3A_25, %dma_wait3A_35] : memref<71x128xi32, #tpu.memory_space<vmem>> -> memref<1x128xi32, #tpu.memory_space<vmem>>
        %dma_wait3A_37 = tpu.memref_squeeze %dma_wait3A_36 : memref<1x128xi32, #tpu.memory_space<vmem>> -> memref<128xi32, #tpu.memory_space<vmem>>
        %dma_wait3A_38 = arith.constant 0 : i32
        %dma_wait3A_39 = tpu.memref_slice %arg9[%dma_wait3A_38] : memref<196608xf32, #tpu.memory_space<vmem_shared>> -> memref<196608xf32, #tpu.memory_space<vmem_shared>>
        tpu.wait_indirect_dma semaphore(%run_scoped3A : memref<!tpu.dma_semaphore, #tpu.memory_space<semaphore_mem>>) src(%dma_wait3A_34 : memref<128xf32, #tpu.memory_space<vmem>>) dst(%dma_wait3A_39 : memref<196608xf32, #tpu.memory_space<vmem_shared>>)
        tpu.yield
      }) : () -> ()
    }
    %scan3A_17 = arith.constant 71 : i32
    %barrier3A_18 = arith.constant 0 : index
    tpu.barrier barrier_id(%barrier3A_18)
    %scan3A_19 = arith.constant 0 : i32
    %scan3A_20 = arith.constant 0 : i32
    %scan3A_21 = arith.constant 6 : i32
    %scan3A_22 = arith.addi %scan3A_20, %scan3A_21 : i32
    %scan3A_23 = arith.constant 1 : i32
    scf.for %scan3A_25 = %scan3A_20 to %scan3A_22 step %scan3A_23  : i32 {
      %mul3A_26 = arith.constant 12288 : i32
      %mul3A_27 = arith.muli %arg1, %mul3A_26 : i32
      %mul3A_28 = arith.constant 2048 : i32
      %mul3A_29 = arith.muli %mul3A_28, %scan3A_25 : i32
      %add3A_30 = arith.addi %mul3A_27, %mul3A_29 : i32
      "tpu.region"() ({
        %run_scoped3A = tpu.sem_alloc : memref<!tpu.dma_semaphore, #tpu.memory_space<semaphore_mem>>
        %dma_start3A = tpu.memref_slice %arg9[%add3A_30] : memref<196608xf32, #tpu.memory_space<vmem_shared>> -> memref<2048xf32, #tpu.memory_space<vmem_shared>>
        %dma_start3A_39 = tpu.memref_slice %arg9[%add3A_30] : memref<196608xf32, #tpu.memory_space<vmem_shared>> -> memref<2048xf32, #tpu.memory_space<vmem_shared>>
        tpu.enqueue_dma source(%dma_start3A_39 : memref<2048xf32, #tpu.memory_space<vmem_shared>>) target(%arg8 : memref<2048xf32, #tpu.memory_space<vmem>>) target_semaphore(%run_scoped3A : memref<!tpu.dma_semaphore, #tpu.memory_space<semaphore_mem>>)
        %dma_wait3A = tpu.memref_slice %arg9[%add3A_30] : memref<196608xf32, #tpu.memory_space<vmem_shared>> -> memref<2048xf32, #tpu.memory_space<vmem_shared>>
        %dma_wait3A_40 = tpu.memref_slice %arg9[%add3A_30] : memref<196608xf32, #tpu.memory_space<vmem_shared>> -> memref<2048xf32, #tpu.memory_space<vmem_shared>>
        tpu.wait_dma2 semaphore(%run_scoped3A : memref<!tpu.dma_semaphore, #tpu.memory_space<semaphore_mem>>) src(%dma_wait3A_40 : memref<2048xf32, #tpu.memory_space<vmem_shared>>) dst(%arg8 : memref<2048xf32, #tpu.memory_space<vmem>>)
        tpu.yield
      }) : () -> ()
      %mul3A_31 = arith.constant 196608 : i32
      %mul3A_32 = arith.muli %arg0, %mul3A_31 : i32
      %mul3A_33 = arith.constant 12288 : i32
      %mul3A_34 = arith.muli %arg1, %mul3A_33 : i32
      %add3A_35 = arith.addi %mul3A_32, %mul3A_34 : i32
      %mul3A_36 = arith.constant 2048 : i32
      %mul3A_37 = arith.muli %mul3A_36, %scan3A_25 : i32
      %add3A_38 = arith.addi %add3A_35, %mul3A_37 : i32
      "tpu.region"() ({
        %run_scoped3A = tpu.sem_alloc : memref<!tpu.dma_semaphore, #tpu.memory_space<semaphore_mem>>
        %dma_start3A = tpu.memref_slice %arg4[%add3A_38] : memref<393216xf32, #tpu.memory_space<hbm>> -> memref<2048xf32, #tpu.memory_space<hbm>>
        %dma_start3A_39 = tpu.memref_slice %arg4[%add3A_38] : memref<393216xf32, #tpu.memory_space<hbm>> -> memref<2048xf32, #tpu.memory_space<hbm>>
        tpu.enqueue_dma source(%arg8 : memref<2048xf32, #tpu.memory_space<vmem>>) target(%dma_start3A_39 : memref<2048xf32, #tpu.memory_space<hbm>>) target_semaphore(%run_scoped3A : memref<!tpu.dma_semaphore, #tpu.memory_space<semaphore_mem>>)
        %dma_wait3A = tpu.memref_slice %arg4[%add3A_38] : memref<393216xf32, #tpu.memory_space<hbm>> -> memref<2048xf32, #tpu.memory_space<hbm>>
        %dma_wait3A_40 = tpu.memref_slice %arg4[%add3A_38] : memref<393216xf32, #tpu.memory_space<hbm>> -> memref<2048xf32, #tpu.memory_space<hbm>>
        tpu.wait_dma2 semaphore(%run_scoped3A : memref<!tpu.dma_semaphore, #tpu.memory_space<semaphore_mem>>) src(%arg8 : memref<2048xf32, #tpu.memory_space<vmem>>) dst(%dma_wait3A_40 : memref<2048xf32, #tpu.memory_space<hbm>>)
        tpu.yield
      }) : () -> ()
    }
    %scan3A_24 = arith.constant 6 : i32
    return
  }
}

#map = affine_map<(d0, d1) -> (0, 0)>
#map1 = affine_map<(d0, d1) -> (0, 0, 0)>
module attributes {stable_mosaic.version = 14 : i64} {
  func.func @k(%arg0: i32, %arg1: i32, %arg2: memref<32008x128xf32, #tpu.memory_space<hbm>>, %arg3: memref<32x8x128xi32, #tpu.memory_space<hbm>>, %arg4: memref<32x8x128xi32, #tpu.memory_space<hbm>>, %arg5: memref<20480x128xf32, #tpu.memory_space<hbm>>, %arg6: memref<8x128xi32, #tpu.memory_space<vmem>>, %arg7: memref<8x128xi32, #tpu.memory_space<vmem>>, %arg8: memref<128x128xf32, #tpu.memory_space<vmem>>, %arg9: memref<16x128xf32, #tpu.memory_space<vmem>>, %arg10: memref<16x128xf32, #tpu.memory_space<vmem>>, %arg11: memref<10240x128xf32, #tpu.memory_space<vmem_shared>>, %arg12: memref<!tpu.dma_semaphore, #tpu.memory_space<semaphore_mem>>) attributes {dimension_semantics = [#tpu.dimension_semantics<core_parallel>, #tpu.dimension_semantics<subcore_parallel>], iteration_bounds = array<i64: 2, 16>, scalar_prefetch = 0 : i64, scratch_operands = 7 : i64, tpu.core_type = #tpu.core_type<sc_vector_subcore>, window_params = [{transform_indices = #map}, {transform_indices = #map1}, {transform_indices = #map1}, {transform_indices = #map}]} {
    %mul3A = arith.constant 16 : i32
    %mul3A_0 = arith.muli %arg0, %mul3A : i32
    %add3A = arith.addi %mul3A_0, %arg1 : i32
    %mul3A_1 = arith.constant 640 : i32
    %mul3A_2 = arith.muli %arg1, %mul3A_1 : i32
    %scan3A = arith.constant 0 : i32
    %scan3A_3 = arith.constant 0 : i32
    %scan3A_4 = arith.constant 16 : i32
    %scan3A_5 = arith.addi %scan3A_3, %scan3A_4 : i32
    %scan3A_6 = arith.constant 1 : i32
    scf.for %scan3A_27 = %scan3A_3 to %scan3A_5 step %scan3A_6  : i32 {
      %broadcast_in_dim3A = arith.constant 0.000000e+00 : f32
      %broadcast_in_dim3A_28 = vector.broadcast %broadcast_in_dim3A : f32 to vector<16xf32>
      %swap3A = arith.index_cast %scan3A_27 : i32 to index
      %swap3A_29 = arith.constant 0 : index
      %swap3A_30 = tpu.vector_load %arg9[%swap3A, %swap3A_29] {strides = array<i32>} : memref<16x128xf32, #tpu.memory_space<vmem>>, vector<1x16xf32>,
      %swap3A_31 = vector.shape_cast %swap3A_30 : vector<1x16xf32> to vector<16xf32>
      %swap3A_32 = vector.shape_cast %broadcast_in_dim3A_28 : vector<16xf32> to vector<1x16xf32>
      tpu.vector_store %arg9[%swap3A, %swap3A_29], %swap3A_32 {strides = array<i32>} : memref<16x128xf32, #tpu.memory_space<vmem>>, vector<1x16xf32>,
      %broadcast_in_dim3A_33 = arith.constant 0.000000e+00 : f32
      %broadcast_in_dim3A_34 = vector.broadcast %broadcast_in_dim3A_33 : f32 to vector<16xf32>
      %swap3A_35 = arith.index_cast %scan3A_27 : i32 to index
      %swap3A_36 = arith.constant 16 : index
      %swap3A_37 = tpu.vector_load %arg9[%swap3A_35, %swap3A_36] {strides = array<i32>} : memref<16x128xf32, #tpu.memory_space<vmem>>, vector<1x16xf32>,
      %swap3A_38 = vector.shape_cast %swap3A_37 : vector<1x16xf32> to vector<16xf32>
      %swap3A_39 = vector.shape_cast %broadcast_in_dim3A_34 : vector<16xf32> to vector<1x16xf32>
      tpu.vector_store %arg9[%swap3A_35, %swap3A_36], %swap3A_39 {strides = array<i32>} : memref<16x128xf32, #tpu.memory_space<vmem>>, vector<1x16xf32>,
      %broadcast_in_dim3A_40 = arith.constant 0.000000e+00 : f32
      %broadcast_in_dim3A_41 = vector.broadcast %broadcast_in_dim3A_40 : f32 to vector<16xf32>
      %swap3A_42 = arith.index_cast %scan3A_27 : i32 to index
      %swap3A_43 = arith.constant 32 : index
      %swap3A_44 = tpu.vector_load %arg9[%swap3A_42, %swap3A_43] {strides = array<i32>} : memref<16x128xf32, #tpu.memory_space<vmem>>, vector<1x16xf32>,
      %swap3A_45 = vector.shape_cast %swap3A_44 : vector<1x16xf32> to vector<16xf32>
      %swap3A_46 = vector.shape_cast %broadcast_in_dim3A_41 : vector<16xf32> to vector<1x16xf32>
      tpu.vector_store %arg9[%swap3A_42, %swap3A_43], %swap3A_46 {strides = array<i32>} : memref<16x128xf32, #tpu.memory_space<vmem>>, vector<1x16xf32>,
      %broadcast_in_dim3A_47 = arith.constant 0.000000e+00 : f32
      %broadcast_in_dim3A_48 = vector.broadcast %broadcast_in_dim3A_47 : f32 to vector<16xf32>
      %swap3A_49 = arith.index_cast %scan3A_27 : i32 to index
      %swap3A_50 = arith.constant 48 : index
      %swap3A_51 = tpu.vector_load %arg9[%swap3A_49, %swap3A_50] {strides = array<i32>} : memref<16x128xf32, #tpu.memory_space<vmem>>, vector<1x16xf32>,
      %swap3A_52 = vector.shape_cast %swap3A_51 : vector<1x16xf32> to vector<16xf32>
      %swap3A_53 = vector.shape_cast %broadcast_in_dim3A_48 : vector<16xf32> to vector<1x16xf32>
      tpu.vector_store %arg9[%swap3A_49, %swap3A_50], %swap3A_53 {strides = array<i32>} : memref<16x128xf32, #tpu.memory_space<vmem>>, vector<1x16xf32>,
      %broadcast_in_dim3A_54 = arith.constant 0.000000e+00 : f32
      %broadcast_in_dim3A_55 = vector.broadcast %broadcast_in_dim3A_54 : f32 to vector<16xf32>
      %swap3A_56 = arith.index_cast %scan3A_27 : i32 to index
      %swap3A_57 = arith.constant 64 : index
      %swap3A_58 = tpu.vector_load %arg9[%swap3A_56, %swap3A_57] {strides = array<i32>} : memref<16x128xf32, #tpu.memory_space<vmem>>, vector<1x16xf32>,
      %swap3A_59 = vector.shape_cast %swap3A_58 : vector<1x16xf32> to vector<16xf32>
      %swap3A_60 = vector.shape_cast %broadcast_in_dim3A_55 : vector<16xf32> to vector<1x16xf32>
      tpu.vector_store %arg9[%swap3A_56, %swap3A_57], %swap3A_60 {strides = array<i32>} : memref<16x128xf32, #tpu.memory_space<vmem>>, vector<1x16xf32>,
      %broadcast_in_dim3A_61 = arith.constant 0.000000e+00 : f32
      %broadcast_in_dim3A_62 = vector.broadcast %broadcast_in_dim3A_61 : f32 to vector<16xf32>
      %swap3A_63 = arith.index_cast %scan3A_27 : i32 to index
      %swap3A_64 = arith.constant 80 : index
      %swap3A_65 = tpu.vector_load %arg9[%swap3A_63, %swap3A_64] {strides = array<i32>} : memref<16x128xf32, #tpu.memory_space<vmem>>, vector<1x16xf32>,
      %swap3A_66 = vector.shape_cast %swap3A_65 : vector<1x16xf32> to vector<16xf32>
      %swap3A_67 = vector.shape_cast %broadcast_in_dim3A_62 : vector<16xf32> to vector<1x16xf32>
      tpu.vector_store %arg9[%swap3A_63, %swap3A_64], %swap3A_67 {strides = array<i32>} : memref<16x128xf32, #tpu.memory_space<vmem>>, vector<1x16xf32>,
      %broadcast_in_dim3A_68 = arith.constant 0.000000e+00 : f32
      %broadcast_in_dim3A_69 = vector.broadcast %broadcast_in_dim3A_68 : f32 to vector<16xf32>
      %swap3A_70 = arith.index_cast %scan3A_27 : i32 to index
      %swap3A_71 = arith.constant 96 : index
      %swap3A_72 = tpu.vector_load %arg9[%swap3A_70, %swap3A_71] {strides = array<i32>} : memref<16x128xf32, #tpu.memory_space<vmem>>, vector<1x16xf32>,
      %swap3A_73 = vector.shape_cast %swap3A_72 : vector<1x16xf32> to vector<16xf32>
      %swap3A_74 = vector.shape_cast %broadcast_in_dim3A_69 : vector<16xf32> to vector<1x16xf32>
      tpu.vector_store %arg9[%swap3A_70, %swap3A_71], %swap3A_74 {strides = array<i32>} : memref<16x128xf32, #tpu.memory_space<vmem>>, vector<1x16xf32>,
      %broadcast_in_dim3A_75 = arith.constant 0.000000e+00 : f32
      %broadcast_in_dim3A_76 = vector.broadcast %broadcast_in_dim3A_75 : f32 to vector<16xf32>
      %swap3A_77 = arith.index_cast %scan3A_27 : i32 to index
      %swap3A_78 = arith.constant 112 : index
      %swap3A_79 = tpu.vector_load %arg9[%swap3A_77, %swap3A_78] {strides = array<i32>} : memref<16x128xf32, #tpu.memory_space<vmem>>, vector<1x16xf32>,
      %swap3A_80 = vector.shape_cast %swap3A_79 : vector<1x16xf32> to vector<16xf32>
      %swap3A_81 = vector.shape_cast %broadcast_in_dim3A_76 : vector<16xf32> to vector<1x16xf32>
      tpu.vector_store %arg9[%swap3A_77, %swap3A_78], %swap3A_81 {strides = array<i32>} : memref<16x128xf32, #tpu.memory_space<vmem>>, vector<1x16xf32>,
    }
    %scan3A_7 = arith.constant 16 : i32
    %scan3A_8 = arith.constant 0 : i32
    %scan3A_9 = arith.constant 0 : i32
    %scan3A_10 = arith.constant 40 : i32
    %scan3A_11 = arith.addi %scan3A_9, %scan3A_10 : i32
    %scan3A_12 = arith.constant 1 : i32
    scf.for %scan3A_27 = %scan3A_9 to %scan3A_11 step %scan3A_12  : i32 {
      %mul3A_28 = arith.constant 16 : i32
      %mul3A_29 = arith.muli %mul3A_28, %scan3A_27 : i32
      %add3A_30 = arith.addi %mul3A_2, %mul3A_29 : i32
      "tpu.region"() ({
        %run_scoped3A = tpu.sem_alloc : memref<!tpu.dma_semaphore, #tpu.memory_space<semaphore_mem>>
        %dma_start3A = arith.constant 0 : i32
        %dma_start3A_31 = tpu.memref_slice %arg11[%add3A_30, %dma_start3A] : memref<10240x128xf32, #tpu.memory_space<vmem_shared>> -> memref<16x128xf32, #tpu.memory_space<vmem_shared>>
        %dma_start3A_32 = arith.constant 0 : i32
        %dma_start3A_33 = tpu.memref_slice %arg11[%add3A_30, %dma_start3A_32] : memref<10240x128xf32, #tpu.memory_space<vmem_shared>> -> memref<16x128xf32, #tpu.memory_space<vmem_shared>>
        tpu.enqueue_dma source(%arg9 : memref<16x128xf32, #tpu.memory_space<vmem>>) target(%dma_start3A_33 : memref<16x128xf32, #tpu.memory_space<vmem_shared>>) target_semaphore(%run_scoped3A : memref<!tpu.dma_semaphore, #tpu.memory_space<semaphore_mem>>)
        %dma_wait3A = arith.constant 0 : i32
        %dma_wait3A_34 = tpu.memref_slice %arg11[%add3A_30, %dma_wait3A] : memref<10240x128xf32, #tpu.memory_space<vmem_shared>> -> memref<16x128xf32, #tpu.memory_space<vmem_shared>>
        %dma_wait3A_35 = arith.constant 0 : i32
        %dma_wait3A_36 = tpu.memref_slice %arg11[%add3A_30, %dma_wait3A_35] : memref<10240x128xf32, #tpu.memory_space<vmem_shared>> -> memref<16x128xf32, #tpu.memory_space<vmem_shared>>
        tpu.wait_dma2 semaphore(%run_scoped3A : memref<!tpu.dma_semaphore, #tpu.memory_space<semaphore_mem>>) src(%arg9 : memref<16x128xf32, #tpu.memory_space<vmem>>) dst(%dma_wait3A_36 : memref<16x128xf32, #tpu.memory_space<vmem_shared>>)
        tpu.yield
      }) : () -> ()
    }
    %scan3A_13 = arith.constant 40 : i32
    "tpu.region"() ({
      %run_scoped3A = tpu.sem_alloc : memref<!tpu.dma_semaphore, #tpu.memory_space<semaphore_mem>>
      %dma_start3A = arith.constant 0 : i32
      %dma_start3A_27 = arith.constant 0 : i32
      %dma_start3A_28 = tpu.memref_slice %arg3[%add3A, %dma_start3A, %dma_start3A_27] : memref<32x8x128xi32, #tpu.memory_space<hbm>> -> memref<1x8x128xi32, #tpu.memory_space<hbm>>
      %dma_start3A_29 = tpu.memref_squeeze %dma_start3A_28 : memref<1x8x128xi32, #tpu.memory_space<hbm>> -> memref<8x128xi32, #tpu.memory_space<hbm>>
      %dma_start3A_30 = arith.constant 0 : i32
      %dma_start3A_31 = arith.constant 0 : i32
      %dma_start3A_32 = tpu.memref_slice %arg3[%add3A, %dma_start3A_30, %dma_start3A_31] : memref<32x8x128xi32, #tpu.memory_space<hbm>> -> memref<1x8x128xi32, #tpu.memory_space<hbm>>
      %dma_start3A_33 = tpu.memref_squeeze %dma_start3A_32 : memref<1x8x128xi32, #tpu.memory_space<hbm>> -> memref<8x128xi32, #tpu.memory_space<hbm>>
      tpu.enqueue_dma source(%dma_start3A_33 : memref<8x128xi32, #tpu.memory_space<hbm>>) target(%arg6 : memref<8x128xi32, #tpu.memory_space<vmem>>) target_semaphore(%run_scoped3A : memref<!tpu.dma_semaphore, #tpu.memory_space<semaphore_mem>>)
      %dma_wait3A = arith.constant 0 : i32
      %dma_wait3A_34 = arith.constant 0 : i32
      %dma_wait3A_35 = tpu.memref_slice %arg3[%add3A, %dma_wait3A, %dma_wait3A_34] : memref<32x8x128xi32, #tpu.memory_space<hbm>> -> memref<1x8x128xi32, #tpu.memory_space<hbm>>
      %dma_wait3A_36 = tpu.memref_squeeze %dma_wait3A_35 : memref<1x8x128xi32, #tpu.memory_space<hbm>> -> memref<8x128xi32, #tpu.memory_space<hbm>>
      %dma_wait3A_37 = arith.constant 0 : i32
      %dma_wait3A_38 = arith.constant 0 : i32
      %dma_wait3A_39 = tpu.memref_slice %arg3[%add3A, %dma_wait3A_37, %dma_wait3A_38] : memref<32x8x128xi32, #tpu.memory_space<hbm>> -> memref<1x8x128xi32, #tpu.memory_space<hbm>>
      %dma_wait3A_40 = tpu.memref_squeeze %dma_wait3A_39 : memref<1x8x128xi32, #tpu.memory_space<hbm>> -> memref<8x128xi32, #tpu.memory_space<hbm>>
      tpu.wait_dma2 semaphore(%run_scoped3A : memref<!tpu.dma_semaphore, #tpu.memory_space<semaphore_mem>>) src(%dma_wait3A_40 : memref<8x128xi32, #tpu.memory_space<hbm>>) dst(%arg6 : memref<8x128xi32, #tpu.memory_space<vmem>>)
      tpu.yield
    }) : () -> ()
    "tpu.region"() ({
      %run_scoped3A = tpu.sem_alloc : memref<!tpu.dma_semaphore, #tpu.memory_space<semaphore_mem>>
      %dma_start3A = arith.constant 0 : i32
      %dma_start3A_27 = arith.constant 0 : i32
      %dma_start3A_28 = tpu.memref_slice %arg4[%add3A, %dma_start3A, %dma_start3A_27] : memref<32x8x128xi32, #tpu.memory_space<hbm>> -> memref<1x8x128xi32, #tpu.memory_space<hbm>>
      %dma_start3A_29 = tpu.memref_squeeze %dma_start3A_28 : memref<1x8x128xi32, #tpu.memory_space<hbm>> -> memref<8x128xi32, #tpu.memory_space<hbm>>
      %dma_start3A_30 = arith.constant 0 : i32
      %dma_start3A_31 = arith.constant 0 : i32
      %dma_start3A_32 = tpu.memref_slice %arg4[%add3A, %dma_start3A_30, %dma_start3A_31] : memref<32x8x128xi32, #tpu.memory_space<hbm>> -> memref<1x8x128xi32, #tpu.memory_space<hbm>>
      %dma_start3A_33 = tpu.memref_squeeze %dma_start3A_32 : memref<1x8x128xi32, #tpu.memory_space<hbm>> -> memref<8x128xi32, #tpu.memory_space<hbm>>
      tpu.enqueue_dma source(%dma_start3A_33 : memref<8x128xi32, #tpu.memory_space<hbm>>) target(%arg7 : memref<8x128xi32, #tpu.memory_space<vmem>>) target_semaphore(%run_scoped3A : memref<!tpu.dma_semaphore, #tpu.memory_space<semaphore_mem>>)
      %dma_wait3A = arith.constant 0 : i32
      %dma_wait3A_34 = arith.constant 0 : i32
      %dma_wait3A_35 = tpu.memref_slice %arg4[%add3A, %dma_wait3A, %dma_wait3A_34] : memref<32x8x128xi32, #tpu.memory_space<hbm>> -> memref<1x8x128xi32, #tpu.memory_space<hbm>>
      %dma_wait3A_36 = tpu.memref_squeeze %dma_wait3A_35 : memref<1x8x128xi32, #tpu.memory_space<hbm>> -> memref<8x128xi32, #tpu.memory_space<hbm>>
      %dma_wait3A_37 = arith.constant 0 : i32
      %dma_wait3A_38 = arith.constant 0 : i32
      %dma_wait3A_39 = tpu.memref_slice %arg4[%add3A, %dma_wait3A_37, %dma_wait3A_38] : memref<32x8x128xi32, #tpu.memory_space<hbm>> -> memref<1x8x128xi32, #tpu.memory_space<hbm>>
      %dma_wait3A_40 = tpu.memref_squeeze %dma_wait3A_39 : memref<1x8x128xi32, #tpu.memory_space<hbm>> -> memref<8x128xi32, #tpu.memory_space<hbm>>
      tpu.wait_dma2 semaphore(%run_scoped3A : memref<!tpu.dma_semaphore, #tpu.memory_space<semaphore_mem>>) src(%dma_wait3A_40 : memref<8x128xi32, #tpu.memory_space<hbm>>) dst(%arg7 : memref<8x128xi32, #tpu.memory_space<vmem>>)
      tpu.yield
    }) : () -> ()
    %barrier3A = arith.constant 0 : index
    tpu.barrier barrier_id(%barrier3A)
    %scan3A_14 = arith.constant 0 : i32
    %scan3A_15 = arith.constant 0 : i32
    %scan3A_16 = arith.constant 8 : i32
    %scan3A_17 = arith.addi %scan3A_15, %scan3A_16 : i32
    %scan3A_18 = arith.constant 1 : i32
    scf.for %scan3A_27 = %scan3A_15 to %scan3A_17 step %scan3A_18  : i32 {
      %dma_start3A = arith.constant 0 : i32
      %dma_start3A_28 = tpu.memref_slice %arg6[%scan3A_27, %dma_start3A] : memref<8x128xi32, #tpu.memory_space<vmem>> -> memref<1x128xi32, #tpu.memory_space<vmem>>
      %dma_start3A_29 = tpu.memref_squeeze %dma_start3A_28 : memref<1x128xi32, #tpu.memory_space<vmem>> -> memref<128xi32, #tpu.memory_space<vmem>>
      %dma_start3A_30 = arith.constant 0 : i32
      %dma_start3A_31 = arith.constant 0 : i32
      %dma_start3A_32 = tpu.memref_slice %arg2[%dma_start3A_30, %dma_start3A_31] : memref<32008x128xf32, #tpu.memory_space<hbm>> -> memref<32008x128xf32, #tpu.memory_space<hbm>>
      tpu.enqueue_indirect_dma source(%dma_start3A_32 : memref<32008x128xf32, #tpu.memory_space<hbm>>) target(%arg8 : memref<128x128xf32, #tpu.memory_space<vmem>>) offsets(%dma_start3A_29 : memref<128xi32, #tpu.memory_space<vmem>>) semaphore(%arg12 : memref<!tpu.dma_semaphore, #tpu.memory_space<semaphore_mem>>)
      %dma_wait3A = arith.constant 0 : i32
      %dma_wait3A_33 = tpu.memref_slice %arg6[%scan3A_27, %dma_wait3A] : memref<8x128xi32, #tpu.memory_space<vmem>> -> memref<1x128xi32, #tpu.memory_space<vmem>>
      %dma_wait3A_34 = tpu.memref_squeeze %dma_wait3A_33 : memref<1x128xi32, #tpu.memory_space<vmem>> -> memref<128xi32, #tpu.memory_space<vmem>>
      %dma_wait3A_35 = arith.constant 0 : i32
      %dma_wait3A_36 = arith.constant 0 : i32
      %dma_wait3A_37 = tpu.memref_slice %arg2[%dma_wait3A_35, %dma_wait3A_36] : memref<32008x128xf32, #tpu.memory_space<hbm>> -> memref<32008x128xf32, #tpu.memory_space<hbm>>
      tpu.wait_indirect_dma semaphore(%arg12 : memref<!tpu.dma_semaphore, #tpu.memory_space<semaphore_mem>>) src(%dma_wait3A_37 : memref<32008x128xf32, #tpu.memory_space<hbm>>) dst(%arg8 : memref<128x128xf32, #tpu.memory_space<vmem>>)
      "tpu.region"() ({
        %run_scoped3A = tpu.sem_alloc : memref<!tpu.dma_semaphore, #tpu.memory_space<semaphore_mem>>
        %dma_start3A_38 = arith.constant 0 : i32
        %dma_start3A_39 = tpu.memref_slice %arg7[%scan3A_27, %dma_start3A_38] : memref<8x128xi32, #tpu.memory_space<vmem>> -> memref<1x128xi32, #tpu.memory_space<vmem>>
        %dma_start3A_40 = tpu.memref_squeeze %dma_start3A_39 : memref<1x128xi32, #tpu.memory_space<vmem>> -> memref<128xi32, #tpu.memory_space<vmem>>
        %dma_start3A_41 = arith.constant 0 : i32
        %dma_start3A_42 = arith.constant 0 : i32
        %dma_start3A_43 = tpu.memref_slice %arg11[%dma_start3A_41, %dma_start3A_42] : memref<10240x128xf32, #tpu.memory_space<vmem_shared>> -> memref<10240x128xf32, #tpu.memory_space<vmem_shared>>
        tpu.enqueue_indirect_dma source(%arg8 : memref<128x128xf32, #tpu.memory_space<vmem>>) target(%dma_start3A_43 : memref<10240x128xf32, #tpu.memory_space<vmem_shared>>) offsets(%dma_start3A_40 : memref<128xi32, #tpu.memory_space<vmem>>) semaphore(%run_scoped3A : memref<!tpu.dma_semaphore, #tpu.memory_space<semaphore_mem>>) {add = true}
        %dma_wait3A_44 = arith.constant 0 : i32
        %dma_wait3A_45 = tpu.memref_slice %arg7[%scan3A_27, %dma_wait3A_44] : memref<8x128xi32, #tpu.memory_space<vmem>> -> memref<1x128xi32, #tpu.memory_space<vmem>>
        %dma_wait3A_46 = tpu.memref_squeeze %dma_wait3A_45 : memref<1x128xi32, #tpu.memory_space<vmem>> -> memref<128xi32, #tpu.memory_space<vmem>>
        %dma_wait3A_47 = arith.constant 0 : i32
        %dma_wait3A_48 = arith.constant 0 : i32
        %dma_wait3A_49 = tpu.memref_slice %arg11[%dma_wait3A_47, %dma_wait3A_48] : memref<10240x128xf32, #tpu.memory_space<vmem_shared>> -> memref<10240x128xf32, #tpu.memory_space<vmem_shared>>
        tpu.wait_indirect_dma semaphore(%run_scoped3A : memref<!tpu.dma_semaphore, #tpu.memory_space<semaphore_mem>>) src(%arg8 : memref<128x128xf32, #tpu.memory_space<vmem>>) dst(%dma_wait3A_49 : memref<10240x128xf32, #tpu.memory_space<vmem_shared>>)
        tpu.yield
      }) : () -> ()
    }
    %scan3A_19 = arith.constant 8 : i32
    %barrier3A_20 = arith.constant 0 : index
    tpu.barrier barrier_id(%barrier3A_20)
    %scan3A_21 = arith.constant 0 : i32
    %scan3A_22 = arith.constant 0 : i32
    %scan3A_23 = arith.constant 40 : i32
    %scan3A_24 = arith.addi %scan3A_22, %scan3A_23 : i32
    %scan3A_25 = arith.constant 1 : i32
    scf.for %scan3A_27 = %scan3A_22 to %scan3A_24 step %scan3A_25  : i32 {
      %mul3A_28 = arith.constant 640 : i32
      %mul3A_29 = arith.muli %arg1, %mul3A_28 : i32
      %mul3A_30 = arith.constant 16 : i32
      %mul3A_31 = arith.muli %mul3A_30, %scan3A_27 : i32
      %add3A_32 = arith.addi %mul3A_29, %mul3A_31 : i32
      "tpu.region"() ({
        %run_scoped3A = tpu.sem_alloc : memref<!tpu.dma_semaphore, #tpu.memory_space<semaphore_mem>>
        %dma_start3A = arith.constant 0 : i32
        %dma_start3A_41 = tpu.memref_slice %arg11[%add3A_32, %dma_start3A] : memref<10240x128xf32, #tpu.memory_space<vmem_shared>> -> memref<16x128xf32, #tpu.memory_space<vmem_shared>>
        %dma_start3A_42 = arith.constant 0 : i32
        %dma_start3A_43 = tpu.memref_slice %arg11[%add3A_32, %dma_start3A_42] : memref<10240x128xf32, #tpu.memory_space<vmem_shared>> -> memref<16x128xf32, #tpu.memory_space<vmem_shared>>
        tpu.enqueue_dma source(%dma_start3A_43 : memref<16x128xf32, #tpu.memory_space<vmem_shared>>) target(%arg10 : memref<16x128xf32, #tpu.memory_space<vmem>>) target_semaphore(%run_scoped3A : memref<!tpu.dma_semaphore, #tpu.memory_space<semaphore_mem>>)
        %dma_wait3A = arith.constant 0 : i32
        %dma_wait3A_44 = tpu.memref_slice %arg11[%add3A_32, %dma_wait3A] : memref<10240x128xf32, #tpu.memory_space<vmem_shared>> -> memref<16x128xf32, #tpu.memory_space<vmem_shared>>
        %dma_wait3A_45 = arith.constant 0 : i32
        %dma_wait3A_46 = tpu.memref_slice %arg11[%add3A_32, %dma_wait3A_45] : memref<10240x128xf32, #tpu.memory_space<vmem_shared>> -> memref<16x128xf32, #tpu.memory_space<vmem_shared>>
        tpu.wait_dma2 semaphore(%run_scoped3A : memref<!tpu.dma_semaphore, #tpu.memory_space<semaphore_mem>>) src(%dma_wait3A_46 : memref<16x128xf32, #tpu.memory_space<vmem_shared>>) dst(%arg10 : memref<16x128xf32, #tpu.memory_space<vmem>>)
        tpu.yield
      }) : () -> ()
      %mul3A_33 = arith.constant 10240 : i32
      %mul3A_34 = arith.muli %arg0, %mul3A_33 : i32
      %mul3A_35 = arith.constant 640 : i32
      %mul3A_36 = arith.muli %arg1, %mul3A_35 : i32
      %add3A_37 = arith.addi %mul3A_34, %mul3A_36 : i32
      %mul3A_38 = arith.constant 16 : i32
      %mul3A_39 = arith.muli %mul3A_38, %scan3A_27 : i32
      %add3A_40 = arith.addi %add3A_37, %mul3A_39 : i32
      "tpu.region"() ({
        %run_scoped3A = tpu.sem_alloc : memref<!tpu.dma_semaphore, #tpu.memory_space<semaphore_mem>>
        %dma_start3A = arith.constant 0 : i32
        %dma_start3A_41 = tpu.memref_slice %arg5[%add3A_40, %dma_start3A] : memref<20480x128xf32, #tpu.memory_space<hbm>> -> memref<16x128xf32, #tpu.memory_space<hbm>>
        %dma_start3A_42 = arith.constant 0 : i32
        %dma_start3A_43 = tpu.memref_slice %arg5[%add3A_40, %dma_start3A_42] : memref<20480x128xf32, #tpu.memory_space<hbm>> -> memref<16x128xf32, #tpu.memory_space<hbm>>
        tpu.enqueue_dma source(%arg10 : memref<16x128xf32, #tpu.memory_space<vmem>>) target(%dma_start3A_43 : memref<16x128xf32, #tpu.memory_space<hbm>>) target_semaphore(%run_scoped3A : memref<!tpu.dma_semaphore, #tpu.memory_space<semaphore_mem>>)
        %dma_wait3A = arith.constant 0 : i32
        %dma_wait3A_44 = tpu.memref_slice %arg5[%add3A_40, %dma_wait3A] : memref<20480x128xf32, #tpu.memory_space<hbm>> -> memref<16x128xf32, #tpu.memory_space<hbm>>
        %dma_wait3A_45 = arith.constant 0 : i32
        %dma_wait3A_46 = tpu.memref_slice %arg5[%add3A_40, %dma_wait3A_45] : memref<20480x128xf32, #tpu.memory_space<hbm>> -> memref<16x128xf32, #tpu.memory_space<hbm>>
        tpu.wait_dma2 semaphore(%run_scoped3A : memref<!tpu.dma_semaphore, #tpu.memory_space<semaphore_mem>>) src(%arg10 : memref<16x128xf32, #tpu.memory_space<vmem>>) dst(%dma_wait3A_46 : memref<16x128xf32, #tpu.memory_space<hbm>>)
        tpu.yield
      }) : () -> ()
    }
    %scan3A_26 = arith.constant 40 : i32
    return
  }
}

#map = affine_map<(d0, d1) -> (0, 0)>
#map1 = affine_map<(d0, d1) -> (0, 0, 0)>
module attributes {stable_mosaic.version = 14 : i64} {
  func.func @k(%arg0: i32, %arg1: i32, %arg2: memref<18048x128xf32, #tpu.memory_space<hbm>>, %arg3: memref<32x63x128xi32, #tpu.memory_space<hbm>>, %arg4: memref<32x63x128xi32, #tpu.memory_space<hbm>>, %arg5: memref<16384x128xf32, #tpu.memory_space<hbm>>, %arg6: memref<63x128xi32, #tpu.memory_space<vmem>>, %arg7: memref<63x128xi32, #tpu.memory_space<vmem>>, %arg8: memref<128x128xf32, #tpu.memory_space<vmem>>, %arg9: memref<16x128xf32, #tpu.memory_space<vmem>>, %arg10: memref<16x128xf32, #tpu.memory_space<vmem>>, %arg11: memref<8192x128xf32, #tpu.memory_space<vmem_shared>>, %arg12: memref<!tpu.dma_semaphore, #tpu.memory_space<semaphore_mem>>) attributes {dimension_semantics = [#tpu.dimension_semantics<core_parallel>, #tpu.dimension_semantics<subcore_parallel>], iteration_bounds = array<i64: 2, 16>, scalar_prefetch = 0 : i64, scratch_operands = 7 : i64, tpu.core_type = #tpu.core_type<sc_vector_subcore>, window_params = [{transform_indices = #map}, {transform_indices = #map1}, {transform_indices = #map1}, {transform_indices = #map}]} {
    %mul3A = arith.constant 1 : i32
    %mul3A_0 = arith.muli %arg0, %mul3A : i32
    %add3A = arith.constant 0 : i32
    %add3A_1 = arith.addi %mul3A_0, %add3A : i32
    %mul3A_2 = arith.constant 512 : i32
    %mul3A_3 = arith.muli %arg1, %mul3A_2 : i32
    %scan3A = arith.constant 0 : i32
    %scan3A_4 = arith.constant 0 : i32
    %scan3A_5 = arith.constant 16 : i32
    %scan3A_6 = arith.addi %scan3A_4, %scan3A_5 : i32
    %scan3A_7 = arith.constant 1 : i32
    scf.for %scan3A_35 = %scan3A_4 to %scan3A_6 step %scan3A_7  : i32 {
      %broadcast_in_dim3A = arith.constant 0.000000e+00 : f32
      %broadcast_in_dim3A_36 = vector.broadcast %broadcast_in_dim3A : f32 to vector<16xf32>
      %swap3A = arith.index_cast %scan3A_35 : i32 to index
      %swap3A_37 = arith.constant 0 : index
      %swap3A_38 = tpu.vector_load %arg9[%swap3A, %swap3A_37] {strides = array<i32>} : memref<16x128xf32, #tpu.memory_space<vmem>>, vector<1x16xf32>,
      %swap3A_39 = vector.shape_cast %swap3A_38 : vector<1x16xf32> to vector<16xf32>
      %swap3A_40 = vector.shape_cast %broadcast_in_dim3A_36 : vector<16xf32> to vector<1x16xf32>
      tpu.vector_store %arg9[%swap3A, %swap3A_37], %swap3A_40 {strides = array<i32>} : memref<16x128xf32, #tpu.memory_space<vmem>>, vector<1x16xf32>,
      %broadcast_in_dim3A_41 = arith.constant 0.000000e+00 : f32
      %broadcast_in_dim3A_42 = vector.broadcast %broadcast_in_dim3A_41 : f32 to vector<16xf32>
      %swap3A_43 = arith.index_cast %scan3A_35 : i32 to index
      %swap3A_44 = arith.constant 16 : index
      %swap3A_45 = tpu.vector_load %arg9[%swap3A_43, %swap3A_44] {strides = array<i32>} : memref<16x128xf32, #tpu.memory_space<vmem>>, vector<1x16xf32>,
      %swap3A_46 = vector.shape_cast %swap3A_45 : vector<1x16xf32> to vector<16xf32>
      %swap3A_47 = vector.shape_cast %broadcast_in_dim3A_42 : vector<16xf32> to vector<1x16xf32>
      tpu.vector_store %arg9[%swap3A_43, %swap3A_44], %swap3A_47 {strides = array<i32>} : memref<16x128xf32, #tpu.memory_space<vmem>>, vector<1x16xf32>,
      %broadcast_in_dim3A_48 = arith.constant 0.000000e+00 : f32
      %broadcast_in_dim3A_49 = vector.broadcast %broadcast_in_dim3A_48 : f32 to vector<16xf32>
      %swap3A_50 = arith.index_cast %scan3A_35 : i32 to index
      %swap3A_51 = arith.constant 32 : index
      %swap3A_52 = tpu.vector_load %arg9[%swap3A_50, %swap3A_51] {strides = array<i32>} : memref<16x128xf32, #tpu.memory_space<vmem>>, vector<1x16xf32>,
      %swap3A_53 = vector.shape_cast %swap3A_52 : vector<1x16xf32> to vector<16xf32>
      %swap3A_54 = vector.shape_cast %broadcast_in_dim3A_49 : vector<16xf32> to vector<1x16xf32>
      tpu.vector_store %arg9[%swap3A_50, %swap3A_51], %swap3A_54 {strides = array<i32>} : memref<16x128xf32, #tpu.memory_space<vmem>>, vector<1x16xf32>,
      %broadcast_in_dim3A_55 = arith.constant 0.000000e+00 : f32
      %broadcast_in_dim3A_56 = vector.broadcast %broadcast_in_dim3A_55 : f32 to vector<16xf32>
      %swap3A_57 = arith.index_cast %scan3A_35 : i32 to index
      %swap3A_58 = arith.constant 48 : index
      %swap3A_59 = tpu.vector_load %arg9[%swap3A_57, %swap3A_58] {strides = array<i32>} : memref<16x128xf32, #tpu.memory_space<vmem>>, vector<1x16xf32>,
      %swap3A_60 = vector.shape_cast %swap3A_59 : vector<1x16xf32> to vector<16xf32>
      %swap3A_61 = vector.shape_cast %broadcast_in_dim3A_56 : vector<16xf32> to vector<1x16xf32>
      tpu.vector_store %arg9[%swap3A_57, %swap3A_58], %swap3A_61 {strides = array<i32>} : memref<16x128xf32, #tpu.memory_space<vmem>>, vector<1x16xf32>,
      %broadcast_in_dim3A_62 = arith.constant 0.000000e+00 : f32
      %broadcast_in_dim3A_63 = vector.broadcast %broadcast_in_dim3A_62 : f32 to vector<16xf32>
      %swap3A_64 = arith.index_cast %scan3A_35 : i32 to index
      %swap3A_65 = arith.constant 64 : index
      %swap3A_66 = tpu.vector_load %arg9[%swap3A_64, %swap3A_65] {strides = array<i32>} : memref<16x128xf32, #tpu.memory_space<vmem>>, vector<1x16xf32>,
      %swap3A_67 = vector.shape_cast %swap3A_66 : vector<1x16xf32> to vector<16xf32>
      %swap3A_68 = vector.shape_cast %broadcast_in_dim3A_63 : vector<16xf32> to vector<1x16xf32>
      tpu.vector_store %arg9[%swap3A_64, %swap3A_65], %swap3A_68 {strides = array<i32>} : memref<16x128xf32, #tpu.memory_space<vmem>>, vector<1x16xf32>,
      %broadcast_in_dim3A_69 = arith.constant 0.000000e+00 : f32
      %broadcast_in_dim3A_70 = vector.broadcast %broadcast_in_dim3A_69 : f32 to vector<16xf32>
      %swap3A_71 = arith.index_cast %scan3A_35 : i32 to index
      %swap3A_72 = arith.constant 80 : index
      %swap3A_73 = tpu.vector_load %arg9[%swap3A_71, %swap3A_72] {strides = array<i32>} : memref<16x128xf32, #tpu.memory_space<vmem>>, vector<1x16xf32>,
      %swap3A_74 = vector.shape_cast %swap3A_73 : vector<1x16xf32> to vector<16xf32>
      %swap3A_75 = vector.shape_cast %broadcast_in_dim3A_70 : vector<16xf32> to vector<1x16xf32>
      tpu.vector_store %arg9[%swap3A_71, %swap3A_72], %swap3A_75 {strides = array<i32>} : memref<16x128xf32, #tpu.memory_space<vmem>>, vector<1x16xf32>,
      %broadcast_in_dim3A_76 = arith.constant 0.000000e+00 : f32
      %broadcast_in_dim3A_77 = vector.broadcast %broadcast_in_dim3A_76 : f32 to vector<16xf32>
      %swap3A_78 = arith.index_cast %scan3A_35 : i32 to index
      %swap3A_79 = arith.constant 96 : index
      %swap3A_80 = tpu.vector_load %arg9[%swap3A_78, %swap3A_79] {strides = array<i32>} : memref<16x128xf32, #tpu.memory_space<vmem>>, vector<1x16xf32>,
      %swap3A_81 = vector.shape_cast %swap3A_80 : vector<1x16xf32> to vector<16xf32>
      %swap3A_82 = vector.shape_cast %broadcast_in_dim3A_77 : vector<16xf32> to vector<1x16xf32>
      tpu.vector_store %arg9[%swap3A_78, %swap3A_79], %swap3A_82 {strides = array<i32>} : memref<16x128xf32, #tpu.memory_space<vmem>>, vector<1x16xf32>,
      %broadcast_in_dim3A_83 = arith.constant 0.000000e+00 : f32
      %broadcast_in_dim3A_84 = vector.broadcast %broadcast_in_dim3A_83 : f32 to vector<16xf32>
      %swap3A_85 = arith.index_cast %scan3A_35 : i32 to index
      %swap3A_86 = arith.constant 112 : index
      %swap3A_87 = tpu.vector_load %arg9[%swap3A_85, %swap3A_86] {strides = array<i32>} : memref<16x128xf32, #tpu.memory_space<vmem>>, vector<1x16xf32>,
      %swap3A_88 = vector.shape_cast %swap3A_87 : vector<1x16xf32> to vector<16xf32>
      %swap3A_89 = vector.shape_cast %broadcast_in_dim3A_84 : vector<16xf32> to vector<1x16xf32>
      tpu.vector_store %arg9[%swap3A_85, %swap3A_86], %swap3A_89 {strides = array<i32>} : memref<16x128xf32, #tpu.memory_space<vmem>>, vector<1x16xf32>,
    }
    %scan3A_8 = arith.constant 16 : i32
    %scan3A_9 = arith.constant 0 : i32
    %scan3A_10 = arith.constant 0 : i32
    %scan3A_11 = arith.constant 32 : i32
    %scan3A_12 = arith.addi %scan3A_10, %scan3A_11 : i32
    %scan3A_13 = arith.constant 1 : i32
    scf.for %scan3A_35 = %scan3A_10 to %scan3A_12 step %scan3A_13  : i32 {
      %mul3A_36 = arith.constant 16 : i32
      %mul3A_37 = arith.muli %mul3A_36, %scan3A_35 : i32
      %add3A_38 = arith.addi %mul3A_3, %mul3A_37 : i32
      "tpu.region"() ({
        %run_scoped3A = tpu.sem_alloc : memref<!tpu.dma_semaphore, #tpu.memory_space<semaphore_mem>>
        %dma_start3A = arith.constant 0 : i32
        %dma_start3A_39 = tpu.memref_slice %arg11[%add3A_38, %dma_start3A] : memref<8192x128xf32, #tpu.memory_space<vmem_shared>> -> memref<16x128xf32, #tpu.memory_space<vmem_shared>>
        %dma_start3A_40 = arith.constant 0 : i32
        %dma_start3A_41 = tpu.memref_slice %arg11[%add3A_38, %dma_start3A_40] : memref<8192x128xf32, #tpu.memory_space<vmem_shared>> -> memref<16x128xf32, #tpu.memory_space<vmem_shared>>
        tpu.enqueue_dma source(%arg9 : memref<16x128xf32, #tpu.memory_space<vmem>>) target(%dma_start3A_41 : memref<16x128xf32, #tpu.memory_space<vmem_shared>>) target_semaphore(%run_scoped3A : memref<!tpu.dma_semaphore, #tpu.memory_space<semaphore_mem>>)
        %dma_wait3A = arith.constant 0 : i32
        %dma_wait3A_42 = tpu.memref_slice %arg11[%add3A_38, %dma_wait3A] : memref<8192x128xf32, #tpu.memory_space<vmem_shared>> -> memref<16x128xf32, #tpu.memory_space<vmem_shared>>
        %dma_wait3A_43 = arith.constant 0 : i32
        %dma_wait3A_44 = tpu.memref_slice %arg11[%add3A_38, %dma_wait3A_43] : memref<8192x128xf32, #tpu.memory_space<vmem_shared>> -> memref<16x128xf32, #tpu.memory_space<vmem_shared>>
        tpu.wait_dma2 semaphore(%run_scoped3A : memref<!tpu.dma_semaphore, #tpu.memory_space<semaphore_mem>>) src(%arg9 : memref<16x128xf32, #tpu.memory_space<vmem>>) dst(%dma_wait3A_44 : memref<16x128xf32, #tpu.memory_space<vmem_shared>>)
        tpu.yield
      }) : () -> ()
    }
    %scan3A_14 = arith.constant 32 : i32
    %mul3A_15 = arith.constant 16 : i32
    %mul3A_16 = arith.muli %add3A_1, %mul3A_15 : i32
    %add3A_17 = arith.addi %mul3A_16, %arg1 : i32
    "tpu.region"() ({
      %run_scoped3A = tpu.sem_alloc : memref<!tpu.dma_semaphore, #tpu.memory_space<semaphore_mem>>
      %dma_start3A = arith.constant 0 : i32
      %dma_start3A_35 = arith.constant 0 : i32
      %dma_start3A_36 = tpu.memref_slice %arg3[%add3A_17, %dma_start3A, %dma_start3A_35] : memref<32x63x128xi32, #tpu.memory_space<hbm>> -> memref<1x63x128xi32, #tpu.memory_space<hbm>>
      %dma_start3A_37 = tpu.memref_squeeze %dma_start3A_36 : memref<1x63x128xi32, #tpu.memory_space<hbm>> -> memref<63x128xi32, #tpu.memory_space<hbm>>
      %dma_start3A_38 = arith.constant 0 : i32
      %dma_start3A_39 = arith.constant 0 : i32
      %dma_start3A_40 = tpu.memref_slice %arg3[%add3A_17, %dma_start3A_38, %dma_start3A_39] : memref<32x63x128xi32, #tpu.memory_space<hbm>> -> memref<1x63x128xi32, #tpu.memory_space<hbm>>
      %dma_start3A_41 = tpu.memref_squeeze %dma_start3A_40 : memref<1x63x128xi32, #tpu.memory_space<hbm>> -> memref<63x128xi32, #tpu.memory_space<hbm>>
      tpu.enqueue_dma source(%dma_start3A_41 : memref<63x128xi32, #tpu.memory_space<hbm>>) target(%arg6 : memref<63x128xi32, #tpu.memory_space<vmem>>) target_semaphore(%run_scoped3A : memref<!tpu.dma_semaphore, #tpu.memory_space<semaphore_mem>>)
      %dma_wait3A = arith.constant 0 : i32
      %dma_wait3A_42 = arith.constant 0 : i32
      %dma_wait3A_43 = tpu.memref_slice %arg3[%add3A_17, %dma_wait3A, %dma_wait3A_42] : memref<32x63x128xi32, #tpu.memory_space<hbm>> -> memref<1x63x128xi32, #tpu.memory_space<hbm>>
      %dma_wait3A_44 = tpu.memref_squeeze %dma_wait3A_43 : memref<1x63x128xi32, #tpu.memory_space<hbm>> -> memref<63x128xi32, #tpu.memory_space<hbm>>
      %dma_wait3A_45 = arith.constant 0 : i32
      %dma_wait3A_46 = arith.constant 0 : i32
      %dma_wait3A_47 = tpu.memref_slice %arg3[%add3A_17, %dma_wait3A_45, %dma_wait3A_46] : memref<32x63x128xi32, #tpu.memory_space<hbm>> -> memref<1x63x128xi32, #tpu.memory_space<hbm>>
      %dma_wait3A_48 = tpu.memref_squeeze %dma_wait3A_47 : memref<1x63x128xi32, #tpu.memory_space<hbm>> -> memref<63x128xi32, #tpu.memory_space<hbm>>
      tpu.wait_dma2 semaphore(%run_scoped3A : memref<!tpu.dma_semaphore, #tpu.memory_space<semaphore_mem>>) src(%dma_wait3A_48 : memref<63x128xi32, #tpu.memory_space<hbm>>) dst(%arg6 : memref<63x128xi32, #tpu.memory_space<vmem>>)
      tpu.yield
    }) : () -> ()
    %mul3A_18 = arith.constant 16 : i32
    %mul3A_19 = arith.muli %add3A_1, %mul3A_18 : i32
    %add3A_20 = arith.addi %mul3A_19, %arg1 : i32
    "tpu.region"() ({
      %run_scoped3A = tpu.sem_alloc : memref<!tpu.dma_semaphore, #tpu.memory_space<semaphore_mem>>
      %dma_start3A = arith.constant 0 : i32
      %dma_start3A_35 = arith.constant 0 : i32
      %dma_start3A_36 = tpu.memref_slice %arg4[%add3A_20, %dma_start3A, %dma_start3A_35] : memref<32x63x128xi32, #tpu.memory_space<hbm>> -> memref<1x63x128xi32, #tpu.memory_space<hbm>>
      %dma_start3A_37 = tpu.memref_squeeze %dma_start3A_36 : memref<1x63x128xi32, #tpu.memory_space<hbm>> -> memref<63x128xi32, #tpu.memory_space<hbm>>
      %dma_start3A_38 = arith.constant 0 : i32
      %dma_start3A_39 = arith.constant 0 : i32
      %dma_start3A_40 = tpu.memref_slice %arg4[%add3A_20, %dma_start3A_38, %dma_start3A_39] : memref<32x63x128xi32, #tpu.memory_space<hbm>> -> memref<1x63x128xi32, #tpu.memory_space<hbm>>
      %dma_start3A_41 = tpu.memref_squeeze %dma_start3A_40 : memref<1x63x128xi32, #tpu.memory_space<hbm>> -> memref<63x128xi32, #tpu.memory_space<hbm>>
      tpu.enqueue_dma source(%dma_start3A_41 : memref<63x128xi32, #tpu.memory_space<hbm>>) target(%arg7 : memref<63x128xi32, #tpu.memory_space<vmem>>) target_semaphore(%run_scoped3A : memref<!tpu.dma_semaphore, #tpu.memory_space<semaphore_mem>>)
      %dma_wait3A = arith.constant 0 : i32
      %dma_wait3A_42 = arith.constant 0 : i32
      %dma_wait3A_43 = tpu.memref_slice %arg4[%add3A_20, %dma_wait3A, %dma_wait3A_42] : memref<32x63x128xi32, #tpu.memory_space<hbm>> -> memref<1x63x128xi32, #tpu.memory_space<hbm>>
      %dma_wait3A_44 = tpu.memref_squeeze %dma_wait3A_43 : memref<1x63x128xi32, #tpu.memory_space<hbm>> -> memref<63x128xi32, #tpu.memory_space<hbm>>
      %dma_wait3A_45 = arith.constant 0 : i32
      %dma_wait3A_46 = arith.constant 0 : i32
      %dma_wait3A_47 = tpu.memref_slice %arg4[%add3A_20, %dma_wait3A_45, %dma_wait3A_46] : memref<32x63x128xi32, #tpu.memory_space<hbm>> -> memref<1x63x128xi32, #tpu.memory_space<hbm>>
      %dma_wait3A_48 = tpu.memref_squeeze %dma_wait3A_47 : memref<1x63x128xi32, #tpu.memory_space<hbm>> -> memref<63x128xi32, #tpu.memory_space<hbm>>
      tpu.wait_dma2 semaphore(%run_scoped3A : memref<!tpu.dma_semaphore, #tpu.memory_space<semaphore_mem>>) src(%dma_wait3A_48 : memref<63x128xi32, #tpu.memory_space<hbm>>) dst(%arg7 : memref<63x128xi32, #tpu.memory_space<vmem>>)
      tpu.yield
    }) : () -> ()
    %barrier3A = arith.constant 0 : index
    tpu.barrier barrier_id(%barrier3A)
    %scan3A_21 = arith.constant 0 : i32
    %scan3A_22 = arith.constant 0 : i32
    %scan3A_23 = arith.constant 63 : i32
    %scan3A_24 = arith.addi %scan3A_22, %scan3A_23 : i32
    %scan3A_25 = arith.constant 1 : i32
    scf.for %scan3A_35 = %scan3A_22 to %scan3A_24 step %scan3A_25  : i32 {
      %dma_start3A = arith.constant 0 : i32
      %dma_start3A_36 = tpu.memref_slice %arg6[%scan3A_35, %dma_start3A] : memref<63x128xi32, #tpu.memory_space<vmem>> -> memref<1x128xi32, #tpu.memory_space<vmem>>
      %dma_start3A_37 = tpu.memref_squeeze %dma_start3A_36 : memref<1x128xi32, #tpu.memory_space<vmem>> -> memref<128xi32, #tpu.memory_space<vmem>>
      %dma_start3A_38 = arith.constant 0 : i32
      %dma_start3A_39 = arith.constant 0 : i32
      %dma_start3A_40 = tpu.memref_slice %arg2[%dma_start3A_38, %dma_start3A_39] : memref<18048x128xf32, #tpu.memory_space<hbm>> -> memref<18048x128xf32, #tpu.memory_space<hbm>>
      tpu.enqueue_indirect_dma source(%dma_start3A_40 : memref<18048x128xf32, #tpu.memory_space<hbm>>) target(%arg8 : memref<128x128xf32, #tpu.memory_space<vmem>>) offsets(%dma_start3A_37 : memref<128xi32, #tpu.memory_space<vmem>>) semaphore(%arg12 : memref<!tpu.dma_semaphore, #tpu.memory_space<semaphore_mem>>)
      %dma_wait3A = arith.constant 0 : i32
      %dma_wait3A_41 = tpu.memref_slice %arg6[%scan3A_35, %dma_wait3A] : memref<63x128xi32, #tpu.memory_space<vmem>> -> memref<1x128xi32, #tpu.memory_space<vmem>>
      %dma_wait3A_42 = tpu.memref_squeeze %dma_wait3A_41 : memref<1x128xi32, #tpu.memory_space<vmem>> -> memref<128xi32, #tpu.memory_space<vmem>>
      %dma_wait3A_43 = arith.constant 0 : i32
      %dma_wait3A_44 = arith.constant 0 : i32
      %dma_wait3A_45 = tpu.memref_slice %arg2[%dma_wait3A_43, %dma_wait3A_44] : memref<18048x128xf32, #tpu.memory_space<hbm>> -> memref<18048x128xf32, #tpu.memory_space<hbm>>
      tpu.wait_indirect_dma semaphore(%arg12 : memref<!tpu.dma_semaphore, #tpu.memory_space<semaphore_mem>>) src(%dma_wait3A_45 : memref<18048x128xf32, #tpu.memory_space<hbm>>) dst(%arg8 : memref<128x128xf32, #tpu.memory_space<vmem>>)
      "tpu.region"() ({
        %run_scoped3A = tpu.sem_alloc : memref<!tpu.dma_semaphore, #tpu.memory_space<semaphore_mem>>
        %dma_start3A_46 = arith.constant 0 : i32
        %dma_start3A_47 = tpu.memref_slice %arg7[%scan3A_35, %dma_start3A_46] : memref<63x128xi32, #tpu.memory_space<vmem>> -> memref<1x128xi32, #tpu.memory_space<vmem>>
        %dma_start3A_48 = tpu.memref_squeeze %dma_start3A_47 : memref<1x128xi32, #tpu.memory_space<vmem>> -> memref<128xi32, #tpu.memory_space<vmem>>
        %dma_start3A_49 = arith.constant 0 : i32
        %dma_start3A_50 = arith.constant 0 : i32
        %dma_start3A_51 = tpu.memref_slice %arg11[%dma_start3A_49, %dma_start3A_50] : memref<8192x128xf32, #tpu.memory_space<vmem_shared>> -> memref<8192x128xf32, #tpu.memory_space<vmem_shared>>
        tpu.enqueue_indirect_dma source(%arg8 : memref<128x128xf32, #tpu.memory_space<vmem>>) target(%dma_start3A_51 : memref<8192x128xf32, #tpu.memory_space<vmem_shared>>) offsets(%dma_start3A_48 : memref<128xi32, #tpu.memory_space<vmem>>) semaphore(%run_scoped3A : memref<!tpu.dma_semaphore, #tpu.memory_space<semaphore_mem>>) {add = true}
        %dma_wait3A_52 = arith.constant 0 : i32
        %dma_wait3A_53 = tpu.memref_slice %arg7[%scan3A_35, %dma_wait3A_52] : memref<63x128xi32, #tpu.memory_space<vmem>> -> memref<1x128xi32, #tpu.memory_space<vmem>>
        %dma_wait3A_54 = tpu.memref_squeeze %dma_wait3A_53 : memref<1x128xi32, #tpu.memory_space<vmem>> -> memref<128xi32, #tpu.memory_space<vmem>>
        %dma_wait3A_55 = arith.constant 0 : i32
        %dma_wait3A_56 = arith.constant 0 : i32
        %dma_wait3A_57 = tpu.memref_slice %arg11[%dma_wait3A_55, %dma_wait3A_56] : memref<8192x128xf32, #tpu.memory_space<vmem_shared>> -> memref<8192x128xf32, #tpu.memory_space<vmem_shared>>
        tpu.wait_indirect_dma semaphore(%run_scoped3A : memref<!tpu.dma_semaphore, #tpu.memory_space<semaphore_mem>>) src(%arg8 : memref<128x128xf32, #tpu.memory_space<vmem>>) dst(%dma_wait3A_57 : memref<8192x128xf32, #tpu.memory_space<vmem_shared>>)
        tpu.yield
      }) : () -> ()
    }
    %scan3A_26 = arith.constant 63 : i32
    %barrier3A_27 = arith.constant 0 : index
    tpu.barrier barrier_id(%barrier3A_27)
    %scan3A_28 = arith.constant 0 : i32
    %scan3A_29 = arith.constant 0 : i32
    %scan3A_30 = arith.constant 32 : i32
    %scan3A_31 = arith.addi %scan3A_29, %scan3A_30 : i32
    %scan3A_32 = arith.constant 1 : i32
    scf.for %scan3A_35 = %scan3A_29 to %scan3A_31 step %scan3A_32  : i32 {
      %mul3A_36 = arith.constant 512 : i32
      %mul3A_37 = arith.muli %arg1, %mul3A_36 : i32
      %mul3A_38 = arith.constant 16 : i32
      %mul3A_39 = arith.muli %mul3A_38, %scan3A_35 : i32
      %add3A_40 = arith.addi %mul3A_37, %mul3A_39 : i32
      "tpu.region"() ({
        %run_scoped3A = tpu.sem_alloc : memref<!tpu.dma_semaphore, #tpu.memory_space<semaphore_mem>>
        %dma_start3A = arith.constant 0 : i32
        %dma_start3A_49 = tpu.memref_slice %arg11[%add3A_40, %dma_start3A] : memref<8192x128xf32, #tpu.memory_space<vmem_shared>> -> memref<16x128xf32, #tpu.memory_space<vmem_shared>>
        %dma_start3A_50 = arith.constant 0 : i32
        %dma_start3A_51 = tpu.memref_slice %arg11[%add3A_40, %dma_start3A_50] : memref<8192x128xf32, #tpu.memory_space<vmem_shared>> -> memref<16x128xf32, #tpu.memory_space<vmem_shared>>
        tpu.enqueue_dma source(%dma_start3A_51 : memref<16x128xf32, #tpu.memory_space<vmem_shared>>) target(%arg10 : memref<16x128xf32, #tpu.memory_space<vmem>>) target_semaphore(%run_scoped3A : memref<!tpu.dma_semaphore, #tpu.memory_space<semaphore_mem>>)
        %dma_wait3A = arith.constant 0 : i32
        %dma_wait3A_52 = tpu.memref_slice %arg11[%add3A_40, %dma_wait3A] : memref<8192x128xf32, #tpu.memory_space<vmem_shared>> -> memref<16x128xf32, #tpu.memory_space<vmem_shared>>
        %dma_wait3A_53 = arith.constant 0 : i32
        %dma_wait3A_54 = tpu.memref_slice %arg11[%add3A_40, %dma_wait3A_53] : memref<8192x128xf32, #tpu.memory_space<vmem_shared>> -> memref<16x128xf32, #tpu.memory_space<vmem_shared>>
        tpu.wait_dma2 semaphore(%run_scoped3A : memref<!tpu.dma_semaphore, #tpu.memory_space<semaphore_mem>>) src(%dma_wait3A_54 : memref<16x128xf32, #tpu.memory_space<vmem_shared>>) dst(%arg10 : memref<16x128xf32, #tpu.memory_space<vmem>>)
        tpu.yield
      }) : () -> ()
      %mul3A_41 = arith.constant 8192 : i32
      %mul3A_42 = arith.muli %add3A_1, %mul3A_41 : i32
      %mul3A_43 = arith.constant 512 : i32
      %mul3A_44 = arith.muli %arg1, %mul3A_43 : i32
      %add3A_45 = arith.addi %mul3A_42, %mul3A_44 : i32
      %mul3A_46 = arith.constant 16 : i32
      %mul3A_47 = arith.muli %mul3A_46, %scan3A_35 : i32
      %add3A_48 = arith.addi %add3A_45, %mul3A_47 : i32
      "tpu.region"() ({
        %run_scoped3A = tpu.sem_alloc : memref<!tpu.dma_semaphore, #tpu.memory_space<semaphore_mem>>
        %dma_start3A = arith.constant 0 : i32
        %dma_start3A_49 = tpu.memref_slice %arg5[%add3A_48, %dma_start3A] : memref<16384x128xf32, #tpu.memory_space<hbm>> -> memref<16x128xf32, #tpu.memory_space<hbm>>
        %dma_start3A_50 = arith.constant 0 : i32
        %dma_start3A_51 = tpu.memref_slice %arg5[%add3A_48, %dma_start3A_50] : memref<16384x128xf32, #tpu.memory_space<hbm>> -> memref<16x128xf32, #tpu.memory_space<hbm>>
        tpu.enqueue_dma source(%arg10 : memref<16x128xf32, #tpu.memory_space<vmem>>) target(%dma_start3A_51 : memref<16x128xf32, #tpu.memory_space<hbm>>) target_semaphore(%run_scoped3A : memref<!tpu.dma_semaphore, #tpu.memory_space<semaphore_mem>>)
        %dma_wait3A = arith.constant 0 : i32
        %dma_wait3A_52 = tpu.memref_slice %arg5[%add3A_48, %dma_wait3A] : memref<16384x128xf32, #tpu.memory_space<hbm>> -> memref<16x128xf32, #tpu.memory_space<hbm>>
        %dma_wait3A_53 = arith.constant 0 : i32
        %dma_wait3A_54 = tpu.memref_slice %arg5[%add3A_48, %dma_wait3A_53] : memref<16384x128xf32, #tpu.memory_space<hbm>> -> memref<16x128xf32, #tpu.memory_space<hbm>>
        tpu.wait_dma2 semaphore(%run_scoped3A : memref<!tpu.dma_semaphore, #tpu.memory_space<semaphore_mem>>) src(%arg10 : memref<16x128xf32, #tpu.memory_space<vmem>>) dst(%dma_wait3A_54 : memref<16x128xf32, #tpu.memory_space<hbm>>)
        tpu.yield
      }) : () -> ()
    }
    %scan3A_33 = arith.constant 32 : i32
    %barrier3A_34 = arith.constant 0 : index
    tpu.barrier barrier_id(%barrier3A_34)
    return
  }
}

#map = affine_map<(d0, d1) -> (0, 0)>
#map1 = affine_map<(d0, d1) -> (0, 0, 0)>
module attributes {stable_mosaic.version = 14 : i64} {
  func.func @k(%arg0: i32, %arg1: i32, %arg2: memref<10008x128xf32, #tpu.memory_space<hbm>>, %arg3: memref<32x79x128xi32, #tpu.memory_space<hbm>>, %arg4: memref<32x79x128xi32, #tpu.memory_space<hbm>>, %arg5: memref<20480x128xf32, #tpu.memory_space<hbm>>, %arg6: memref<79x128xi32, #tpu.memory_space<vmem>>, %arg7: memref<79x128xi32, #tpu.memory_space<vmem>>, %arg8: memref<128x128xf32, #tpu.memory_space<vmem>>, %arg9: memref<16x128xf32, #tpu.memory_space<vmem>>, %arg10: memref<16x128xf32, #tpu.memory_space<vmem>>, %arg11: memref<10240x128xf32, #tpu.memory_space<vmem_shared>>, %arg12: memref<!tpu.dma_semaphore, #tpu.memory_space<semaphore_mem>>) attributes {dimension_semantics = [#tpu.dimension_semantics<core_parallel>, #tpu.dimension_semantics<subcore_parallel>], iteration_bounds = array<i64: 2, 16>, scalar_prefetch = 0 : i64, scratch_operands = 7 : i64, tpu.core_type = #tpu.core_type<sc_vector_subcore>, window_params = [{transform_indices = #map}, {transform_indices = #map1}, {transform_indices = #map1}, {transform_indices = #map}]} {
    %mul3A = arith.constant 16 : i32
    %mul3A_0 = arith.muli %arg0, %mul3A : i32
    %add3A = arith.addi %mul3A_0, %arg1 : i32
    %mul3A_1 = arith.constant 640 : i32
    %mul3A_2 = arith.muli %arg1, %mul3A_1 : i32
    %scan3A = arith.constant 0 : i32
    %scan3A_3 = arith.constant 0 : i32
    %scan3A_4 = arith.constant 16 : i32
    %scan3A_5 = arith.addi %scan3A_3, %scan3A_4 : i32
    %scan3A_6 = arith.constant 1 : i32
    scf.for %scan3A_27 = %scan3A_3 to %scan3A_5 step %scan3A_6  : i32 {
      %broadcast_in_dim3A = arith.constant 0.000000e+00 : f32
      %broadcast_in_dim3A_28 = vector.broadcast %broadcast_in_dim3A : f32 to vector<16xf32>
      %swap3A = arith.index_cast %scan3A_27 : i32 to index
      %swap3A_29 = arith.constant 0 : index
      %swap3A_30 = tpu.vector_load %arg9[%swap3A, %swap3A_29] {strides = array<i32>} : memref<16x128xf32, #tpu.memory_space<vmem>>, vector<1x16xf32>,
      %swap3A_31 = vector.shape_cast %swap3A_30 : vector<1x16xf32> to vector<16xf32>
      %swap3A_32 = vector.shape_cast %broadcast_in_dim3A_28 : vector<16xf32> to vector<1x16xf32>
      tpu.vector_store %arg9[%swap3A, %swap3A_29], %swap3A_32 {strides = array<i32>} : memref<16x128xf32, #tpu.memory_space<vmem>>, vector<1x16xf32>,
      %broadcast_in_dim3A_33 = arith.constant 0.000000e+00 : f32
      %broadcast_in_dim3A_34 = vector.broadcast %broadcast_in_dim3A_33 : f32 to vector<16xf32>
      %swap3A_35 = arith.index_cast %scan3A_27 : i32 to index
      %swap3A_36 = arith.constant 16 : index
      %swap3A_37 = tpu.vector_load %arg9[%swap3A_35, %swap3A_36] {strides = array<i32>} : memref<16x128xf32, #tpu.memory_space<vmem>>, vector<1x16xf32>,
      %swap3A_38 = vector.shape_cast %swap3A_37 : vector<1x16xf32> to vector<16xf32>
      %swap3A_39 = vector.shape_cast %broadcast_in_dim3A_34 : vector<16xf32> to vector<1x16xf32>
      tpu.vector_store %arg9[%swap3A_35, %swap3A_36], %swap3A_39 {strides = array<i32>} : memref<16x128xf32, #tpu.memory_space<vmem>>, vector<1x16xf32>,
      %broadcast_in_dim3A_40 = arith.constant 0.000000e+00 : f32
      %broadcast_in_dim3A_41 = vector.broadcast %broadcast_in_dim3A_40 : f32 to vector<16xf32>
      %swap3A_42 = arith.index_cast %scan3A_27 : i32 to index
      %swap3A_43 = arith.constant 32 : index
      %swap3A_44 = tpu.vector_load %arg9[%swap3A_42, %swap3A_43] {strides = array<i32>} : memref<16x128xf32, #tpu.memory_space<vmem>>, vector<1x16xf32>,
      %swap3A_45 = vector.shape_cast %swap3A_44 : vector<1x16xf32> to vector<16xf32>
      %swap3A_46 = vector.shape_cast %broadcast_in_dim3A_41 : vector<16xf32> to vector<1x16xf32>
      tpu.vector_store %arg9[%swap3A_42, %swap3A_43], %swap3A_46 {strides = array<i32>} : memref<16x128xf32, #tpu.memory_space<vmem>>, vector<1x16xf32>,
      %broadcast_in_dim3A_47 = arith.constant 0.000000e+00 : f32
      %broadcast_in_dim3A_48 = vector.broadcast %broadcast_in_dim3A_47 : f32 to vector<16xf32>
      %swap3A_49 = arith.index_cast %scan3A_27 : i32 to index
      %swap3A_50 = arith.constant 48 : index
      %swap3A_51 = tpu.vector_load %arg9[%swap3A_49, %swap3A_50] {strides = array<i32>} : memref<16x128xf32, #tpu.memory_space<vmem>>, vector<1x16xf32>,
      %swap3A_52 = vector.shape_cast %swap3A_51 : vector<1x16xf32> to vector<16xf32>
      %swap3A_53 = vector.shape_cast %broadcast_in_dim3A_48 : vector<16xf32> to vector<1x16xf32>
      tpu.vector_store %arg9[%swap3A_49, %swap3A_50], %swap3A_53 {strides = array<i32>} : memref<16x128xf32, #tpu.memory_space<vmem>>, vector<1x16xf32>,
      %broadcast_in_dim3A_54 = arith.constant 0.000000e+00 : f32
      %broadcast_in_dim3A_55 = vector.broadcast %broadcast_in_dim3A_54 : f32 to vector<16xf32>
      %swap3A_56 = arith.index_cast %scan3A_27 : i32 to index
      %swap3A_57 = arith.constant 64 : index
      %swap3A_58 = tpu.vector_load %arg9[%swap3A_56, %swap3A_57] {strides = array<i32>} : memref<16x128xf32, #tpu.memory_space<vmem>>, vector<1x16xf32>,
      %swap3A_59 = vector.shape_cast %swap3A_58 : vector<1x16xf32> to vector<16xf32>
      %swap3A_60 = vector.shape_cast %broadcast_in_dim3A_55 : vector<16xf32> to vector<1x16xf32>
      tpu.vector_store %arg9[%swap3A_56, %swap3A_57], %swap3A_60 {strides = array<i32>} : memref<16x128xf32, #tpu.memory_space<vmem>>, vector<1x16xf32>,
      %broadcast_in_dim3A_61 = arith.constant 0.000000e+00 : f32
      %broadcast_in_dim3A_62 = vector.broadcast %broadcast_in_dim3A_61 : f32 to vector<16xf32>
      %swap3A_63 = arith.index_cast %scan3A_27 : i32 to index
      %swap3A_64 = arith.constant 80 : index
      %swap3A_65 = tpu.vector_load %arg9[%swap3A_63, %swap3A_64] {strides = array<i32>} : memref<16x128xf32, #tpu.memory_space<vmem>>, vector<1x16xf32>,
      %swap3A_66 = vector.shape_cast %swap3A_65 : vector<1x16xf32> to vector<16xf32>
      %swap3A_67 = vector.shape_cast %broadcast_in_dim3A_62 : vector<16xf32> to vector<1x16xf32>
      tpu.vector_store %arg9[%swap3A_63, %swap3A_64], %swap3A_67 {strides = array<i32>} : memref<16x128xf32, #tpu.memory_space<vmem>>, vector<1x16xf32>,
      %broadcast_in_dim3A_68 = arith.constant 0.000000e+00 : f32
      %broadcast_in_dim3A_69 = vector.broadcast %broadcast_in_dim3A_68 : f32 to vector<16xf32>
      %swap3A_70 = arith.index_cast %scan3A_27 : i32 to index
      %swap3A_71 = arith.constant 96 : index
      %swap3A_72 = tpu.vector_load %arg9[%swap3A_70, %swap3A_71] {strides = array<i32>} : memref<16x128xf32, #tpu.memory_space<vmem>>, vector<1x16xf32>,
      %swap3A_73 = vector.shape_cast %swap3A_72 : vector<1x16xf32> to vector<16xf32>
      %swap3A_74 = vector.shape_cast %broadcast_in_dim3A_69 : vector<16xf32> to vector<1x16xf32>
      tpu.vector_store %arg9[%swap3A_70, %swap3A_71], %swap3A_74 {strides = array<i32>} : memref<16x128xf32, #tpu.memory_space<vmem>>, vector<1x16xf32>,
      %broadcast_in_dim3A_75 = arith.constant 0.000000e+00 : f32
      %broadcast_in_dim3A_76 = vector.broadcast %broadcast_in_dim3A_75 : f32 to vector<16xf32>
      %swap3A_77 = arith.index_cast %scan3A_27 : i32 to index
      %swap3A_78 = arith.constant 112 : index
      %swap3A_79 = tpu.vector_load %arg9[%swap3A_77, %swap3A_78] {strides = array<i32>} : memref<16x128xf32, #tpu.memory_space<vmem>>, vector<1x16xf32>,
      %swap3A_80 = vector.shape_cast %swap3A_79 : vector<1x16xf32> to vector<16xf32>
      %swap3A_81 = vector.shape_cast %broadcast_in_dim3A_76 : vector<16xf32> to vector<1x16xf32>
      tpu.vector_store %arg9[%swap3A_77, %swap3A_78], %swap3A_81 {strides = array<i32>} : memref<16x128xf32, #tpu.memory_space<vmem>>, vector<1x16xf32>,
    }
    %scan3A_7 = arith.constant 16 : i32
    %scan3A_8 = arith.constant 0 : i32
    %scan3A_9 = arith.constant 0 : i32
    %scan3A_10 = arith.constant 40 : i32
    %scan3A_11 = arith.addi %scan3A_9, %scan3A_10 : i32
    %scan3A_12 = arith.constant 1 : i32
    scf.for %scan3A_27 = %scan3A_9 to %scan3A_11 step %scan3A_12  : i32 {
      %mul3A_28 = arith.constant 16 : i32
      %mul3A_29 = arith.muli %mul3A_28, %scan3A_27 : i32
      %add3A_30 = arith.addi %mul3A_2, %mul3A_29 : i32
      "tpu.region"() ({
        %run_scoped3A = tpu.sem_alloc : memref<!tpu.dma_semaphore, #tpu.memory_space<semaphore_mem>>
        %dma_start3A = arith.constant 0 : i32
        %dma_start3A_31 = tpu.memref_slice %arg11[%add3A_30, %dma_start3A] : memref<10240x128xf32, #tpu.memory_space<vmem_shared>> -> memref<16x128xf32, #tpu.memory_space<vmem_shared>>
        %dma_start3A_32 = arith.constant 0 : i32
        %dma_start3A_33 = tpu.memref_slice %arg11[%add3A_30, %dma_start3A_32] : memref<10240x128xf32, #tpu.memory_space<vmem_shared>> -> memref<16x128xf32, #tpu.memory_space<vmem_shared>>
        tpu.enqueue_dma source(%arg9 : memref<16x128xf32, #tpu.memory_space<vmem>>) target(%dma_start3A_33 : memref<16x128xf32, #tpu.memory_space<vmem_shared>>) target_semaphore(%run_scoped3A : memref<!tpu.dma_semaphore, #tpu.memory_space<semaphore_mem>>)
        %dma_wait3A = arith.constant 0 : i32
        %dma_wait3A_34 = tpu.memref_slice %arg11[%add3A_30, %dma_wait3A] : memref<10240x128xf32, #tpu.memory_space<vmem_shared>> -> memref<16x128xf32, #tpu.memory_space<vmem_shared>>
        %dma_wait3A_35 = arith.constant 0 : i32
        %dma_wait3A_36 = tpu.memref_slice %arg11[%add3A_30, %dma_wait3A_35] : memref<10240x128xf32, #tpu.memory_space<vmem_shared>> -> memref<16x128xf32, #tpu.memory_space<vmem_shared>>
        tpu.wait_dma2 semaphore(%run_scoped3A : memref<!tpu.dma_semaphore, #tpu.memory_space<semaphore_mem>>) src(%arg9 : memref<16x128xf32, #tpu.memory_space<vmem>>) dst(%dma_wait3A_36 : memref<16x128xf32, #tpu.memory_space<vmem_shared>>)
        tpu.yield
      }) : () -> ()
    }
    %scan3A_13 = arith.constant 40 : i32
    "tpu.region"() ({
      %run_scoped3A = tpu.sem_alloc : memref<!tpu.dma_semaphore, #tpu.memory_space<semaphore_mem>>
      %dma_start3A = arith.constant 0 : i32
      %dma_start3A_27 = arith.constant 0 : i32
      %dma_start3A_28 = tpu.memref_slice %arg3[%add3A, %dma_start3A, %dma_start3A_27] : memref<32x79x128xi32, #tpu.memory_space<hbm>> -> memref<1x79x128xi32, #tpu.memory_space<hbm>>
      %dma_start3A_29 = tpu.memref_squeeze %dma_start3A_28 : memref<1x79x128xi32, #tpu.memory_space<hbm>> -> memref<79x128xi32, #tpu.memory_space<hbm>>
      %dma_start3A_30 = arith.constant 0 : i32
      %dma_start3A_31 = arith.constant 0 : i32
      %dma_start3A_32 = tpu.memref_slice %arg3[%add3A, %dma_start3A_30, %dma_start3A_31] : memref<32x79x128xi32, #tpu.memory_space<hbm>> -> memref<1x79x128xi32, #tpu.memory_space<hbm>>
      %dma_start3A_33 = tpu.memref_squeeze %dma_start3A_32 : memref<1x79x128xi32, #tpu.memory_space<hbm>> -> memref<79x128xi32, #tpu.memory_space<hbm>>
      tpu.enqueue_dma source(%dma_start3A_33 : memref<79x128xi32, #tpu.memory_space<hbm>>) target(%arg6 : memref<79x128xi32, #tpu.memory_space<vmem>>) target_semaphore(%run_scoped3A : memref<!tpu.dma_semaphore, #tpu.memory_space<semaphore_mem>>)
      %dma_wait3A = arith.constant 0 : i32
      %dma_wait3A_34 = arith.constant 0 : i32
      %dma_wait3A_35 = tpu.memref_slice %arg3[%add3A, %dma_wait3A, %dma_wait3A_34] : memref<32x79x128xi32, #tpu.memory_space<hbm>> -> memref<1x79x128xi32, #tpu.memory_space<hbm>>
      %dma_wait3A_36 = tpu.memref_squeeze %dma_wait3A_35 : memref<1x79x128xi32, #tpu.memory_space<hbm>> -> memref<79x128xi32, #tpu.memory_space<hbm>>
      %dma_wait3A_37 = arith.constant 0 : i32
      %dma_wait3A_38 = arith.constant 0 : i32
      %dma_wait3A_39 = tpu.memref_slice %arg3[%add3A, %dma_wait3A_37, %dma_wait3A_38] : memref<32x79x128xi32, #tpu.memory_space<hbm>> -> memref<1x79x128xi32, #tpu.memory_space<hbm>>
      %dma_wait3A_40 = tpu.memref_squeeze %dma_wait3A_39 : memref<1x79x128xi32, #tpu.memory_space<hbm>> -> memref<79x128xi32, #tpu.memory_space<hbm>>
      tpu.wait_dma2 semaphore(%run_scoped3A : memref<!tpu.dma_semaphore, #tpu.memory_space<semaphore_mem>>) src(%dma_wait3A_40 : memref<79x128xi32, #tpu.memory_space<hbm>>) dst(%arg6 : memref<79x128xi32, #tpu.memory_space<vmem>>)
      tpu.yield
    }) : () -> ()
    "tpu.region"() ({
      %run_scoped3A = tpu.sem_alloc : memref<!tpu.dma_semaphore, #tpu.memory_space<semaphore_mem>>
      %dma_start3A = arith.constant 0 : i32
      %dma_start3A_27 = arith.constant 0 : i32
      %dma_start3A_28 = tpu.memref_slice %arg4[%add3A, %dma_start3A, %dma_start3A_27] : memref<32x79x128xi32, #tpu.memory_space<hbm>> -> memref<1x79x128xi32, #tpu.memory_space<hbm>>
      %dma_start3A_29 = tpu.memref_squeeze %dma_start3A_28 : memref<1x79x128xi32, #tpu.memory_space<hbm>> -> memref<79x128xi32, #tpu.memory_space<hbm>>
      %dma_start3A_30 = arith.constant 0 : i32
      %dma_start3A_31 = arith.constant 0 : i32
      %dma_start3A_32 = tpu.memref_slice %arg4[%add3A, %dma_start3A_30, %dma_start3A_31] : memref<32x79x128xi32, #tpu.memory_space<hbm>> -> memref<1x79x128xi32, #tpu.memory_space<hbm>>
      %dma_start3A_33 = tpu.memref_squeeze %dma_start3A_32 : memref<1x79x128xi32, #tpu.memory_space<hbm>> -> memref<79x128xi32, #tpu.memory_space<hbm>>
      tpu.enqueue_dma source(%dma_start3A_33 : memref<79x128xi32, #tpu.memory_space<hbm>>) target(%arg7 : memref<79x128xi32, #tpu.memory_space<vmem>>) target_semaphore(%run_scoped3A : memref<!tpu.dma_semaphore, #tpu.memory_space<semaphore_mem>>)
      %dma_wait3A = arith.constant 0 : i32
      %dma_wait3A_34 = arith.constant 0 : i32
      %dma_wait3A_35 = tpu.memref_slice %arg4[%add3A, %dma_wait3A, %dma_wait3A_34] : memref<32x79x128xi32, #tpu.memory_space<hbm>> -> memref<1x79x128xi32, #tpu.memory_space<hbm>>
      %dma_wait3A_36 = tpu.memref_squeeze %dma_wait3A_35 : memref<1x79x128xi32, #tpu.memory_space<hbm>> -> memref<79x128xi32, #tpu.memory_space<hbm>>
      %dma_wait3A_37 = arith.constant 0 : i32
      %dma_wait3A_38 = arith.constant 0 : i32
      %dma_wait3A_39 = tpu.memref_slice %arg4[%add3A, %dma_wait3A_37, %dma_wait3A_38] : memref<32x79x128xi32, #tpu.memory_space<hbm>> -> memref<1x79x128xi32, #tpu.memory_space<hbm>>
      %dma_wait3A_40 = tpu.memref_squeeze %dma_wait3A_39 : memref<1x79x128xi32, #tpu.memory_space<hbm>> -> memref<79x128xi32, #tpu.memory_space<hbm>>
      tpu.wait_dma2 semaphore(%run_scoped3A : memref<!tpu.dma_semaphore, #tpu.memory_space<semaphore_mem>>) src(%dma_wait3A_40 : memref<79x128xi32, #tpu.memory_space<hbm>>) dst(%arg7 : memref<79x128xi32, #tpu.memory_space<vmem>>)
      tpu.yield
    }) : () -> ()
    %barrier3A = arith.constant 0 : index
    tpu.barrier barrier_id(%barrier3A)
    %scan3A_14 = arith.constant 0 : i32
    %scan3A_15 = arith.constant 0 : i32
    %scan3A_16 = arith.constant 79 : i32
    %scan3A_17 = arith.addi %scan3A_15, %scan3A_16 : i32
    %scan3A_18 = arith.constant 1 : i32
    scf.for %scan3A_27 = %scan3A_15 to %scan3A_17 step %scan3A_18  : i32 {
      %dma_start3A = arith.constant 0 : i32
      %dma_start3A_28 = tpu.memref_slice %arg6[%scan3A_27, %dma_start3A] : memref<79x128xi32, #tpu.memory_space<vmem>> -> memref<1x128xi32, #tpu.memory_space<vmem>>
      %dma_start3A_29 = tpu.memref_squeeze %dma_start3A_28 : memref<1x128xi32, #tpu.memory_space<vmem>> -> memref<128xi32, #tpu.memory_space<vmem>>
      %dma_start3A_30 = arith.constant 0 : i32
      %dma_start3A_31 = arith.constant 0 : i32
      %dma_start3A_32 = tpu.memref_slice %arg2[%dma_start3A_30, %dma_start3A_31] : memref<10008x128xf32, #tpu.memory_space<hbm>> -> memref<10008x128xf32, #tpu.memory_space<hbm>>
      tpu.enqueue_indirect_dma source(%dma_start3A_32 : memref<10008x128xf32, #tpu.memory_space<hbm>>) target(%arg8 : memref<128x128xf32, #tpu.memory_space<vmem>>) offsets(%dma_start3A_29 : memref<128xi32, #tpu.memory_space<vmem>>) semaphore(%arg12 : memref<!tpu.dma_semaphore, #tpu.memory_space<semaphore_mem>>)
      %dma_wait3A = arith.constant 0 : i32
      %dma_wait3A_33 = tpu.memref_slice %arg6[%scan3A_27, %dma_wait3A] : memref<79x128xi32, #tpu.memory_space<vmem>> -> memref<1x128xi32, #tpu.memory_space<vmem>>
      %dma_wait3A_34 = tpu.memref_squeeze %dma_wait3A_33 : memref<1x128xi32, #tpu.memory_space<vmem>> -> memref<128xi32, #tpu.memory_space<vmem>>
      %dma_wait3A_35 = arith.constant 0 : i32
      %dma_wait3A_36 = arith.constant 0 : i32
      %dma_wait3A_37 = tpu.memref_slice %arg2[%dma_wait3A_35, %dma_wait3A_36] : memref<10008x128xf32, #tpu.memory_space<hbm>> -> memref<10008x128xf32, #tpu.memory_space<hbm>>
      tpu.wait_indirect_dma semaphore(%arg12 : memref<!tpu.dma_semaphore, #tpu.memory_space<semaphore_mem>>) src(%dma_wait3A_37 : memref<10008x128xf32, #tpu.memory_space<hbm>>) dst(%arg8 : memref<128x128xf32, #tpu.memory_space<vmem>>)
      "tpu.region"() ({
        %run_scoped3A = tpu.sem_alloc : memref<!tpu.dma_semaphore, #tpu.memory_space<semaphore_mem>>
        %dma_start3A_38 = arith.constant 0 : i32
        %dma_start3A_39 = tpu.memref_slice %arg7[%scan3A_27, %dma_start3A_38] : memref<79x128xi32, #tpu.memory_space<vmem>> -> memref<1x128xi32, #tpu.memory_space<vmem>>
        %dma_start3A_40 = tpu.memref_squeeze %dma_start3A_39 : memref<1x128xi32, #tpu.memory_space<vmem>> -> memref<128xi32, #tpu.memory_space<vmem>>
        %dma_start3A_41 = arith.constant 0 : i32
        %dma_start3A_42 = arith.constant 0 : i32
        %dma_start3A_43 = tpu.memref_slice %arg11[%dma_start3A_41, %dma_start3A_42] : memref<10240x128xf32, #tpu.memory_space<vmem_shared>> -> memref<10240x128xf32, #tpu.memory_space<vmem_shared>>
        tpu.enqueue_indirect_dma source(%arg8 : memref<128x128xf32, #tpu.memory_space<vmem>>) target(%dma_start3A_43 : memref<10240x128xf32, #tpu.memory_space<vmem_shared>>) offsets(%dma_start3A_40 : memref<128xi32, #tpu.memory_space<vmem>>) semaphore(%run_scoped3A : memref<!tpu.dma_semaphore, #tpu.memory_space<semaphore_mem>>) {add = true}
        %dma_wait3A_44 = arith.constant 0 : i32
        %dma_wait3A_45 = tpu.memref_slice %arg7[%scan3A_27, %dma_wait3A_44] : memref<79x128xi32, #tpu.memory_space<vmem>> -> memref<1x128xi32, #tpu.memory_space<vmem>>
        %dma_wait3A_46 = tpu.memref_squeeze %dma_wait3A_45 : memref<1x128xi32, #tpu.memory_space<vmem>> -> memref<128xi32, #tpu.memory_space<vmem>>
        %dma_wait3A_47 = arith.constant 0 : i32
        %dma_wait3A_48 = arith.constant 0 : i32
        %dma_wait3A_49 = tpu.memref_slice %arg11[%dma_wait3A_47, %dma_wait3A_48] : memref<10240x128xf32, #tpu.memory_space<vmem_shared>> -> memref<10240x128xf32, #tpu.memory_space<vmem_shared>>
        tpu.wait_indirect_dma semaphore(%run_scoped3A : memref<!tpu.dma_semaphore, #tpu.memory_space<semaphore_mem>>) src(%arg8 : memref<128x128xf32, #tpu.memory_space<vmem>>) dst(%dma_wait3A_49 : memref<10240x128xf32, #tpu.memory_space<vmem_shared>>)
        tpu.yield
      }) : () -> ()
    }
    %scan3A_19 = arith.constant 79 : i32
    %barrier3A_20 = arith.constant 0 : index
    tpu.barrier barrier_id(%barrier3A_20)
    %scan3A_21 = arith.constant 0 : i32
    %scan3A_22 = arith.constant 0 : i32
    %scan3A_23 = arith.constant 40 : i32
    %scan3A_24 = arith.addi %scan3A_22, %scan3A_23 : i32
    %scan3A_25 = arith.constant 1 : i32
    scf.for %scan3A_27 = %scan3A_22 to %scan3A_24 step %scan3A_25  : i32 {
      %mul3A_28 = arith.constant 640 : i32
      %mul3A_29 = arith.muli %arg1, %mul3A_28 : i32
      %mul3A_30 = arith.constant 16 : i32
      %mul3A_31 = arith.muli %mul3A_30, %scan3A_27 : i32
      %add3A_32 = arith.addi %mul3A_29, %mul3A_31 : i32
      "tpu.region"() ({
        %run_scoped3A = tpu.sem_alloc : memref<!tpu.dma_semaphore, #tpu.memory_space<semaphore_mem>>
        %dma_start3A = arith.constant 0 : i32
        %dma_start3A_41 = tpu.memref_slice %arg11[%add3A_32, %dma_start3A] : memref<10240x128xf32, #tpu.memory_space<vmem_shared>> -> memref<16x128xf32, #tpu.memory_space<vmem_shared>>
        %dma_start3A_42 = arith.constant 0 : i32
        %dma_start3A_43 = tpu.memref_slice %arg11[%add3A_32, %dma_start3A_42] : memref<10240x128xf32, #tpu.memory_space<vmem_shared>> -> memref<16x128xf32, #tpu.memory_space<vmem_shared>>
        tpu.enqueue_dma source(%dma_start3A_43 : memref<16x128xf32, #tpu.memory_space<vmem_shared>>) target(%arg10 : memref<16x128xf32, #tpu.memory_space<vmem>>) target_semaphore(%run_scoped3A : memref<!tpu.dma_semaphore, #tpu.memory_space<semaphore_mem>>)
        %dma_wait3A = arith.constant 0 : i32
        %dma_wait3A_44 = tpu.memref_slice %arg11[%add3A_32, %dma_wait3A] : memref<10240x128xf32, #tpu.memory_space<vmem_shared>> -> memref<16x128xf32, #tpu.memory_space<vmem_shared>>
        %dma_wait3A_45 = arith.constant 0 : i32
        %dma_wait3A_46 = tpu.memref_slice %arg11[%add3A_32, %dma_wait3A_45] : memref<10240x128xf32, #tpu.memory_space<vmem_shared>> -> memref<16x128xf32, #tpu.memory_space<vmem_shared>>
        tpu.wait_dma2 semaphore(%run_scoped3A : memref<!tpu.dma_semaphore, #tpu.memory_space<semaphore_mem>>) src(%dma_wait3A_46 : memref<16x128xf32, #tpu.memory_space<vmem_shared>>) dst(%arg10 : memref<16x128xf32, #tpu.memory_space<vmem>>)
        tpu.yield
      }) : () -> ()
      %mul3A_33 = arith.constant 10240 : i32
      %mul3A_34 = arith.muli %arg0, %mul3A_33 : i32
      %mul3A_35 = arith.constant 640 : i32
      %mul3A_36 = arith.muli %arg1, %mul3A_35 : i32
      %add3A_37 = arith.addi %mul3A_34, %mul3A_36 : i32
      %mul3A_38 = arith.constant 16 : i32
      %mul3A_39 = arith.muli %mul3A_38, %scan3A_27 : i32
      %add3A_40 = arith.addi %add3A_37, %mul3A_39 : i32
      "tpu.region"() ({
        %run_scoped3A = tpu.sem_alloc : memref<!tpu.dma_semaphore, #tpu.memory_space<semaphore_mem>>
        %dma_start3A = arith.constant 0 : i32
        %dma_start3A_41 = tpu.memref_slice %arg5[%add3A_40, %dma_start3A] : memref<20480x128xf32, #tpu.memory_space<hbm>> -> memref<16x128xf32, #tpu.memory_space<hbm>>
        %dma_start3A_42 = arith.constant 0 : i32
        %dma_start3A_43 = tpu.memref_slice %arg5[%add3A_40, %dma_start3A_42] : memref<20480x128xf32, #tpu.memory_space<hbm>> -> memref<16x128xf32, #tpu.memory_space<hbm>>
        tpu.enqueue_dma source(%arg10 : memref<16x128xf32, #tpu.memory_space<vmem>>) target(%dma_start3A_43 : memref<16x128xf32, #tpu.memory_space<hbm>>) target_semaphore(%run_scoped3A : memref<!tpu.dma_semaphore, #tpu.memory_space<semaphore_mem>>)
        %dma_wait3A = arith.constant 0 : i32
        %dma_wait3A_44 = tpu.memref_slice %arg5[%add3A_40, %dma_wait3A] : memref<20480x128xf32, #tpu.memory_space<hbm>> -> memref<16x128xf32, #tpu.memory_space<hbm>>
        %dma_wait3A_45 = arith.constant 0 : i32
        %dma_wait3A_46 = tpu.memref_slice %arg5[%add3A_40, %dma_wait3A_45] : memref<20480x128xf32, #tpu.memory_space<hbm>> -> memref<16x128xf32, #tpu.memory_space<hbm>>
        tpu.wait_dma2 semaphore(%run_scoped3A : memref<!tpu.dma_semaphore, #tpu.memory_space<semaphore_mem>>) src(%arg10 : memref<16x128xf32, #tpu.memory_space<vmem>>) dst(%dma_wait3A_46 : memref<16x128xf32, #tpu.memory_space<hbm>>)
        tpu.yield
      }) : () -> ()
    }
    %scan3A_26 = arith.constant 40 : i32
    return
  }
}

module attributes {stable_mosaic.version = 14 : i64} {
  func.func @_mm_kernel(%arg0: i32, %arg1: memref<2000x128xf32, #tpu.memory_space<vmem>>, %arg2: memref<128x128xf32, #tpu.memory_space<vmem>>, %arg3: memref<2000x128xf32, #tpu.memory_space<vmem>>) attributes {dimension_semantics = [#tpu.dimension_semantics<arbitrary>], iteration_bounds = array<i64: 16>, scalar_prefetch = 0 : i64, scratch_operands = 0 : i64, tpu.core_type = #tpu.core_type<tc>, window_params = [{transform_indices = @transform_0, window_bounds = array<i64: 2000, 128>}, {pipeline_mode = #tpu.pipeline_mode<synchronous>, transform_indices = @transform_1, window_bounds = array<i64: 128, 128>}, {transform_indices = @transform_2, window_bounds = array<i64: 2000, 128>}]} {
    %get3A = arith.constant 0 : index
    %get3A_0 = arith.constant 0 : index
    %get3A_1 = vector.load %arg1[%get3A, %get3A_0] : memref<2000x128xf32, #tpu.memory_space<vmem>>, vector<2000x128xf32>
    %get3A_2 = arith.constant 0 : index
    %get3A_3 = arith.constant 0 : index
    %get3A_4 = vector.load %arg2[%get3A_2, %get3A_3] : memref<128x128xf32, #tpu.memory_space<vmem>>, vector<128x128xf32>
    %dot_general3A = arith.constant dense<0.000000e+00> : vector<2000x128xf32>
    %dot_general3A_5 = tpu.matmul %get3A_1, %get3A_4, %dot_general3A {dimension_numbers = #tpu.dot_dimension_numbers<[1], [0], [0], [1], [0, 0, 1, 1], [], []>, transpose_lhs_hint = false} : vector<2000x128xf32>, vector<128x128xf32>, vector<2000x128xf32> -> vector<2000x128xf32>
    %swap3A = arith.constant 0 : index
    %swap3A_6 = arith.constant 0 : index
    %swap3A_7 = vector.load %arg3[%swap3A, %swap3A_6] : memref<2000x128xf32, #tpu.memory_space<vmem>>, vector<2000x128xf32>
    tpu.vector_store %arg3[%swap3A, %swap3A_6], %dot_general3A_5 {strides = array<i32>} : memref<2000x128xf32, #tpu.memory_space<vmem>>, vector<2000x128xf32>,
    return
  }
  func.func @transform_0(%arg0: i32) -> (i32, i32) {
    %c0_i32 = arith.constant 0 : i32
    %c0_i32_0 = arith.constant 0 : i32
    return %arg0, %c0_i32 : i32, i32
  }
  func.func @transform_1(%arg0: i32) -> (i32, i32) {
    %c0_i32 = arith.constant 0 : i32
    %c0_i32_0 = arith.constant 0 : i32
    %c0_i32_1 = arith.constant 0 : i32
    return %c0_i32, %c0_i32_0 : i32, i32
  }
  func.func @transform_2(%arg0: i32) -> (i32, i32) {
    %c0_i32 = arith.constant 0 : i32
    %c0_i32_0 = arith.constant 0 : i32
    return %arg0, %c0_i32 : i32, i32
  }
}

module attributes {stable_mosaic.version = 14 : i64} {
  func.func @_mm_kernel(%arg0: i32, %arg1: memref<2000x128xf32, #tpu.memory_space<vmem>>, %arg2: memref<128x136xf32, #tpu.memory_space<vmem>>, %arg3: memref<2000x136xf32, #tpu.memory_space<vmem>>) attributes {dimension_semantics = [#tpu.dimension_semantics<arbitrary>], iteration_bounds = array<i64: 16>, scalar_prefetch = 0 : i64, scratch_operands = 0 : i64, tpu.core_type = #tpu.core_type<tc>, window_params = [{transform_indices = @transform_0, window_bounds = array<i64: 2000, 128>}, {pipeline_mode = #tpu.pipeline_mode<synchronous>, transform_indices = @transform_1, window_bounds = array<i64: 128, 136>}, {transform_indices = @transform_2, window_bounds = array<i64: 2000, 136>}]} {
    %get3A = arith.constant 0 : index
    %get3A_0 = arith.constant 0 : index
    %get3A_1 = vector.load %arg1[%get3A, %get3A_0] : memref<2000x128xf32, #tpu.memory_space<vmem>>, vector<2000x128xf32>
    %get3A_2 = arith.constant 0 : index
    %get3A_3 = arith.constant 0 : index
    %get3A_4 = vector.load %arg2[%get3A_2, %get3A_3] : memref<128x136xf32, #tpu.memory_space<vmem>>, vector<128x136xf32>
    %dot_general3A = arith.constant dense<0.000000e+00> : vector<2000x136xf32>
    %dot_general3A_5 = tpu.matmul %get3A_1, %get3A_4, %dot_general3A {dimension_numbers = #tpu.dot_dimension_numbers<[1], [0], [0], [1], [0, 0, 1, 1], [], []>, transpose_lhs_hint = false} : vector<2000x128xf32>, vector<128x136xf32>, vector<2000x136xf32> -> vector<2000x136xf32>
    %swap3A = arith.constant 0 : index
    %swap3A_6 = arith.constant 0 : index
    %swap3A_7 = vector.load %arg3[%swap3A, %swap3A_6] : memref<2000x136xf32, #tpu.memory_space<vmem>>, vector<2000x136xf32>
    tpu.vector_store %arg3[%swap3A, %swap3A_6], %dot_general3A_5 {strides = array<i32>} : memref<2000x136xf32, #tpu.memory_space<vmem>>, vector<2000x136xf32>,
    return
  }
  func.func @transform_0(%arg0: i32) -> (i32, i32) {
    %c0_i32 = arith.constant 0 : i32
    %c0_i32_0 = arith.constant 0 : i32
    return %arg0, %c0_i32 : i32, i32
  }
  func.func @transform_1(%arg0: i32) -> (i32, i32) {
    %c0_i32 = arith.constant 0 : i32
    %c0_i32_0 = arith.constant 0 : i32
    %c0_i32_1 = arith.constant 0 : i32
    return %c0_i32, %c0_i32_0 : i32, i32
  }
  func.func @transform_2(%arg0: i32) -> (i32, i32) {
    %c0_i32 = arith.constant 0 : i32
    %c0_i32_0 = arith.constant 0 : i32
    return %arg0, %c0_i32 : i32, i32
  }
}

module attributes {stable_mosaic.version = 14 : i64} {
  func.func @_mm_kernel(%arg0: i32, %arg1: memref<2000x128xf32, #tpu.memory_space<vmem>>, %arg2: memref<128x128xf32, #tpu.memory_space<vmem>>, %arg3: memref<2000x128xf32, #tpu.memory_space<vmem>>) attributes {dimension_semantics = [#tpu.dimension_semantics<arbitrary>], iteration_bounds = array<i64: 8>, scalar_prefetch = 0 : i64, scratch_operands = 0 : i64, tpu.core_type = #tpu.core_type<tc>, window_params = [{transform_indices = @transform_0, window_bounds = array<i64: 2000, 128>}, {pipeline_mode = #tpu.pipeline_mode<synchronous>, transform_indices = @transform_1, window_bounds = array<i64: 128, 128>}, {transform_indices = @transform_2, window_bounds = array<i64: 2000, 128>}]} {
    %get3A = arith.constant 0 : index
    %get3A_0 = arith.constant 0 : index
    %get3A_1 = vector.load %arg1[%get3A, %get3A_0] : memref<2000x128xf32, #tpu.memory_space<vmem>>, vector<2000x128xf32>
    %get3A_2 = arith.constant 0 : index
    %get3A_3 = arith.constant 0 : index
    %get3A_4 = vector.load %arg2[%get3A_2, %get3A_3] : memref<128x128xf32, #tpu.memory_space<vmem>>, vector<128x128xf32>
    %dot_general3A = arith.constant dense<0.000000e+00> : vector<2000x128xf32>
    %dot_general3A_5 = tpu.matmul %get3A_1, %get3A_4, %dot_general3A {dimension_numbers = #tpu.dot_dimension_numbers<[1], [0], [0], [1], [0, 0, 1, 1], [], []>, transpose_lhs_hint = false} : vector<2000x128xf32>, vector<128x128xf32>, vector<2000x128xf32> -> vector<2000x128xf32>
    %swap3A = arith.constant 0 : index
    %swap3A_6 = arith.constant 0 : index
    %swap3A_7 = vector.load %arg3[%swap3A, %swap3A_6] : memref<2000x128xf32, #tpu.memory_space<vmem>>, vector<2000x128xf32>
    tpu.vector_store %arg3[%swap3A, %swap3A_6], %dot_general3A_5 {strides = array<i32>} : memref<2000x128xf32, #tpu.memory_space<vmem>>, vector<2000x128xf32>,
    return
  }
  func.func @transform_0(%arg0: i32) -> (i32, i32) {
    %c0_i32 = arith.constant 0 : i32
    %c0_i32_0 = arith.constant 0 : i32
    return %arg0, %c0_i32 : i32, i32
  }
  func.func @transform_1(%arg0: i32) -> (i32, i32) {
    %c0_i32 = arith.constant 0 : i32
    %c0_i32_0 = arith.constant 0 : i32
    %c0_i32_1 = arith.constant 0 : i32
    return %c0_i32, %c0_i32_0 : i32, i32
  }
  func.func @transform_2(%arg0: i32) -> (i32, i32) {
    %c0_i32 = arith.constant 0 : i32
    %c0_i32_0 = arith.constant 0 : i32
    return %arg0, %c0_i32 : i32, i32
  }
}

module attributes {stable_mosaic.version = 14 : i64} {
  func.func @_mm_kernel(%arg0: i32, %arg1: memref<2000x16xf32, #tpu.memory_space<vmem>>, %arg2: memref<16x256xf32, #tpu.memory_space<vmem>>, %arg3: memref<2000x256xf32, #tpu.memory_space<vmem>>) attributes {dimension_semantics = [#tpu.dimension_semantics<arbitrary>], iteration_bounds = array<i64: 5>, scalar_prefetch = 0 : i64, scratch_operands = 0 : i64, tpu.core_type = #tpu.core_type<tc>, window_params = [{transform_indices = @transform_0, window_bounds = array<i64: 2000, 16>}, {pipeline_mode = #tpu.pipeline_mode<synchronous>, transform_indices = @transform_1, window_bounds = array<i64: 16, 256>}, {transform_indices = @transform_2, window_bounds = array<i64: 2000, 256>}]} {
    %get3A = arith.constant 0 : index
    %get3A_0 = arith.constant 0 : index
    %get3A_1 = vector.load %arg1[%get3A, %get3A_0] : memref<2000x16xf32, #tpu.memory_space<vmem>>, vector<2000x16xf32>
    %get3A_2 = arith.constant 0 : index
    %get3A_3 = arith.constant 0 : index
    %get3A_4 = vector.load %arg2[%get3A_2, %get3A_3] : memref<16x256xf32, #tpu.memory_space<vmem>>, vector<16x256xf32>
    %dot_general3A = arith.constant dense<0.000000e+00> : vector<2000x256xf32>
    %dot_general3A_5 = tpu.matmul %get3A_1, %get3A_4, %dot_general3A {dimension_numbers = #tpu.dot_dimension_numbers<[1], [0], [0], [1], [0, 0, 1, 1], [], []>, transpose_lhs_hint = false} : vector<2000x16xf32>, vector<16x256xf32>, vector<2000x256xf32> -> vector<2000x256xf32>
    %swap3A = arith.constant 0 : index
    %swap3A_6 = arith.constant 0 : index
    %swap3A_7 = vector.load %arg3[%swap3A, %swap3A_6] : memref<2000x256xf32, #tpu.memory_space<vmem>>, vector<2000x256xf32>
    tpu.vector_store %arg3[%swap3A, %swap3A_6], %dot_general3A_5 {strides = array<i32>} : memref<2000x256xf32, #tpu.memory_space<vmem>>, vector<2000x256xf32>,
    return
  }
  func.func @transform_0(%arg0: i32) -> (i32, i32) {
    %c0_i32 = arith.constant 0 : i32
    %c0_i32_0 = arith.constant 0 : i32
    return %arg0, %c0_i32 : i32, i32
  }
  func.func @transform_1(%arg0: i32) -> (i32, i32) {
    %c0_i32 = arith.constant 0 : i32
    %c0_i32_0 = arith.constant 0 : i32
    %c0_i32_1 = arith.constant 0 : i32
    return %c0_i32, %c0_i32_0 : i32, i32
  }
  func.func @transform_2(%arg0: i32) -> (i32, i32) {
    %c0_i32 = arith.constant 0 : i32
    %c0_i32_0 = arith.constant 0 : i32
    return %arg0, %c0_i32 : i32, i32
  }
}

module attributes {stable_mosaic.version = 14 : i64} {
  func.func @_mm_kernel(%arg0: i32, %arg1: memref<2000x384xf32, #tpu.memory_space<vmem>>, %arg2: memref<384x64xf32, #tpu.memory_space<vmem>>, %arg3: memref<2000x64xf32, #tpu.memory_space<vmem>>) attributes {dimension_semantics = [#tpu.dimension_semantics<arbitrary>], iteration_bounds = array<i64: 5>, scalar_prefetch = 0 : i64, scratch_operands = 0 : i64, tpu.core_type = #tpu.core_type<tc>, window_params = [{transform_indices = @transform_0, window_bounds = array<i64: 2000, 384>}, {pipeline_mode = #tpu.pipeline_mode<synchronous>, transform_indices = @transform_1, window_bounds = array<i64: 384, 64>}, {transform_indices = @transform_2, window_bounds = array<i64: 2000, 64>}]} {
    %get3A = arith.constant 0 : index
    %get3A_0 = arith.constant 0 : index
    %get3A_1 = vector.load %arg1[%get3A, %get3A_0] : memref<2000x384xf32, #tpu.memory_space<vmem>>, vector<2000x384xf32>
    %get3A_2 = arith.constant 0 : index
    %get3A_3 = arith.constant 0 : index
    %get3A_4 = vector.load %arg2[%get3A_2, %get3A_3] : memref<384x64xf32, #tpu.memory_space<vmem>>, vector<384x64xf32>
    %dot_general3A = arith.constant dense<0.000000e+00> : vector<2000x64xf32>
    %dot_general3A_5 = tpu.matmul %get3A_1, %get3A_4, %dot_general3A {dimension_numbers = #tpu.dot_dimension_numbers<[1], [0], [0], [1], [0, 0, 1, 1], [], []>, transpose_lhs_hint = false} : vector<2000x384xf32>, vector<384x64xf32>, vector<2000x64xf32> -> vector<2000x64xf32>
    %swap3A = arith.constant 0 : index
    %swap3A_6 = arith.constant 0 : index
    %swap3A_7 = vector.load %arg3[%swap3A, %swap3A_6] : memref<2000x64xf32, #tpu.memory_space<vmem>>, vector<2000x64xf32>
    tpu.vector_store %arg3[%swap3A, %swap3A_6], %dot_general3A_5 {strides = array<i32>} : memref<2000x64xf32, #tpu.memory_space<vmem>>, vector<2000x64xf32>,
    return
  }
  func.func @transform_0(%arg0: i32) -> (i32, i32) {
    %c0_i32 = arith.constant 0 : i32
    %c0_i32_0 = arith.constant 0 : i32
    return %arg0, %c0_i32 : i32, i32
  }
  func.func @transform_1(%arg0: i32) -> (i32, i32) {
    %c0_i32 = arith.constant 0 : i32
    %c0_i32_0 = arith.constant 0 : i32
    %c0_i32_1 = arith.constant 0 : i32
    return %c0_i32, %c0_i32_0 : i32, i32
  }
  func.func @transform_2(%arg0: i32) -> (i32, i32) {
    %c0_i32 = arith.constant 0 : i32
    %c0_i32_0 = arith.constant 0 : i32
    return %arg0, %c0_i32 : i32, i32
  }
}

</mosaic_0001>

<sc_bundles>
// kernel: gather_offload_async_start
scs
__scs_entry_jumppad:
0x0: {  	(pc) =	sbr.rel $0x88, $3  }
0x1: {  	(tag) =	ssettag $0x0;
	lr =	simm.s32 $0x1  }
0x2: {  	[smem:$0x3F8F] =	sst lr;
	_ =	strace $0xD0000000  }
0x3: {  	_ = 	snop  }
0x4: {  	_ = 	snop  }
0x5: {  	_ = 	snop  }
0x6: {  	_ = 	snop  }
0x7: {  	_ = 	snop  }
__scs_overlays_trampoline_lowered:
0x8: {  	[smem:$0x3F9E] =	sst s0  }
0x9: {  	[smem:$0x3F9F] =	sst s1  }
0xa: {  	[smem:$0x3FA0] =	sst s2  }
0xb: {  	[smem:$0x3FA1] =	sst s3  }
0xc: {  	[smem:$0x3FA2] =	sst s4  }
0xd: {  	[smem:$0x3FA3] =	sst s5  }
0xe: {  	[smem:$0x3FA4] =	sst s6  }
0xf: {  	[smem:$0x3FA5] =	sst s7  }
0x10: {  	[smem:$0x3FA6] =	sst s8  }
0x11: {  	[smem:$0x3FA7] =	sst s9;
	s0 =	simm.s32 @!p0 $0x0  }
0x12: {  	s1 =	sld [smem:$0x3F8D];
	s0 =	simm.s32 @p0 $0x1  }
0x13: {  	[smem:$0x3FA8] =	sst s0;
	s0 =	simm.s32 @!p1 $0x0  }
0x14: {  	s2 =	sld [smem:$0x3F8C];
	s0 =	simm.s32 @p1 $0x1  }
0x15: {  	[smem:$0x3FA9] =	sst s0;
	s0 =	simm.s32 @!p2 $0x0  }
0x16: {  	s3 =	sld [smem:$0x3FDB];
	s0 =	simm.s32 @p2 $0x1  }
0x17: {  	s4 =	simm.s32 $0x1BF5;
	[smem:$0x3FAB] =	sst s0  }
0x18: {  	s0 =	sld [smem:$0x3F8E];
	_ =	swait.ge [sflag:s4], $0x0  }
0x19: {  	s7 =	sld [smem:$0x3F8F]  }
0x1a: {  	s8 =	sadd.s32 $0xFFFFE003, lr  }
0x1b: {  	s9 =	sadd.s32 $0xFFFFFEF7, lr;
	s5 =	simm.s32 $0xFFFFFFFF;
	p2 =	slt.u32 s8, $0xFFFFF086  }
0x1c: {  	p1 =	slt.u32 s9, $0xF7A;
	s5 =	simm.s32 @!p2 $0x0  }
0x1d: {  	s5 =	simm.s32 @p1 $0x1;
	p0 =	seq.s32 s7, s2  }
0x1e: {  	s7 =	smul.u32 @!p0 $0xF7A, s2;
	p2 =	seq.s32 @!p0 s5, $0x0  }
0x1f: {  	s9 =	smul.u32 $0xF7A, s1;
	s8 =	simm.s32 @!p0 $0x1BF5;
	p2 =	por !p2, p0  }
0x20: {  	[sflag:s8] =	ssyncset.s32 @!p0 $0xFFFFF086;
	s6 =	sadd.s32 @!p0 s3, s7;
	s7 =	simm.s32 @!p0 $0x108  }
0x21: {  	s3 =	sadd.s32 s3, s9;
	s6 =	sadd.s32 @!p0 $0x88, s6;
	s7 =	simm.s32 @p2 $0x1082  }
0x22: {  	[simem:s7], [sflag:s8] =	dma.local @!p0 [hbm:s6], $0xF7A  }
0x23: {  	s9 =	sor.u32 $0xD0000000, s2;
	s6 =	simm.s32 $0x108;
	_ =	swait.ge @!p0 [sflag:s8], $0x0  }
0x24: {  	s3 =	sadd.s32 $0x88, s3;
	s6 =	simm.s32 @!p1 $0x1082;
	[sflag:s4] =	ssyncset.s32 $0xFFFFF086  }
0x25: {  	[simem:s6], [sflag:s4] =	dma.local [hbm:s3], $0xF7A  }
0x26: {  	[smem:$0x3F8F] =	sst s1;
	(tag) =	ssettag s2;
	_ =	strace s9  }
0x27: {  	s1 =	sld [smem:$0x3F9F]  }
0x28: {  	s2 =	sld [smem:$0x3FA0]  }
0x29: {  	s4 =	sld [smem:$0x3FA2]  }
0x2a: {  	p0 =	seq.s32 s5, $0x0;
	s5 =	sld [smem:$0x3FA3]  }
0x2b: {  	s6 =	sld [smem:$0x3FA4]  }
0x2c: {  	s7 =	sld [smem:$0x3FA5]  }
0x2d: {  	s3 =	simm.s32 $0x108;
	s8 =	sld [smem:$0x3FA6]  }
0x2e: {  	s3 =	simm.s32 @!p0 $0x1082;
	s9 =	sld [smem:$0x3FA7]  }
0x2f: {  	lr =	sadd.s32 s0, s3;
	s0 =	sld [smem:$0x3F9E]  }
0x30: {  	s3 =	sld [smem:$0x3FA1]  }
0x31: {  	[smem:$0x3FAA] =	sst s10  }
0x32: {  	s10 =	sld [smem:$0x3FA8];
	_ =	sdelay $0x3  }
0x33: {  	p0 =	seq.s32 s10, $0x1;
	s10 =	sld [smem:$0x3FAA];
	_ =	sdelay $0x3  }
0x34: {  	[smem:$0x3FAA] =	sst s10  }
0x35: {  	s10 =	sld [smem:$0x3FA9];
	_ =	sdelay $0x3  }
0x36: {  	p1 =	seq.s32 s10, $0x1;
	s10 =	sld [smem:$0x3FAA];
	_ =	sdelay $0x3  }
0x37: {  	[smem:$0x3FAA] =	sst s10  }
0x38: {  	s10 =	sld [smem:$0x3FAB]  }
0x39: {  	_ = 	snop;
	(pc) =	sbr.ind lr, $3  }
0x3a: {  	_ = 	snop  }
0x3b: {  	_ = 	snop  }
0x3c: {  	p2 =	seq.s32 s10, $0x1;
	s10 =	sld [smem:$0x3FAA]  }
0x3d: {  	_ =	shalt  }
0x3e: {  	_ =	shalt  }
0x3f: {  	_ =	shalt  }
0x40: {  	_ =	shalt  }
0x41: {  	_ =	shalt  }
0x42: {  	_ =	shalt  }
0x43: {  	_ =	shalt  }
0x44: {  	_ =	shalt  }
0x45: {  	_ =	shalt  }
0x46: {  	_ =	shalt  }
0x47: {  	_ =	shalt  }
0x48: {  	_ =	shalt  }
0x49: {  	_ =	shalt  }
0x4a: {  	_ =	shalt  }
0x4b: {  	_ =	shalt  }
0x4c: {  	_ =	shalt  }
0x4d: {  	_ =	shalt  }
0x4e: {  	_ =	shalt  }
0x4f: {  	_ =	shalt  }
0x50: {  	_ =	shalt  }
0x51: {  	_ =	shalt  }
0x52: {  	_ =	shalt  }
0x53: {  	_ =	shalt  }
0x54: {  	_ =	shalt  }
0x55: {  	_ =	shalt  }
0x56: {  	_ =	shalt  }
0x57: {  	_ =	shalt  }
0x58: {  	_ =	shalt  }
0x59: {  	_ =	shalt  }
0x5a: {  	_ =	shalt  }
0x5b: {  	_ =	shalt  }
0x5c: {  	_ =	shalt  }
0x5d: {  	_ =	shalt  }
0x5e: {  	_ =	shalt  }
0x5f: {  	_ =	shalt  }
0x60: {  	_ =	shalt  }
0x61: {  	_ =	shalt  }
0x62: {  	_ =	shalt  }
0x63: {  	_ =	shalt  }
0x64: {  	_ =	shalt  }
0x65: {  	_ =	shalt  }
0x66: {  	_ =	shalt  }
0x67: {  	_ =	shalt  }
0x68: {  	_ =	shalt  }
0x69: {  	_ =	shalt  }
0x6a: {  	_ =	shalt  }
0x6b: {  	_ =	shalt  }
0x6c: {  	_ =	shalt  }
0x6d: {  	_ =	shalt  }
0x6e: {  	_ =	shalt  }
0x6f: {  	_ =	shalt  }
0x70: {  	_ =	shalt  }
0x71: {  	_ =	shalt  }
0x72: {  	_ =	shalt  }
0x73: {  	_ =	shalt  }
0x74: {  	_ =	shalt  }
0x75: {  	_ =	shalt  }
0x76: {  	_ =	shalt  }
0x77: {  	_ =	shalt  }
0x78: {  	_ =	shalt  }
0x79: {  	_ =	shalt  }
0x7a: {  	_ =	shalt  }
0x7b: {  	_ =	shalt  }
0x7c: {  	_ =	shalt  }
0x7d: {  	_ =	shalt  }
0x7e: {  	_ =	shalt  }
0x7f: {  	_ =	shalt  }
0x80: {  	_ =	shalt  }
0x81: {  	_ =	shalt  }
0x82: {  	_ =	shalt  }
0x83: {  	_ =	shalt  }
0x84: {  	_ =	shalt  }
0x85: {  	_ =	shalt  }
0x86: {  	_ =	shalt  }
0x87: {  	_ =	shalt  }
.Lfunc_end0:
.L_simem_size_0:
called_computation_lowered:
.L_overlay_start_0:
0x88: {  	s2 =	sld [smem:$0x3FD9]  }
0x89: {  	s3 =	sld [smem:$0x3FFE];
	_ =	sdelay $0x1  }
0x8a: {  	s1 =	srdreg.scid  }
0x8b: {  	s0 =	sand.u32 $0x1, s1  }
0x8c: {  	s17 =	sshll.u32 s0, $0xA;
	s2 =	sadd.s32 s3, s2  }
0x8d: {  	s2 =	sadd.s32 s2, s17  }
0x8e: {  	[smem:$0x3FB6] =	sst s2  }
0x8f: {  	_ = 	snop  }
0x90: {  	(tm) =	ssettm $0x1  }
0x91: {  	s18 =	sld [smem:$0x3FFB];
	_ =	sdelay $0x3  }
0x92: {  	_ =	strace s18  }
0x93: {  	s2 =	sld [smem:$0x3FFC];
	_ =	sdelay $0x3  }
0x94: {  	_ =	strace s2  }
0x95: {  	s2 =	sld [smem:$0x3FFD];
	_ =	sdelay $0x3  }
0x96: {  	_ =	strace s2  }
0x97: {  	_ =	strace $0x8FFFFFFF  }
0x98: {  	s19 =	sld [smem:$0x3FDB];
	_ =	sdelay $0x1  }
0x99: {  	s20 =	simm.s32 $_scs_section_size  }
0x9a: {  	s4 =	simm.s32 $_size__tile_overlayer_lowered;
	s5 =	simm.s32 $_tile_overlayer_lowered  }
0x9b: {  	s6 =	simm.s32 $0x1BFF;
	s21 =	sshll.u32 s5, $0x1;
	s3 =	sadd.s32 s20, s19  }
0x9c: {  	s22 =	simm.s32 $0x0;
	s4 =	sshll.u32 s4, $0x1;
	s5 =	sadd.s32 s21, s3  }
0x9d: {  	[timem:s22], [sflag:s6] =	dma.local [hbm:s5], s4  }
0x9e: {  	_ =	swait.ge [sflag:s6], s4  }
0x9f: {  	s4 =	ssub.s32 $0x0, s4;
	[sflag:s6] =	ssyncset.done $0x0  }
0xa0: {  	[sflag:s6] =	ssyncadd.s32 s4;
	_ =	sdelay $0x1  }
0xa1: {  	s23 =	simm.s32 $0x1B8B  }
0xa2: {  	_ =	swait.ge [sflag:s23], $0x1  }
0xa3: {  	[sflag:s23] =	ssyncset.done $0x0  }
0xa4: {  	[sflag:s23] =	ssyncadd.s32 $0xFFFFFFFF  }
0xa5: {  	s4 =	sld [smem:$0x0]  }
0xa6: {  	s5 =	sand.u32 $0xFFFFFFFE, s1  }
0xa7: {  	p0 =	sne.s32 s1, s5  }
0xa8: {  	s5 =	sshll.u32 @p0 s5, $0xE  }
0xa9: {  	s5 =	sadd.s32 @p0 $0x11B8D, s5;
	s6 =	sshll.u32 @p0 s4, $0x11  }
0xaa: {  	s5 =	sor.u32 @p0 s6, s5  }
0xab: {  	[sflag:s5] =	ssyncadd.remote.s32 @p0 $0x1;
	_ =	sdelay $0x1  }
0xac: {  	s5 =	simm.s32 @p0 $0x1B8D  }
0xad: {  	_ =	swait.eq @p0 [sflag:s5], $0x1  }
0xae: {  	[sflag:s5] =	ssyncadd.s32 @p0 $0xFFFFFFFF  }
0xaf: {  	s6 =	sshll.u32 @!p0 s1, $0xE  }
0xb0: {  	s6 =	sor.u32 @!p0 $0x4000, s6;
	s5 =	simm.s32 @!p0 $0x1B8D  }
0xb1: {  	s4 =	sshll.u32 @!p0 s4, $0x11;
	s6 =	sadd.s32 @!p0 $0x11B8D, s6;
	_ =	swait.eq @!p0 [sflag:s5], $0x1  }
0xb2: {  	s4 =	sor.u32 @!p0 s4, s6;
	[sflag:s5] =	ssyncadd.s32 @!p0 $0xFFFFFFFF  }
0xb3: {  	s25 =	simm.s32 $0x1B8E;
	s24 =	sld [smem:$0x3FFE];
	[sflag:s4] =	ssyncadd.remote.s32 @!p0 $0x1  }
0xb4: {  	s26 =	simm.s32 $execute0_lowered;
	[smem:$0x3FD2] =	sst s25  }
0xb5: {  	s5 =	sshll.u32 s26, $0x1;
	_ =	strace $0x80000055;
	[dreg:$0x1] =	wrdreg $0xFFFFFFFF  }
0xb6: {  	s28 =	simm.s32 $_size_execute0_lowered;
	s3 =	sadd.s32 s3, s5;
	[dreg:$0x0] =	wrdreg $0x0  }
0xb7: {  	s5 =	sshll.u32 s28, $0x1;
	[dreg:$0x2] =	wrdreg s3  }
0xb8: {  	[dreg:$0x3] =	wrdreg s5  }
0xb9: {  	[dreg:$0x4] =	wrdreg $0xC0  }
0xba: {  	_ =	task [dreg:s22], $0x5FFFF  }
0xbb: {  	[dreg:$0x1] =	wrdreg $0xFFFFFFFF  }
0xbc: {  	[dreg:$0x0] =	wrdreg $0x60  }
0xbd: {  	[dreg:$0x2] =	wrdreg s24  }
0xbe: {  	[dreg:$0x3] =	wrdreg $0xA  }
0xbf: {  	_ =	task.clear_ibuf [dreg:s22], $0x4FFFF;
	_ =	strace $0x90000055  }
0xc0: {  	s29 =	simm.s32 $0xA;
	_ =	strace $0x80000057  }
0xc1: {  	_ =	swait.ge [sflag:s29], $0x1  }
0xc2: {  	[sflag:s29] =	ssyncadd.s32 $0xFFFFFFFF  }
0xc3: {  	_ =	strace $0x90000057  }
0xc4: {  	_ =	sfence  }
0xc5: {  	s30 =	sld [smem:$0x0];
	_ =	sdelay $0x2  }
0xc6: {  	s31 =	sshll.u32 s1, $0xD;
	s1 =	sshrl.u32 s1, $0x2  }
0xc7: {  	s4 =	sand.u32 $0x4000, s31;
	s1 =	sadd.s32 s1, s30  }
0xc8: {  	s0 =	sor.u32 s4, s0;
	s1 =	sshll.u32 s1, $0x11  }
0xc9: {  	s0 =	sor.u32 s1, s0  }
0xca: {  	s0 =	sadd.s32 $0x8F2B, s0  }
0xcb: {  	[sflag:s0] =	ssyncadd.remote.s32 $0x1  }
0xcc: {  	_ =	sfence.sel $0xFFFF  }
0xcd: {  	[dreg:$0x0] =	wrdreg $0xFFFFFFFF;
	(pc) =	sbr.abs _section_cstart, $3  }
0xce: {  	[dreg:$0x1] =	wrdreg $0xFFFFFFFF  }
0xcf: {  	_ =	task.clear_ibuf [dreg:s22], $0x2FFFF;
	_ =	strace $0x9FFFFFFF  }
0xd0: {  	(tm) =	ssettm $0x7FFFFFFF  }
0xd1: {  	_ =	shalt  }
tec
execute0_lowered:
.L_overlay_start_1:
0x0: {  	(tag) =	ssettag $0x1  }
0x1: {  	s0 =	srdreg.scid  }
0x2: {  	s1 =	sshll.u32 s0, $0x4  }
0x3: {  	s0 =	stileid.u32;
	s1 =	sand.u32 $0x10, s1  }
0x4: {  	s1 =	sor.u32 s0, s1  }
0x5: {  	s2 =	smin.u32 s1, $0x12  }
0x6: {  	s2 =	sadd.s32 s1, s2  }
0x7: {  	p0 =	slt.u32 s1, $0x12;
	s1 =	simm.s32 $0x280;
	s2 =	smul.u32 $0x140, s2  }
0x8: {  	s1 =	simm.s32 @!p0 $0x140  }
0x9: {  	s1 =	sadd.s32 s1, s2  }
0xa: {  	s3 =	smin.u32 s1, $0x3E80  }
0xb: {  	s7 =	ssub.s32 s3, s2  }
0xc: {  	p0 =	sgt.s32 s7, $0x0  }
0xd: {  	s7 =	simm.s32 @!p0 $0x0  }
0xe: {  	s31 =	smul.u32 $0xCCCD, s7  }
0xf: {  	s9 =	rddreg [dreg:$0x0];
	s6 =	simm.s32 $0x1;
	s11 =	simm.s32 $0x3  }
0x10: {  	s13 =	simm.s32 $0x0;
	s12 =	simm.s32 $0x0;
	s8 =	sshrl.u32 s31, $0x18  }
0x11: {  	s4 =	sadd.s32 $0xB5C00, s9;
	s5 =	sadd.s32 $0xA400, s9;
	s10 =	smul.u32 $0x140, s8  }
.Ltmp0:
0x12: {  	s9 =	sadd.s32 $0x3FE00, s9;
	s1 =	rddreg [dreg:$0x1];
	(pc) =	sbr.rel .LBB2_1-.Ltmp0, $4  }
0x13: {  	_ =	strace $0x80000056;
	p0 =	sne.s32 s7, s10;
	s10 =	simm.s32 $0x1  }
0x14: {  	[sflag:s6] =	ssyncpa.u1 $0x0;
	s7 =	simm.s32 $0x2;
	s10 =	simm.s32 @!p0 $0x0  }
0x15: {  	[sflag:s7] =	ssyncpa.u1 $0x0;
	p0 =	por $0x0, $0x0;
	s8 =	sadd.s32 s8, s10  }
0x16: {  	vm0 =	vmmov $0xff;
	vm1 =	vcmask $0x3F20;
	[sflag:s11] =	ssyncpa.u1 $0x0;
	s11 =	smov.u32 s2;
	s10 =	sadd.s32 $0x1, s8  }
.LBB2_6:
0x17: {  	[hbm:s17] =	stream.linear.scatter [tilespmem:s14], [sflag:$0x3], $0x400, $0x38;
	[tilespmem:$0x14280] =	vst v63  }
.LBB2_7:
0x18: {  	s13 =	sadd.s32 $0x140, s11  }
0x19: {  	s15 =	smov.u32 s2;
	p2 =	slt.s32 s13, s3  }
0x1a: {  	s15 =	smov.u32 @p2 s13;
	p2 =	sne.s32 s12, s10  }
.Ltmp1:
0x1b: {  	p1 =	slt.u32 s12, $0x2;
	(pc) =	sbr.rel @!p2 .LBB2_8-.Ltmp1, $4  }
0x1c: {  	s14 =	simm.s32 @!p1 $0x3  }
0x1d: {  	s16 =	sadd.s32 $0x1, s12;
	_ =	swait.ge @!p1 [sflag:s14], $0xA000  }
0x1e: {  	p0 =	por !p0, !p0;
	s13 =	smov.u32 s11;
	[sflag:s14] =	ssyncset.done @!p1 $0x0  }
0x1f: {  	s12 =	smov.u32 s16;
	s11 =	smov.u32 s15;
	[sflag:s14] =	ssyncadd.s32 @!p1 $0xFFFF6000  }
.LBB2_1:
0x20: {  	p1 =	sge.u32 s12, s8  }
0x21: {  	s14 =	sxor.u32 @!p1 $0xFFFFFFFF, s12  }
0x22: {  	s14 =	sand.u32 @!p1 $0x1, s14  }
0x23: {  	s14 =	smul.u32 @!p1 $0x500, s14  }
0x24: {  	s31 =	sadd.s32 $0xFFFFFFFF, s12;
	s15 =	sshrl.u32 @!p1 s11, $0x3  }
0x25: {  	s16 =	sand.u32 @!p1 $0x7, s11;
	s15 =	sadd.s32 @!p1 s5, s15;
	s14 =	sshrl.u32 @!p1 s14, $0x2  }
0x26: {  	[tilespmem:s14], [sflag:$0x2] =	stream.linear.gather @!p1 [hbm4b:s15+s16], $0x140, $0x38;
	[tilespmem:$0x14280] =	vst v63  }
0x27: {  	p1 =	sge.u32 s31, s8  }
.Ltmp2:
0x28: {  	_ = 	snop;
	(pc) =	sbr.rel @p1 .LBB2_7-.Ltmp2, $1  }
0x29: {  	_ =	sdelay $0x3  }
0x2a: {  	s14 =	simm.s32 $0x1  }
0x2b: {  	s14 =	simm.s32 @!p0 $0x0  }
0x2c: {  	s15 =	smul.u32 $0x500, s14  }
0x2d: {  	_ =	swait.ge [sflag:s7], $0x140  }
0x2e: {  	[sflag:s7] =	ssyncset.done $0x0;
	s16 =	sshrl.u32 s15, $0x2  }
0x2f: {  	[sflag:s7] =	ssyncadd.s32 $0xFFFFFEC0;
	s15 =	sadd.s32 $0x0, s16  }
0x30: {  	v0 =	vld.msk [tilespmem:s15+$0x0 ss:$0x1], $0xffff;
	_ =	sdelay $0x4  }
0x31: {  	v1 =	vand.u32 $0xF, v0;
	v2 =	vshll.u32 v0, $0x3  }
0x32: {  	vm2 =	veq.s32 v0, $0x80000000;
	v0 =	vmul.u32 $0x3E800, v1;
	v1 =	vand.u32 $0x3FF80, v2  }
0x33: {  	v1 =	vsel vm2, $0xFFFFFF80, v1  }
0x34: {  	v0 =	vsel vm2, $0xFFFC1800, v0;
	v2 =	vand.u32 $0xFFFFFC00, v1  }
0x35: {  	v1 =	vand.u32 $0x380, v1;
	v0 =	vadd.s32 v0, v2  }
0x36: {  	v0 =	vor.u32 v1, v0  }
0x37: {  	v0 =	vshrl.u32 v0, $0x3  }
0x38: {  	s14 =	smul.u32 $0x28000, s14;
	_ =	sdelay $0x1  }
0x39: {  	s14 =	sshrl.u32 s14, $0x2  }
0x3a: {  	s14 =	sor.u32 $0x280, s14  }
0x3b: {  	[tilespmem:s14], [sflag:$0x1] =	stream.indirect_vreg.gather [hbm:s4], $0x80, v0, vm0, $0x38;
	[tilespmem:$0x14280] =	vst v63  }
0x3c: {  	s17 =	sadd.s32 $0x10, s16;
	s15 =	sadd.s32 $0x400, s14  }
0x3d: {  	[tilespmem:s15], [sflag:$0x1] =	stream.indirect_vreg.gather [hbm:s4], $0x80, v0, vm1, $0x38;
	[tilespmem:$0x14280] =	vst v63  }
0x3e: {  	s18 =	simm.s32 $0x80;
	v0 =	vld.msk [tilespmem:s17+$0x0 ss:$0x1], $0xffff;
	s17 =	smov.u32 s14  }
.LBB2_3:
0x3f: {  	p1 =	sne.s32 s18, $0x4C0;
	_ =	sdelay $0x4  }
0x40: {  	v1 =	vand.u32 $0xF, v0;
	v2 =	vshll.u32 v0, $0x3  }
0x41: {  	vm2 =	veq.s32 v0, $0x80000000;
	v0 =	vmul.u32 $0x3E800, v1;
	v1 =	vand.u32 $0x3FF80, v2  }
0x42: {  	v1 =	vsel vm2, $0xFFFFFF80, v1  }
0x43: {  	v0 =	vsel vm2, $0xFFFC1800, v0;
	v2 =	vand.u32 $0xFFFFFC00, v1  }
0x44: {  	v1 =	vand.u32 $0x380, v1;
	v0 =	vadd.s32 v0, v2  }
0x45: {  	v0 =	vor.u32 v1, v0  }
0x46: {  	v0 =	vshrl.u32 v0, $0x3;
	_ =	sdelay $0x3  }
.Ltmp3:
0x47: {  	s19 =	sshra.s32 s18, $0x2;
	s17 =	sadd.s32 $0x800, s17;
	(pc) =	sbr.rel @p1 .LBB2_3-.Ltmp3, $4  }
0x48: {  	[tilespmem:s17], [sflag:$0x1] =	stream.indirect_vreg.gather [hbm:s4], $0x80, v0, vm0, $0x38;
	[tilespmem:$0x14280] =	vst v63  }
0x49: {  	s19 =	sadd.s32 s19, s16;
	s20 =	sadd.s32 $0x400, s17  }
0x4a: {  	[tilespmem:s20], [sflag:$0x1] =	stream.indirect_vreg.gather [hbm:s4], $0x80, v0, vm1, $0x38;
	[tilespmem:$0x14280] =	vst v63  }
0x4b: {  	s18 =	sadd.s32 $0x40, s18;
	v0 =	vld.msk [tilespmem:s19+$0x0 ss:$0x1], $0xffff  }
0x4c: {  	_ =	sdelay $0x3  }
0x4d: {  	v1 =	vand.u32 $0xF, v0;
	v2 =	vshll.u32 v0, $0x3  }
0x4e: {  	vm2 =	veq.s32 v0, $0x80000000;
	v61 =	vmul.u32 $0x3E800, v1;
	v62 =	vand.u32 $0x3FF80, v2  }
0x4f: {  	v1 =	vsel vm2, $0xFFFFFF80, v62  }
0x50: {  	v0 =	vsel vm2, $0xFFFC1800, v61;
	v63 =	vand.u32 $0xFFFFFC00, v1  }
0x51: {  	v1 =	vand.u32 $0x380, v1;
	v0 =	vadd.s32 v0, v63  }
0x52: {  	v0 =	vor.u32 v1, v0  }
0x53: {  	v0 =	vshrl.u32 v0, $0x3;
	_ =	sdelay $0x3  }
0x54: {  	s16 =	sadd.s32 $0x800, s17  }
0x55: {  	[tilespmem:s16], [sflag:$0x1] =	stream.indirect_vreg.gather [hbm:s4], $0x80, v0, vm0, $0x38;
	[tilespmem:$0x14280] =	vst v63  }
0x56: {  	s16 =	sadd.s32 $0x400, s16  }
0x57: {  	[tilespmem:s16], [sflag:$0x1] =	stream.indirect_vreg.gather [hbm:s4], $0x80, v0, vm1, $0x38;
	[tilespmem:$0x14280] =	vst v63  }
0x58: {  	s13 =	sshll.u32 s13, $0x4;
	_ =	swait.ge [sflag:s6], $0xA000  }
0x59: {  	s13 =	sadd.s32 s13, s9;
	[sflag:s6] =	ssyncset.done $0x0  }
0x5a: {  	s17 =	sadd.s32 $0x0, s13;
	s16 =	simm.s32 $0x80;
	[sflag:s6] =	ssyncadd.s32 $0xFFFF6000  }
.LBB2_5:
0x5b: {  	[hbm:s17] =	stream.linear.scatter [tilespmem:s14], [sflag:$0x3], $0x400, $0x38;
	[tilespmem:$0x14280] =	vst v63  }
0x5c: {  	s17 =	smov.u32 s16;
	s14 =	smov.u32 s15;
	p1 =	sne.s32 s16, $0x1380  }
.Ltmp4:
0x5d: {  	s16 =	sadd.s32 $0x80, s16;
	(pc) =	sbr.rel @p1 .LBB2_5-.Ltmp4, $2  }
0x5e: {  	_ =	sdelay $0x2  }
0x5f: {  	s15 =	sadd.s32 $0x400, s15;
	s17 =	sadd.s32 s17, s13  }
.Ltmp5:
0x60: {  	_ = 	snop;
	(pc) =	sbr.rel .LBB2_6-.Ltmp5, $1  }
0x61: {  	_ =	sdelay $0x3  }
.LBB2_8:
0x62: {  	_ =	sfence.sel $0x180000  }
0x63: {  	s2 =	simm.s32 $0x2;
	[bflag:$0x0] =	sbarrier.arrive $0xFFFF  }
0x64: {  	s30 =	simm.s32 $0x3;
	[sflag:s2] =	ssyncpa.u1 $0x1  }
0x65: {  	s31 =	simm.s32 $0x1;
	[sflag:s30] =	ssyncpa.u1 $0x1  }
0x66: {  	[sflag:s31] =	ssyncpa.u1 $0x1  }
0x67: {  	p0 =	sne.s32 s0, $0x0;
	_ =	strace $0x90000056  }
0x68: {  	s0 =	sadd.s32 @!p0 $0x100000, s1;
	[bflag:$0x2] =	sbarrier.arrive $0xFFFF  }
0x69: {  	[sflag:s0] =	ssyncadd.tile.s32 @!p0 $0x1;
	_ =	shalt  }
.Lfunc_end2:
_tile_overlayer_lowered:
.L_overlay_start_2:
0x6a: {  	(tag) =	ssettag $0x2  }
0x6b: {  	s0 =	rddreg [dreg:$0x0];
	s2 =	stileid.u32  }
0x6c: {  	s1 =	rddreg [dreg:$0x1];
	p0 =	sne.s32 s2, $0x0  }
0x6d: {  	s3 =	rddreg [dreg:$0x2];
	[bflag:$0x3] =	sbarrier.arrive $0xFFFF;
	s2 =	simm.s32 @!p0 $0x1C01  }
0x6e: {  	[timem:s3], [sflag:s2] =	dma.local @!p0 [hbm:s0], s1  }
0x6f: {  	s0 =	simm.s32 @!p0 $0x1  }
0x70: {  	_ =	swait.ge @!p0 [sflag:s0], s1  }
0x71: {  	s1 =	ssub.s32 @!p0 $0x0, s1;
	[sflag:s0] =	ssyncset.done @!p0 $0x0  }
0x72: {  	[sflag:s0] =	ssyncadd.s32 @!p0 s1  }
0x73: {  	[bflag:$0x3] =	sbarrier.arrive $0xFFFF  }
0x74: {  	_ =	shalt  }

// kernel: kernel.15.cloned.1.call-start
scs
__scs_entry_jumppad:
0x0: {  	(pc) =	sbr.rel $0x88, $3  }
0x1: {  	(tag) =	ssettag $0x0;
	lr =	simm.s32 $0x1  }
0x2: {  	[smem:$0x3F8F] =	sst lr;
	_ =	strace $0xD0000000  }
0x3: {  	_ = 	snop  }
0x4: {  	_ = 	snop  }
0x5: {  	_ = 	snop  }
0x6: {  	_ = 	snop  }
0x7: {  	_ = 	snop  }
__scs_overlays_trampoline_lowered:
0x8: {  	[smem:$0x3F9E] =	sst s0  }
0x9: {  	[smem:$0x3F9F] =	sst s1  }
0xa: {  	[smem:$0x3FA0] =	sst s2  }
0xb: {  	[smem:$0x3FA1] =	sst s3  }
0xc: {  	[smem:$0x3FA2] =	sst s4  }
0xd: {  	[smem:$0x3FA3] =	sst s5  }
0xe: {  	[smem:$0x3FA4] =	sst s6  }
0xf: {  	[smem:$0x3FA5] =	sst s7  }
0x10: {  	[smem:$0x3FA6] =	sst s8  }
0x11: {  	[smem:$0x3FA7] =	sst s9;
	s0 =	simm.s32 @!p0 $0x0  }
0x12: {  	s1 =	sld [smem:$0x3F8D];
	s0 =	simm.s32 @p0 $0x1  }
0x13: {  	[smem:$0x3FA8] =	sst s0;
	s0 =	simm.s32 @!p1 $0x0  }
0x14: {  	s2 =	sld [smem:$0x3F8C];
	s0 =	simm.s32 @p1 $0x1  }
0x15: {  	[smem:$0x3FA9] =	sst s0;
	s0 =	simm.s32 @!p2 $0x0  }
0x16: {  	s3 =	sld [smem:$0x3FDB];
	s0 =	simm.s32 @p2 $0x1  }
0x17: {  	s4 =	simm.s32 $0x1BF5;
	[smem:$0x3FAB] =	sst s0  }
0x18: {  	s0 =	sld [smem:$0x3F8E];
	_ =	swait.ge [sflag:s4], $0x0  }
0x19: {  	s7 =	sld [smem:$0x3F8F]  }
0x1a: {  	s8 =	sadd.s32 $0xFFFFE003, lr  }
0x1b: {  	s9 =	sadd.s32 $0xFFFFFEF7, lr;
	s5 =	simm.s32 $0xFFFFFFFF;
	p2 =	slt.u32 s8, $0xFFFFF086  }
0x1c: {  	p1 =	slt.u32 s9, $0xF7A;
	s5 =	simm.s32 @!p2 $0x0  }
0x1d: {  	s5 =	simm.s32 @p1 $0x1;
	p0 =	seq.s32 s7, s2  }
0x1e: {  	s7 =	smul.u32 @!p0 $0xF7A, s2;
	p2 =	seq.s32 @!p0 s5, $0x0  }
0x1f: {  	s9 =	smul.u32 $0xF7A, s1;
	s8 =	simm.s32 @!p0 $0x1BF5;
	p2 =	por !p2, p0  }
0x20: {  	[sflag:s8] =	ssyncset.s32 @!p0 $0xFFFFF086;
	s6 =	sadd.s32 @!p0 s3, s7;
	s7 =	simm.s32 @!p0 $0x108  }
0x21: {  	s3 =	sadd.s32 s3, s9;
	s6 =	sadd.s32 @!p0 $0x88, s6;
	s7 =	simm.s32 @p2 $0x1082  }
0x22: {  	[simem:s7], [sflag:s8] =	dma.local @!p0 [hbm:s6], $0xF7A  }
0x23: {  	s9 =	sor.u32 $0xD0000000, s2;
	s6 =	simm.s32 $0x108;
	_ =	swait.ge @!p0 [sflag:s8], $0x0  }
0x24: {  	s3 =	sadd.s32 $0x88, s3;
	s6 =	simm.s32 @!p1 $0x1082;
	[sflag:s4] =	ssyncset.s32 $0xFFFFF086  }
0x25: {  	[simem:s6], [sflag:s4] =	dma.local [hbm:s3], $0xF7A  }
0x26: {  	[smem:$0x3F8F] =	sst s1;
	(tag) =	ssettag s2;
	_ =	strace s9  }
0x27: {  	s1 =	sld [smem:$0x3F9F]  }
0x28: {  	s2 =	sld [smem:$0x3FA0]  }
0x29: {  	s4 =	sld [smem:$0x3FA2]  }
0x2a: {  	p0 =	seq.s32 s5, $0x0;
	s5 =	sld [smem:$0x3FA3]  }
0x2b: {  	s6 =	sld [smem:$0x3FA4]  }
0x2c: {  	s7 =	sld [smem:$0x3FA5]  }
0x2d: {  	s3 =	simm.s32 $0x108;
	s8 =	sld [smem:$0x3FA6]  }
0x2e: {  	s3 =	simm.s32 @!p0 $0x1082;
	s9 =	sld [smem:$0x3FA7]  }
0x2f: {  	lr =	sadd.s32 s0, s3;
	s0 =	sld [smem:$0x3F9E]  }
0x30: {  	s3 =	sld [smem:$0x3FA1]  }
0x31: {  	[smem:$0x3FAA] =	sst s10  }
0x32: {  	s10 =	sld [smem:$0x3FA8];
	_ =	sdelay $0x3  }
0x33: {  	p0 =	seq.s32 s10, $0x1;
	s10 =	sld [smem:$0x3FAA];
	_ =	sdelay $0x3  }
0x34: {  	[smem:$0x3FAA] =	sst s10  }
0x35: {  	s10 =	sld [smem:$0x3FA9];
	_ =	sdelay $0x3  }
0x36: {  	p1 =	seq.s32 s10, $0x1;
	s10 =	sld [smem:$0x3FAA];
	_ =	sdelay $0x3  }
0x37: {  	[smem:$0x3FAA] =	sst s10  }
0x38: {  	s10 =	sld [smem:$0x3FAB]  }
0x39: {  	_ = 	snop;
	(pc) =	sbr.ind lr, $3  }
0x3a: {  	_ = 	snop  }
0x3b: {  	_ = 	snop  }
0x3c: {  	p2 =	seq.s32 s10, $0x1;
	s10 =	sld [smem:$0x3FAA]  }
0x3d: {  	_ =	shalt  }
0x3e: {  	_ =	shalt  }
0x3f: {  	_ =	shalt  }
0x40: {  	_ =	shalt  }
0x41: {  	_ =	shalt  }
0x42: {  	_ =	shalt  }
0x43: {  	_ =	shalt  }
0x44: {  	_ =	shalt  }
0x45: {  	_ =	shalt  }
0x46: {  	_ =	shalt  }
0x47: {  	_ =	shalt  }
0x48: {  	_ =	shalt  }
0x49: {  	_ =	shalt  }
0x4a: {  	_ =	shalt  }
0x4b: {  	_ =	shalt  }
0x4c: {  	_ =	shalt  }
0x4d: {  	_ =	shalt  }
0x4e: {  	_ =	shalt  }
0x4f: {  	_ =	shalt  }
0x50: {  	_ =	shalt  }
0x51: {  	_ =	shalt  }
0x52: {  	_ =	shalt  }
0x53: {  	_ =	shalt  }
0x54: {  	_ =	shalt  }
0x55: {  	_ =	shalt  }
0x56: {  	_ =	shalt  }
0x57: {  	_ =	shalt  }
0x58: {  	_ =	shalt  }
0x59: {  	_ =	shalt  }
0x5a: {  	_ =	shalt  }
0x5b: {  	_ =	shalt  }
0x5c: {  	_ =	shalt  }
0x5d: {  	_ =	shalt  }
0x5e: {  	_ =	shalt  }
0x5f: {  	_ =	shalt  }
0x60: {  	_ =	shalt  }
0x61: {  	_ =	shalt  }
0x62: {  	_ =	shalt  }
0x63: {  	_ =	shalt  }
0x64: {  	_ =	shalt  }
0x65: {  	_ =	shalt  }
0x66: {  	_ =	shalt  }
0x67: {  	_ =	shalt  }
0x68: {  	_ =	shalt  }
0x69: {  	_ =	shalt  }
0x6a: {  	_ =	shalt  }
0x6b: {  	_ =	shalt  }
0x6c: {  	_ =	shalt  }
0x6d: {  	_ =	shalt  }
0x6e: {  	_ =	shalt  }
0x6f: {  	_ =	shalt  }
0x70: {  	_ =	shalt  }
0x71: {  	_ =	shalt  }
0x72: {  	_ =	shalt  }
0x73: {  	_ =	shalt  }
0x74: {  	_ =	shalt  }
0x75: {  	_ =	shalt  }
0x76: {  	_ =	shalt  }
0x77: {  	_ =	shalt  }
0x78: {  	_ =	shalt  }
0x79: {  	_ =	shalt  }
0x7a: {  	_ =	shalt  }
0x7b: {  	_ =	shalt  }
0x7c: {  	_ =	shalt  }
0x7d: {  	_ =	shalt  }
0x7e: {  	_ =	shalt  }
0x7f: {  	_ =	shalt  }
0x80: {  	_ =	shalt  }
0x81: {  	_ =	shalt  }
0x82: {  	_ =	shalt  }
0x83: {  	_ =	shalt  }
0x84: {  	_ =	shalt  }
0x85: {  	_ =	shalt  }
0x86: {  	_ =	shalt  }
0x87: {  	_ =	shalt  }
.Lfunc_end0:
.L_simem_size_0:
called_computation.1_lowered:
.L_overlay_start_0:
0x88: {  	s2 =	sld [smem:$0x3FD9]  }
0x89: {  	s3 =	sld [smem:$0x3FFE];
	_ =	sdelay $0x1  }
0x8a: {  	s1 =	srdreg.scid  }
0x8b: {  	s0 =	sand.u32 $0x1, s1  }
0x8c: {  	s14 =	sshll.u32 s0, $0xA;
	s2 =	sadd.s32 s3, s2  }
0x8d: {  	s2 =	sadd.s32 s2, s14  }
0x8e: {  	[smem:$0x3FB6] =	sst s2  }
0x8f: {  	_ = 	snop  }
0x90: {  	s2 =	sld [smem:$0x3FD0];
	_ =	sdelay $0x2  }
0x91: {  	s15 =	simm.s32 $0xC;
	s4 =	simm.s32 $0x10  }
0x92: {  	[smem:s4], [sflag:s15] =	dma.local [hbm:s2], $0x1  }
0x93: {  	_ =	swait.eq [sflag:s15], $0x1  }
0x94: {  	[sflag:s15] =	ssyncset.done $0x0  }
0x95: {  	s16 =	sld [smem:$0x10];
	[sflag:s15] =	ssyncadd.s32 $0xFFFFFFFF  }
0x96: {  	s17 =	sld [smem:$0x11];
	(tm) =	ssettm $0x1  }
0x97: {  	s18 =	sld [smem:$0x3FFB];
	_ =	sdelay $0x3  }
0x98: {  	_ =	strace s18  }
0x99: {  	s4 =	sld [smem:$0x3FFC];
	_ =	sdelay $0x3  }
0x9a: {  	_ =	strace s4  }
0x9b: {  	s4 =	sld [smem:$0x3FFD];
	_ =	sdelay $0x3  }
0x9c: {  	_ =	strace s4  }
0x9d: {  	_ =	strace $0x8FFFFFFF  }
0x9e: {  	s19 =	sld [smem:$0x3FDB];
	_ =	sdelay $0x1  }
0x9f: {  	s5 =	simm.s32 $_scs_section_size  }
0xa0: {  	s6 =	simm.s32 $_size__tile_overlayer_lowered;
	s7 =	simm.s32 $_tile_overlayer_lowered  }
0xa1: {  	s22 =	simm.s32 $0x1BFF;
	s21 =	sshll.u32 s7, $0x1;
	s4 =	sadd.s32 s5, s19  }
0xa2: {  	s8 =	simm.s32 $0x0;
	s20 =	sshll.u32 s6, $0x1;
	s6 =	sadd.s32 s21, s4  }
0xa3: {  	[timem:s8], [sflag:s22] =	dma.local [hbm:s6], s20  }
0xa4: {  	_ =	swait.ge [sflag:s22], s20  }
0xa5: {  	s5 =	ssub.s32 $0x0, s20;
	[sflag:s22] =	ssyncset.done $0x0  }
0xa6: {  	[sflag:s22] =	ssyncadd.s32 s5;
	_ =	sdelay $0x1  }
0xa7: {  	s23 =	simm.s32 $0x1B8B  }
0xa8: {  	_ =	swait.ge [sflag:s23], $0x1  }
0xa9: {  	[sflag:s23] =	ssyncset.done $0x0  }
0xaa: {  	s25 =	simm.s32 $0x1B8E;
	s24 =	sld [smem:$0x3FFE];
	[sflag:s23] =	ssyncadd.s32 $0xFFFFFFFF  }
0xab: {  	s26 =	simm.s32 $execute0_lowered;
	[smem:$0x3FD2] =	sst s25  }
0xac: {  	s6 =	sshll.u32 s26, $0x1;
	_ =	strace $0x80000046;
	[dreg:$0x1] =	wrdreg $0xFFFFFFFF  }
0xad: {  	s28 =	simm.s32 $_size_execute0_lowered;
	s4 =	sadd.s32 s4, s6;
	[dreg:$0x0] =	wrdreg $0x0  }
0xae: {  	s6 =	sshll.u32 s28, $0x1;
	[dreg:$0x2] =	wrdreg s4  }
0xaf: {  	[dreg:$0x3] =	wrdreg s6  }
0xb0: {  	[dreg:$0x4] =	wrdreg $0xC0  }
0xb1: {  	_ =	task [dreg:s8], $0x5FFFF  }
0xb2: {  	[dreg:$0x1] =	wrdreg $0xFFFFFFFF  }
0xb3: {  	[dreg:$0x0] =	wrdreg $0x60  }
0xb4: {  	[dreg:$0x2] =	wrdreg s16  }
0xb5: {  	[dreg:$0x3] =	wrdreg s17  }
0xb6: {  	[dreg:$0x4] =	wrdreg s24  }
0xb7: {  	[dreg:$0x5] =	wrdreg $0xA0000  }
0xb8: {  	[dreg:$0x6] =	wrdreg $0x9  }
0xb9: {  	_ =	task.clear_ibuf [dreg:s8], $0x7FFFF;
	_ =	strace $0x90000046  }
0xba: {  	s29 =	simm.s32 $0x9;
	_ =	strace $0x80000048  }
0xbb: {  	_ =	swait.ge [sflag:s29], $0x1  }
0xbc: {  	[sflag:s29] =	ssyncadd.s32 $0xFFFFFFFF  }
0xbd: {  	_ =	strace $0x90000048  }
0xbe: {  	_ =	sfence  }
0xbf: {  	s30 =	sld [smem:$0x0];
	_ =	sdelay $0x2  }
0xc0: {  	s31 =	sshll.u32 s1, $0xD;
	s1 =	sshrl.u32 s1, $0x2  }
0xc1: {  	s3 =	sand.u32 $0x4000, s31;
	s1 =	sadd.s32 s1, s30  }
0xc2: {  	s0 =	sor.u32 s3, s0;
	s1 =	sshll.u32 s1, $0x11  }
0xc3: {  	s0 =	sor.u32 s1, s0  }
0xc4: {  	s0 =	sadd.s32 $0x8F2B, s0  }
0xc5: {  	[sflag:s0] =	ssyncadd.remote.s32 $0x1  }
0xc6: {  	_ =	sfence.sel $0xFFFF  }
0xc7: {  	[dreg:$0x0] =	wrdreg $0xFFFFFFFF;
	(pc) =	sbr.abs _section_cstart, $3  }
0xc8: {  	[dreg:$0x1] =	wrdreg $0xFFFFFFFF  }
0xc9: {  	_ =	task.clear_ibuf [dreg:s8], $0x2FFFF;
	_ =	strace $0x9FFFFFFF  }
0xca: {  	(tm) =	ssettm $0x7FFFFFFF  }
0xcb: {  	_ =	shalt  }
tec
execute0_lowered:
.L_overlay_start_1:
0x0: {  	(tag) =	ssettag $0x1  }
0x1: {  	s5 =	rddreg [dreg:$0x0]  }
0x2: {  	s6 =	rddreg [dreg:$0x1]  }
0x3: {  	s4 =	rddreg [dreg:$0x2]  }
0x4: {  	s1 =	rddreg [dreg:$0x3]  }
0x5: {  	s0 =	rddreg [dreg:$0x4]  }
0x6: {  	s3 =	simm.s32 $0x0;
	s7 =	srdreg.scid;
	s2 =	stileid.u32  }
0x7: {  	s13 =	simm.s32 $0x4800;
	s14 =	simm.s32 $0x80;
	s15 =	simm.s32 $0x9800  }
0x8: {  	s16 =	simm.s32 $0x0;
	[smem:$0x7FF] =	sst s3;
	s7 =	sand.u32 $0x1, s7  }
0x9: {  	s8 =	sshll.u32 s2, $0xC;
	_ =	strace $0x80000047;
	s9 =	sshll.u32 s7, $0x10  }
0xa: {  	s10 =	sshll.u32 s7, $0x4;
	s7 =	ssub.s32 $0x2, s7;
	s9 =	sor.u32 s8, s9  }
0xb: {  	s10 =	sor.u32 s2, s10;
	s11 =	sshrl.u32 s7, $0x1;
	s9 =	sshrl.u32 s9, $0x3  }
0xc: {  	s10 =	smul.u32 $0x900, s10;
	s7 =	ssub.s32 s7, s11;
	s11 =	simm.s32 $0x9000  }
0xd: {  	s12 =	sadd.s32 s9, s4;
	s4 =	sadd.s32 s8, s1;
	s7 =	smax.u32 s7, $0x1  }
0xe: {  	s5 =	sadd.s32 s5, s10;
	s6 =	sadd.s32 s6, s10;
	s8 =	sadd.s32 $0x800, s4  }
0xf: {  	v0 =	vimm.f32 $0.0e+00;
	s9 =	sadd.s32 $0x24C00, s12;
	s10 =	sadd.s32 $0x24D00, s12;
	s12 =	simm.s32 $0x1  }
.LBB2_1:
0x10: {  	s17 =	simm.s32 $0x40;
	s18 =	simm.s32 $0x0  }
.LBB2_2:
0x11: {  	p0 =	sne.s32 s17, $0x1FC0;
	[tilespmem:s18+$0x9000] =	vst v0;
	s18 =	smov.u32 s17;
	s17 =	sadd.s32 $0x40, s17  }
.Ltmp0:
0x12: {  	(pc) =	sbr.rel @p0 .LBB2_2-.Ltmp0, $2  }
0x13: {  	_ =	sdelay $0x2  }
0x14: {  	s18 =	sshra.s32 s18, $0x2  }
0x15: {  	[tilespmem:s18+$0x9000] =	vst v0  }
0x16: {  	[spmem:s4] =	stream.linear.scatter [tilespmem:s11], [sflag:$0x1], $0x800, $0x38;
	[tilespmem:$0xB000] =	vst v63  }
0x17: {  	_ =	swait.ge [sflag:s12], $0x800  }
0x18: {  	[sflag:s12] =	ssyncset.done $0x0  }
0x19: {  	[sflag:s12] =	ssyncadd.s32 $0xFFFFF800  }
0x1a: {  	[spmem:s8] =	stream.linear.scatter [tilespmem:s11], [sflag:$0x1], $0x800, $0x38;
	[tilespmem:$0xB000] =	vst v63  }
0x1b: {  	_ =	swait.ge [sflag:s12], $0x800  }
0x1c: {  	[sflag:s12] =	ssyncset.done $0x0  }
0x1d: {  	s17 =	simm.s32 $0x0;
	[sflag:s12] =	ssyncadd.s32 $0xFFFFF800  }
0x1e: {  	[tilespmem:s17], [sflag:$0x1] =	stream.linear.gather [hbm4b:s5+s17], $0x4680, $0x38;
	[tilespmem:$0xB000] =	vst v63  }
0x1f: {  	_ =	swait.ge [sflag:s12], $0x4680  }
0x20: {  	[sflag:s12] =	ssyncset.done $0x0  }
0x21: {  	[sflag:s12] =	ssyncadd.s32 $0xFFFFB980  }
0x22: {  	[tilespmem:s13], [sflag:$0x1] =	stream.linear.gather [hbm4b:s6+s17], $0x4680, $0x38;
	[tilespmem:$0xB000] =	vst v63  }
0x23: {  	_ =	swait.ge [sflag:s12], $0x4680  }
0x24: {  	[sflag:s12] =	ssyncset.done $0x0  }
0x25: {  	[sflag:s12] =	ssyncadd.s32 $0xFFFFB980  }
0x26: {  	s30 =	simm.s32 $0x0;
	s31 =	simm.s32 $0x4800;
	[bflag:$0x0] =	sbarrier.arrive $0xFFFF  }
0x27: {  	[spmem:s1] =	stream.indirect.scatter.add.f32 [tilespmem:s30], [sflag:$0x1], $0x1, s31, s14, $0xb8;
	[tilespmem:$0xB000] =	vst v63  }
0x28: {  	s17 =	simm.s32 $0x200;
	_ =	swait.ge [sflag:s12], $0x80  }
.LBB2_4:
0x29: {  	s18 =	sshra.s32 s17, $0x2;
	[sflag:s12] =	ssyncset.done $0x0;
	p0 =	sne.s32 s17, $0x11800  }
.Ltmp1:
0x2a: {  	s19 =	sadd.s32 $0x4800, s18;
	[sflag:s12] =	ssyncadd.s32 $0xFFFFFF80;
	(pc) =	sbr.rel @p0 .LBB2_4-.Ltmp1, $3  }
0x2b: {  	[spmem:s1] =	stream.indirect.scatter.add.f32 [tilespmem:s18], [sflag:$0x1], $0x1, s19, s14, $0xb8;
	[tilespmem:$0xB000] =	vst v63  }
0x2c: {  	s17 =	sadd.s32 $0x200, s17;
	_ =	sdelay $0x1  }
0x2d: {  	_ =	swait.ge [sflag:s12], $0x80  }
0x2e: {  	[sflag:s12] =	ssyncset.done $0x0  }
0x2f: {  	[sflag:s12] =	ssyncadd.s32 $0xFFFFFF80  }
0x30: {  	[bflag:$0x0] =	sbarrier.arrive $0xFFFF  }
0x31: {  	[tilespmem:s15], [sflag:$0x1] =	stream.linear.gather [spmem:s4], $0x800, $0x38;
	[tilespmem:$0xB000] =	vst v63  }
0x32: {  	_ =	swait.ge [sflag:s12], $0x800  }
0x33: {  	[sflag:s12] =	ssyncset.done $0x0  }
0x34: {  	[sflag:s12] =	ssyncadd.s32 $0xFFFFF800  }
0x35: {  	[hbm4b:s9+s3] =	stream.linear.scatter [tilespmem:s15], [sflag:$0x1], $0x800, $0x38;
	[tilespmem:$0xB000] =	vst v63  }
0x36: {  	_ =	swait.ge [sflag:s12], $0x800  }
0x37: {  	[sflag:s12] =	ssyncset.done $0x0  }
0x38: {  	[sflag:s12] =	ssyncadd.s32 $0xFFFFF800  }
0x39: {  	[tilespmem:s15], [sflag:$0x1] =	stream.linear.gather [spmem:s8], $0x800, $0x38;
	[tilespmem:$0xB000] =	vst v63  }
0x3a: {  	s16 =	sadd.s32 $0x1, s16;
	_ =	swait.ge [sflag:s12], $0x800  }
0x3b: {  	p0 =	sne.s32 s16, s7;
	[sflag:s12] =	ssyncset.done $0x0  }
.Ltmp2:
0x3c: {  	[sflag:s12] =	ssyncadd.s32 $0xFFFFF800;
	(pc) =	sbr.rel @p0 .LBB2_1-.Ltmp2, $4  }
0x3d: {  	[hbm4b:s10+s3] =	stream.linear.scatter [tilespmem:s15], [sflag:$0x1], $0x800, $0x38;
	[tilespmem:$0xB000] =	vst v63  }
0x3e: {  	_ =	swait.ge [sflag:s12], $0x800  }
0x3f: {  	[sflag:s12] =	ssyncset.done $0x0  }
0x40: {  	[sflag:s12] =	ssyncadd.s32 $0xFFFFF800  }
0x41: {  	_ =	sfence.sel $0x180000  }
0x42: {  	[bflag:$0x0] =	sbarrier.arrive $0xFFFF  }
0x43: {  	p0 =	sne.s32 s2, $0x0;
	_ =	strace $0x90000047  }
0x44: {  	s0 =	sadd.s32 @!p0 $0x100000, s0;
	[bflag:$0x2] =	sbarrier.arrive $0xFFFF  }
0x45: {  	[sflag:s0] =	ssyncadd.tile.s32 @!p0 $0x1;
	_ =	shalt  }
.Lfunc_end2:
_tile_overlayer_lowered:
.L_overlay_start_2:
0x46: {  	(tag) =	ssettag $0x2  }
0x47: {  	s0 =	rddreg [dreg:$0x0];
	s2 =	stileid.u32  }
0x48: {  	s1 =	rddreg [dreg:$0x1];
	p0 =	sne.s32 s2, $0x0  }
0x49: {  	s3 =	rddreg [dreg:$0x2];
	[bflag:$0x3] =	sbarrier.arrive $0xFFFF;
	s2 =	simm.s32 @!p0 $0x1C01  }
0x4a: {  	[timem:s3], [sflag:s2] =	dma.local @!p0 [hbm:s0], s1  }
0x4b: {  	s0 =	simm.s32 @!p0 $0x1  }
0x4c: {  	_ =	swait.ge @!p0 [sflag:s0], s1  }
0x4d: {  	s1 =	ssub.s32 @!p0 $0x0, s1;
	[sflag:s0] =	ssyncset.done @!p0 $0x0  }
0x4e: {  	[sflag:s0] =	ssyncadd.s32 @!p0 s1  }
0x4f: {  	[bflag:$0x3] =	sbarrier.arrive $0xFFFF  }
0x50: {  	_ =	shalt  }

// kernel: kernel.18.cloned.1.call-start
scs
__scs_entry_jumppad:
0x0: {  	(pc) =	sbr.rel $0x88, $3  }
0x1: {  	(tag) =	ssettag $0x0;
	lr =	simm.s32 $0x1  }
0x2: {  	[smem:$0x3F8F] =	sst lr;
	_ =	strace $0xD0000000  }
0x3: {  	_ = 	snop  }
0x4: {  	_ = 	snop  }
0x5: {  	_ = 	snop  }
0x6: {  	_ = 	snop  }
0x7: {  	_ = 	snop  }
__scs_overlays_trampoline_lowered:
0x8: {  	[smem:$0x3F9E] =	sst s0  }
0x9: {  	[smem:$0x3F9F] =	sst s1  }
0xa: {  	[smem:$0x3FA0] =	sst s2  }
0xb: {  	[smem:$0x3FA1] =	sst s3  }
0xc: {  	[smem:$0x3FA2] =	sst s4  }
0xd: {  	[smem:$0x3FA3] =	sst s5  }
0xe: {  	[smem:$0x3FA4] =	sst s6  }
0xf: {  	[smem:$0x3FA5] =	sst s7  }
0x10: {  	[smem:$0x3FA6] =	sst s8  }
0x11: {  	[smem:$0x3FA7] =	sst s9;
	s0 =	simm.s32 @!p0 $0x0  }
0x12: {  	s1 =	sld [smem:$0x3F8D];
	s0 =	simm.s32 @p0 $0x1  }
0x13: {  	[smem:$0x3FA8] =	sst s0;
	s0 =	simm.s32 @!p1 $0x0  }
0x14: {  	s2 =	sld [smem:$0x3F8C];
	s0 =	simm.s32 @p1 $0x1  }
0x15: {  	[smem:$0x3FA9] =	sst s0;
	s0 =	simm.s32 @!p2 $0x0  }
0x16: {  	s3 =	sld [smem:$0x3FDB];
	s0 =	simm.s32 @p2 $0x1  }
0x17: {  	s4 =	simm.s32 $0x1BF5;
	[smem:$0x3FAB] =	sst s0  }
0x18: {  	s0 =	sld [smem:$0x3F8E];
	_ =	swait.ge [sflag:s4], $0x0  }
0x19: {  	s7 =	sld [smem:$0x3F8F]  }
0x1a: {  	s8 =	sadd.s32 $0xFFFFE003, lr  }
0x1b: {  	s9 =	sadd.s32 $0xFFFFFEF7, lr;
	s5 =	simm.s32 $0xFFFFFFFF;
	p2 =	slt.u32 s8, $0xFFFFF086  }
0x1c: {  	p1 =	slt.u32 s9, $0xF7A;
	s5 =	simm.s32 @!p2 $0x0  }
0x1d: {  	s5 =	simm.s32 @p1 $0x1;
	p0 =	seq.s32 s7, s2  }
0x1e: {  	s7 =	smul.u32 @!p0 $0xF7A, s2;
	p2 =	seq.s32 @!p0 s5, $0x0  }
0x1f: {  	s9 =	smul.u32 $0xF7A, s1;
	s8 =	simm.s32 @!p0 $0x1BF5;
	p2 =	por !p2, p0  }
0x20: {  	[sflag:s8] =	ssyncset.s32 @!p0 $0xFFFFF086;
	s6 =	sadd.s32 @!p0 s3, s7;
	s7 =	simm.s32 @!p0 $0x108  }
0x21: {  	s3 =	sadd.s32 s3, s9;
	s6 =	sadd.s32 @!p0 $0x88, s6;
	s7 =	simm.s32 @p2 $0x1082  }
0x22: {  	[simem:s7], [sflag:s8] =	dma.local @!p0 [hbm:s6], $0xF7A  }
0x23: {  	s9 =	sor.u32 $0xD0000000, s2;
	s6 =	simm.s32 $0x108;
	_ =	swait.ge @!p0 [sflag:s8], $0x0  }
0x24: {  	s3 =	sadd.s32 $0x88, s3;
	s6 =	simm.s32 @!p1 $0x1082;
	[sflag:s4] =	ssyncset.s32 $0xFFFFF086  }
0x25: {  	[simem:s6], [sflag:s4] =	dma.local [hbm:s3], $0xF7A  }
0x26: {  	[smem:$0x3F8F] =	sst s1;
	(tag) =	ssettag s2;
	_ =	strace s9  }
0x27: {  	s1 =	sld [smem:$0x3F9F]  }
0x28: {  	s2 =	sld [smem:$0x3FA0]  }
0x29: {  	s4 =	sld [smem:$0x3FA2]  }
0x2a: {  	p0 =	seq.s32 s5, $0x0;
	s5 =	sld [smem:$0x3FA3]  }
0x2b: {  	s6 =	sld [smem:$0x3FA4]  }
0x2c: {  	s7 =	sld [smem:$0x3FA5]  }
0x2d: {  	s3 =	simm.s32 $0x108;
	s8 =	sld [smem:$0x3FA6]  }
0x2e: {  	s3 =	simm.s32 @!p0 $0x1082;
	s9 =	sld [smem:$0x3FA7]  }
0x2f: {  	lr =	sadd.s32 s0, s3;
	s0 =	sld [smem:$0x3F9E]  }
0x30: {  	s3 =	sld [smem:$0x3FA1]  }
0x31: {  	[smem:$0x3FAA] =	sst s10  }
0x32: {  	s10 =	sld [smem:$0x3FA8];
	_ =	sdelay $0x3  }
0x33: {  	p0 =	seq.s32 s10, $0x1;
	s10 =	sld [smem:$0x3FAA];
	_ =	sdelay $0x3  }
0x34: {  	[smem:$0x3FAA] =	sst s10  }
0x35: {  	s10 =	sld [smem:$0x3FA9];
	_ =	sdelay $0x3  }
0x36: {  	p1 =	seq.s32 s10, $0x1;
	s10 =	sld [smem:$0x3FAA];
	_ =	sdelay $0x3  }
0x37: {  	[smem:$0x3FAA] =	sst s10  }
0x38: {  	s10 =	sld [smem:$0x3FAB]  }
0x39: {  	_ = 	snop;
	(pc) =	sbr.ind lr, $3  }
0x3a: {  	_ = 	snop  }
0x3b: {  	_ = 	snop  }
0x3c: {  	p2 =	seq.s32 s10, $0x1;
	s10 =	sld [smem:$0x3FAA]  }
0x3d: {  	_ =	shalt  }
0x3e: {  	_ =	shalt  }
0x3f: {  	_ =	shalt  }
0x40: {  	_ =	shalt  }
0x41: {  	_ =	shalt  }
0x42: {  	_ =	shalt  }
0x43: {  	_ =	shalt  }
0x44: {  	_ =	shalt  }
0x45: {  	_ =	shalt  }
0x46: {  	_ =	shalt  }
0x47: {  	_ =	shalt  }
0x48: {  	_ =	shalt  }
0x49: {  	_ =	shalt  }
0x4a: {  	_ =	shalt  }
0x4b: {  	_ =	shalt  }
0x4c: {  	_ =	shalt  }
0x4d: {  	_ =	shalt  }
0x4e: {  	_ =	shalt  }
0x4f: {  	_ =	shalt  }
0x50: {  	_ =	shalt  }
0x51: {  	_ =	shalt  }
0x52: {  	_ =	shalt  }
0x53: {  	_ =	shalt  }
0x54: {  	_ =	shalt  }
0x55: {  	_ =	shalt  }
0x56: {  	_ =	shalt  }
0x57: {  	_ =	shalt  }
0x58: {  	_ =	shalt  }
0x59: {  	_ =	shalt  }
0x5a: {  	_ =	shalt  }
0x5b: {  	_ =	shalt  }
0x5c: {  	_ =	shalt  }
0x5d: {  	_ =	shalt  }
0x5e: {  	_ =	shalt  }
0x5f: {  	_ =	shalt  }
0x60: {  	_ =	shalt  }
0x61: {  	_ =	shalt  }
0x62: {  	_ =	shalt  }
0x63: {  	_ =	shalt  }
0x64: {  	_ =	shalt  }
0x65: {  	_ =	shalt  }
0x66: {  	_ =	shalt  }
0x67: {  	_ =	shalt  }
0x68: {  	_ =	shalt  }
0x69: {  	_ =	shalt  }
0x6a: {  	_ =	shalt  }
0x6b: {  	_ =	shalt  }
0x6c: {  	_ =	shalt  }
0x6d: {  	_ =	shalt  }
0x6e: {  	_ =	shalt  }
0x6f: {  	_ =	shalt  }
0x70: {  	_ =	shalt  }
0x71: {  	_ =	shalt  }
0x72: {  	_ =	shalt  }
0x73: {  	_ =	shalt  }
0x74: {  	_ =	shalt  }
0x75: {  	_ =	shalt  }
0x76: {  	_ =	shalt  }
0x77: {  	_ =	shalt  }
0x78: {  	_ =	shalt  }
0x79: {  	_ =	shalt  }
0x7a: {  	_ =	shalt  }
0x7b: {  	_ =	shalt  }
0x7c: {  	_ =	shalt  }
0x7d: {  	_ =	shalt  }
0x7e: {  	_ =	shalt  }
0x7f: {  	_ =	shalt  }
0x80: {  	_ =	shalt  }
0x81: {  	_ =	shalt  }
0x82: {  	_ =	shalt  }
0x83: {  	_ =	shalt  }
0x84: {  	_ =	shalt  }
0x85: {  	_ =	shalt  }
0x86: {  	_ =	shalt  }
0x87: {  	_ =	shalt  }
.Lfunc_end0:
.L_simem_size_0:
called_computation.2_lowered:
.L_overlay_start_0:
0x88: {  	s2 =	sld [smem:$0x3FD9]  }
0x89: {  	s3 =	sld [smem:$0x3FFE];
	_ =	sdelay $0x1  }
0x8a: {  	s1 =	srdreg.scid  }
0x8b: {  	s0 =	sand.u32 $0x1, s1  }
0x8c: {  	s16 =	sshll.u32 s0, $0xA;
	s2 =	sadd.s32 s3, s2  }
0x8d: {  	s2 =	sadd.s32 s2, s16  }
0x8e: {  	[smem:$0x3FB6] =	sst s2  }
0x8f: {  	_ = 	snop  }
0x90: {  	(tm) =	ssettm $0x1  }
0x91: {  	s17 =	sld [smem:$0x3FFB];
	_ =	sdelay $0x3  }
0x92: {  	_ =	strace s17  }
0x93: {  	s2 =	sld [smem:$0x3FFC];
	_ =	sdelay $0x3  }
0x94: {  	_ =	strace s2  }
0x95: {  	s2 =	sld [smem:$0x3FFD];
	_ =	sdelay $0x3  }
0x96: {  	_ =	strace s2  }
0x97: {  	_ =	strace $0x8FFFFFFF  }
0x98: {  	s18 =	sld [smem:$0x3FDB];
	_ =	sdelay $0x1  }
0x99: {  	s19 =	simm.s32 $_scs_section_size  }
0x9a: {  	s4 =	simm.s32 $_size__tile_overlayer_lowered;
	s5 =	simm.s32 $_tile_overlayer_lowered  }
0x9b: {  	s22 =	simm.s32 $0x1BFF;
	s21 =	sshll.u32 s5, $0x1;
	s2 =	sadd.s32 s19, s18  }
0x9c: {  	s6 =	simm.s32 $0x0;
	s20 =	sshll.u32 s4, $0x1;
	s4 =	sadd.s32 s21, s2  }
0x9d: {  	[timem:s6], [sflag:s22] =	dma.local [hbm:s4], s20  }
0x9e: {  	_ =	swait.ge [sflag:s22], s20  }
0x9f: {  	s3 =	ssub.s32 $0x0, s20;
	[sflag:s22] =	ssyncset.done $0x0  }
0xa0: {  	[sflag:s22] =	ssyncadd.s32 s3;
	_ =	sdelay $0x1  }
0xa1: {  	s23 =	simm.s32 $0x1B8B  }
0xa2: {  	_ =	swait.ge [sflag:s23], $0x1  }
0xa3: {  	[sflag:s23] =	ssyncset.done $0x0  }
0xa4: {  	s25 =	simm.s32 $0x1B8E;
	s24 =	sld [smem:$0x3FFE];
	[sflag:s23] =	ssyncadd.s32 $0xFFFFFFFF  }
0xa5: {  	s26 =	simm.s32 $execute0_lowered;
	[smem:$0x3FD2] =	sst s25  }
0xa6: {  	s4 =	sshll.u32 s26, $0x1;
	_ =	strace $0x80000049;
	[dreg:$0x1] =	wrdreg $0xFFFFFFFF  }
0xa7: {  	s28 =	simm.s32 $_size_execute0_lowered;
	s2 =	sadd.s32 s2, s4;
	[dreg:$0x0] =	wrdreg $0x0  }
0xa8: {  	s4 =	sshll.u32 s28, $0x1;
	[dreg:$0x2] =	wrdreg s2  }
0xa9: {  	[dreg:$0x3] =	wrdreg s4  }
0xaa: {  	[dreg:$0x4] =	wrdreg $0xC0  }
0xab: {  	_ =	task [dreg:s6], $0x5FFFF  }
0xac: {  	[dreg:$0x1] =	wrdreg $0xFFFFFFFF  }
0xad: {  	[dreg:$0x0] =	wrdreg $0x60  }
0xae: {  	[dreg:$0x2] =	wrdreg s24  }
0xaf: {  	[dreg:$0x3] =	wrdreg $0x70000  }
0xb0: {  	[dreg:$0x4] =	wrdreg $0x9  }
0xb1: {  	_ =	task.clear_ibuf [dreg:s6], $0x5FFFF;
	_ =	strace $0x90000049  }
0xb2: {  	s29 =	simm.s32 $0x9;
	_ =	strace $0x8000004B  }
0xb3: {  	_ =	swait.ge [sflag:s29], $0x1  }
0xb4: {  	[sflag:s29] =	ssyncadd.s32 $0xFFFFFFFF  }
0xb5: {  	_ =	strace $0x9000004B  }
0xb6: {  	_ =	sfence  }
0xb7: {  	s30 =	sld [smem:$0x0];
	_ =	sdelay $0x2  }
0xb8: {  	s31 =	sshll.u32 s1, $0xD;
	s1 =	sshrl.u32 s1, $0x2  }
0xb9: {  	s3 =	sand.u32 $0x4000, s31;
	s1 =	sadd.s32 s1, s30  }
0xba: {  	s0 =	sor.u32 s3, s0;
	s1 =	sshll.u32 s1, $0x11  }
0xbb: {  	s0 =	sor.u32 s1, s0  }
0xbc: {  	s0 =	sadd.s32 $0x8F2B, s0  }
0xbd: {  	[sflag:s0] =	ssyncadd.remote.s32 $0x1  }
0xbe: {  	_ =	sfence.sel $0xFFFF  }
0xbf: {  	[dreg:$0x0] =	wrdreg $0xFFFFFFFF;
	(pc) =	sbr.abs _section_cstart, $3  }
0xc0: {  	[dreg:$0x1] =	wrdreg $0xFFFFFFFF  }
0xc1: {  	_ =	task.clear_ibuf [dreg:s6], $0x2FFFF;
	_ =	strace $0x9FFFFFFF  }
0xc2: {  	(tm) =	ssettm $0x7FFFFFFF  }
0xc3: {  	_ =	shalt  }
tec
execute0_lowered:
.L_overlay_start_1:
0x0: {  	(tag) =	ssettag $0x1  }
0x1: {  	s4 =	rddreg [dreg:$0x0]  }
0x2: {  	s1 =	rddreg [dreg:$0x1]  }
0x3: {  	s0 =	rddreg [dreg:$0x2]  }
0x4: {  	s2 =	simm.s32 $0x0;
	s5 =	srdreg.scid;
	s15 =	simm.s32 $0x1000  }
0x5: {  	s16 =	simm.s32 $0x80;
	s17 =	simm.s32 $0x2000;
	s18 =	simm.s32 $0x1  }
0x6: {  	s19 =	simm.s32 $0x6800;
	s20 =	simm.s32 $0x0;
	[smem:$0x7FF] =	sst s2  }
0x7: {  	s3 =	sadd.s32 $0xB5C00, s4;
	s5 =	sand.u32 $0x1, s5;
	s8 =	sadd.s32 $0x30C00, s4  }
0x8: {  	s9 =	sadd.s32 $0x28C00, s4;
	_ =	strace $0x8000004A;
	s6 =	sshll.u32 s5, $0x12  }
0x9: {  	s29 =	ssub.s32 $0x2, s5;
	s10 =	sadd.s32 s6, s4;
	s4 =	stileid.u32  }
0xa: {  	s5 =	sshll.u32 s5, $0x11;
	s7 =	sshrl.u32 s29, $0x1;
	s11 =	sshll.u32 s4, $0xC  }
0xb: {  	s12 =	ssub.s32 s29, s7;
	s30 =	sshll.u32 s4, $0x10;
	s14 =	sshll.u32 s4, $0xD  }
0xc: {  	s31 =	sor.u32 s11, s5;
	s5 =	sadd.s32 s30, s1;
	s14 =	sadd.s32 s14, s10  }
0xd: {  	s10 =	smax.u32 s12, $0x1;
	s11 =	sshrl.u32 s31, $0x3;
	s7 =	sor.u32 $0x10000, s31  }
0xe: {  	s12 =	sadd.s32 $0x152E00, s14;
	s6 =	sadd.s32 s8, s11;
	s13 =	sshrl.u32 s7, $0x3  }
0xf: {  	s7 =	sadd.s32 s9, s11;
	s11 =	sadd.s32 $0x132E00, s14;
	s14 =	simm.s32 $0x2  }
0x10: {  	v0 =	vimm.f32 $0.0e+00;
	s8 =	sadd.s32 s8, s13;
	s9 =	sadd.s32 s9, s13;
	s13 =	simm.s32 $0x6000  }
.LBB2_1:
0x11: {  	s21 =	simm.s32 $0x0;
	s22 =	simm.s32 $0x200  }
.LBB2_2:
0x12: {  	p0 =	sne.s32 s22, $0x1E00;
	[tilespmem:s21+$0x6070] =	vst v0  }
0x13: {  	[tilespmem:s21+$0x6000] =	vst v0  }
0x14: {  	[tilespmem:s21+$0x6010] =	vst v0  }
.Ltmp0:
0x15: {  	[tilespmem:s21+$0x6020] =	vst v0;
	(pc) =	sbr.rel @p0 .LBB2_2-.Ltmp0, $4  }
0x16: {  	[tilespmem:s21+$0x6030] =	vst v0  }
0x17: {  	[tilespmem:s21+$0x6040] =	vst v0  }
0x18: {  	[tilespmem:s21+$0x6050] =	vst v0  }
0x19: {  	[tilespmem:s21+$0x6060] =	vst v0;
	s21 =	sshra.s32 s22, $0x2;
	s22 =	sadd.s32 $0x200, s22  }
0x1a: {  	[tilespmem:s21+$0x6070] =	vst v0  }
0x1b: {  	[tilespmem:s21+$0x6000] =	vst v0  }
0x1c: {  	[tilespmem:s21+$0x6010] =	vst v0  }
0x1d: {  	[tilespmem:s21+$0x6020] =	vst v0  }
0x1e: {  	[tilespmem:s21+$0x6030] =	vst v0  }
0x1f: {  	[tilespmem:s21+$0x6040] =	vst v0  }
0x20: {  	[tilespmem:s21+$0x6050] =	vst v0  }
0x21: {  	[tilespmem:s21+$0x6060] =	vst v0;
	s31 =	sadd.s32 $0x0, s5  }
0x22: {  	[spmem:s31] =	stream.linear.scatter [tilespmem:s13], [sflag:$0x2], $0x800, $0x38;
	[tilespmem:$0x17000] =	vst v63  }
0x23: {  	s21 =	simm.s32 $0x2000;
	_ =	swait.ge [sflag:s14], $0x800  }
.LBB2_4:
0x24: {  	s22 =	sshra.s32 s21, $0x2;
	[sflag:s14] =	ssyncset.done $0x0;
	p0 =	sne.s32 s21, $0x3E000  }
.Ltmp1:
0x25: {  	s22 =	sadd.s32 s22, s5;
	[sflag:s14] =	ssyncadd.s32 $0xFFFFF800;
	(pc) =	sbr.rel @p0 .LBB2_4-.Ltmp1, $3  }
0x26: {  	[spmem:s22] =	stream.linear.scatter [tilespmem:s13], [sflag:$0x2], $0x800, $0x38;
	[tilespmem:$0x17000] =	vst v63  }
0x27: {  	s21 =	sadd.s32 $0x2000, s21;
	_ =	sdelay $0x1  }
0x28: {  	_ =	swait.ge [sflag:s14], $0x800  }
0x29: {  	[sflag:s14] =	ssyncset.done $0x0  }
0x2a: {  	s21 =	simm.s32 $0x0;
	[sflag:s14] =	ssyncadd.s32 $0xFFFFF800  }
0x2b: {  	[tilespmem:s21], [sflag:$0x2] =	stream.linear.gather [hbm4b:s6+s21], $0x1000, $0x38;
	[tilespmem:$0x17000] =	vst v63  }
0x2c: {  	_ =	swait.ge [sflag:s14], $0x1000  }
0x2d: {  	[sflag:s14] =	ssyncset.done $0x0  }
0x2e: {  	[sflag:s14] =	ssyncadd.s32 $0xFFFFF000  }
0x2f: {  	[tilespmem:s15], [sflag:$0x2] =	stream.linear.gather [hbm4b:s7+s21], $0x1000, $0x38;
	[tilespmem:$0x17000] =	vst v63  }
0x30: {  	_ =	swait.ge [sflag:s14], $0x1000  }
0x31: {  	[sflag:s14] =	ssyncset.done $0x0  }
0x32: {  	[sflag:s14] =	ssyncadd.s32 $0xFFFFF000  }
0x33: {  	s30 =	simm.s32 $0x0;
	[bflag:$0x0] =	sbarrier.arrive $0xFFFF  }
0x34: {  	[tilespmem:s17], [sflag:$0x1] =	stream.indirect.gather [hbm4b:s3+s16], $0x80, s30, s16, $0xb8;
	[tilespmem:$0x17000] =	vst v63  }
0x35: {  	_ =	swait.ge [sflag:s18], $0x4000  }
0x36: {  	[sflag:s18] =	ssyncset.done $0x0  }
0x37: {  	s31 =	simm.s32 $0x1000;
	[sflag:s18] =	ssyncadd.s32 $0xFFFFC000  }
0x38: {  	[spmem:s1] =	stream.indirect.scatter.add.f32 [tilespmem:s17], [sflag:$0x2], $0x80, s31, s16, $0xb8;
	[tilespmem:$0x17000] =	vst v63  }
0x39: {  	_ =	swait.ge [sflag:s14], $0x4000  }
0x3a: {  	s22 =	simm.s32 $0x400;
	s21 =	simm.s32 $0x200;
	[sflag:s14] =	ssyncset.done $0x0  }
.LBB2_6:
0x3b: {  	s23 =	sshra.s32 s21, $0x2  }
0x3c: {  	[sflag:s14] =	ssyncadd.s32 $0xFFFFC000;
	s21 =	smov.u32 s22;
	s24 =	sadd.s32 $0x200, s22  }
0x3d: {  	[tilespmem:s17], [sflag:$0x1] =	stream.indirect.gather [hbm4b:s3+s16], $0x80, s23, s16, $0xb8;
	[tilespmem:$0x17000] =	vst v63  }
0x3e: {  	p0 =	sne.s32 s22, $0x3E00;
	_ =	swait.ge [sflag:s18], $0x4000  }
.Ltmp2:
0x3f: {  	[sflag:s18] =	ssyncset.done $0x0;
	(pc) =	sbr.rel @p0 .LBB2_6-.Ltmp2, $4  }
0x40: {  	s22 =	sadd.s32 $0x1000, s23;
	[sflag:s18] =	ssyncadd.s32 $0xFFFFC000  }
0x41: {  	[spmem:s1] =	stream.indirect.scatter.add.f32 [tilespmem:s17], [sflag:$0x2], $0x80, s22, s16, $0xb8;
	[tilespmem:$0x17000] =	vst v63  }
0x42: {  	_ =	swait.ge [sflag:s14], $0x4000  }
0x43: {  	s22 =	smov.u32 s24;
	[sflag:s14] =	ssyncset.done $0x0  }
0x44: {  	s21 =	sshra.s32 s21, $0x2;
	[sflag:s14] =	ssyncadd.s32 $0xFFFFC000  }
0x45: {  	[tilespmem:s17], [sflag:$0x1] =	stream.indirect.gather [hbm4b:s3+s16], $0x80, s21, s16, $0xb8;
	[tilespmem:$0x17000] =	vst v63  }
0x46: {  	_ =	swait.ge [sflag:s18], $0x4000  }
0x47: {  	[sflag:s18] =	ssyncset.done $0x0  }
0x48: {  	s21 =	sadd.s32 $0x1000, s21;
	[sflag:s18] =	ssyncadd.s32 $0xFFFFC000  }
0x49: {  	[spmem:s1] =	stream.indirect.scatter.add.f32 [tilespmem:s17], [sflag:$0x2], $0x80, s21, s16, $0xb8;
	[tilespmem:$0x17000] =	vst v63  }
0x4a: {  	_ =	swait.ge [sflag:s14], $0x4000  }
0x4b: {  	[sflag:s14] =	ssyncset.done $0x0  }
0x4c: {  	[sflag:s14] =	ssyncadd.s32 $0xFFFFC000  }
0x4d: {  	[bflag:$0x0] =	sbarrier.arrive $0xFFFF  }
0x4e: {  	[tilespmem:s19], [sflag:$0x2] =	stream.linear.gather [spmem:s5], $0x800, $0x38;
	[tilespmem:$0x17000] =	vst v63  }
0x4f: {  	_ =	swait.ge [sflag:s14], $0x800  }
0x50: {  	[sflag:s14] =	ssyncset.done $0x0  }
0x51: {  	s31 =	sadd.s32 $0x0, s11;
	[sflag:s14] =	ssyncadd.s32 $0xFFFFF800  }
0x52: {  	[hbm4b:s31+s2] =	stream.linear.scatter [tilespmem:s19], [sflag:$0x2], $0x800, $0x38;
	[tilespmem:$0x17000] =	vst v63  }
0x53: {  	_ =	swait.ge [sflag:s14], $0x800  }
0x54: {  	s22 =	smov.u32 s5;
	s21 =	simm.s32 $0x100;
	[sflag:s14] =	ssyncset.done $0x0  }
.LBB2_8:
0x55: {  	p0 =	sne.s32 s21, $0x1F00;
	[sflag:s14] =	ssyncadd.s32 $0xFFFFF800;
	s22 =	sadd.s32 $0x800, s22  }
0x56: {  	[tilespmem:s19], [sflag:$0x2] =	stream.linear.gather [spmem:s22], $0x800, $0x38;
	[tilespmem:$0x17000] =	vst v63  }
0x57: {  	s23 =	smov.u32 s21;
	s21 =	sadd.s32 $0x100, s21;
	_ =	swait.ge [sflag:s14], $0x800  }
.Ltmp3:
0x58: {  	[sflag:s14] =	ssyncset.done $0x0;
	(pc) =	sbr.rel @p0 .LBB2_8-.Ltmp3, $4  }
0x59: {  	s23 =	sadd.s32 s23, s11;
	[sflag:s14] =	ssyncadd.s32 $0xFFFFF800  }
0x5a: {  	[hbm4b:s23+s2] =	stream.linear.scatter [tilespmem:s19], [sflag:$0x2], $0x800, $0x38;
	[tilespmem:$0x17000] =	vst v63  }
0x5b: {  	_ =	swait.ge [sflag:s14], $0x800  }
0x5c: {  	[sflag:s14] =	ssyncset.done $0x0  }
0x5d: {  	[sflag:s14] =	ssyncadd.s32 $0xFFFFF800  }
0x5e: {  	s21 =	simm.s32 $0x0;
	s22 =	simm.s32 $0x200;
	[bflag:$0x0] =	sbarrier.arrive $0xFFFF  }
.LBB2_10:
0x5f: {  	p0 =	sne.s32 s22, $0x1E00;
	[tilespmem:s21+$0x6070] =	vst v0  }
0x60: {  	[tilespmem:s21+$0x6000] =	vst v0  }
0x61: {  	[tilespmem:s21+$0x6010] =	vst v0  }
.Ltmp4:
0x62: {  	[tilespmem:s21+$0x6020] =	vst v0;
	(pc) =	sbr.rel @p0 .LBB2_10-.Ltmp4, $4  }
0x63: {  	[tilespmem:s21+$0x6030] =	vst v0  }
0x64: {  	[tilespmem:s21+$0x6040] =	vst v0  }
0x65: {  	[tilespmem:s21+$0x6050] =	vst v0  }
0x66: {  	[tilespmem:s21+$0x6060] =	vst v0;
	s21 =	sshra.s32 s22, $0x2;
	s22 =	sadd.s32 $0x200, s22  }
0x67: {  	[tilespmem:s21+$0x6070] =	vst v0  }
0x68: {  	[tilespmem:s21+$0x6000] =	vst v0  }
0x69: {  	[tilespmem:s21+$0x6010] =	vst v0  }
0x6a: {  	[tilespmem:s21+$0x6020] =	vst v0  }
0x6b: {  	[tilespmem:s21+$0x6030] =	vst v0  }
0x6c: {  	[tilespmem:s21+$0x6040] =	vst v0  }
0x6d: {  	[tilespmem:s21+$0x6050] =	vst v0  }
0x6e: {  	[tilespmem:s21+$0x6060] =	vst v0;
	s31 =	sadd.s32 $0x0, s5  }
0x6f: {  	[spmem:s31] =	stream.linear.scatter [tilespmem:s13], [sflag:$0x2], $0x800, $0x38;
	[tilespmem:$0x17000] =	vst v63  }
0x70: {  	s21 =	simm.s32 $0x2000;
	_ =	swait.ge [sflag:s14], $0x800  }
.LBB2_12:
0x71: {  	s22 =	sshra.s32 s21, $0x2;
	[sflag:s14] =	ssyncset.done $0x0;
	p0 =	sne.s32 s21, $0x3E000  }
.Ltmp5:
0x72: {  	s22 =	sadd.s32 s22, s5;
	[sflag:s14] =	ssyncadd.s32 $0xFFFFF800;
	(pc) =	sbr.rel @p0 .LBB2_12-.Ltmp5, $3  }
0x73: {  	[spmem:s22] =	stream.linear.scatter [tilespmem:s13], [sflag:$0x2], $0x800, $0x38;
	[tilespmem:$0x17000] =	vst v63  }
0x74: {  	s21 =	sadd.s32 $0x2000, s21;
	_ =	sdelay $0x1  }
0x75: {  	_ =	swait.ge [sflag:s14], $0x800  }
0x76: {  	[sflag:s14] =	ssyncset.done $0x0  }
0x77: {  	s21 =	simm.s32 $0x0;
	[sflag:s14] =	ssyncadd.s32 $0xFFFFF800  }
0x78: {  	[tilespmem:s21], [sflag:$0x2] =	stream.linear.gather [hbm4b:s8+s21], $0x1000, $0x38;
	[tilespmem:$0x17000] =	vst v63  }
0x79: {  	_ =	swait.ge [sflag:s14], $0x1000  }
0x7a: {  	[sflag:s14] =	ssyncset.done $0x0  }
0x7b: {  	[sflag:s14] =	ssyncadd.s32 $0xFFFFF000  }
0x7c: {  	[tilespmem:s15], [sflag:$0x2] =	stream.linear.gather [hbm4b:s9+s21], $0x1000, $0x38;
	[tilespmem:$0x17000] =	vst v63  }
0x7d: {  	_ =	swait.ge [sflag:s14], $0x1000  }
0x7e: {  	[sflag:s14] =	ssyncset.done $0x0  }
0x7f: {  	[sflag:s14] =	ssyncadd.s32 $0xFFFFF000  }
0x80: {  	s30 =	simm.s32 $0x0;
	[bflag:$0x0] =	sbarrier.arrive $0xFFFF  }
0x81: {  	[tilespmem:s17], [sflag:$0x1] =	stream.indirect.gather [hbm4b:s3+s16], $0x80, s30, s16, $0xb8;
	[tilespmem:$0x17000] =	vst v63  }
0x82: {  	_ =	swait.ge [sflag:s18], $0x4000  }
0x83: {  	[sflag:s18] =	ssyncset.done $0x0  }
0x84: {  	s31 =	simm.s32 $0x1000;
	[sflag:s18] =	ssyncadd.s32 $0xFFFFC000  }
0x85: {  	[spmem:s1] =	stream.indirect.scatter.add.f32 [tilespmem:s17], [sflag:$0x2], $0x80, s31, s16, $0xb8;
	[tilespmem:$0x17000] =	vst v63  }
0x86: {  	_ =	swait.ge [sflag:s14], $0x4000  }
0x87: {  	s22 =	simm.s32 $0x400;
	s21 =	simm.s32 $0x200;
	[sflag:s14] =	ssyncset.done $0x0  }
.LBB2_14:
0x88: {  	s23 =	sshra.s32 s21, $0x2  }
0x89: {  	[sflag:s14] =	ssyncadd.s32 $0xFFFFC000;
	s21 =	smov.u32 s22;
	s24 =	sadd.s32 $0x200, s22  }
0x8a: {  	[tilespmem:s17], [sflag:$0x1] =	stream.indirect.gather [hbm4b:s3+s16], $0x80, s23, s16, $0xb8;
	[tilespmem:$0x17000] =	vst v63  }
0x8b: {  	p0 =	sne.s32 s22, $0x3E00;
	_ =	swait.ge [sflag:s18], $0x4000  }
.Ltmp6:
0x8c: {  	[sflag:s18] =	ssyncset.done $0x0;
	(pc) =	sbr.rel @p0 .LBB2_14-.Ltmp6, $4  }
0x8d: {  	s22 =	sadd.s32 $0x1000, s23;
	[sflag:s18] =	ssyncadd.s32 $0xFFFFC000  }
0x8e: {  	[spmem:s1] =	stream.indirect.scatter.add.f32 [tilespmem:s17], [sflag:$0x2], $0x80, s22, s16, $0xb8;
	[tilespmem:$0x17000] =	vst v63  }
0x8f: {  	_ =	swait.ge [sflag:s14], $0x4000  }
0x90: {  	s22 =	smov.u32 s24;
	[sflag:s14] =	ssyncset.done $0x0  }
0x91: {  	s21 =	sshra.s32 s21, $0x2;
	[sflag:s14] =	ssyncadd.s32 $0xFFFFC000  }
0x92: {  	[tilespmem:s17], [sflag:$0x1] =	stream.indirect.gather [hbm4b:s3+s16], $0x80, s21, s16, $0xb8;
	[tilespmem:$0x17000] =	vst v63  }
0x93: {  	_ =	swait.ge [sflag:s18], $0x4000  }
0x94: {  	[sflag:s18] =	ssyncset.done $0x0  }
0x95: {  	s21 =	sadd.s32 $0x1000, s21;
	[sflag:s18] =	ssyncadd.s32 $0xFFFFC000  }
0x96: {  	[spmem:s1] =	stream.indirect.scatter.add.f32 [tilespmem:s17], [sflag:$0x2], $0x80, s21, s16, $0xb8;
	[tilespmem:$0x17000] =	vst v63  }
0x97: {  	_ =	swait.ge [sflag:s14], $0x4000  }
0x98: {  	[sflag:s14] =	ssyncset.done $0x0  }
0x99: {  	[sflag:s14] =	ssyncadd.s32 $0xFFFFC000  }
0x9a: {  	[bflag:$0x0] =	sbarrier.arrive $0xFFFF  }
0x9b: {  	[tilespmem:s19], [sflag:$0x2] =	stream.linear.gather [spmem:s5], $0x800, $0x38;
	[tilespmem:$0x17000] =	vst v63  }
0x9c: {  	_ =	swait.ge [sflag:s14], $0x800  }
0x9d: {  	[sflag:s14] =	ssyncset.done $0x0  }
0x9e: {  	s31 =	sadd.s32 $0x0, s12;
	[sflag:s14] =	ssyncadd.s32 $0xFFFFF800  }
0x9f: {  	[hbm4b:s31+s2] =	stream.linear.scatter [tilespmem:s19], [sflag:$0x2], $0x800, $0x38;
	[tilespmem:$0x17000] =	vst v63  }
0xa0: {  	_ =	swait.ge [sflag:s14], $0x800  }
0xa1: {  	s22 =	smov.u32 s5;
	s21 =	simm.s32 $0x100;
	[sflag:s14] =	ssyncset.done $0x0  }
.LBB2_16:
0xa2: {  	p0 =	sne.s32 s21, $0x1F00;
	[sflag:s14] =	ssyncadd.s32 $0xFFFFF800;
	s22 =	sadd.s32 $0x800, s22  }
0xa3: {  	[tilespmem:s19], [sflag:$0x2] =	stream.linear.gather [spmem:s22], $0x800, $0x38;
	[tilespmem:$0x17000] =	vst v63  }
0xa4: {  	s23 =	smov.u32 s21;
	s21 =	sadd.s32 $0x100, s21;
	_ =	swait.ge [sflag:s14], $0x800  }
.Ltmp7:
0xa5: {  	[sflag:s14] =	ssyncset.done $0x0;
	(pc) =	sbr.rel @p0 .LBB2_16-.Ltmp7, $4  }
0xa6: {  	s23 =	sadd.s32 s23, s12;
	[sflag:s14] =	ssyncadd.s32 $0xFFFFF800  }
0xa7: {  	[hbm4b:s23+s2] =	stream.linear.scatter [tilespmem:s19], [sflag:$0x2], $0x800, $0x38;
	[tilespmem:$0x17000] =	vst v63  }
0xa8: {  	_ =	swait.ge [sflag:s14], $0x800  }
0xa9: {  	[sflag:s14] =	ssyncset.done $0x0  }
0xaa: {  	s20 =	sadd.s32 $0x1, s20  }
0xab: {  	p0 =	sne.s32 s20, s10  }
.Ltmp8:
0xac: {  	_ = 	snop;
	(pc) =	sbr.rel @p0 .LBB2_1-.Ltmp8, $3  }
0xad: {  	_ = 	snop  }
0xae: {  	[sflag:s14] =	ssyncadd.s32 $0xFFFFF800  }
0xaf: {  	[bflag:$0x0] =	sbarrier.arrive $0xFFFF;
	_ =	sdelay $0x1  }
0xb0: {  	_ =	sfence.sel $0x180000  }
0xb1: {  	[bflag:$0x0] =	sbarrier.arrive $0xFFFF  }
0xb2: {  	p0 =	sne.s32 s4, $0x0;
	_ =	strace $0x9000004A  }
0xb3: {  	s0 =	sadd.s32 @!p0 $0x100000, s0;
	[bflag:$0x2] =	sbarrier.arrive $0xFFFF  }
0xb4: {  	[sflag:s0] =	ssyncadd.tile.s32 @!p0 $0x1;
	_ =	shalt  }
.Lfunc_end2:
_tile_overlayer_lowered:
.L_overlay_start_2:
0xb5: {  	(tag) =	ssettag $0x2  }
0xb6: {  	s0 =	rddreg [dreg:$0x0];
	s2 =	stileid.u32  }
0xb7: {  	s1 =	rddreg [dreg:$0x1];
	p0 =	sne.s32 s2, $0x0  }
0xb8: {  	s3 =	rddreg [dreg:$0x2];
	[bflag:$0x3] =	sbarrier.arrive $0xFFFF;
	s2 =	simm.s32 @!p0 $0x1C02  }
0xb9: {  	[timem:s3], [sflag:s2] =	dma.local @!p0 [hbm:s0], s1  }
0xba: {  	s0 =	simm.s32 @!p0 $0x2  }
0xbb: {  	_ =	swait.ge @!p0 [sflag:s0], s1  }
0xbc: {  	s1 =	ssub.s32 @!p0 $0x0, s1;
	[sflag:s0] =	ssyncset.done @!p0 $0x0  }
0xbd: {  	[sflag:s0] =	ssyncadd.s32 @!p0 s1  }
0xbe: {  	[bflag:$0x3] =	sbarrier.arrive $0xFFFF  }
0xbf: {  	_ =	shalt  }

// kernel: kernel.21.cloned.1.call-start
scs
__scs_entry_jumppad:
0x0: {  	(pc) =	sbr.rel $0x88, $3  }
0x1: {  	(tag) =	ssettag $0x0;
	lr =	simm.s32 $0x1  }
0x2: {  	[smem:$0x3F8F] =	sst lr;
	_ =	strace $0xD0000000  }
0x3: {  	_ = 	snop  }
0x4: {  	_ = 	snop  }
0x5: {  	_ = 	snop  }
0x6: {  	_ = 	snop  }
0x7: {  	_ = 	snop  }
__scs_overlays_trampoline_lowered:
0x8: {  	[smem:$0x3F9E] =	sst s0  }
0x9: {  	[smem:$0x3F9F] =	sst s1  }
0xa: {  	[smem:$0x3FA0] =	sst s2  }
0xb: {  	[smem:$0x3FA1] =	sst s3  }
0xc: {  	[smem:$0x3FA2] =	sst s4  }
0xd: {  	[smem:$0x3FA3] =	sst s5  }
0xe: {  	[smem:$0x3FA4] =	sst s6  }
0xf: {  	[smem:$0x3FA5] =	sst s7  }
0x10: {  	[smem:$0x3FA6] =	sst s8  }
0x11: {  	[smem:$0x3FA7] =	sst s9;
	s0 =	simm.s32 @!p0 $0x0  }
0x12: {  	s1 =	sld [smem:$0x3F8D];
	s0 =	simm.s32 @p0 $0x1  }
0x13: {  	[smem:$0x3FA8] =	sst s0;
	s0 =	simm.s32 @!p1 $0x0  }
0x14: {  	s2 =	sld [smem:$0x3F8C];
	s0 =	simm.s32 @p1 $0x1  }
0x15: {  	[smem:$0x3FA9] =	sst s0;
	s0 =	simm.s32 @!p2 $0x0  }
0x16: {  	s3 =	sld [smem:$0x3FDB];
	s0 =	simm.s32 @p2 $0x1  }
0x17: {  	s4 =	simm.s32 $0x1BF5;
	[smem:$0x3FAB] =	sst s0  }
0x18: {  	s0 =	sld [smem:$0x3F8E];
	_ =	swait.ge [sflag:s4], $0x0  }
0x19: {  	s7 =	sld [smem:$0x3F8F]  }
0x1a: {  	s8 =	sadd.s32 $0xFFFFE003, lr  }
0x1b: {  	s9 =	sadd.s32 $0xFFFFFEF7, lr;
	s5 =	simm.s32 $0xFFFFFFFF;
	p2 =	slt.u32 s8, $0xFFFFF086  }
0x1c: {  	p1 =	slt.u32 s9, $0xF7A;
	s5 =	simm.s32 @!p2 $0x0  }
0x1d: {  	s5 =	simm.s32 @p1 $0x1;
	p0 =	seq.s32 s7, s2  }
0x1e: {  	s7 =	smul.u32 @!p0 $0xF7A, s2;
	p2 =	seq.s32 @!p0 s5, $0x0  }
0x1f: {  	s9 =	smul.u32 $0xF7A, s1;
	s8 =	simm.s32 @!p0 $0x1BF5;
	p2 =	por !p2, p0  }
0x20: {  	[sflag:s8] =	ssyncset.s32 @!p0 $0xFFFFF086;
	s6 =	sadd.s32 @!p0 s3, s7;
	s7 =	simm.s32 @!p0 $0x108  }
0x21: {  	s3 =	sadd.s32 s3, s9;
	s6 =	sadd.s32 @!p0 $0x88, s6;
	s7 =	simm.s32 @p2 $0x1082  }
0x22: {  	[simem:s7], [sflag:s8] =	dma.local @!p0 [hbm:s6], $0xF7A  }
0x23: {  	s9 =	sor.u32 $0xD0000000, s2;
	s6 =	simm.s32 $0x108;
	_ =	swait.ge @!p0 [sflag:s8], $0x0  }
0x24: {  	s3 =	sadd.s32 $0x88, s3;
	s6 =	simm.s32 @!p1 $0x1082;
	[sflag:s4] =	ssyncset.s32 $0xFFFFF086  }
0x25: {  	[simem:s6], [sflag:s4] =	dma.local [hbm:s3], $0xF7A  }
0x26: {  	[smem:$0x3F8F] =	sst s1;
	(tag) =	ssettag s2;
	_ =	strace s9  }
0x27: {  	s1 =	sld [smem:$0x3F9F]  }
0x28: {  	s2 =	sld [smem:$0x3FA0]  }
0x29: {  	s4 =	sld [smem:$0x3FA2]  }
0x2a: {  	p0 =	seq.s32 s5, $0x0;
	s5 =	sld [smem:$0x3FA3]  }
0x2b: {  	s6 =	sld [smem:$0x3FA4]  }
0x2c: {  	s7 =	sld [smem:$0x3FA5]  }
0x2d: {  	s3 =	simm.s32 $0x108;
	s8 =	sld [smem:$0x3FA6]  }
0x2e: {  	s3 =	simm.s32 @!p0 $0x1082;
	s9 =	sld [smem:$0x3FA7]  }
0x2f: {  	lr =	sadd.s32 s0, s3;
	s0 =	sld [smem:$0x3F9E]  }
0x30: {  	s3 =	sld [smem:$0x3FA1]  }
0x31: {  	[smem:$0x3FAA] =	sst s10  }
0x32: {  	s10 =	sld [smem:$0x3FA8];
	_ =	sdelay $0x3  }
0x33: {  	p0 =	seq.s32 s10, $0x1;
	s10 =	sld [smem:$0x3FAA];
	_ =	sdelay $0x3  }
0x34: {  	[smem:$0x3FAA] =	sst s10  }
0x35: {  	s10 =	sld [smem:$0x3FA9];
	_ =	sdelay $0x3  }
0x36: {  	p1 =	seq.s32 s10, $0x1;
	s10 =	sld [smem:$0x3FAA];
	_ =	sdelay $0x3  }
0x37: {  	[smem:$0x3FAA] =	sst s10  }
0x38: {  	s10 =	sld [smem:$0x3FAB]  }
0x39: {  	_ = 	snop;
	(pc) =	sbr.ind lr, $3  }
0x3a: {  	_ = 	snop  }
0x3b: {  	_ = 	snop  }
0x3c: {  	p2 =	seq.s32 s10, $0x1;
	s10 =	sld [smem:$0x3FAA]  }
0x3d: {  	_ =	shalt  }
0x3e: {  	_ =	shalt  }
0x3f: {  	_ =	shalt  }
0x40: {  	_ =	shalt  }
0x41: {  	_ =	shalt  }
0x42: {  	_ =	shalt  }
0x43: {  	_ =	shalt  }
0x44: {  	_ =	shalt  }
0x45: {  	_ =	shalt  }
0x46: {  	_ =	shalt  }
0x47: {  	_ =	shalt  }
0x48: {  	_ =	shalt  }
0x49: {  	_ =	shalt  }
0x4a: {  	_ =	shalt  }
0x4b: {  	_ =	shalt  }
0x4c: {  	_ =	shalt  }
0x4d: {  	_ =	shalt  }
0x4e: {  	_ =	shalt  }
0x4f: {  	_ =	shalt  }
0x50: {  	_ =	shalt  }
0x51: {  	_ =	shalt  }
0x52: {  	_ =	shalt  }
0x53: {  	_ =	shalt  }
0x54: {  	_ =	shalt  }
0x55: {  	_ =	shalt  }
0x56: {  	_ =	shalt  }
0x57: {  	_ =	shalt  }
0x58: {  	_ =	shalt  }
0x59: {  	_ =	shalt  }
0x5a: {  	_ =	shalt  }
0x5b: {  	_ =	shalt  }
0x5c: {  	_ =	shalt  }
0x5d: {  	_ =	shalt  }
0x5e: {  	_ =	shalt  }
0x5f: {  	_ =	shalt  }
0x60: {  	_ =	shalt  }
0x61: {  	_ =	shalt  }
0x62: {  	_ =	shalt  }
0x63: {  	_ =	shalt  }
0x64: {  	_ =	shalt  }
0x65: {  	_ =	shalt  }
0x66: {  	_ =	shalt  }
0x67: {  	_ =	shalt  }
0x68: {  	_ =	shalt  }
0x69: {  	_ =	shalt  }
0x6a: {  	_ =	shalt  }
0x6b: {  	_ =	shalt  }
0x6c: {  	_ =	shalt  }
0x6d: {  	_ =	shalt  }
0x6e: {  	_ =	shalt  }
0x6f: {  	_ =	shalt  }
0x70: {  	_ =	shalt  }
0x71: {  	_ =	shalt  }
0x72: {  	_ =	shalt  }
0x73: {  	_ =	shalt  }
0x74: {  	_ =	shalt  }
0x75: {  	_ =	shalt  }
0x76: {  	_ =	shalt  }
0x77: {  	_ =	shalt  }
0x78: {  	_ =	shalt  }
0x79: {  	_ =	shalt  }
0x7a: {  	_ =	shalt  }
0x7b: {  	_ =	shalt  }
0x7c: {  	_ =	shalt  }
0x7d: {  	_ =	shalt  }
0x7e: {  	_ =	shalt  }
0x7f: {  	_ =	shalt  }
0x80: {  	_ =	shalt  }
0x81: {  	_ =	shalt  }
0x82: {  	_ =	shalt  }
0x83: {  	_ =	shalt  }
0x84: {  	_ =	shalt  }
0x85: {  	_ =	shalt  }
0x86: {  	_ =	shalt  }
0x87: {  	_ =	shalt  }
.Lfunc_end0:
.L_simem_size_0:
called_computation.3_lowered:
.L_overlay_start_0:
0x88: {  	s2 =	sld [smem:$0x3FD9]  }
0x89: {  	s3 =	sld [smem:$0x3FFE];
	_ =	sdelay $0x1  }
0x8a: {  	s1 =	srdreg.scid  }
0x8b: {  	s0 =	sand.u32 $0x1, s1  }
0x8c: {  	s16 =	sshll.u32 s0, $0xA;
	s2 =	sadd.s32 s3, s2  }
0x8d: {  	s2 =	sadd.s32 s2, s16  }
0x8e: {  	[smem:$0x3FB6] =	sst s2  }
0x8f: {  	_ = 	snop  }
0x90: {  	(tm) =	ssettm $0x1  }
0x91: {  	s17 =	sld [smem:$0x3FFB];
	_ =	sdelay $0x3  }
0x92: {  	_ =	strace s17  }
0x93: {  	s2 =	sld [smem:$0x3FFC];
	_ =	sdelay $0x3  }
0x94: {  	_ =	strace s2  }
0x95: {  	s2 =	sld [smem:$0x3FFD];
	_ =	sdelay $0x3  }
0x96: {  	_ =	strace s2  }
0x97: {  	_ =	strace $0x8FFFFFFF  }
0x98: {  	s18 =	sld [smem:$0x3FDB];
	_ =	sdelay $0x1  }
0x99: {  	s19 =	simm.s32 $_scs_section_size  }
0x9a: {  	s4 =	simm.s32 $_size__tile_overlayer_lowered;
	s5 =	simm.s32 $_tile_overlayer_lowered  }
0x9b: {  	s22 =	simm.s32 $0x1BFF;
	s21 =	sshll.u32 s5, $0x1;
	s2 =	sadd.s32 s19, s18  }
0x9c: {  	s6 =	simm.s32 $0x0;
	s20 =	sshll.u32 s4, $0x1;
	s4 =	sadd.s32 s21, s2  }
0x9d: {  	[timem:s6], [sflag:s22] =	dma.local [hbm:s4], s20  }
0x9e: {  	_ =	swait.ge [sflag:s22], s20  }
0x9f: {  	s3 =	ssub.s32 $0x0, s20;
	[sflag:s22] =	ssyncset.done $0x0  }
0xa0: {  	[sflag:s22] =	ssyncadd.s32 s3;
	_ =	sdelay $0x1  }
0xa1: {  	s23 =	simm.s32 $0x1B8B  }
0xa2: {  	_ =	swait.ge [sflag:s23], $0x1  }
0xa3: {  	[sflag:s23] =	ssyncset.done $0x0  }
0xa4: {  	s25 =	simm.s32 $0x1B8E;
	s24 =	sld [smem:$0x3FFE];
	[sflag:s23] =	ssyncadd.s32 $0xFFFFFFFF  }
0xa5: {  	s26 =	simm.s32 $execute0_lowered;
	[smem:$0x3FD2] =	sst s25  }
0xa6: {  	s4 =	sshll.u32 s26, $0x1;
	_ =	strace $0x8000004C;
	[dreg:$0x1] =	wrdreg $0xFFFFFFFF  }
0xa7: {  	s28 =	simm.s32 $_size_execute0_lowered;
	s2 =	sadd.s32 s2, s4;
	[dreg:$0x0] =	wrdreg $0x0  }
0xa8: {  	s4 =	sshll.u32 s28, $0x1;
	[dreg:$0x2] =	wrdreg s2  }
0xa9: {  	[dreg:$0x3] =	wrdreg s4  }
0xaa: {  	[dreg:$0x4] =	wrdreg $0xC0  }
0xab: {  	_ =	task [dreg:s6], $0x5FFFF  }
0xac: {  	[dreg:$0x1] =	wrdreg $0xFFFFFFFF  }
0xad: {  	[dreg:$0x0] =	wrdreg $0x60  }
0xae: {  	[dreg:$0x2] =	wrdreg s24  }
0xaf: {  	[dreg:$0x3] =	wrdreg $0x70000  }
0xb0: {  	[dreg:$0x4] =	wrdreg $0x9  }
0xb1: {  	_ =	task.clear_ibuf [dreg:s6], $0x5FFFF;
	_ =	strace $0x9000004C  }
0xb2: {  	s29 =	simm.s32 $0x9;
	_ =	strace $0x8000004E  }
0xb3: {  	_ =	swait.ge [sflag:s29], $0x1  }
0xb4: {  	[sflag:s29] =	ssyncadd.s32 $0xFFFFFFFF  }
0xb5: {  	_ =	strace $0x9000004E  }
0xb6: {  	_ =	sfence  }
0xb7: {  	s30 =	sld [smem:$0x0];
	_ =	sdelay $0x2  }
0xb8: {  	s31 =	sshll.u32 s1, $0xD;
	s1 =	sshrl.u32 s1, $0x2  }
0xb9: {  	s3 =	sand.u32 $0x4000, s31;
	s1 =	sadd.s32 s1, s30  }
0xba: {  	s0 =	sor.u32 s3, s0;
	s1 =	sshll.u32 s1, $0x11  }
0xbb: {  	s0 =	sor.u32 s1, s0  }
0xbc: {  	s0 =	sadd.s32 $0x8F2B, s0  }
0xbd: {  	[sflag:s0] =	ssyncadd.remote.s32 $0x1  }
0xbe: {  	_ =	sfence.sel $0xFFFF  }
0xbf: {  	[dreg:$0x0] =	wrdreg $0xFFFFFFFF;
	(pc) =	sbr.abs _section_cstart, $3  }
0xc0: {  	[dreg:$0x1] =	wrdreg $0xFFFFFFFF  }
0xc1: {  	_ =	task.clear_ibuf [dreg:s6], $0x2FFFF;
	_ =	strace $0x9FFFFFFF  }
0xc2: {  	(tm) =	ssettm $0x7FFFFFFF  }
0xc3: {  	_ =	shalt  }
tec
execute0_lowered:
.L_overlay_start_1:
0x0: {  	(tag) =	ssettag $0x1  }
0x1: {  	s4 =	rddreg [dreg:$0x0]  }
0x2: {  	s1 =	rddreg [dreg:$0x1]  }
0x3: {  	s0 =	rddreg [dreg:$0x2]  }
0x4: {  	s2 =	simm.s32 $0x0;
	s5 =	srdreg.scid;
	s15 =	simm.s32 $0x1000  }
0x5: {  	s16 =	simm.s32 $0x80;
	s17 =	simm.s32 $0x2000;
	s18 =	simm.s32 $0x1  }
0x6: {  	s19 =	simm.s32 $0x6800;
	s20 =	simm.s32 $0x0;
	[smem:$0x7FF] =	sst s2  }
0x7: {  	s3 =	sadd.s32 $0x132C00, s4;
	s5 =	sand.u32 $0x1, s5;
	s8 =	sadd.s32 $0x30C00, s4  }
0x8: {  	s9 =	sadd.s32 $0x28C00, s4;
	_ =	strace $0x8000004D;
	s6 =	sshll.u32 s5, $0x12  }
0x9: {  	s29 =	ssub.s32 $0x2, s5;
	s10 =	sadd.s32 s6, s4;
	s4 =	stileid.u32  }
0xa: {  	s5 =	sshll.u32 s5, $0x11;
	s7 =	sshrl.u32 s29, $0x1;
	s11 =	sshll.u32 s4, $0xC  }
0xb: {  	s12 =	ssub.s32 s29, s7;
	s30 =	sshll.u32 s4, $0x10;
	s14 =	sshll.u32 s4, $0xD  }
0xc: {  	s31 =	sor.u32 s11, s5;
	s5 =	sadd.s32 s30, s1;
	s14 =	sadd.s32 s14, s10  }
0xd: {  	s10 =	smax.u32 s12, $0x1;
	s11 =	sshrl.u32 s31, $0x3;
	s7 =	sor.u32 $0x10000, s31  }
0xe: {  	s12 =	sadd.s32 $0x1CFE00, s14;
	s6 =	sadd.s32 s8, s11;
	s13 =	sshrl.u32 s7, $0x3  }
0xf: {  	s7 =	sadd.s32 s9, s11;
	s11 =	sadd.s32 $0x1AFE00, s14;
	s14 =	simm.s32 $0x2  }
0x10: {  	v0 =	vimm.f32 $0.0e+00;
	s8 =	sadd.s32 s8, s13;
	s9 =	sadd.s32 s9, s13;
	s13 =	simm.s32 $0x6000  }
.LBB2_1:
0x11: {  	s21 =	simm.s32 $0x0;
	s22 =	simm.s32 $0x200  }
.LBB2_2:
0x12: {  	p0 =	sne.s32 s22, $0x1E00;
	[tilespmem:s21+$0x6070] =	vst v0  }
0x13: {  	[tilespmem:s21+$0x6000] =	vst v0  }
0x14: {  	[tilespmem:s21+$0x6010] =	vst v0  }
.Ltmp0:
0x15: {  	[tilespmem:s21+$0x6020] =	vst v0;
	(pc) =	sbr.rel @p0 .LBB2_2-.Ltmp0, $4  }
0x16: {  	[tilespmem:s21+$0x6030] =	vst v0  }
0x17: {  	[tilespmem:s21+$0x6040] =	vst v0  }
0x18: {  	[tilespmem:s21+$0x6050] =	vst v0  }
0x19: {  	[tilespmem:s21+$0x6060] =	vst v0;
	s21 =	sshra.s32 s22, $0x2;
	s22 =	sadd.s32 $0x200, s22  }
0x1a: {  	[tilespmem:s21+$0x6070] =	vst v0  }
0x1b: {  	[tilespmem:s21+$0x6000] =	vst v0  }
0x1c: {  	[tilespmem:s21+$0x6010] =	vst v0  }
0x1d: {  	[tilespmem:s21+$0x6020] =	vst v0  }
0x1e: {  	[tilespmem:s21+$0x6030] =	vst v0  }
0x1f: {  	[tilespmem:s21+$0x6040] =	vst v0  }
0x20: {  	[tilespmem:s21+$0x6050] =	vst v0  }
0x21: {  	[tilespmem:s21+$0x6060] =	vst v0;
	s31 =	sadd.s32 $0x0, s5  }
0x22: {  	[spmem:s31] =	stream.linear.scatter [tilespmem:s13], [sflag:$0x2], $0x800, $0x38;
	[tilespmem:$0x17000] =	vst v63  }
0x23: {  	s21 =	simm.s32 $0x2000;
	_ =	swait.ge [sflag:s14], $0x800  }
.LBB2_4:
0x24: {  	s22 =	sshra.s32 s21, $0x2;
	[sflag:s14] =	ssyncset.done $0x0;
	p0 =	sne.s32 s21, $0x3E000  }
.Ltmp1:
0x25: {  	s22 =	sadd.s32 s22, s5;
	[sflag:s14] =	ssyncadd.s32 $0xFFFFF800;
	(pc) =	sbr.rel @p0 .LBB2_4-.Ltmp1, $3  }
0x26: {  	[spmem:s22] =	stream.linear.scatter [tilespmem:s13], [sflag:$0x2], $0x800, $0x38;
	[tilespmem:$0x17000] =	vst v63  }
0x27: {  	s21 =	sadd.s32 $0x2000, s21;
	_ =	sdelay $0x1  }
0x28: {  	_ =	swait.ge [sflag:s14], $0x800  }
0x29: {  	[sflag:s14] =	ssyncset.done $0x0  }
0x2a: {  	s21 =	simm.s32 $0x0;
	[sflag:s14] =	ssyncadd.s32 $0xFFFFF800  }
0x2b: {  	[tilespmem:s21], [sflag:$0x2] =	stream.linear.gather [hbm4b:s6+s21], $0x1000, $0x38;
	[tilespmem:$0x17000] =	vst v63  }
0x2c: {  	_ =	swait.ge [sflag:s14], $0x1000  }
0x2d: {  	[sflag:s14] =	ssyncset.done $0x0  }
0x2e: {  	[sflag:s14] =	ssyncadd.s32 $0xFFFFF000  }
0x2f: {  	[tilespmem:s15], [sflag:$0x2] =	stream.linear.gather [hbm4b:s7+s21], $0x1000, $0x38;
	[tilespmem:$0x17000] =	vst v63  }
0x30: {  	_ =	swait.ge [sflag:s14], $0x1000  }
0x31: {  	[sflag:s14] =	ssyncset.done $0x0  }
0x32: {  	[sflag:s14] =	ssyncadd.s32 $0xFFFFF000  }
0x33: {  	s30 =	simm.s32 $0x0;
	[bflag:$0x0] =	sbarrier.arrive $0xFFFF  }
0x34: {  	[tilespmem:s17], [sflag:$0x1] =	stream.indirect.gather [hbm4b:s3+s16], $0x80, s30, s16, $0xb8;
	[tilespmem:$0x17000] =	vst v63  }
0x35: {  	_ =	swait.ge [sflag:s18], $0x4000  }
0x36: {  	[sflag:s18] =	ssyncset.done $0x0  }
0x37: {  	s31 =	simm.s32 $0x1000;
	[sflag:s18] =	ssyncadd.s32 $0xFFFFC000  }
0x38: {  	[spmem:s1] =	stream.indirect.scatter.add.f32 [tilespmem:s17], [sflag:$0x2], $0x80, s31, s16, $0xb8;
	[tilespmem:$0x17000] =	vst v63  }
0x39: {  	_ =	swait.ge [sflag:s14], $0x4000  }
0x3a: {  	s22 =	simm.s32 $0x400;
	s21 =	simm.s32 $0x200;
	[sflag:s14] =	ssyncset.done $0x0  }
.LBB2_6:
0x3b: {  	s23 =	sshra.s32 s21, $0x2  }
0x3c: {  	[sflag:s14] =	ssyncadd.s32 $0xFFFFC000;
	s21 =	smov.u32 s22;
	s24 =	sadd.s32 $0x200, s22  }
0x3d: {  	[tilespmem:s17], [sflag:$0x1] =	stream.indirect.gather [hbm4b:s3+s16], $0x80, s23, s16, $0xb8;
	[tilespmem:$0x17000] =	vst v63  }
0x3e: {  	p0 =	sne.s32 s22, $0x3E00;
	_ =	swait.ge [sflag:s18], $0x4000  }
.Ltmp2:
0x3f: {  	[sflag:s18] =	ssyncset.done $0x0;
	(pc) =	sbr.rel @p0 .LBB2_6-.Ltmp2, $4  }
0x40: {  	s22 =	sadd.s32 $0x1000, s23;
	[sflag:s18] =	ssyncadd.s32 $0xFFFFC000  }
0x41: {  	[spmem:s1] =	stream.indirect.scatter.add.f32 [tilespmem:s17], [sflag:$0x2], $0x80, s22, s16, $0xb8;
	[tilespmem:$0x17000] =	vst v63  }
0x42: {  	_ =	swait.ge [sflag:s14], $0x4000  }
0x43: {  	s22 =	smov.u32 s24;
	[sflag:s14] =	ssyncset.done $0x0  }
0x44: {  	s21 =	sshra.s32 s21, $0x2;
	[sflag:s14] =	ssyncadd.s32 $0xFFFFC000  }
0x45: {  	[tilespmem:s17], [sflag:$0x1] =	stream.indirect.gather [hbm4b:s3+s16], $0x80, s21, s16, $0xb8;
	[tilespmem:$0x17000] =	vst v63  }
0x46: {  	_ =	swait.ge [sflag:s18], $0x4000  }
0x47: {  	[sflag:s18] =	ssyncset.done $0x0  }
0x48: {  	s21 =	sadd.s32 $0x1000, s21;
	[sflag:s18] =	ssyncadd.s32 $0xFFFFC000  }
0x49: {  	[spmem:s1] =	stream.indirect.scatter.add.f32 [tilespmem:s17], [sflag:$0x2], $0x80, s21, s16, $0xb8;
	[tilespmem:$0x17000] =	vst v63  }
0x4a: {  	_ =	swait.ge [sflag:s14], $0x4000  }
0x4b: {  	[sflag:s14] =	ssyncset.done $0x0  }
0x4c: {  	[sflag:s14] =	ssyncadd.s32 $0xFFFFC000  }
0x4d: {  	[bflag:$0x0] =	sbarrier.arrive $0xFFFF  }
0x4e: {  	[tilespmem:s19], [sflag:$0x2] =	stream.linear.gather [spmem:s5], $0x800, $0x38;
	[tilespmem:$0x17000] =	vst v63  }
0x4f: {  	_ =	swait.ge [sflag:s14], $0x800  }
0x50: {  	[sflag:s14] =	ssyncset.done $0x0  }
0x51: {  	s31 =	sadd.s32 $0x0, s11;
	[sflag:s14] =	ssyncadd.s32 $0xFFFFF800  }
0x52: {  	[hbm4b:s31+s2] =	stream.linear.scatter [tilespmem:s19], [sflag:$0x2], $0x800, $0x38;
	[tilespmem:$0x17000] =	vst v63  }
0x53: {  	_ =	swait.ge [sflag:s14], $0x800  }
0x54: {  	s22 =	smov.u32 s5;
	s21 =	simm.s32 $0x100;
	[sflag:s14] =	ssyncset.done $0x0  }
.LBB2_8:
0x55: {  	p0 =	sne.s32 s21, $0x1F00;
	[sflag:s14] =	ssyncadd.s32 $0xFFFFF800;
	s22 =	sadd.s32 $0x800, s22  }
0x56: {  	[tilespmem:s19], [sflag:$0x2] =	stream.linear.gather [spmem:s22], $0x800, $0x38;
	[tilespmem:$0x17000] =	vst v63  }
0x57: {  	s23 =	smov.u32 s21;
	s21 =	sadd.s32 $0x100, s21;
	_ =	swait.ge [sflag:s14], $0x800  }
.Ltmp3:
0x58: {  	[sflag:s14] =	ssyncset.done $0x0;
	(pc) =	sbr.rel @p0 .LBB2_8-.Ltmp3, $4  }
0x59: {  	s23 =	sadd.s32 s23, s11;
	[sflag:s14] =	ssyncadd.s32 $0xFFFFF800  }
0x5a: {  	[hbm4b:s23+s2] =	stream.linear.scatter [tilespmem:s19], [sflag:$0x2], $0x800, $0x38;
	[tilespmem:$0x17000] =	vst v63  }
0x5b: {  	_ =	swait.ge [sflag:s14], $0x800  }
0x5c: {  	[sflag:s14] =	ssyncset.done $0x0  }
0x5d: {  	[sflag:s14] =	ssyncadd.s32 $0xFFFFF800  }
0x5e: {  	s21 =	simm.s32 $0x0;
	s22 =	simm.s32 $0x200;
	[bflag:$0x0] =	sbarrier.arrive $0xFFFF  }
.LBB2_10:
0x5f: {  	p0 =	sne.s32 s22, $0x1E00;
	[tilespmem:s21+$0x6070] =	vst v0  }
0x60: {  	[tilespmem:s21+$0x6000] =	vst v0  }
0x61: {  	[tilespmem:s21+$0x6010] =	vst v0  }
.Ltmp4:
0x62: {  	[tilespmem:s21+$0x6020] =	vst v0;
	(pc) =	sbr.rel @p0 .LBB2_10-.Ltmp4, $4  }
0x63: {  	[tilespmem:s21+$0x6030] =	vst v0  }
0x64: {  	[tilespmem:s21+$0x6040] =	vst v0  }
0x65: {  	[tilespmem:s21+$0x6050] =	vst v0  }
0x66: {  	[tilespmem:s21+$0x6060] =	vst v0;
	s21 =	sshra.s32 s22, $0x2;
	s22 =	sadd.s32 $0x200, s22  }
0x67: {  	[tilespmem:s21+$0x6070] =	vst v0  }
0x68: {  	[tilespmem:s21+$0x6000] =	vst v0  }
0x69: {  	[tilespmem:s21+$0x6010] =	vst v0  }
0x6a: {  	[tilespmem:s21+$0x6020] =	vst v0  }
0x6b: {  	[tilespmem:s21+$0x6030] =	vst v0  }
0x6c: {  	[tilespmem:s21+$0x6040] =	vst v0  }
0x6d: {  	[tilespmem:s21+$0x6050] =	vst v0  }
0x6e: {  	[tilespmem:s21+$0x6060] =	vst v0;
	s31 =	sadd.s32 $0x0, s5  }
0x6f: {  	[spmem:s31] =	stream.linear.scatter [tilespmem:s13], [sflag:$0x2], $0x800, $0x38;
	[tilespmem:$0x17000] =	vst v63  }
0x70: {  	s21 =	simm.s32 $0x2000;
	_ =	swait.ge [sflag:s14], $0x800  }
.LBB2_12:
0x71: {  	s22 =	sshra.s32 s21, $0x2;
	[sflag:s14] =	ssyncset.done $0x0;
	p0 =	sne.s32 s21, $0x3E000  }
.Ltmp5:
0x72: {  	s22 =	sadd.s32 s22, s5;
	[sflag:s14] =	ssyncadd.s32 $0xFFFFF800;
	(pc) =	sbr.rel @p0 .LBB2_12-.Ltmp5, $3  }
0x73: {  	[spmem:s22] =	stream.linear.scatter [tilespmem:s13], [sflag:$0x2], $0x800, $0x38;
	[tilespmem:$0x17000] =	vst v63  }
0x74: {  	s21 =	sadd.s32 $0x2000, s21;
	_ =	sdelay $0x1  }
0x75: {  	_ =	swait.ge [sflag:s14], $0x800  }
0x76: {  	[sflag:s14] =	ssyncset.done $0x0  }
0x77: {  	s21 =	simm.s32 $0x0;
	[sflag:s14] =	ssyncadd.s32 $0xFFFFF800  }
0x78: {  	[tilespmem:s21], [sflag:$0x2] =	stream.linear.gather [hbm4b:s8+s21], $0x1000, $0x38;
	[tilespmem:$0x17000] =	vst v63  }
0x79: {  	_ =	swait.ge [sflag:s14], $0x1000  }
0x7a: {  	[sflag:s14] =	ssyncset.done $0x0  }
0x7b: {  	[sflag:s14] =	ssyncadd.s32 $0xFFFFF000  }
0x7c: {  	[tilespmem:s15], [sflag:$0x2] =	stream.linear.gather [hbm4b:s9+s21], $0x1000, $0x38;
	[tilespmem:$0x17000] =	vst v63  }
0x7d: {  	_ =	swait.ge [sflag:s14], $0x1000  }
0x7e: {  	[sflag:s14] =	ssyncset.done $0x0  }
0x7f: {  	[sflag:s14] =	ssyncadd.s32 $0xFFFFF000  }
0x80: {  	s30 =	simm.s32 $0x0;
	[bflag:$0x0] =	sbarrier.arrive $0xFFFF  }
0x81: {  	[tilespmem:s17], [sflag:$0x1] =	stream.indirect.gather [hbm4b:s3+s16], $0x80, s30, s16, $0xb8;
	[tilespmem:$0x17000] =	vst v63  }
0x82: {  	_ =	swait.ge [sflag:s18], $0x4000  }
0x83: {  	[sflag:s18] =	ssyncset.done $0x0  }
0x84: {  	s31 =	simm.s32 $0x1000;
	[sflag:s18] =	ssyncadd.s32 $0xFFFFC000  }
0x85: {  	[spmem:s1] =	stream.indirect.scatter.add.f32 [tilespmem:s17], [sflag:$0x2], $0x80, s31, s16, $0xb8;
	[tilespmem:$0x17000] =	vst v63  }
0x86: {  	_ =	swait.ge [sflag:s14], $0x4000  }
0x87: {  	s22 =	simm.s32 $0x400;
	s21 =	simm.s32 $0x200;
	[sflag:s14] =	ssyncset.done $0x0  }
.LBB2_14:
0x88: {  	s23 =	sshra.s32 s21, $0x2  }
0x89: {  	[sflag:s14] =	ssyncadd.s32 $0xFFFFC000;
	s21 =	smov.u32 s22;
	s24 =	sadd.s32 $0x200, s22  }
0x8a: {  	[tilespmem:s17], [sflag:$0x1] =	stream.indirect.gather [hbm4b:s3+s16], $0x80, s23, s16, $0xb8;
	[tilespmem:$0x17000] =	vst v63  }
0x8b: {  	p0 =	sne.s32 s22, $0x3E00;
	_ =	swait.ge [sflag:s18], $0x4000  }
.Ltmp6:
0x8c: {  	[sflag:s18] =	ssyncset.done $0x0;
	(pc) =	sbr.rel @p0 .LBB2_14-.Ltmp6, $4  }
0x8d: {  	s22 =	sadd.s32 $0x1000, s23;
	[sflag:s18] =	ssyncadd.s32 $0xFFFFC000  }
0x8e: {  	[spmem:s1] =	stream.indirect.scatter.add.f32 [tilespmem:s17], [sflag:$0x2], $0x80, s22, s16, $0xb8;
	[tilespmem:$0x17000] =	vst v63  }
0x8f: {  	_ =	swait.ge [sflag:s14], $0x4000  }
0x90: {  	s22 =	smov.u32 s24;
	[sflag:s14] =	ssyncset.done $0x0  }
0x91: {  	s21 =	sshra.s32 s21, $0x2;
	[sflag:s14] =	ssyncadd.s32 $0xFFFFC000  }
0x92: {  	[tilespmem:s17], [sflag:$0x1] =	stream.indirect.gather [hbm4b:s3+s16], $0x80, s21, s16, $0xb8;
	[tilespmem:$0x17000] =	vst v63  }
0x93: {  	_ =	swait.ge [sflag:s18], $0x4000  }
0x94: {  	[sflag:s18] =	ssyncset.done $0x0  }
0x95: {  	s21 =	sadd.s32 $0x1000, s21;
	[sflag:s18] =	ssyncadd.s32 $0xFFFFC000  }
0x96: {  	[spmem:s1] =	stream.indirect.scatter.add.f32 [tilespmem:s17], [sflag:$0x2], $0x80, s21, s16, $0xb8;
	[tilespmem:$0x17000] =	vst v63  }
0x97: {  	_ =	swait.ge [sflag:s14], $0x4000  }
0x98: {  	[sflag:s14] =	ssyncset.done $0x0  }
0x99: {  	[sflag:s14] =	ssyncadd.s32 $0xFFFFC000  }
0x9a: {  	[bflag:$0x0] =	sbarrier.arrive $0xFFFF  }
0x9b: {  	[tilespmem:s19], [sflag:$0x2] =	stream.linear.gather [spmem:s5], $0x800, $0x38;
	[tilespmem:$0x17000] =	vst v63  }
0x9c: {  	_ =	swait.ge [sflag:s14], $0x800  }
0x9d: {  	[sflag:s14] =	ssyncset.done $0x0  }
0x9e: {  	s31 =	sadd.s32 $0x0, s12;
	[sflag:s14] =	ssyncadd.s32 $0xFFFFF800  }
0x9f: {  	[hbm4b:s31+s2] =	stream.linear.scatter [tilespmem:s19], [sflag:$0x2], $0x800, $0x38;
	[tilespmem:$0x17000] =	vst v63  }
0xa0: {  	_ =	swait.ge [sflag:s14], $0x800  }
0xa1: {  	s22 =	smov.u32 s5;
	s21 =	simm.s32 $0x100;
	[sflag:s14] =	ssyncset.done $0x0  }
.LBB2_16:
0xa2: {  	p0 =	sne.s32 s21, $0x1F00;
	[sflag:s14] =	ssyncadd.s32 $0xFFFFF800;
	s22 =	sadd.s32 $0x800, s22  }
0xa3: {  	[tilespmem:s19], [sflag:$0x2] =	stream.linear.gather [spmem:s22], $0x800, $0x38;
	[tilespmem:$0x17000] =	vst v63  }
0xa4: {  	s23 =	smov.u32 s21;
	s21 =	sadd.s32 $0x100, s21;
	_ =	swait.ge [sflag:s14], $0x800  }
.Ltmp7:
0xa5: {  	[sflag:s14] =	ssyncset.done $0x0;
	(pc) =	sbr.rel @p0 .LBB2_16-.Ltmp7, $4  }
0xa6: {  	s23 =	sadd.s32 s23, s12;
	[sflag:s14] =	ssyncadd.s32 $0xFFFFF800  }
0xa7: {  	[hbm4b:s23+s2] =	stream.linear.scatter [tilespmem:s19], [sflag:$0x2], $0x800, $0x38;
	[tilespmem:$0x17000] =	vst v63  }
0xa8: {  	_ =	swait.ge [sflag:s14], $0x800  }
0xa9: {  	[sflag:s14] =	ssyncset.done $0x0  }
0xaa: {  	s20 =	sadd.s32 $0x1, s20  }
0xab: {  	p0 =	sne.s32 s20, s10  }
.Ltmp8:
0xac: {  	_ = 	snop;
	(pc) =	sbr.rel @p0 .LBB2_1-.Ltmp8, $3  }
0xad: {  	_ = 	snop  }
0xae: {  	[sflag:s14] =	ssyncadd.s32 $0xFFFFF800  }
0xaf: {  	[bflag:$0x0] =	sbarrier.arrive $0xFFFF;
	_ =	sdelay $0x1  }
0xb0: {  	_ =	sfence.sel $0x180000  }
0xb1: {  	[bflag:$0x0] =	sbarrier.arrive $0xFFFF  }
0xb2: {  	p0 =	sne.s32 s4, $0x0;
	_ =	strace $0x9000004D  }
0xb3: {  	s0 =	sadd.s32 @!p0 $0x100000, s0;
	[bflag:$0x2] =	sbarrier.arrive $0xFFFF  }
0xb4: {  	[sflag:s0] =	ssyncadd.tile.s32 @!p0 $0x1;
	_ =	shalt  }
.Lfunc_end2:
_tile_overlayer_lowered:
.L_overlay_start_2:
0xb5: {  	(tag) =	ssettag $0x2  }
0xb6: {  	s0 =	rddreg [dreg:$0x0];
	s2 =	stileid.u32  }
0xb7: {  	s1 =	rddreg [dreg:$0x1];
	p0 =	sne.s32 s2, $0x0  }
0xb8: {  	s3 =	rddreg [dreg:$0x2];
	[bflag:$0x3] =	sbarrier.arrive $0xFFFF;
	s2 =	simm.s32 @!p0 $0x1C02  }
0xb9: {  	[timem:s3], [sflag:s2] =	dma.local @!p0 [hbm:s0], s1  }
0xba: {  	s0 =	simm.s32 @!p0 $0x2  }
0xbb: {  	_ =	swait.ge @!p0 [sflag:s0], s1  }
0xbc: {  	s1 =	ssub.s32 @!p0 $0x0, s1;
	[sflag:s0] =	ssyncset.done @!p0 $0x0  }
0xbd: {  	[sflag:s0] =	ssyncadd.s32 @!p0 s1  }
0xbe: {  	[bflag:$0x3] =	sbarrier.arrive $0xFFFF  }
0xbf: {  	_ =	shalt  }

// kernel: kernel.24.cloned.1.call-start
scs
__scs_entry_jumppad:
0x0: {  	(pc) =	sbr.rel $0x88, $3  }
0x1: {  	(tag) =	ssettag $0x0;
	lr =	simm.s32 $0x1  }
0x2: {  	[smem:$0x3F8F] =	sst lr;
	_ =	strace $0xD0000000  }
0x3: {  	_ = 	snop  }
0x4: {  	_ = 	snop  }
0x5: {  	_ = 	snop  }
0x6: {  	_ = 	snop  }
0x7: {  	_ = 	snop  }
__scs_overlays_trampoline_lowered:
0x8: {  	[smem:$0x3F9E] =	sst s0  }
0x9: {  	[smem:$0x3F9F] =	sst s1  }
0xa: {  	[smem:$0x3FA0] =	sst s2  }
0xb: {  	[smem:$0x3FA1] =	sst s3  }
0xc: {  	[smem:$0x3FA2] =	sst s4  }
0xd: {  	[smem:$0x3FA3] =	sst s5  }
0xe: {  	[smem:$0x3FA4] =	sst s6  }
0xf: {  	[smem:$0x3FA5] =	sst s7  }
0x10: {  	[smem:$0x3FA6] =	sst s8  }
0x11: {  	[smem:$0x3FA7] =	sst s9;
	s0 =	simm.s32 @!p0 $0x0  }
0x12: {  	s1 =	sld [smem:$0x3F8D];
	s0 =	simm.s32 @p0 $0x1  }
0x13: {  	[smem:$0x3FA8] =	sst s0;
	s0 =	simm.s32 @!p1 $0x0  }
0x14: {  	s2 =	sld [smem:$0x3F8C];
	s0 =	simm.s32 @p1 $0x1  }
0x15: {  	[smem:$0x3FA9] =	sst s0;
	s0 =	simm.s32 @!p2 $0x0  }
0x16: {  	s3 =	sld [smem:$0x3FDB];
	s0 =	simm.s32 @p2 $0x1  }
0x17: {  	s4 =	simm.s32 $0x1BF5;
	[smem:$0x3FAB] =	sst s0  }
0x18: {  	s0 =	sld [smem:$0x3F8E];
	_ =	swait.ge [sflag:s4], $0x0  }
0x19: {  	s7 =	sld [smem:$0x3F8F]  }
0x1a: {  	s8 =	sadd.s32 $0xFFFFE003, lr  }
0x1b: {  	s9 =	sadd.s32 $0xFFFFFEF7, lr;
	s5 =	simm.s32 $0xFFFFFFFF;
	p2 =	slt.u32 s8, $0xFFFFF086  }
0x1c: {  	p1 =	slt.u32 s9, $0xF7A;
	s5 =	simm.s32 @!p2 $0x0  }
0x1d: {  	s5 =	simm.s32 @p1 $0x1;
	p0 =	seq.s32 s7, s2  }
0x1e: {  	s7 =	smul.u32 @!p0 $0xF7A, s2;
	p2 =	seq.s32 @!p0 s5, $0x0  }
0x1f: {  	s9 =	smul.u32 $0xF7A, s1;
	s8 =	simm.s32 @!p0 $0x1BF5;
	p2 =	por !p2, p0  }
0x20: {  	[sflag:s8] =	ssyncset.s32 @!p0 $0xFFFFF086;
	s6 =	sadd.s32 @!p0 s3, s7;
	s7 =	simm.s32 @!p0 $0x108  }
0x21: {  	s3 =	sadd.s32 s3, s9;
	s6 =	sadd.s32 @!p0 $0x88, s6;
	s7 =	simm.s32 @p2 $0x1082  }
0x22: {  	[simem:s7], [sflag:s8] =	dma.local @!p0 [hbm:s6], $0xF7A  }
0x23: {  	s9 =	sor.u32 $0xD0000000, s2;
	s6 =	simm.s32 $0x108;
	_ =	swait.ge @!p0 [sflag:s8], $0x0  }
0x24: {  	s3 =	sadd.s32 $0x88, s3;
	s6 =	simm.s32 @!p1 $0x1082;
	[sflag:s4] =	ssyncset.s32 $0xFFFFF086  }
0x25: {  	[simem:s6], [sflag:s4] =	dma.local [hbm:s3], $0xF7A  }
0x26: {  	[smem:$0x3F8F] =	sst s1;
	(tag) =	ssettag s2;
	_ =	strace s9  }
0x27: {  	s1 =	sld [smem:$0x3F9F]  }
0x28: {  	s2 =	sld [smem:$0x3FA0]  }
0x29: {  	s4 =	sld [smem:$0x3FA2]  }
0x2a: {  	p0 =	seq.s32 s5, $0x0;
	s5 =	sld [smem:$0x3FA3]  }
0x2b: {  	s6 =	sld [smem:$0x3FA4]  }
0x2c: {  	s7 =	sld [smem:$0x3FA5]  }
0x2d: {  	s3 =	simm.s32 $0x108;
	s8 =	sld [smem:$0x3FA6]  }
0x2e: {  	s3 =	simm.s32 @!p0 $0x1082;
	s9 =	sld [smem:$0x3FA7]  }
0x2f: {  	lr =	sadd.s32 s0, s3;
	s0 =	sld [smem:$0x3F9E]  }
0x30: {  	s3 =	sld [smem:$0x3FA1]  }
0x31: {  	[smem:$0x3FAA] =	sst s10  }
0x32: {  	s10 =	sld [smem:$0x3FA8];
	_ =	sdelay $0x3  }
0x33: {  	p0 =	seq.s32 s10, $0x1;
	s10 =	sld [smem:$0x3FAA];
	_ =	sdelay $0x3  }
0x34: {  	[smem:$0x3FAA] =	sst s10  }
0x35: {  	s10 =	sld [smem:$0x3FA9];
	_ =	sdelay $0x3  }
0x36: {  	p1 =	seq.s32 s10, $0x1;
	s10 =	sld [smem:$0x3FAA];
	_ =	sdelay $0x3  }
0x37: {  	[smem:$0x3FAA] =	sst s10  }
0x38: {  	s10 =	sld [smem:$0x3FAB]  }
0x39: {  	_ = 	snop;
	(pc) =	sbr.ind lr, $3  }
0x3a: {  	_ = 	snop  }
0x3b: {  	_ = 	snop  }
0x3c: {  	p2 =	seq.s32 s10, $0x1;
	s10 =	sld [smem:$0x3FAA]  }
0x3d: {  	_ =	shalt  }
0x3e: {  	_ =	shalt  }
0x3f: {  	_ =	shalt  }
0x40: {  	_ =	shalt  }
0x41: {  	_ =	shalt  }
0x42: {  	_ =	shalt  }
0x43: {  	_ =	shalt  }
0x44: {  	_ =	shalt  }
0x45: {  	_ =	shalt  }
0x46: {  	_ =	shalt  }
0x47: {  	_ =	shalt  }
0x48: {  	_ =	shalt  }
0x49: {  	_ =	shalt  }
0x4a: {  	_ =	shalt  }
0x4b: {  	_ =	shalt  }
0x4c: {  	_ =	shalt  }
0x4d: {  	_ =	shalt  }
0x4e: {  	_ =	shalt  }
0x4f: {  	_ =	shalt  }
0x50: {  	_ =	shalt  }
0x51: {  	_ =	shalt  }
0x52: {  	_ =	shalt  }
0x53: {  	_ =	shalt  }
0x54: {  	_ =	shalt  }
0x55: {  	_ =	shalt  }
0x56: {  	_ =	shalt  }
0x57: {  	_ =	shalt  }
0x58: {  	_ =	shalt  }
0x59: {  	_ =	shalt  }
0x5a: {  	_ =	shalt  }
0x5b: {  	_ =	shalt  }
0x5c: {  	_ =	shalt  }
0x5d: {  	_ =	shalt  }
0x5e: {  	_ =	shalt  }
0x5f: {  	_ =	shalt  }
0x60: {  	_ =	shalt  }
0x61: {  	_ =	shalt  }
0x62: {  	_ =	shalt  }
0x63: {  	_ =	shalt  }
0x64: {  	_ =	shalt  }
0x65: {  	_ =	shalt  }
0x66: {  	_ =	shalt  }
0x67: {  	_ =	shalt  }
0x68: {  	_ =	shalt  }
0x69: {  	_ =	shalt  }
0x6a: {  	_ =	shalt  }
0x6b: {  	_ =	shalt  }
0x6c: {  	_ =	shalt  }
0x6d: {  	_ =	shalt  }
0x6e: {  	_ =	shalt  }
0x6f: {  	_ =	shalt  }
0x70: {  	_ =	shalt  }
0x71: {  	_ =	shalt  }
0x72: {  	_ =	shalt  }
0x73: {  	_ =	shalt  }
0x74: {  	_ =	shalt  }
0x75: {  	_ =	shalt  }
0x76: {  	_ =	shalt  }
0x77: {  	_ =	shalt  }
0x78: {  	_ =	shalt  }
0x79: {  	_ =	shalt  }
0x7a: {  	_ =	shalt  }
0x7b: {  	_ =	shalt  }
0x7c: {  	_ =	shalt  }
0x7d: {  	_ =	shalt  }
0x7e: {  	_ =	shalt  }
0x7f: {  	_ =	shalt  }
0x80: {  	_ =	shalt  }
0x81: {  	_ =	shalt  }
0x82: {  	_ =	shalt  }
0x83: {  	_ =	shalt  }
0x84: {  	_ =	shalt  }
0x85: {  	_ =	shalt  }
0x86: {  	_ =	shalt  }
0x87: {  	_ =	shalt  }
.Lfunc_end0:
.L_simem_size_0:
called_computation.4_lowered:
.L_overlay_start_0:
0x88: {  	s2 =	sld [smem:$0x3FD9]  }
0x89: {  	s3 =	sld [smem:$0x3FFE];
	_ =	sdelay $0x1  }
0x8a: {  	s1 =	srdreg.scid  }
0x8b: {  	s0 =	sand.u32 $0x1, s1  }
0x8c: {  	s14 =	sshll.u32 s0, $0xA;
	s2 =	sadd.s32 s3, s2  }
0x8d: {  	s2 =	sadd.s32 s2, s14  }
0x8e: {  	[smem:$0x3FB6] =	sst s2  }
0x8f: {  	_ = 	snop  }
0x90: {  	s2 =	sld [smem:$0x3FD0];
	_ =	sdelay $0x2  }
0x91: {  	s15 =	simm.s32 $0xC;
	s4 =	simm.s32 $0x10  }
0x92: {  	[smem:s4], [sflag:s15] =	dma.local [hbm:s2], $0x1  }
0x93: {  	_ =	swait.eq [sflag:s15], $0x1  }
0x94: {  	[sflag:s15] =	ssyncset.done $0x0  }
0x95: {  	s16 =	sld [smem:$0x10];
	[sflag:s15] =	ssyncadd.s32 $0xFFFFFFFF  }
0x96: {  	s17 =	sld [smem:$0x11];
	(tm) =	ssettm $0x1  }
0x97: {  	s18 =	sld [smem:$0x3FFB];
	_ =	sdelay $0x3  }
0x98: {  	_ =	strace s18  }
0x99: {  	s4 =	sld [smem:$0x3FFC];
	_ =	sdelay $0x3  }
0x9a: {  	_ =	strace s4  }
0x9b: {  	s4 =	sld [smem:$0x3FFD];
	_ =	sdelay $0x3  }
0x9c: {  	_ =	strace s4  }
0x9d: {  	_ =	strace $0x8FFFFFFF  }
0x9e: {  	s19 =	sld [smem:$0x3FDB];
	_ =	sdelay $0x1  }
0x9f: {  	s5 =	simm.s32 $_scs_section_size  }
0xa0: {  	s6 =	simm.s32 $_size__tile_overlayer_lowered;
	s7 =	simm.s32 $_tile_overlayer_lowered  }
0xa1: {  	s22 =	simm.s32 $0x1BFF;
	s21 =	sshll.u32 s7, $0x1;
	s4 =	sadd.s32 s5, s19  }
0xa2: {  	s8 =	simm.s32 $0x0;
	s20 =	sshll.u32 s6, $0x1;
	s6 =	sadd.s32 s21, s4  }
0xa3: {  	[timem:s8], [sflag:s22] =	dma.local [hbm:s6], s20  }
0xa4: {  	_ =	swait.ge [sflag:s22], s20  }
0xa5: {  	s5 =	ssub.s32 $0x0, s20;
	[sflag:s22] =	ssyncset.done $0x0  }
0xa6: {  	[sflag:s22] =	ssyncadd.s32 s5;
	_ =	sdelay $0x1  }
0xa7: {  	s23 =	simm.s32 $0x1B8B  }
0xa8: {  	_ =	swait.ge [sflag:s23], $0x1  }
0xa9: {  	[sflag:s23] =	ssyncset.done $0x0  }
0xaa: {  	s25 =	simm.s32 $0x1B8E;
	s24 =	sld [smem:$0x3FFE];
	[sflag:s23] =	ssyncadd.s32 $0xFFFFFFFF  }
0xab: {  	s26 =	simm.s32 $execute0_lowered;
	[smem:$0x3FD2] =	sst s25  }
0xac: {  	s6 =	sshll.u32 s26, $0x1;
	_ =	strace $0x8000004F;
	[dreg:$0x1] =	wrdreg $0xFFFFFFFF  }
0xad: {  	s28 =	simm.s32 $_size_execute0_lowered;
	s4 =	sadd.s32 s4, s6;
	[dreg:$0x0] =	wrdreg $0x0  }
0xae: {  	s6 =	sshll.u32 s28, $0x1;
	[dreg:$0x2] =	wrdreg s4  }
0xaf: {  	[dreg:$0x3] =	wrdreg s6  }
0xb0: {  	[dreg:$0x4] =	wrdreg $0xC0  }
0xb1: {  	_ =	task [dreg:s8], $0x5FFFF  }
0xb2: {  	[dreg:$0x1] =	wrdreg $0xFFFFFFFF  }
0xb3: {  	[dreg:$0x0] =	wrdreg $0x60  }
0xb4: {  	[dreg:$0x2] =	wrdreg s24  }
0xb5: {  	[dreg:$0x3] =	wrdreg s16  }
0xb6: {  	[dreg:$0x4] =	wrdreg s17  }
0xb7: {  	[dreg:$0x5] =	wrdreg $0x9  }
0xb8: {  	_ =	task.clear_ibuf [dreg:s8], $0x6FFFF;
	_ =	strace $0x9000004F  }
0xb9: {  	s29 =	simm.s32 $0x9;
	_ =	strace $0x80000051  }
0xba: {  	_ =	swait.ge [sflag:s29], $0x1  }
0xbb: {  	[sflag:s29] =	ssyncadd.s32 $0xFFFFFFFF  }
0xbc: {  	_ =	strace $0x90000051  }
0xbd: {  	_ =	sfence  }
0xbe: {  	s30 =	sld [smem:$0x0];
	_ =	sdelay $0x2  }
0xbf: {  	s31 =	sshll.u32 s1, $0xD;
	s1 =	sshrl.u32 s1, $0x2  }
0xc0: {  	s3 =	sand.u32 $0x4000, s31;
	s1 =	sadd.s32 s1, s30  }
0xc1: {  	s0 =	sor.u32 s3, s0;
	s1 =	sshll.u32 s1, $0x11  }
0xc2: {  	s0 =	sor.u32 s1, s0  }
0xc3: {  	s0 =	sadd.s32 $0x8F2B, s0  }
0xc4: {  	[sflag:s0] =	ssyncadd.remote.s32 $0x1  }
0xc5: {  	_ =	sfence.sel $0xFFFF  }
0xc6: {  	[dreg:$0x0] =	wrdreg $0xFFFFFFFF;
	(pc) =	sbr.abs _section_cstart, $3  }
0xc7: {  	[dreg:$0x1] =	wrdreg $0xFFFFFFFF  }
0xc8: {  	_ =	task.clear_ibuf [dreg:s8], $0x2FFFF;
	_ =	strace $0x9FFFFFFF  }
0xc9: {  	(tm) =	ssettm $0x7FFFFFFF  }
tec
execute0_lowered:
.L_overlay_start_1:
0x0: {  	(tag) =	ssettag $0x1  }
0x1: {  	s4 =	rddreg [dreg:$0x0]  }
0x2: {  	s9 =	rddreg [dreg:$0x1]  }
0x3: {  	s0 =	srdreg.scid;
	s10 =	rddreg [dreg:$0x2]  }
0x4: {  	s18 =	simm.s32 $0xA580;
	s19 =	simm.s32 $0x0;
	s6 =	sand.u32 $0x1, s0  }
0x5: {  	s0 =	stileid.u32;
	s1 =	sshll.u32 s6, $0x4;
	s15 =	smul.u32 $0x1F400, s6  }
0x6: {  	s30 =	sand.u32 $0x1, s0;
	s31 =	ssub.s32 $0x2, s6;
	s16 =	smul.u32 $0x1F40, s0  }
0x7: {  	s3 =	sor.u32 s0, s1;
	p1 =	seq.s32 s30, $0x1;
	s1 =	simm.s32 $0x1  }
0x8: {  	s12 =	sshrl.u32 s31, $0x1;
	p0 =	seq.s32 s3, $0x0;
	s8 =	smul.u32 $0x1F40, s3  }
0x9: {  	s2 =	sshrl.u32 s3, $0x1;
	s3 =	simm.s32 $0x1;
	p0 =	por !p0, !p1  }
0xa: {  	s12 =	ssub.s32 s31, s12;
	p0 =	por !p0, !p0;
	s11 =	sshrl.u32 s8, $0x3  }
0xb: {  	s1 =	simm.s32 @!p0 $0x0;
	s13 =	sadd.s32 s11, s4;
	s9 =	sadd.s32 s9, s11  }
0xc: {  	s10 =	sadd.s32 s10, s11;
	s11 =	smax.u32 s12, $0x1;
	s12 =	sadd.s32 s16, s15  }
0xd: {  	s15 =	simm.s32 $0x4700;
	s16 =	simm.s32 $0x6680;
	s5 =	ssub.s32 s2, s1  }
0xe: {  	s1 =	rddreg [dreg:$0x3];
	s2 =	simm.s32 $0x0;
	s7 =	smul.u32 $0x7D0, s5  }
0xf: {  	s6 =	sadd.s32 $0x9200, s13;
	s14 =	smul.u32 $0x3E8, s5;
	s5 =	sand.u32 $0x7, s5  }
0x10: {  	s8 =	sadd.s32 $0x2F000, s13;
	[smem:$0x7FF] =	sst s2;
	s17 =	smul.u32 $0x3E8, s5  }
0x11: {  	_ =	strace $0x80000050;
	s5 =	sadd.s32 $0x1400, s13;
	s7 =	sshrl.u32 s7, $0x3  }
0x12: {  	v0 =	vmov s14;
	s14 =	simm.s32 $0x2780;
	s7 =	sadd.s32 s7, s4;
	v1 =	vmov s17;
	s17 =	simm.s32 $0x8600  }
0x13: {  	v2 =	vlaneseq.u32;
	v3 =	vimm.s32 $0x0;
	s4 =	sadd.s32 $0x26200, s7;
	s7 =	sadd.s32 $0x27200, s13;
	s13 =	simm.s32 $0x800  }
.LBB2_1:
0x14: {  	[tilespmem:s2], [sflag:$0x1] =	stream.linear.gather [hbm4b:s4+s2], $0x7D0, $0x38;
	[tilespmem:$0xC500] =	vst v63  }
0x15: {  	_ =	swait.ge [sflag:s3], $0x7D0  }
0x16: {  	[sflag:s3] =	ssyncset.done $0x0  }
0x17: {  	[sflag:s3] =	ssyncadd.s32 $0xFFFFF830  }
0x18: {  	[tilespmem:s13], [sflag:$0x1] =	stream.linear.gather [hbm4b:s5+s2], $0x1F40, $0x38;
	[tilespmem:$0xC500] =	vst v63  }
0x19: {  	_ =	swait.ge [sflag:s3], $0x1F40  }
0x1a: {  	[sflag:s3] =	ssyncset.done $0x0  }
0x1b: {  	[sflag:s3] =	ssyncadd.s32 $0xFFFFE0C0  }
0x1c: {  	[tilespmem:s14], [sflag:$0x1] =	stream.linear.gather [hbm4b:s6+s2], $0x1F40, $0x38;
	[tilespmem:$0xC500] =	vst v63  }
0x1d: {  	_ =	swait.ge [sflag:s3], $0x1F40  }
0x1e: {  	[sflag:s3] =	ssyncset.done $0x0  }
0x1f: {  	s21 =	simm.s32 $0x0;
	[sflag:s3] =	ssyncadd.s32 $0xFFFFE0C0  }
0x20: {  	v4 =	vld [tilespmem:s21+$0x800]  }
0x21: {  	v6 =	vld [tilespmem:s21+$0x2780];
	_ =	sdelay $0x6  }
0x22: {  	v5 =	vor.u32 s12, v2;
	v7 =	vld.idx.msk [tilespmem:v4+s2+$0x0], $0xffff  }
0x23: {  	v4 =	vmulhi.u32 $0x10624DD3, v5;
	v6 =	vld.idx.msk [tilespmem:v6+s2+$0x0], $0xffff  }
0x24: {  	v8 =	vmulhi.u32 $0xBEA67251, v5  }
0x25: {  	v4 =	vshrl.u32 v4, $0x9  }
0x26: {  	s20 =	simm.s32 $0x10;
	v9 =	vand.u32 $0x7FF, v5;
	v11 =	vshrl.u32 v8, $0x11;
	v10 =	vmul.u32 $0x1F40, v4  }
0x27: {  	s23 =	simm.s32 $0x80;
	s22 =	smov.u32 s12;
	v9 =	vadd.s32 $0x3E80, v9;
	v11 =	vmul.u32 $0x2AF80, v11;
	v4 =	vld [tilespmem:s20+$0x800];
	v8 =	vadd.s32 v0, v7  }
.LBB2_2:
0x28: {  	p0 =	sne.s32 s23, $0x7CC0;
	v12 =	vld [tilespmem:s20+$0x2780];
	v7 =	vor.u32 v7, v6;
	v10 =	vsub.s32 v5, v10;
	v13 =	vadd.s32 v0, v6  }
0x29: {  	v6 =	vadd.s32 v1, v6;
	vm0 =	vgt.s32 v7, $0xFFFFFFFF;
	v5 =	vsub.s32 v5, v11  }
0x2a: {  	v7 =	vsel vm0, v8, v9;
	v6 =	vsel vm0, v6, v10;
	v5 =	vsel vm0, v13, v5  }
0x2b: {  	[tilespmem:s21+$0x6680] =	vst v6;
	v6 =	vsel vm0, $0x3F800000, v3  }
0x2c: {  	[tilespmem:s21+$0x4700] =	vst v7  }
0x2d: {  	[tilespmem:s21+$0x8600] =	vst v5  }
0x2e: {  	[tilespmem:s21+$0xA580] =	vst v6;
	s21 =	smov.u32 s20  }
0x2f: {  	s22 =	sadd.s32 $0x10, s22;
	v7 =	vld.idx.msk [tilespmem:v4+s2+$0x0], $0xffff  }
0x30: {  	v5 =	vor.u32 s22, v2;
	v6 =	vld.idx.msk [tilespmem:v12+s2+$0x0], $0xffff  }
.Ltmp0:
0x31: {  	v4 =	vmulhi.u32 $0x10624DD3, v5;
	(pc) =	sbr.rel @p0 .LBB2_2-.Ltmp0, $4  }
0x32: {  	v8 =	vmulhi.u32 $0xBEA67251, v5  }
0x33: {  	v4 =	vshrl.u32 v4, $0x9  }
0x34: {  	s20 =	sshra.s32 s23, $0x2;
	v9 =	vand.u32 $0x7FF, v5;
	v11 =	vshrl.u32 v8, $0x11;
	v10 =	vmul.u32 $0x1F40, v4  }
0x35: {  	s23 =	sadd.s32 $0x40, s23;
	v9 =	vadd.s32 $0x3E80, v9;
	v11 =	vmul.u32 $0x2AF80, v11;
	v8 =	vadd.s32 v0, v7;
	v4 =	vld [tilespmem:s20+$0x800]  }
0x36: {  	_ = 	snop  }
0x37: {  	v12 =	vld [tilespmem:s20+$0x2780];
	v7 =	vor.u32 v7, v6  }
0x38: {  	v10 =	vsub.s32 v5, v10;
	v55 =	vadd.s32 v1, v6;
	vm0 =	vgt.s32 v7, $0xFFFFFFFF  }
0x39: {  	v7 =	vsel vm0, v55, v10  }
0x3a: {  	v56 =	vadd.s32 v0, v6;
	v5 =	vsub.s32 v5, v11;
	v8 =	vsel vm0, v8, v9;
	[tilespmem:s21+$0x6680] =	vst v7  }
0x3b: {  	v5 =	vsel vm0, v56, v5;
	[tilespmem:s21+$0x4700] =	vst v8  }
0x3c: {  	v57 =	vsel vm0, $0x3F800000, v3;
	[tilespmem:s21+$0x8600] =	vst v5  }
0x3d: {  	[tilespmem:s21+$0xA580] =	vst v57  }
0x3e: {  	s31 =	sadd.s32 $0x10, s22;
	v4 =	vld.idx.msk [tilespmem:v4+s2+$0x0], $0xffff  }
0x3f: {  	v58 =	vor.u32 s31, v2;
	v5 =	vld.idx.msk [tilespmem:v12+s2+$0x0], $0xffff  }
0x40: {  	v59 =	vmulhi.u32 $0x10624DD3, v58  }
0x41: {  	v60 =	vmulhi.u32 $0xBEA67251, v58  }
0x42: {  	v7 =	vshrl.u32 v59, $0x9  }
0x43: {  	v8 =	vshrl.u32 v60, $0x11;
	v7 =	vmul.u32 $0x1F40, v7  }
0x44: {  	v61 =	vand.u32 $0x7FF, v58;
	v8 =	vmul.u32 $0x2AF80, v8;
	v62 =	vor.u32 v4, v5  }
0x45: {  	v7 =	vsub.s32 v58, v7;
	v63 =	vadd.s32 v1, v5;
	vm15 =	vgt.s32 v62, $0xFFFFFFFF  }
0x46: {  	v9 =	vadd.s32 $0x3E80, v61;
	v4 =	vadd.s32 v0, v4;
	v7 =	vsel vm15, v63, v7  }
0x47: {  	v6 =	vsub.s32 v58, v8;
	v5 =	vadd.s32 v0, v5;
	v4 =	vsel vm15, v4, v9;
	[tilespmem:s20+$0x6680] =	vst v7  }
0x48: {  	v5 =	vsel vm15, v5, v6;
	[tilespmem:s20+$0x4700] =	vst v4  }
0x49: {  	v4 =	vsel vm15, $0x3F800000, v3;
	[tilespmem:s20+$0x8600] =	vst v5  }
0x4a: {  	[tilespmem:s20+$0xA580] =	vst v4  }
0x4b: {  	[hbm4b:s7+s2] =	stream.linear.scatter [tilespmem:s15], [sflag:$0x1], $0x1F40, $0x38;
	[tilespmem:$0xC500] =	vst v63  }
0x4c: {  	_ =	swait.ge [sflag:s3], $0x1F40  }
0x4d: {  	[sflag:s3] =	ssyncset.done $0x0  }
0x4e: {  	[sflag:s3] =	ssyncadd.s32 $0xFFFFE0C0  }
0x4f: {  	[hbm4b:s8+s2] =	stream.linear.scatter [tilespmem:s16], [sflag:$0x1], $0x1F40, $0x38;
	[tilespmem:$0xC500] =	vst v63  }
0x50: {  	_ =	swait.ge [sflag:s3], $0x1F40  }
0x51: {  	[sflag:s3] =	ssyncset.done $0x0  }
0x52: {  	[sflag:s3] =	ssyncadd.s32 $0xFFFFE0C0  }
0x53: {  	[hbm4b:s9+s2] =	stream.linear.scatter [tilespmem:s17], [sflag:$0x1], $0x1F40, $0x38;
	[tilespmem:$0xC500] =	vst v63  }
0x54: {  	s19 =	sadd.s32 $0x1, s19;
	_ =	swait.ge [sflag:s3], $0x1F40  }
0x55: {  	p0 =	sne.s32 s19, s11;
	[sflag:s3] =	ssyncset.done $0x0  }
.Ltmp1:
0x56: {  	[sflag:s3] =	ssyncadd.s32 $0xFFFFE0C0;
	(pc) =	sbr.rel @p0 .LBB2_1-.Ltmp1, $4  }
0x57: {  	[hbm4b:s10+s2] =	stream.linear.scatter [tilespmem:s18], [sflag:$0x1], $0x1F40, $0x38;
	[tilespmem:$0xC500] =	vst v63  }
0x58: {  	_ =	swait.ge [sflag:s3], $0x1F40  }
0x59: {  	[sflag:s3] =	ssyncset.done $0x0  }
0x5a: {  	[sflag:s3] =	ssyncadd.s32 $0xFFFFE0C0  }
0x5b: {  	_ =	sfence.sel $0x180000  }
0x5c: {  	[bflag:$0x0] =	sbarrier.arrive $0xFFFF  }
0x5d: {  	p0 =	sne.s32 s0, $0x0;
	_ =	strace $0x90000050  }
0x5e: {  	s0 =	sadd.s32 @!p0 $0x100000, s1;
	[bflag:$0x2] =	sbarrier.arrive $0xFFFF  }
0x5f: {  	[sflag:s0] =	ssyncadd.tile.s32 @!p0 $0x1;
	_ =	shalt  }
.Lfunc_end2:
_tile_overlayer_lowered:
.L_overlay_start_2:
0x60: {  	(tag) =	ssettag $0x2  }
0x61: {  	s0 =	rddreg [dreg:$0x0];
	s2 =	stileid.u32  }
0x62: {  	s1 =	rddreg [dreg:$0x1];
	p0 =	sne.s32 s2, $0x0  }
0x63: {  	s3 =	rddreg [dreg:$0x2];
	[bflag:$0x3] =	sbarrier.arrive $0xFFFF;
	s2 =	simm.s32 @!p0 $0x1C01  }
0x64: {  	[timem:s3], [sflag:s2] =	dma.local @!p0 [hbm:s0], s1  }
0x65: {  	s0 =	simm.s32 @!p0 $0x1  }
0x66: {  	_ =	swait.ge @!p0 [sflag:s0], s1  }
0x67: {  	s1 =	ssub.s32 @!p0 $0x0, s1;
	[sflag:s0] =	ssyncset.done @!p0 $0x0  }
0x68: {  	[sflag:s0] =	ssyncadd.s32 @!p0 s1  }
0x69: {  	[bflag:$0x3] =	sbarrier.arrive $0xFFFF  }
0x6a: {  	_ =	shalt  }

// kernel: kernel.27.cloned.1.call-start
scs
__scs_entry_jumppad:
0x0: {  	(pc) =	sbr.rel $0x88, $3  }
0x1: {  	(tag) =	ssettag $0x0;
	lr =	simm.s32 $0x1  }
0x2: {  	[smem:$0x3F8F] =	sst lr;
	_ =	strace $0xD0000000  }
0x3: {  	_ = 	snop  }
0x4: {  	_ = 	snop  }
0x5: {  	_ = 	snop  }
0x6: {  	_ = 	snop  }
0x7: {  	_ = 	snop  }
__scs_overlays_trampoline_lowered:
0x8: {  	[smem:$0x3F9E] =	sst s0  }
0x9: {  	[smem:$0x3F9F] =	sst s1  }
0xa: {  	[smem:$0x3FA0] =	sst s2  }
0xb: {  	[smem:$0x3FA1] =	sst s3  }
0xc: {  	[smem:$0x3FA2] =	sst s4  }
0xd: {  	[smem:$0x3FA3] =	sst s5  }
0xe: {  	[smem:$0x3FA4] =	sst s6  }
0xf: {  	[smem:$0x3FA5] =	sst s7  }
0x10: {  	[smem:$0x3FA6] =	sst s8  }
0x11: {  	[smem:$0x3FA7] =	sst s9;
	s0 =	simm.s32 @!p0 $0x0  }
0x12: {  	s1 =	sld [smem:$0x3F8D];
	s0 =	simm.s32 @p0 $0x1  }
0x13: {  	[smem:$0x3FA8] =	sst s0;
	s0 =	simm.s32 @!p1 $0x0  }
0x14: {  	s2 =	sld [smem:$0x3F8C];
	s0 =	simm.s32 @p1 $0x1  }
0x15: {  	[smem:$0x3FA9] =	sst s0;
	s0 =	simm.s32 @!p2 $0x0  }
0x16: {  	s3 =	sld [smem:$0x3FDB];
	s0 =	simm.s32 @p2 $0x1  }
0x17: {  	s4 =	simm.s32 $0x1BF5;
	[smem:$0x3FAB] =	sst s0  }
0x18: {  	s0 =	sld [smem:$0x3F8E];
	_ =	swait.ge [sflag:s4], $0x0  }
0x19: {  	s7 =	sld [smem:$0x3F8F]  }
0x1a: {  	s8 =	sadd.s32 $0xFFFFE003, lr  }
0x1b: {  	s9 =	sadd.s32 $0xFFFFFEF7, lr;
	s5 =	simm.s32 $0xFFFFFFFF;
	p2 =	slt.u32 s8, $0xFFFFF086  }
0x1c: {  	p1 =	slt.u32 s9, $0xF7A;
	s5 =	simm.s32 @!p2 $0x0  }
0x1d: {  	s5 =	simm.s32 @p1 $0x1;
	p0 =	seq.s32 s7, s2  }
0x1e: {  	s7 =	smul.u32 @!p0 $0xF7A, s2;
	p2 =	seq.s32 @!p0 s5, $0x0  }
0x1f: {  	s9 =	smul.u32 $0xF7A, s1;
	s8 =	simm.s32 @!p0 $0x1BF5;
	p2 =	por !p2, p0  }
0x20: {  	[sflag:s8] =	ssyncset.s32 @!p0 $0xFFFFF086;
	s6 =	sadd.s32 @!p0 s3, s7;
	s7 =	simm.s32 @!p0 $0x108  }
0x21: {  	s3 =	sadd.s32 s3, s9;
	s6 =	sadd.s32 @!p0 $0x88, s6;
	s7 =	simm.s32 @p2 $0x1082  }
0x22: {  	[simem:s7], [sflag:s8] =	dma.local @!p0 [hbm:s6], $0xF7A  }
0x23: {  	s9 =	sor.u32 $0xD0000000, s2;
	s6 =	simm.s32 $0x108;
	_ =	swait.ge @!p0 [sflag:s8], $0x0  }
0x24: {  	s3 =	sadd.s32 $0x88, s3;
	s6 =	simm.s32 @!p1 $0x1082;
	[sflag:s4] =	ssyncset.s32 $0xFFFFF086  }
0x25: {  	[simem:s6], [sflag:s4] =	dma.local [hbm:s3], $0xF7A  }
0x26: {  	[smem:$0x3F8F] =	sst s1;
	(tag) =	ssettag s2;
	_ =	strace s9  }
0x27: {  	s1 =	sld [smem:$0x3F9F]  }
0x28: {  	s2 =	sld [smem:$0x3FA0]  }
0x29: {  	s4 =	sld [smem:$0x3FA2]  }
0x2a: {  	p0 =	seq.s32 s5, $0x0;
	s5 =	sld [smem:$0x3FA3]  }
0x2b: {  	s6 =	sld [smem:$0x3FA4]  }
0x2c: {  	s7 =	sld [smem:$0x3FA5]  }
0x2d: {  	s3 =	simm.s32 $0x108;
	s8 =	sld [smem:$0x3FA6]  }
0x2e: {  	s3 =	simm.s32 @!p0 $0x1082;
	s9 =	sld [smem:$0x3FA7]  }
0x2f: {  	lr =	sadd.s32 s0, s3;
	s0 =	sld [smem:$0x3F9E]  }
0x30: {  	s3 =	sld [smem:$0x3FA1]  }
0x31: {  	[smem:$0x3FAA] =	sst s10  }
0x32: {  	s10 =	sld [smem:$0x3FA8];
	_ =	sdelay $0x3  }
0x33: {  	p0 =	seq.s32 s10, $0x1;
	s10 =	sld [smem:$0x3FAA];
	_ =	sdelay $0x3  }
0x34: {  	[smem:$0x3FAA] =	sst s10  }
0x35: {  	s10 =	sld [smem:$0x3FA9];
	_ =	sdelay $0x3  }
0x36: {  	p1 =	seq.s32 s10, $0x1;
	s10 =	sld [smem:$0x3FAA];
	_ =	sdelay $0x3  }
0x37: {  	[smem:$0x3FAA] =	sst s10  }
0x38: {  	s10 =	sld [smem:$0x3FAB]  }
0x39: {  	_ = 	snop;
	(pc) =	sbr.ind lr, $3  }
0x3a: {  	_ = 	snop  }
0x3b: {  	_ = 	snop  }
0x3c: {  	p2 =	seq.s32 s10, $0x1;
	s10 =	sld [smem:$0x3FAA]  }
0x3d: {  	_ =	shalt  }
0x3e: {  	_ =	shalt  }
0x3f: {  	_ =	shalt  }
0x40: {  	_ =	shalt  }
0x41: {  	_ =	shalt  }
0x42: {  	_ =	shalt  }
0x43: {  	_ =	shalt  }
0x44: {  	_ =	shalt  }
0x45: {  	_ =	shalt  }
0x46: {  	_ =	shalt  }
0x47: {  	_ =	shalt  }
0x48: {  	_ =	shalt  }
0x49: {  	_ =	shalt  }
0x4a: {  	_ =	shalt  }
0x4b: {  	_ =	shalt  }
0x4c: {  	_ =	shalt  }
0x4d: {  	_ =	shalt  }
0x4e: {  	_ =	shalt  }
0x4f: {  	_ =	shalt  }
0x50: {  	_ =	shalt  }
0x51: {  	_ =	shalt  }
0x52: {  	_ =	shalt  }
0x53: {  	_ =	shalt  }
0x54: {  	_ =	shalt  }
0x55: {  	_ =	shalt  }
0x56: {  	_ =	shalt  }
0x57: {  	_ =	shalt  }
0x58: {  	_ =	shalt  }
0x59: {  	_ =	shalt  }
0x5a: {  	_ =	shalt  }
0x5b: {  	_ =	shalt  }
0x5c: {  	_ =	shalt  }
0x5d: {  	_ =	shalt  }
0x5e: {  	_ =	shalt  }
0x5f: {  	_ =	shalt  }
0x60: {  	_ =	shalt  }
0x61: {  	_ =	shalt  }
0x62: {  	_ =	shalt  }
0x63: {  	_ =	shalt  }
0x64: {  	_ =	shalt  }
0x65: {  	_ =	shalt  }
0x66: {  	_ =	shalt  }
0x67: {  	_ =	shalt  }
0x68: {  	_ =	shalt  }
0x69: {  	_ =	shalt  }
0x6a: {  	_ =	shalt  }
0x6b: {  	_ =	shalt  }
0x6c: {  	_ =	shalt  }
0x6d: {  	_ =	shalt  }
0x6e: {  	_ =	shalt  }
0x6f: {  	_ =	shalt  }
0x70: {  	_ =	shalt  }
0x71: {  	_ =	shalt  }
0x72: {  	_ =	shalt  }
0x73: {  	_ =	shalt  }
0x74: {  	_ =	shalt  }
0x75: {  	_ =	shalt  }
0x76: {  	_ =	shalt  }
0x77: {  	_ =	shalt  }
0x78: {  	_ =	shalt  }
0x79: {  	_ =	shalt  }
0x7a: {  	_ =	shalt  }
0x7b: {  	_ =	shalt  }
0x7c: {  	_ =	shalt  }
0x7d: {  	_ =	shalt  }
0x7e: {  	_ =	shalt  }
0x7f: {  	_ =	shalt  }
0x80: {  	_ =	shalt  }
0x81: {  	_ =	shalt  }
0x82: {  	_ =	shalt  }
0x83: {  	_ =	shalt  }
0x84: {  	_ =	shalt  }
0x85: {  	_ =	shalt  }
0x86: {  	_ =	shalt  }
0x87: {  	_ =	shalt  }
.Lfunc_end0:
.L_simem_size_0:
called_computation.5_lowered:
.L_overlay_start_0:
0x88: {  	s2 =	sld [smem:$0x3FD9]  }
0x89: {  	s3 =	sld [smem:$0x3FFE];
	_ =	sdelay $0x1  }
0x8a: {  	s1 =	srdreg.scid  }
0x8b: {  	s0 =	sand.u32 $0x1, s1  }
0x8c: {  	s14 =	sshll.u32 s0, $0xA;
	s2 =	sadd.s32 s3, s2  }
0x8d: {  	s2 =	sadd.s32 s2, s14  }
0x8e: {  	[smem:$0x3FB6] =	sst s2  }
0x8f: {  	_ = 	snop  }
0x90: {  	s2 =	sld [smem:$0x3FD0];
	_ =	sdelay $0x2  }
0x91: {  	s15 =	simm.s32 $0xC;
	s4 =	simm.s32 $0x10  }
0x92: {  	[smem:s4], [sflag:s15] =	dma.local [hbm:s2], $0x1  }
0x93: {  	_ =	swait.eq [sflag:s15], $0x1  }
0x94: {  	[sflag:s15] =	ssyncset.done $0x0  }
0x95: {  	[sflag:s15] =	ssyncadd.s32 $0xFFFFFFFF  }
0x96: {  	s16 =	sld [smem:$0x10];
	(tm) =	ssettm $0x1  }
0x97: {  	s17 =	sld [smem:$0x3FFB];
	_ =	sdelay $0x3  }
0x98: {  	_ =	strace s17  }
0x99: {  	s3 =	sld [smem:$0x3FFC];
	_ =	sdelay $0x3  }
0x9a: {  	_ =	strace s3  }
0x9b: {  	s3 =	sld [smem:$0x3FFD];
	_ =	sdelay $0x3  }
0x9c: {  	_ =	strace s3  }
0x9d: {  	_ =	strace $0x8FFFFFFF  }
0x9e: {  	s18 =	sld [smem:$0x3FDB];
	_ =	sdelay $0x1  }
0x9f: {  	s19 =	simm.s32 $_scs_section_size  }
0xa0: {  	s5 =	simm.s32 $_size__tile_overlayer_lowered;
	s6 =	simm.s32 $_tile_overlayer_lowered  }
0xa1: {  	s22 =	simm.s32 $0x1BFF;
	s21 =	sshll.u32 s6, $0x1;
	s3 =	sadd.s32 s19, s18  }
0xa2: {  	s7 =	simm.s32 $0x0;
	s20 =	sshll.u32 s5, $0x1;
	s5 =	sadd.s32 s21, s3  }
0xa3: {  	[timem:s7], [sflag:s22] =	dma.local [hbm:s5], s20  }
0xa4: {  	_ =	swait.ge [sflag:s22], s20  }
0xa5: {  	s4 =	ssub.s32 $0x0, s20;
	[sflag:s22] =	ssyncset.done $0x0  }
0xa6: {  	[sflag:s22] =	ssyncadd.s32 s4;
	_ =	sdelay $0x1  }
0xa7: {  	s23 =	simm.s32 $0x1B8B  }
0xa8: {  	_ =	swait.ge [sflag:s23], $0x1  }
0xa9: {  	[sflag:s23] =	ssyncset.done $0x0  }
0xaa: {  	s25 =	simm.s32 $0x1B8E;
	s24 =	sld [smem:$0x3FFE];
	[sflag:s23] =	ssyncadd.s32 $0xFFFFFFFF  }
0xab: {  	s26 =	simm.s32 $execute0_lowered;
	[smem:$0x3FD2] =	sst s25  }
0xac: {  	s5 =	sshll.u32 s26, $0x1;
	_ =	strace $0x80000052;
	[dreg:$0x1] =	wrdreg $0xFFFFFFFF  }
0xad: {  	s28 =	simm.s32 $_size_execute0_lowered;
	s3 =	sadd.s32 s3, s5;
	[dreg:$0x0] =	wrdreg $0x0  }
0xae: {  	s5 =	sshll.u32 s28, $0x1;
	[dreg:$0x2] =	wrdreg s3  }
0xaf: {  	[dreg:$0x3] =	wrdreg s5  }
0xb0: {  	[dreg:$0x4] =	wrdreg $0xC0  }
0xb1: {  	_ =	task [dreg:s7], $0x5FFFF  }
0xb2: {  	[dreg:$0x1] =	wrdreg $0xFFFFFFFF  }
0xb3: {  	[dreg:$0x0] =	wrdreg $0x60  }
0xb4: {  	[dreg:$0x2] =	wrdreg s24  }
0xb5: {  	[dreg:$0x3] =	wrdreg s16  }
0xb6: {  	[dreg:$0x4] =	wrdreg $0x58000  }
0xb7: {  	[dreg:$0x5] =	wrdreg $0xB  }
0xb8: {  	_ =	task.clear_ibuf [dreg:s7], $0x6FFFF;
	_ =	strace $0x90000052  }
0xb9: {  	s29 =	simm.s32 $0xB;
	_ =	strace $0x80000054  }
0xba: {  	_ =	swait.ge [sflag:s29], $0x1  }
0xbb: {  	[sflag:s29] =	ssyncadd.s32 $0xFFFFFFFF  }
0xbc: {  	_ =	strace $0x90000054  }
0xbd: {  	_ =	sfence  }
0xbe: {  	s30 =	sld [smem:$0x0];
	_ =	sdelay $0x2  }
0xbf: {  	s31 =	sshll.u32 s1, $0xD;
	s1 =	sshrl.u32 s1, $0x2  }
0xc0: {  	s3 =	sand.u32 $0x4000, s31;
	s1 =	sadd.s32 s1, s30  }
0xc1: {  	s0 =	sor.u32 s3, s0;
	s1 =	sshll.u32 s1, $0x11  }
0xc2: {  	s0 =	sor.u32 s1, s0  }
0xc3: {  	s0 =	sadd.s32 $0x8F2B, s0  }
0xc4: {  	[sflag:s0] =	ssyncadd.remote.s32 $0x1  }
0xc5: {  	_ =	sfence.sel $0xFFFF  }
0xc6: {  	[dreg:$0x0] =	wrdreg $0xFFFFFFFF;
	(pc) =	sbr.abs _section_cstart, $3  }
0xc7: {  	[dreg:$0x1] =	wrdreg $0xFFFFFFFF  }
0xc8: {  	_ =	task.clear_ibuf [dreg:s7], $0x2FFFF;
	_ =	strace $0x9FFFFFFF  }
0xc9: {  	(tm) =	ssettm $0x7FFFFFFF  }
tec
execute0_lowered:
.L_overlay_start_1:
0x0: {  	(tag) =	ssettag $0x1  }
0x1: {  	s0 =	rddreg [dreg:$0x0]  }
0x2: {  	s1 =	srdreg.scid;
	s14 =	rddreg [dreg:$0x1]  }
0x3: {  	s2 =	rddreg [dreg:$0x2];
	s6 =	stileid.u32;
	s3 =	simm.s32 $0x0  }
0x4: {  	s29 =	simm.s32 $0x80;
	s30 =	simm.s32 $0x5000;
	s31 =	simm.s32 $0x0  }
0x5: {  	s1 =	sand.u32 $0x1, s1;
	[smem:$0x7FF] =	sst s3;
	s5 =	smul.u32 $0xC000, s6  }
0x6: {  	s8 =	smul.u32 $0x3000, s6;
	s4 =	sshll.u32 s1, $0x4;
	_ =	strace $0x80000053  }
0x7: {  	s25 =	ssub.s32 $0x2, s1;
	s1 =	smul.u32 $0x30000, s1;
	s4 =	sor.u32 s6, s4  }
0x8: {  	s26 =	sshrl.u32 s25, $0x1;
	s5 =	sshrl.u32 s5, $0x2;
	s7 =	sadd.s32 s8, s2  }
0x9: {  	s4 =	smul.u32 $0x480, s4;
	s9 =	ssub.s32 s25, s26;
	s28 =	sadd.s32 s8, s1  }
0xa: {  	s15 =	sadd.s32 $0x800, s7;
	s17 =	sadd.s32 $0x1000, s7;
	s19 =	sadd.s32 $0x1800, s7  }
0xb: {  	s21 =	sadd.s32 $0x2000, s7;
	s23 =	sadd.s32 $0x2800, s7;
	s25 =	simm.s32 $0x4800  }
0xc: {  	s26 =	simm.s32 $0x1;
	s8 =	smax.u32 s9, $0x1;
	s0 =	sadd.s32 s4, s0  }
0xd: {  	s4 =	sadd.s32 s5, s2;
	s5 =	sadd.s32 $0x36E00, s0;
	s6 =	sadd.s32 $0x1400, s0  }
0xe: {  	s9 =	sadd.s32 $0x800, s4;
	s10 =	sadd.s32 $0x1000, s4;
	s0 =	sshrl.u32 s28, $0x3  }
0xf: {  	s11 =	sadd.s32 $0x1800, s4;
	s12 =	sadd.s32 $0x2000, s4;
	s14 =	sadd.s32 s14, s0  }
0x10: {  	s13 =	sadd.s32 $0x2800, s4;
	s16 =	sadd.s32 $0x100, s14;
	s18 =	sadd.s32 $0x200, s14  }
0x11: {  	v0 =	vimm.f32 $0.0e+00;
	s20 =	sadd.s32 $0x300, s14;
	s22 =	sadd.s32 $0x400, s14;
	s24 =	sadd.s32 $0x500, s14  }
.LBB2_1:
0x12: {  	s0 =	simm.s32 $0x40;
	s1 =	simm.s32 $0x0  }
.LBB2_2:
0x13: {  	p0 =	sne.s32 s0, $0x1FC0;
	[tilespmem:s1+$0x4800] =	vst v0;
	s1 =	smov.u32 s0;
	s0 =	sadd.s32 $0x40, s0  }
.Ltmp0:
0x14: {  	(pc) =	sbr.rel @p0 .LBB2_2-.Ltmp0, $2  }
0x15: {  	_ =	sdelay $0x2  }
0x16: {  	s1 =	sshra.s32 s1, $0x2  }
0x17: {  	[tilespmem:s1+$0x4800] =	vst v0  }
0x18: {  	[spmem:s4] =	stream.linear.scatter [tilespmem:s25], [sflag:$0x1], $0x800, $0x38;
	[tilespmem:$0x8800] =	vst v63  }
0x19: {  	_ =	swait.ge [sflag:s26], $0x800  }
0x1a: {  	[sflag:s26] =	ssyncset.done $0x0  }
0x1b: {  	[sflag:s26] =	ssyncadd.s32 $0xFFFFF800  }
0x1c: {  	[spmem:s9] =	stream.linear.scatter [tilespmem:s25], [sflag:$0x1], $0x800, $0x38;
	[tilespmem:$0x8800] =	vst v63  }
0x1d: {  	_ =	swait.ge [sflag:s26], $0x800  }
0x1e: {  	[sflag:s26] =	ssyncset.done $0x0  }
0x1f: {  	[sflag:s26] =	ssyncadd.s32 $0xFFFFF800  }
0x20: {  	[spmem:s10] =	stream.linear.scatter [tilespmem:s25], [sflag:$0x1], $0x800, $0x38;
	[tilespmem:$0x8800] =	vst v63  }
0x21: {  	_ =	swait.ge [sflag:s26], $0x800  }
0x22: {  	[sflag:s26] =	ssyncset.done $0x0  }
0x23: {  	[sflag:s26] =	ssyncadd.s32 $0xFFFFF800  }
0x24: {  	[spmem:s11] =	stream.linear.scatter [tilespmem:s25], [sflag:$0x1], $0x800, $0x38;
	[tilespmem:$0x8800] =	vst v63  }
0x25: {  	_ =	swait.ge [sflag:s26], $0x800  }
0x26: {  	[sflag:s26] =	ssyncset.done $0x0  }
0x27: {  	[sflag:s26] =	ssyncadd.s32 $0xFFFFF800  }
0x28: {  	[spmem:s12] =	stream.linear.scatter [tilespmem:s25], [sflag:$0x1], $0x800, $0x38;
	[tilespmem:$0x8800] =	vst v63  }
0x29: {  	_ =	swait.ge [sflag:s26], $0x800  }
0x2a: {  	[sflag:s26] =	ssyncset.done $0x0  }
0x2b: {  	[sflag:s26] =	ssyncadd.s32 $0xFFFFF800  }
0x2c: {  	[spmem:s13] =	stream.linear.scatter [tilespmem:s25], [sflag:$0x1], $0x800, $0x38;
	[tilespmem:$0x8800] =	vst v63  }
0x2d: {  	_ =	swait.ge [sflag:s26], $0x800  }
0x2e: {  	[sflag:s26] =	ssyncset.done $0x0  }
0x2f: {  	s0 =	simm.s32 $0x0;
	[sflag:s26] =	ssyncadd.s32 $0xFFFFF800  }
0x30: {  	[tilespmem:s0], [sflag:$0x1] =	stream.linear.gather [hbm4b:s5+s0], $0x2380, $0x38;
	[tilespmem:$0x8800] =	vst v63  }
0x31: {  	_ =	swait.ge [sflag:s26], $0x2380  }
0x32: {  	[sflag:s26] =	ssyncset.done $0x0  }
0x33: {  	s28 =	simm.s32 $0x2400;
	[sflag:s26] =	ssyncadd.s32 $0xFFFFDC80  }
0x34: {  	[tilespmem:s28], [sflag:$0x1] =	stream.linear.gather [hbm4b:s6+s0], $0x2380, $0x38;
	[tilespmem:$0x8800] =	vst v63  }
0x35: {  	_ =	swait.ge [sflag:s26], $0x2380  }
0x36: {  	[sflag:s26] =	ssyncset.done $0x0  }
0x37: {  	[sflag:s26] =	ssyncadd.s32 $0xFFFFDC80  }
0x38: {  	s1 =	simm.s32 $0x0;
	s28 =	simm.s32 $0x2400;
	[bflag:$0x0] =	sbarrier.arrive $0xFFFF  }
0x39: {  	[spmem:s2] =	stream.indirect.scatter.add.f32 [tilespmem:s1], [sflag:$0x1], $0x1, s28, s29, $0xb8;
	[tilespmem:$0x8800] =	vst v63  }
0x3a: {  	s0 =	simm.s32 $0x200;
	_ =	swait.ge [sflag:s26], $0x80  }
.LBB2_4:
0x3b: {  	s1 =	sshra.s32 s0, $0x2;
	[sflag:s26] =	ssyncset.done $0x0;
	p0 =	sne.s32 s0, $0x8C00  }
.Ltmp1:
0x3c: {  	s28 =	sadd.s32 $0x2400, s1;
	[sflag:s26] =	ssyncadd.s32 $0xFFFFFF80;
	(pc) =	sbr.rel @p0 .LBB2_4-.Ltmp1, $3  }
0x3d: {  	[spmem:s2] =	stream.indirect.scatter.add.f32 [tilespmem:s1], [sflag:$0x1], $0x1, s28, s29, $0xb8;
	[tilespmem:$0x8800] =	vst v63  }
0x3e: {  	s0 =	sadd.s32 $0x200, s0;
	_ =	sdelay $0x1  }
0x3f: {  	_ =	swait.ge [sflag:s26], $0x80  }
0x40: {  	[sflag:s26] =	ssyncset.done $0x0  }
0x41: {  	[sflag:s26] =	ssyncadd.s32 $0xFFFFFF80  }
0x42: {  	[bflag:$0x0] =	sbarrier.arrive $0xFFFF  }
0x43: {  	[tilespmem:s30], [sflag:$0x1] =	stream.linear.gather [spmem:s7], $0x800, $0x38;
	[tilespmem:$0x8800] =	vst v63  }
0x44: {  	_ =	swait.ge [sflag:s26], $0x800  }
0x45: {  	[sflag:s26] =	ssyncset.done $0x0  }
0x46: {  	[sflag:s26] =	ssyncadd.s32 $0xFFFFF800  }
0x47: {  	[hbm4b:s14+s3] =	stream.linear.scatter [tilespmem:s30], [sflag:$0x1], $0x800, $0x38;
	[tilespmem:$0x8800] =	vst v63  }
0x48: {  	_ =	swait.ge [sflag:s26], $0x800  }
0x49: {  	[sflag:s26] =	ssyncset.done $0x0  }
0x4a: {  	[sflag:s26] =	ssyncadd.s32 $0xFFFFF800  }
0x4b: {  	[tilespmem:s30], [sflag:$0x1] =	stream.linear.gather [spmem:s15], $0x800, $0x38;
	[tilespmem:$0x8800] =	vst v63  }
0x4c: {  	_ =	swait.ge [sflag:s26], $0x800  }
0x4d: {  	[sflag:s26] =	ssyncset.done $0x0  }
0x4e: {  	[sflag:s26] =	ssyncadd.s32 $0xFFFFF800  }
0x4f: {  	[hbm4b:s16+s3] =	stream.linear.scatter [tilespmem:s30], [sflag:$0x1], $0x800, $0x38;
	[tilespmem:$0x8800] =	vst v63  }
0x50: {  	_ =	swait.ge [sflag:s26], $0x800  }
0x51: {  	[sflag:s26] =	ssyncset.done $0x0  }
0x52: {  	[sflag:s26] =	ssyncadd.s32 $0xFFFFF800  }
0x53: {  	[tilespmem:s30], [sflag:$0x1] =	stream.linear.gather [spmem:s17], $0x800, $0x38;
	[tilespmem:$0x8800] =	vst v63  }
0x54: {  	_ =	swait.ge [sflag:s26], $0x800  }
0x55: {  	[sflag:s26] =	ssyncset.done $0x0  }
0x56: {  	[sflag:s26] =	ssyncadd.s32 $0xFFFFF800  }
0x57: {  	[hbm4b:s18+s3] =	stream.linear.scatter [tilespmem:s30], [sflag:$0x1], $0x800, $0x38;
	[tilespmem:$0x8800] =	vst v63  }
0x58: {  	_ =	swait.ge [sflag:s26], $0x800  }
0x59: {  	[sflag:s26] =	ssyncset.done $0x0  }
0x5a: {  	[sflag:s26] =	ssyncadd.s32 $0xFFFFF800  }
0x5b: {  	[tilespmem:s30], [sflag:$0x1] =	stream.linear.gather [spmem:s19], $0x800, $0x38;
	[tilespmem:$0x8800] =	vst v63  }
0x5c: {  	_ =	swait.ge [sflag:s26], $0x800  }
0x5d: {  	[sflag:s26] =	ssyncset.done $0x0  }
0x5e: {  	[sflag:s26] =	ssyncadd.s32 $0xFFFFF800  }
0x5f: {  	[hbm4b:s20+s3] =	stream.linear.scatter [tilespmem:s30], [sflag:$0x1], $0x800, $0x38;
	[tilespmem:$0x8800] =	vst v63  }
0x60: {  	_ =	swait.ge [sflag:s26], $0x800  }
0x61: {  	[sflag:s26] =	ssyncset.done $0x0  }
0x62: {  	[sflag:s26] =	ssyncadd.s32 $0xFFFFF800  }
0x63: {  	[tilespmem:s30], [sflag:$0x1] =	stream.linear.gather [spmem:s21], $0x800, $0x38;
	[tilespmem:$0x8800] =	vst v63  }
0x64: {  	_ =	swait.ge [sflag:s26], $0x800  }
0x65: {  	[sflag:s26] =	ssyncset.done $0x0  }
0x66: {  	[sflag:s26] =	ssyncadd.s32 $0xFFFFF800  }
0x67: {  	[hbm4b:s22+s3] =	stream.linear.scatter [tilespmem:s30], [sflag:$0x1], $0x800, $0x38;
	[tilespmem:$0x8800] =	vst v63  }
0x68: {  	_ =	swait.ge [sflag:s26], $0x800  }
0x69: {  	[sflag:s26] =	ssyncset.done $0x0  }
0x6a: {  	[sflag:s26] =	ssyncadd.s32 $0xFFFFF800  }
0x6b: {  	[tilespmem:s30], [sflag:$0x1] =	stream.linear.gather [spmem:s23], $0x800, $0x38;
	[tilespmem:$0x8800] =	vst v63  }
0x6c: {  	s31 =	sadd.s32 $0x1, s31;
	_ =	swait.ge [sflag:s26], $0x800  }
0x6d: {  	p0 =	sne.s32 s31, s8;
	[sflag:s26] =	ssyncset.done $0x0  }
.Ltmp2:
0x6e: {  	[sflag:s26] =	ssyncadd.s32 $0xFFFFF800;
	(pc) =	sbr.rel @p0 .LBB2_1-.Ltmp2, $4  }
0x6f: {  	[hbm4b:s24+s3] =	stream.linear.scatter [tilespmem:s30], [sflag:$0x1], $0x800, $0x38;
	[tilespmem:$0x8800] =	vst v63  }
0x70: {  	_ =	swait.ge [sflag:s26], $0x800  }
0x71: {  	[sflag:s26] =	ssyncset.done $0x0  }
0x72: {  	[sflag:s26] =	ssyncadd.s32 $0xFFFFF800  }
0x73: {  	_ =	sfence.sel $0x180000  }
0x74: {  	[bflag:$0x0] =	sbarrier.arrive $0xFFFF  }
0x75: {  	_ =	strace $0x90000053  }
0x76: {  	s0 =	stileid.u32;
	[bflag:$0x2] =	sbarrier.arrive $0xFFFF  }
0x77: {  	p0 =	sne.s32 s0, $0x0;
	s0 =	rddreg [dreg:$0x3]  }
0x78: {  	s0 =	sadd.s32 @!p0 $0x100000, s0  }
0x79: {  	[sflag:s0] =	ssyncadd.tile.s32 @!p0 $0x1;
	_ =	shalt  }
.Lfunc_end2:
_tile_overlayer_lowered:
.L_overlay_start_2:
0x7a: {  	(tag) =	ssettag $0x2  }
0x7b: {  	s0 =	rddreg [dreg:$0x0];
	s2 =	stileid.u32  }
0x7c: {  	s1 =	rddreg [dreg:$0x1];
	p0 =	sne.s32 s2, $0x0  }
0x7d: {  	s3 =	rddreg [dreg:$0x2];
	[bflag:$0x3] =	sbarrier.arrive $0xFFFF;
	s2 =	simm.s32 @!p0 $0x1C01  }
0x7e: {  	[timem:s3], [sflag:s2] =	dma.local @!p0 [hbm:s0], s1  }
0x7f: {  	s0 =	simm.s32 @!p0 $0x1  }
0x80: {  	_ =	swait.ge @!p0 [sflag:s0], s1  }
0x81: {  	s1 =	ssub.s32 @!p0 $0x0, s1;
	[sflag:s0] =	ssyncset.done @!p0 $0x0  }
0x82: {  	[sflag:s0] =	ssyncadd.s32 @!p0 s1  }
0x83: {  	[bflag:$0x3] =	sbarrier.arrive $0xFFFF  }
0x84: {  	_ =	shalt  }

// kernel: kernel.30.cloned.1.call-start
scs
__scs_entry_jumppad:
0x0: {  	(pc) =	sbr.rel $0x88, $3  }
0x1: {  	(tag) =	ssettag $0x0;
	lr =	simm.s32 $0x1  }
0x2: {  	[smem:$0x3F8F] =	sst lr;
	_ =	strace $0xD0000000  }
0x3: {  	_ = 	snop  }
0x4: {  	_ = 	snop  }
0x5: {  	_ = 	snop  }
0x6: {  	_ = 	snop  }
0x7: {  	_ = 	snop  }
__scs_overlays_trampoline_lowered:
0x8: {  	[smem:$0x3F9E] =	sst s0  }
0x9: {  	[smem:$0x3F9F] =	sst s1  }
0xa: {  	[smem:$0x3FA0] =	sst s2  }
0xb: {  	[smem:$0x3FA1] =	sst s3  }
0xc: {  	[smem:$0x3FA2] =	sst s4  }
0xd: {  	[smem:$0x3FA3] =	sst s5  }
0xe: {  	[smem:$0x3FA4] =	sst s6  }
0xf: {  	[smem:$0x3FA5] =	sst s7  }
0x10: {  	[smem:$0x3FA6] =	sst s8  }
0x11: {  	[smem:$0x3FA7] =	sst s9;
	s0 =	simm.s32 @!p0 $0x0  }
0x12: {  	s1 =	sld [smem:$0x3F8D];
	s0 =	simm.s32 @p0 $0x1  }
0x13: {  	[smem:$0x3FA8] =	sst s0;
	s0 =	simm.s32 @!p1 $0x0  }
0x14: {  	s2 =	sld [smem:$0x3F8C];
	s0 =	simm.s32 @p1 $0x1  }
0x15: {  	[smem:$0x3FA9] =	sst s0;
	s0 =	simm.s32 @!p2 $0x0  }
0x16: {  	s3 =	sld [smem:$0x3FDB];
	s0 =	simm.s32 @p2 $0x1  }
0x17: {  	s4 =	simm.s32 $0x1BF5;
	[smem:$0x3FAB] =	sst s0  }
0x18: {  	s0 =	sld [smem:$0x3F8E];
	_ =	swait.ge [sflag:s4], $0x0  }
0x19: {  	s7 =	sld [smem:$0x3F8F]  }
0x1a: {  	s8 =	sadd.s32 $0xFFFFE003, lr  }
0x1b: {  	s9 =	sadd.s32 $0xFFFFFEF7, lr;
	s5 =	simm.s32 $0xFFFFFFFF;
	p2 =	slt.u32 s8, $0xFFFFF086  }
0x1c: {  	p1 =	slt.u32 s9, $0xF7A;
	s5 =	simm.s32 @!p2 $0x0  }
0x1d: {  	s5 =	simm.s32 @p1 $0x1;
	p0 =	seq.s32 s7, s2  }
0x1e: {  	s7 =	smul.u32 @!p0 $0xF7A, s2;
	p2 =	seq.s32 @!p0 s5, $0x0  }
0x1f: {  	s9 =	smul.u32 $0xF7A, s1;
	s8 =	simm.s32 @!p0 $0x1BF5;
	p2 =	por !p2, p0  }
0x20: {  	[sflag:s8] =	ssyncset.s32 @!p0 $0xFFFFF086;
	s6 =	sadd.s32 @!p0 s3, s7;
	s7 =	simm.s32 @!p0 $0x108  }
0x21: {  	s3 =	sadd.s32 s3, s9;
	s6 =	sadd.s32 @!p0 $0x88, s6;
	s7 =	simm.s32 @p2 $0x1082  }
0x22: {  	[simem:s7], [sflag:s8] =	dma.local @!p0 [hbm:s6], $0xF7A  }
0x23: {  	s9 =	sor.u32 $0xD0000000, s2;
	s6 =	simm.s32 $0x108;
	_ =	swait.ge @!p0 [sflag:s8], $0x0  }
0x24: {  	s3 =	sadd.s32 $0x88, s3;
	s6 =	simm.s32 @!p1 $0x1082;
	[sflag:s4] =	ssyncset.s32 $0xFFFFF086  }
0x25: {  	[simem:s6], [sflag:s4] =	dma.local [hbm:s3], $0xF7A  }
0x26: {  	[smem:$0x3F8F] =	sst s1;
	(tag) =	ssettag s2;
	_ =	strace s9  }
0x27: {  	s1 =	sld [smem:$0x3F9F]  }
0x28: {  	s2 =	sld [smem:$0x3FA0]  }
0x29: {  	s4 =	sld [smem:$0x3FA2]  }
0x2a: {  	p0 =	seq.s32 s5, $0x0;
	s5 =	sld [smem:$0x3FA3]  }
0x2b: {  	s6 =	sld [smem:$0x3FA4]  }
0x2c: {  	s7 =	sld [smem:$0x3FA5]  }
0x2d: {  	s3 =	simm.s32 $0x108;
	s8 =	sld [smem:$0x3FA6]  }
0x2e: {  	s3 =	simm.s32 @!p0 $0x1082;
	s9 =	sld [smem:$0x3FA7]  }
0x2f: {  	lr =	sadd.s32 s0, s3;
	s0 =	sld [smem:$0x3F9E]  }
0x30: {  	s3 =	sld [smem:$0x3FA1]  }
0x31: {  	[smem:$0x3FAA] =	sst s10  }
0x32: {  	s10 =	sld [smem:$0x3FA8];
	_ =	sdelay $0x3  }
0x33: {  	p0 =	seq.s32 s10, $0x1;
	s10 =	sld [smem:$0x3FAA];
	_ =	sdelay $0x3  }
0x34: {  	[smem:$0x3FAA] =	sst s10  }
0x35: {  	s10 =	sld [smem:$0x3FA9];
	_ =	sdelay $0x3  }
0x36: {  	p1 =	seq.s32 s10, $0x1;
	s10 =	sld [smem:$0x3FAA];
	_ =	sdelay $0x3  }
0x37: {  	[smem:$0x3FAA] =	sst s10  }
0x38: {  	s10 =	sld [smem:$0x3FAB]  }
0x39: {  	_ = 	snop;
	(pc) =	sbr.ind lr, $3  }
0x3a: {  	_ = 	snop  }
0x3b: {  	_ = 	snop  }
0x3c: {  	p2 =	seq.s32 s10, $0x1;
	s10 =	sld [smem:$0x3FAA]  }
0x3d: {  	_ =	shalt  }
0x3e: {  	_ =	shalt  }
0x3f: {  	_ =	shalt  }
0x40: {  	_ =	shalt  }
0x41: {  	_ =	shalt  }
0x42: {  	_ =	shalt  }
0x43: {  	_ =	shalt  }
0x44: {  	_ =	shalt  }
0x45: {  	_ =	shalt  }
0x46: {  	_ =	shalt  }
0x47: {  	_ =	shalt  }
0x48: {  	_ =	shalt  }
0x49: {  	_ =	shalt  }
0x4a: {  	_ =	shalt  }
0x4b: {  	_ =	shalt  }
0x4c: {  	_ =	shalt  }
0x4d: {  	_ =	shalt  }
0x4e: {  	_ =	shalt  }
0x4f: {  	_ =	shalt  }
0x50: {  	_ =	shalt  }
0x51: {  	_ =	shalt  }
0x52: {  	_ =	shalt  }
0x53: {  	_ =	shalt  }
0x54: {  	_ =	shalt  }
0x55: {  	_ =	shalt  }
0x56: {  	_ =	shalt  }
0x57: {  	_ =	shalt  }
0x58: {  	_ =	shalt  }
0x59: {  	_ =	shalt  }
0x5a: {  	_ =	shalt  }
0x5b: {  	_ =	shalt  }
0x5c: {  	_ =	shalt  }
0x5d: {  	_ =	shalt  }
0x5e: {  	_ =	shalt  }
0x5f: {  	_ =	shalt  }
0x60: {  	_ =	shalt  }
0x61: {  	_ =	shalt  }
0x62: {  	_ =	shalt  }
0x63: {  	_ =	shalt  }
0x64: {  	_ =	shalt  }
0x65: {  	_ =	shalt  }
0x66: {  	_ =	shalt  }
0x67: {  	_ =	shalt  }
0x68: {  	_ =	shalt  }
0x69: {  	_ =	shalt  }
0x6a: {  	_ =	shalt  }
0x6b: {  	_ =	shalt  }
0x6c: {  	_ =	shalt  }
0x6d: {  	_ =	shalt  }
0x6e: {  	_ =	shalt  }
0x6f: {  	_ =	shalt  }
0x70: {  	_ =	shalt  }
0x71: {  	_ =	shalt  }
0x72: {  	_ =	shalt  }
0x73: {  	_ =	shalt  }
0x74: {  	_ =	shalt  }
0x75: {  	_ =	shalt  }
0x76: {  	_ =	shalt  }
0x77: {  	_ =	shalt  }
0x78: {  	_ =	shalt  }
0x79: {  	_ =	shalt  }
0x7a: {  	_ =	shalt  }
0x7b: {  	_ =	shalt  }
0x7c: {  	_ =	shalt  }
0x7d: {  	_ =	shalt  }
0x7e: {  	_ =	shalt  }
0x7f: {  	_ =	shalt  }
0x80: {  	_ =	shalt  }
0x81: {  	_ =	shalt  }
0x82: {  	_ =	shalt  }
0x83: {  	_ =	shalt  }
0x84: {  	_ =	shalt  }
0x85: {  	_ =	shalt  }
0x86: {  	_ =	shalt  }
0x87: {  	_ =	shalt  }
.Lfunc_end0:
.L_simem_size_0:
called_computation.6_lowered:
.L_overlay_start_0:
0x88: {  	s2 =	sld [smem:$0x3FD9]  }
0x89: {  	s3 =	sld [smem:$0x3FFE];
	_ =	sdelay $0x1  }
0x8a: {  	s1 =	srdreg.scid  }
0x8b: {  	s0 =	sand.u32 $0x1, s1  }
0x8c: {  	s17 =	sshll.u32 s0, $0xA;
	s2 =	sadd.s32 s3, s2  }
0x8d: {  	s2 =	sadd.s32 s2, s17  }
0x8e: {  	[smem:$0x3FB6] =	sst s2  }
0x8f: {  	_ = 	snop  }
0x90: {  	(tm) =	ssettm $0x1  }
0x91: {  	s18 =	sld [smem:$0x3FFB];
	_ =	sdelay $0x3  }
0x92: {  	_ =	strace s18  }
0x93: {  	s2 =	sld [smem:$0x3FFC];
	_ =	sdelay $0x3  }
0x94: {  	_ =	strace s2  }
0x95: {  	s2 =	sld [smem:$0x3FFD];
	_ =	sdelay $0x3  }
0x96: {  	_ =	strace s2  }
0x97: {  	_ =	strace $0x8FFFFFFF  }
0x98: {  	s19 =	sld [smem:$0x3FDB];
	_ =	sdelay $0x1  }
0x99: {  	s20 =	simm.s32 $_scs_section_size  }
0x9a: {  	s4 =	simm.s32 $_size__tile_overlayer_lowered;
	s5 =	simm.s32 $_tile_overlayer_lowered  }
0x9b: {  	s6 =	simm.s32 $0x1BFF;
	s21 =	sshll.u32 s5, $0x1;
	s3 =	sadd.s32 s20, s19  }
0x9c: {  	s22 =	simm.s32 $0x0;
	s4 =	sshll.u32 s4, $0x1;
	s5 =	sadd.s32 s21, s3  }
0x9d: {  	[timem:s22], [sflag:s6] =	dma.local [hbm:s5], s4  }
0x9e: {  	_ =	swait.ge [sflag:s6], s4  }
0x9f: {  	s4 =	ssub.s32 $0x0, s4;
	[sflag:s6] =	ssyncset.done $0x0  }
0xa0: {  	[sflag:s6] =	ssyncadd.s32 s4;
	_ =	sdelay $0x1  }
0xa1: {  	s23 =	simm.s32 $0x1B8B  }
0xa2: {  	_ =	swait.ge [sflag:s23], $0x1  }
0xa3: {  	[sflag:s23] =	ssyncset.done $0x0  }
0xa4: {  	[sflag:s23] =	ssyncadd.s32 $0xFFFFFFFF  }
0xa5: {  	s4 =	sld [smem:$0x0]  }
0xa6: {  	s5 =	sand.u32 $0xFFFFFFFE, s1  }
0xa7: {  	p0 =	sne.s32 s1, s5  }
0xa8: {  	s5 =	sshll.u32 @p0 s5, $0xE  }
0xa9: {  	s5 =	sadd.s32 @p0 $0x11B8D, s5;
	s6 =	sshll.u32 @p0 s4, $0x11  }
0xaa: {  	s5 =	sor.u32 @p0 s6, s5  }
0xab: {  	[sflag:s5] =	ssyncadd.remote.s32 @p0 $0x1;
	_ =	sdelay $0x1  }
0xac: {  	s5 =	simm.s32 @p0 $0x1B8D  }
0xad: {  	_ =	swait.eq @p0 [sflag:s5], $0x1  }
0xae: {  	[sflag:s5] =	ssyncadd.s32 @p0 $0xFFFFFFFF  }
0xaf: {  	s6 =	sshll.u32 @!p0 s1, $0xE  }
0xb0: {  	s6 =	sor.u32 @!p0 $0x4000, s6;
	s5 =	simm.s32 @!p0 $0x1B8D  }
0xb1: {  	s4 =	sshll.u32 @!p0 s4, $0x11;
	s6 =	sadd.s32 @!p0 $0x11B8D, s6;
	_ =	swait.eq @!p0 [sflag:s5], $0x1  }
0xb2: {  	s4 =	sor.u32 @!p0 s4, s6;
	[sflag:s5] =	ssyncadd.s32 @!p0 $0xFFFFFFFF  }
0xb3: {  	s25 =	simm.s32 $0x1B8E;
	s24 =	sld [smem:$0x3FFE];
	[sflag:s4] =	ssyncadd.remote.s32 @!p0 $0x1  }
0xb4: {  	s26 =	simm.s32 $execute0_lowered;
	[smem:$0x3FD2] =	sst s25  }
0xb5: {  	s5 =	sshll.u32 s26, $0x1;
	_ =	strace $0x8000005B;
	[dreg:$0x1] =	wrdreg $0xFFFFFFFF  }
0xb6: {  	s28 =	simm.s32 $_size_execute0_lowered;
	s3 =	sadd.s32 s3, s5;
	[dreg:$0x0] =	wrdreg $0x0  }
0xb7: {  	s5 =	sshll.u32 s28, $0x1;
	[dreg:$0x2] =	wrdreg s3  }
0xb8: {  	[dreg:$0x3] =	wrdreg s5  }
0xb9: {  	[dreg:$0x4] =	wrdreg $0xC0  }
0xba: {  	_ =	task [dreg:s22], $0x5FFFF  }
0xbb: {  	[dreg:$0x1] =	wrdreg $0xFFFFFFFF  }
0xbc: {  	[dreg:$0x0] =	wrdreg $0x60  }
0xbd: {  	[dreg:$0x2] =	wrdreg s24  }
0xbe: {  	[dreg:$0x3] =	wrdreg $0x90000  }
0xbf: {  	[dreg:$0x4] =	wrdreg $0xA  }
0xc0: {  	_ =	task.clear_ibuf [dreg:s22], $0x5FFFF;
	_ =	strace $0x9000005B  }
0xc1: {  	s29 =	simm.s32 $0xA;
	_ =	strace $0x8000005D  }
0xc2: {  	_ =	swait.ge [sflag:s29], $0x1  }
0xc3: {  	[sflag:s29] =	ssyncadd.s32 $0xFFFFFFFF  }
0xc4: {  	_ =	strace $0x9000005D  }
0xc5: {  	_ =	sfence  }
0xc6: {  	s30 =	sld [smem:$0x0];
	_ =	sdelay $0x2  }
0xc7: {  	s31 =	sshll.u32 s1, $0xD;
	s1 =	sshrl.u32 s1, $0x2  }
0xc8: {  	s4 =	sand.u32 $0x4000, s31;
	s1 =	sadd.s32 s1, s30  }
0xc9: {  	s0 =	sor.u32 s4, s0;
	s1 =	sshll.u32 s1, $0x11  }
0xca: {  	s0 =	sor.u32 s1, s0  }
0xcb: {  	s0 =	sadd.s32 $0x8F2B, s0  }
0xcc: {  	[sflag:s0] =	ssyncadd.remote.s32 $0x1  }
0xcd: {  	_ =	sfence.sel $0xFFFF  }
0xce: {  	[dreg:$0x0] =	wrdreg $0xFFFFFFFF;
	(pc) =	sbr.abs _section_cstart, $3  }
0xcf: {  	[dreg:$0x1] =	wrdreg $0xFFFFFFFF  }
0xd0: {  	_ =	task.clear_ibuf [dreg:s22], $0x2FFFF;
	_ =	strace $0x9FFFFFFF  }
0xd1: {  	(tm) =	ssettm $0x7FFFFFFF  }
tec
execute0_lowered:
.L_overlay_start_1:
0x0: {  	(tag) =	ssettag $0x1  }
0x1: {  	s5 =	rddreg [dreg:$0x0]  }
0x2: {  	s1 =	rddreg [dreg:$0x1]  }
0x3: {  	s0 =	rddreg [dreg:$0x2];
	s3 =	simm.s32 $0x0;
	s4 =	srdreg.scid  }
0x4: {  	s2 =	stileid.u32;
	s11 =	simm.s32 $0x2;
	s12 =	simm.s32 $0x2000  }
0x5: {  	s13 =	simm.s32 $0x80;
	s14 =	simm.s32 $0x4000;
	s15 =	simm.s32 $0x1  }
0x6: {  	s16 =	simm.s32 $0x8800;
	s17 =	simm.s32 $0x0;
	[smem:$0x7FF] =	sst s3  }
0x7: {  	s6 =	sand.u32 $0x1, s4;
	s8 =	sshll.u32 s2, $0xA;
	s4 =	sadd.s32 $0x86600, s5  }
0x8: {  	s30 =	sshll.u32 s2, $0x10;
	s31 =	sshll.u32 s2, $0xD;
	_ =	strace $0x8000005C  }
0x9: {  	s7 =	sshll.u32 s6, $0xE;
	s29 =	ssub.s32 $0x2, s6;
	s6 =	sshll.u32 s6, $0x11  }
0xa: {  	s7 =	sor.u32 s8, s7;
	s9 =	sshrl.u32 s29, $0x1;
	s10 =	sadd.s32 s6, s5  }
0xb: {  	s7 =	sadd.s32 s7, s5;
	s8 =	ssub.s32 s29, s9;
	s5 =	sadd.s32 s30, s1  }
0xc: {  	s9 =	sadd.s32 s31, s10;
	s10 =	simm.s32 $0x8000;
	s6 =	sadd.s32 $0x7E600, s7  }
0xd: {  	v0 =	vimm.f32 $0.0e+00;
	s7 =	sadd.s32 $0x27200, s7;
	s8 =	smax.u32 s8, $0x1;
	s9 =	sadd.s32 $0xCCE00, s9  }
.LBB2_1:
0xe: {  	s18 =	simm.s32 $0x0;
	s19 =	simm.s32 $0x200  }
.LBB2_2:
0xf: {  	p0 =	sne.s32 s19, $0x1E00;
	[tilespmem:s18+$0x8070] =	vst v0  }
0x10: {  	[tilespmem:s18+$0x8000] =	vst v0  }
0x11: {  	[tilespmem:s18+$0x8010] =	vst v0  }
.Ltmp0:
0x12: {  	[tilespmem:s18+$0x8020] =	vst v0;
	(pc) =	sbr.rel @p0 .LBB2_2-.Ltmp0, $4  }
0x13: {  	[tilespmem:s18+$0x8030] =	vst v0  }
0x14: {  	[tilespmem:s18+$0x8040] =	vst v0  }
0x15: {  	[tilespmem:s18+$0x8050] =	vst v0  }
0x16: {  	[tilespmem:s18+$0x8060] =	vst v0;
	s18 =	sshra.s32 s19, $0x2;
	s19 =	sadd.s32 $0x200, s19  }
0x17: {  	[tilespmem:s18+$0x8070] =	vst v0  }
0x18: {  	[tilespmem:s18+$0x8000] =	vst v0  }
0x19: {  	[tilespmem:s18+$0x8010] =	vst v0  }
0x1a: {  	[tilespmem:s18+$0x8020] =	vst v0  }
0x1b: {  	[tilespmem:s18+$0x8030] =	vst v0  }
0x1c: {  	[tilespmem:s18+$0x8040] =	vst v0  }
0x1d: {  	[tilespmem:s18+$0x8050] =	vst v0  }
0x1e: {  	[tilespmem:s18+$0x8060] =	vst v0;
	s31 =	sadd.s32 $0x0, s5  }
0x1f: {  	[spmem:s31] =	stream.linear.scatter [tilespmem:s10], [sflag:$0x2], $0x800, $0x38;
	[tilespmem:$0x19000] =	vst v63  }
0x20: {  	s18 =	simm.s32 $0x2000;
	_ =	swait.ge [sflag:s11], $0x800  }
.LBB2_4:
0x21: {  	s19 =	sshra.s32 s18, $0x2;
	[sflag:s11] =	ssyncset.done $0x0;
	p0 =	sne.s32 s18, $0x3E000  }
.Ltmp1:
0x22: {  	s19 =	sadd.s32 s19, s5;
	[sflag:s11] =	ssyncadd.s32 $0xFFFFF800;
	(pc) =	sbr.rel @p0 .LBB2_4-.Ltmp1, $3  }
0x23: {  	[spmem:s19] =	stream.linear.scatter [tilespmem:s10], [sflag:$0x2], $0x800, $0x38;
	[tilespmem:$0x19000] =	vst v63  }
0x24: {  	s18 =	sadd.s32 $0x2000, s18;
	_ =	sdelay $0x1  }
0x25: {  	_ =	swait.ge [sflag:s11], $0x800  }
0x26: {  	[sflag:s11] =	ssyncset.done $0x0  }
0x27: {  	s18 =	simm.s32 $0x0;
	[sflag:s11] =	ssyncadd.s32 $0xFFFFF800  }
0x28: {  	[tilespmem:s18], [sflag:$0x2] =	stream.linear.gather [hbm4b:s6+s18], $0x1F80, $0x38;
	[tilespmem:$0x19000] =	vst v63  }
0x29: {  	_ =	swait.ge [sflag:s11], $0x1F80  }
0x2a: {  	[sflag:s11] =	ssyncset.done $0x0  }
0x2b: {  	[sflag:s11] =	ssyncadd.s32 $0xFFFFE080  }
0x2c: {  	[tilespmem:s12], [sflag:$0x2] =	stream.linear.gather [hbm4b:s7+s18], $0x1F80, $0x38;
	[tilespmem:$0x19000] =	vst v63  }
0x2d: {  	_ =	swait.ge [sflag:s11], $0x1F80  }
0x2e: {  	[sflag:s11] =	ssyncset.done $0x0  }
0x2f: {  	[sflag:s11] =	ssyncadd.s32 $0xFFFFE080  }
0x30: {  	s30 =	simm.s32 $0x0;
	[bflag:$0x0] =	sbarrier.arrive $0xFFFF  }
0x31: {  	[tilespmem:s14], [sflag:$0x1] =	stream.indirect.gather [hbm4b:s4+s13], $0x80, s30, s13, $0xb8;
	[tilespmem:$0x19000] =	vst v63  }
0x32: {  	_ =	swait.ge [sflag:s15], $0x4000  }
0x33: {  	[sflag:s15] =	ssyncset.done $0x0  }
0x34: {  	s31 =	simm.s32 $0x2000;
	[sflag:s15] =	ssyncadd.s32 $0xFFFFC000  }
0x35: {  	[spmem:s1] =	stream.indirect.scatter.add.f32 [tilespmem:s14], [sflag:$0x2], $0x80, s31, s13, $0xb8;
	[tilespmem:$0x19000] =	vst v63  }
0x36: {  	_ =	swait.ge [sflag:s11], $0x4000  }
0x37: {  	s19 =	simm.s32 $0x400;
	s18 =	simm.s32 $0x200;
	[sflag:s11] =	ssyncset.done $0x0  }
.LBB2_6:
0x38: {  	s20 =	sshra.s32 s18, $0x2  }
0x39: {  	[sflag:s11] =	ssyncadd.s32 $0xFFFFC000;
	s18 =	smov.u32 s19;
	s21 =	sadd.s32 $0x200, s19  }
0x3a: {  	[tilespmem:s14], [sflag:$0x1] =	stream.indirect.gather [hbm4b:s4+s13], $0x80, s20, s13, $0xb8;
	[tilespmem:$0x19000] =	vst v63  }
0x3b: {  	p0 =	sne.s32 s19, $0x7C00;
	_ =	swait.ge [sflag:s15], $0x4000  }
.Ltmp2:
0x3c: {  	[sflag:s15] =	ssyncset.done $0x0;
	(pc) =	sbr.rel @p0 .LBB2_6-.Ltmp2, $4  }
0x3d: {  	s19 =	sadd.s32 $0x2000, s20;
	[sflag:s15] =	ssyncadd.s32 $0xFFFFC000  }
0x3e: {  	[spmem:s1] =	stream.indirect.scatter.add.f32 [tilespmem:s14], [sflag:$0x2], $0x80, s19, s13, $0xb8;
	[tilespmem:$0x19000] =	vst v63  }
0x3f: {  	_ =	swait.ge [sflag:s11], $0x4000  }
0x40: {  	s19 =	smov.u32 s21;
	[sflag:s11] =	ssyncset.done $0x0  }
0x41: {  	s18 =	sshra.s32 s18, $0x2;
	[sflag:s11] =	ssyncadd.s32 $0xFFFFC000  }
0x42: {  	[tilespmem:s14], [sflag:$0x1] =	stream.indirect.gather [hbm4b:s4+s13], $0x80, s18, s13, $0xb8;
	[tilespmem:$0x19000] =	vst v63  }
0x43: {  	_ =	swait.ge [sflag:s15], $0x4000  }
0x44: {  	[sflag:s15] =	ssyncset.done $0x0  }
0x45: {  	s18 =	sadd.s32 $0x2000, s18;
	[sflag:s15] =	ssyncadd.s32 $0xFFFFC000  }
0x46: {  	[spmem:s1] =	stream.indirect.scatter.add.f32 [tilespmem:s14], [sflag:$0x2], $0x80, s18, s13, $0xb8;
	[tilespmem:$0x19000] =	vst v63  }
0x47: {  	_ =	swait.ge [sflag:s11], $0x4000  }
0x48: {  	[sflag:s11] =	ssyncset.done $0x0  }
0x49: {  	[sflag:s11] =	ssyncadd.s32 $0xFFFFC000  }
0x4a: {  	[bflag:$0x0] =	sbarrier.arrive $0xFFFF  }
0x4b: {  	[tilespmem:s16], [sflag:$0x2] =	stream.linear.gather [spmem:s5], $0x800, $0x38;
	[tilespmem:$0x19000] =	vst v63  }
0x4c: {  	_ =	swait.ge [sflag:s11], $0x800  }
0x4d: {  	[sflag:s11] =	ssyncset.done $0x0  }
0x4e: {  	s31 =	sadd.s32 $0x0, s9;
	[sflag:s11] =	ssyncadd.s32 $0xFFFFF800  }
0x4f: {  	[hbm4b:s31+s3] =	stream.linear.scatter [tilespmem:s16], [sflag:$0x2], $0x800, $0x38;
	[tilespmem:$0x19000] =	vst v63  }
0x50: {  	_ =	swait.ge [sflag:s11], $0x800  }
0x51: {  	s19 =	smov.u32 s5;
	s18 =	simm.s32 $0x100;
	[sflag:s11] =	ssyncset.done $0x0  }
.LBB2_8:
0x52: {  	p0 =	sne.s32 s18, $0x1F00;
	[sflag:s11] =	ssyncadd.s32 $0xFFFFF800;
	s19 =	sadd.s32 $0x800, s19  }
0x53: {  	[tilespmem:s16], [sflag:$0x2] =	stream.linear.gather [spmem:s19], $0x800, $0x38;
	[tilespmem:$0x19000] =	vst v63  }
0x54: {  	s20 =	smov.u32 s18;
	s18 =	sadd.s32 $0x100, s18;
	_ =	swait.ge [sflag:s11], $0x800  }
.Ltmp3:
0x55: {  	[sflag:s11] =	ssyncset.done $0x0;
	(pc) =	sbr.rel @p0 .LBB2_8-.Ltmp3, $4  }
0x56: {  	s20 =	sadd.s32 s20, s9;
	[sflag:s11] =	ssyncadd.s32 $0xFFFFF800  }
0x57: {  	[hbm4b:s20+s3] =	stream.linear.scatter [tilespmem:s16], [sflag:$0x2], $0x800, $0x38;
	[tilespmem:$0x19000] =	vst v63  }
0x58: {  	_ =	swait.ge [sflag:s11], $0x800  }
0x59: {  	[sflag:s11] =	ssyncset.done $0x0  }
0x5a: {  	s17 =	sadd.s32 $0x1, s17  }
0x5b: {  	p0 =	sne.s32 s17, s8  }
.Ltmp4:
0x5c: {  	_ = 	snop;
	(pc) =	sbr.rel @p0 .LBB2_1-.Ltmp4, $3  }
0x5d: {  	_ = 	snop  }
0x5e: {  	[sflag:s11] =	ssyncadd.s32 $0xFFFFF800  }
0x5f: {  	[bflag:$0x0] =	sbarrier.arrive $0xFFFF;
	_ =	sdelay $0x1  }
0x60: {  	_ =	sfence.sel $0x180000  }
0x61: {  	[bflag:$0x0] =	sbarrier.arrive $0xFFFF  }
0x62: {  	p0 =	sne.s32 s2, $0x0;
	_ =	strace $0x9000005C  }
0x63: {  	s0 =	sadd.s32 @!p0 $0x100000, s0;
	[bflag:$0x2] =	sbarrier.arrive $0xFFFF  }
0x64: {  	[sflag:s0] =	ssyncadd.tile.s32 @!p0 $0x1;
	_ =	shalt  }
.Lfunc_end2:
_tile_overlayer_lowered:
.L_overlay_start_2:
0x65: {  	(tag) =	ssettag $0x2  }
0x66: {  	s0 =	rddreg [dreg:$0x0];
	s2 =	stileid.u32  }
0x67: {  	s1 =	rddreg [dreg:$0x1];
	p0 =	sne.s32 s2, $0x0  }
0x68: {  	s3 =	rddreg [dreg:$0x2];
	[bflag:$0x3] =	sbarrier.arrive $0xFFFF;
	s2 =	simm.s32 @!p0 $0x1C02  }
0x69: {  	[timem:s3], [sflag:s2] =	dma.local @!p0 [hbm:s0], s1  }
0x6a: {  	s0 =	simm.s32 @!p0 $0x2  }
0x6b: {  	_ =	swait.ge @!p0 [sflag:s0], s1  }
0x6c: {  	s1 =	ssub.s32 @!p0 $0x0, s1;
	[sflag:s0] =	ssyncset.done @!p0 $0x0  }
0x6d: {  	[sflag:s0] =	ssyncadd.s32 @!p0 s1  }
0x6e: {  	[bflag:$0x3] =	sbarrier.arrive $0xFFFF  }
0x6f: {  	_ =	shalt  }

// kernel: kernel.33.cloned.1.call-start
scs
__scs_entry_jumppad:
0x0: {  	(pc) =	sbr.rel $0x88, $3  }
0x1: {  	(tag) =	ssettag $0x0;
	lr =	simm.s32 $0x1  }
0x2: {  	[smem:$0x3F8F] =	sst lr;
	_ =	strace $0xD0000000  }
0x3: {  	_ = 	snop  }
0x4: {  	_ = 	snop  }
0x5: {  	_ = 	snop  }
0x6: {  	_ = 	snop  }
0x7: {  	_ = 	snop  }
__scs_overlays_trampoline_lowered:
0x8: {  	[smem:$0x3F9E] =	sst s0  }
0x9: {  	[smem:$0x3F9F] =	sst s1  }
0xa: {  	[smem:$0x3FA0] =	sst s2  }
0xb: {  	[smem:$0x3FA1] =	sst s3  }
0xc: {  	[smem:$0x3FA2] =	sst s4  }
0xd: {  	[smem:$0x3FA3] =	sst s5  }
0xe: {  	[smem:$0x3FA4] =	sst s6  }
0xf: {  	[smem:$0x3FA5] =	sst s7  }
0x10: {  	[smem:$0x3FA6] =	sst s8  }
0x11: {  	[smem:$0x3FA7] =	sst s9;
	s0 =	simm.s32 @!p0 $0x0  }
0x12: {  	s1 =	sld [smem:$0x3F8D];
	s0 =	simm.s32 @p0 $0x1  }
0x13: {  	[smem:$0x3FA8] =	sst s0;
	s0 =	simm.s32 @!p1 $0x0  }
0x14: {  	s2 =	sld [smem:$0x3F8C];
	s0 =	simm.s32 @p1 $0x1  }
0x15: {  	[smem:$0x3FA9] =	sst s0;
	s0 =	simm.s32 @!p2 $0x0  }
0x16: {  	s3 =	sld [smem:$0x3FDB];
	s0 =	simm.s32 @p2 $0x1  }
0x17: {  	s4 =	simm.s32 $0x1BF5;
	[smem:$0x3FAB] =	sst s0  }
0x18: {  	s0 =	sld [smem:$0x3F8E];
	_ =	swait.ge [sflag:s4], $0x0  }
0x19: {  	s7 =	sld [smem:$0x3F8F]  }
0x1a: {  	s8 =	sadd.s32 $0xFFFFE003, lr  }
0x1b: {  	s9 =	sadd.s32 $0xFFFFFEF7, lr;
	s5 =	simm.s32 $0xFFFFFFFF;
	p2 =	slt.u32 s8, $0xFFFFF086  }
0x1c: {  	p1 =	slt.u32 s9, $0xF7A;
	s5 =	simm.s32 @!p2 $0x0  }
0x1d: {  	s5 =	simm.s32 @p1 $0x1;
	p0 =	seq.s32 s7, s2  }
0x1e: {  	s7 =	smul.u32 @!p0 $0xF7A, s2;
	p2 =	seq.s32 @!p0 s5, $0x0  }
0x1f: {  	s9 =	smul.u32 $0xF7A, s1;
	s8 =	simm.s32 @!p0 $0x1BF5;
	p2 =	por !p2, p0  }
0x20: {  	[sflag:s8] =	ssyncset.s32 @!p0 $0xFFFFF086;
	s6 =	sadd.s32 @!p0 s3, s7;
	s7 =	simm.s32 @!p0 $0x108  }
0x21: {  	s3 =	sadd.s32 s3, s9;
	s6 =	sadd.s32 @!p0 $0x88, s6;
	s7 =	simm.s32 @p2 $0x1082  }
0x22: {  	[simem:s7], [sflag:s8] =	dma.local @!p0 [hbm:s6], $0xF7A  }
0x23: {  	s9 =	sor.u32 $0xD0000000, s2;
	s6 =	simm.s32 $0x108;
	_ =	swait.ge @!p0 [sflag:s8], $0x0  }
0x24: {  	s3 =	sadd.s32 $0x88, s3;
	s6 =	simm.s32 @!p1 $0x1082;
	[sflag:s4] =	ssyncset.s32 $0xFFFFF086  }
0x25: {  	[simem:s6], [sflag:s4] =	dma.local [hbm:s3], $0xF7A  }
0x26: {  	[smem:$0x3F8F] =	sst s1;
	(tag) =	ssettag s2;
	_ =	strace s9  }
0x27: {  	s1 =	sld [smem:$0x3F9F]  }
0x28: {  	s2 =	sld [smem:$0x3FA0]  }
0x29: {  	s4 =	sld [smem:$0x3FA2]  }
0x2a: {  	p0 =	seq.s32 s5, $0x0;
	s5 =	sld [smem:$0x3FA3]  }
0x2b: {  	s6 =	sld [smem:$0x3FA4]  }
0x2c: {  	s7 =	sld [smem:$0x3FA5]  }
0x2d: {  	s3 =	simm.s32 $0x108;
	s8 =	sld [smem:$0x3FA6]  }
0x2e: {  	s3 =	simm.s32 @!p0 $0x1082;
	s9 =	sld [smem:$0x3FA7]  }
0x2f: {  	lr =	sadd.s32 s0, s3;
	s0 =	sld [smem:$0x3F9E]  }
0x30: {  	s3 =	sld [smem:$0x3FA1]  }
0x31: {  	[smem:$0x3FAA] =	sst s10  }
0x32: {  	s10 =	sld [smem:$0x3FA8];
	_ =	sdelay $0x3  }
0x33: {  	p0 =	seq.s32 s10, $0x1;
	s10 =	sld [smem:$0x3FAA];
	_ =	sdelay $0x3  }
0x34: {  	[smem:$0x3FAA] =	sst s10  }
0x35: {  	s10 =	sld [smem:$0x3FA9];
	_ =	sdelay $0x3  }
0x36: {  	p1 =	seq.s32 s10, $0x1;
	s10 =	sld [smem:$0x3FAA];
	_ =	sdelay $0x3  }
0x37: {  	[smem:$0x3FAA] =	sst s10  }
0x38: {  	s10 =	sld [smem:$0x3FAB]  }
0x39: {  	_ = 	snop;
	(pc) =	sbr.ind lr, $3  }
0x3a: {  	_ = 	snop  }
0x3b: {  	_ = 	snop  }
0x3c: {  	p2 =	seq.s32 s10, $0x1;
	s10 =	sld [smem:$0x3FAA]  }
0x3d: {  	_ =	shalt  }
0x3e: {  	_ =	shalt  }
0x3f: {  	_ =	shalt  }
0x40: {  	_ =	shalt  }
0x41: {  	_ =	shalt  }
0x42: {  	_ =	shalt  }
0x43: {  	_ =	shalt  }
0x44: {  	_ =	shalt  }
0x45: {  	_ =	shalt  }
0x46: {  	_ =	shalt  }
0x47: {  	_ =	shalt  }
0x48: {  	_ =	shalt  }
0x49: {  	_ =	shalt  }
0x4a: {  	_ =	shalt  }
0x4b: {  	_ =	shalt  }
0x4c: {  	_ =	shalt  }
0x4d: {  	_ =	shalt  }
0x4e: {  	_ =	shalt  }
0x4f: {  	_ =	shalt  }
0x50: {  	_ =	shalt  }
0x51: {  	_ =	shalt  }
0x52: {  	_ =	shalt  }
0x53: {  	_ =	shalt  }
0x54: {  	_ =	shalt  }
0x55: {  	_ =	shalt  }
0x56: {  	_ =	shalt  }
0x57: {  	_ =	shalt  }
0x58: {  	_ =	shalt  }
0x59: {  	_ =	shalt  }
0x5a: {  	_ =	shalt  }
0x5b: {  	_ =	shalt  }
0x5c: {  	_ =	shalt  }
0x5d: {  	_ =	shalt  }
0x5e: {  	_ =	shalt  }
0x5f: {  	_ =	shalt  }
0x60: {  	_ =	shalt  }
0x61: {  	_ =	shalt  }
0x62: {  	_ =	shalt  }
0x63: {  	_ =	shalt  }
0x64: {  	_ =	shalt  }
0x65: {  	_ =	shalt  }
0x66: {  	_ =	shalt  }
0x67: {  	_ =	shalt  }
0x68: {  	_ =	shalt  }
0x69: {  	_ =	shalt  }
0x6a: {  	_ =	shalt  }
0x6b: {  	_ =	shalt  }
0x6c: {  	_ =	shalt  }
0x6d: {  	_ =	shalt  }
0x6e: {  	_ =	shalt  }
0x6f: {  	_ =	shalt  }
0x70: {  	_ =	shalt  }
0x71: {  	_ =	shalt  }
0x72: {  	_ =	shalt  }
0x73: {  	_ =	shalt  }
0x74: {  	_ =	shalt  }
0x75: {  	_ =	shalt  }
0x76: {  	_ =	shalt  }
0x77: {  	_ =	shalt  }
0x78: {  	_ =	shalt  }
0x79: {  	_ =	shalt  }
0x7a: {  	_ =	shalt  }
0x7b: {  	_ =	shalt  }
0x7c: {  	_ =	shalt  }
0x7d: {  	_ =	shalt  }
0x7e: {  	_ =	shalt  }
0x7f: {  	_ =	shalt  }
0x80: {  	_ =	shalt  }
0x81: {  	_ =	shalt  }
0x82: {  	_ =	shalt  }
0x83: {  	_ =	shalt  }
0x84: {  	_ =	shalt  }
0x85: {  	_ =	shalt  }
0x86: {  	_ =	shalt  }
0x87: {  	_ =	shalt  }
.Lfunc_end0:
.L_simem_size_0:
called_computation.7_lowered:
.L_overlay_start_0:
0x88: {  	s2 =	sld [smem:$0x3FD9]  }
0x89: {  	s3 =	sld [smem:$0x3FFE];
	_ =	sdelay $0x1  }
0x8a: {  	s1 =	srdreg.scid  }
0x8b: {  	s0 =	sand.u32 $0x1, s1  }
0x8c: {  	s15 =	sshll.u32 s0, $0xA;
	s2 =	sadd.s32 s3, s2  }
0x8d: {  	s2 =	sadd.s32 s2, s15  }
0x8e: {  	[smem:$0x3FB6] =	sst s2  }
0x8f: {  	_ = 	snop  }
0x90: {  	s2 =	sld [smem:$0x3FD0];
	_ =	sdelay $0x2  }
0x91: {  	s16 =	simm.s32 $0xC;
	s4 =	simm.s32 $0x10  }
0x92: {  	[smem:s4], [sflag:s16] =	dma.local [hbm:s2], $0x1  }
0x93: {  	_ =	swait.eq [sflag:s16], $0x1  }
0x94: {  	[sflag:s16] =	ssyncset.done $0x0  }
0x95: {  	[sflag:s16] =	ssyncadd.s32 $0xFFFFFFFF  }
0x96: {  	s17 =	sld [smem:$0x11];
	(tm) =	ssettm $0x1  }
0x97: {  	s18 =	sld [smem:$0x3FFB];
	_ =	sdelay $0x3  }
0x98: {  	_ =	strace s18  }
0x99: {  	s2 =	sld [smem:$0x3FFC];
	_ =	sdelay $0x3  }
0x9a: {  	_ =	strace s2  }
0x9b: {  	s2 =	sld [smem:$0x3FFD];
	_ =	sdelay $0x3  }
0x9c: {  	_ =	strace s2  }
0x9d: {  	_ =	strace $0x8FFFFFFF  }
0x9e: {  	s19 =	sld [smem:$0x3FDB];
	_ =	sdelay $0x1  }
0x9f: {  	s20 =	simm.s32 $_scs_section_size  }
0xa0: {  	s5 =	simm.s32 $_size__tile_overlayer_lowered;
	s6 =	simm.s32 $_tile_overlayer_lowered  }
0xa1: {  	s7 =	simm.s32 $0x1BFF;
	s21 =	sshll.u32 s6, $0x1;
	s4 =	sadd.s32 s20, s19  }
0xa2: {  	s22 =	simm.s32 $0x0;
	s5 =	sshll.u32 s5, $0x1;
	s6 =	sadd.s32 s21, s4  }
0xa3: {  	[timem:s22], [sflag:s7] =	dma.local [hbm:s6], s5  }
0xa4: {  	_ =	swait.ge [sflag:s7], s5  }
0xa5: {  	s5 =	ssub.s32 $0x0, s5;
	[sflag:s7] =	ssyncset.done $0x0  }
0xa6: {  	[sflag:s7] =	ssyncadd.s32 s5;
	_ =	sdelay $0x1  }
0xa7: {  	s23 =	simm.s32 $0x1B8B  }
0xa8: {  	_ =	swait.ge [sflag:s23], $0x1  }
0xa9: {  	[sflag:s23] =	ssyncset.done $0x0  }
0xaa: {  	[sflag:s23] =	ssyncadd.s32 $0xFFFFFFFF  }
0xab: {  	s5 =	sld [smem:$0x0]  }
0xac: {  	s6 =	sand.u32 $0xFFFFFFFE, s1  }
0xad: {  	p0 =	sne.s32 s1, s6  }
0xae: {  	s6 =	sshll.u32 @p0 s6, $0xE  }
0xaf: {  	s6 =	sadd.s32 @p0 $0x11B8D, s6;
	s7 =	sshll.u32 @p0 s5, $0x11  }
0xb0: {  	s6 =	sor.u32 @p0 s7, s6  }
0xb1: {  	[sflag:s6] =	ssyncadd.remote.s32 @p0 $0x1;
	_ =	sdelay $0x1  }
0xb2: {  	s6 =	simm.s32 @p0 $0x1B8D  }
0xb3: {  	_ =	swait.eq @p0 [sflag:s6], $0x1  }
0xb4: {  	[sflag:s6] =	ssyncadd.s32 @p0 $0xFFFFFFFF  }
0xb5: {  	s7 =	sshll.u32 @!p0 s1, $0xE  }
0xb6: {  	s7 =	sor.u32 @!p0 $0x4000, s7;
	s6 =	simm.s32 @!p0 $0x1B8D  }
0xb7: {  	s5 =	sshll.u32 @!p0 s5, $0x11;
	s7 =	sadd.s32 @!p0 $0x11B8D, s7;
	_ =	swait.eq @!p0 [sflag:s6], $0x1  }
0xb8: {  	s5 =	sor.u32 @!p0 s5, s7;
	[sflag:s6] =	ssyncadd.s32 @!p0 $0xFFFFFFFF  }
0xb9: {  	s25 =	simm.s32 $0x1B8E;
	s24 =	sld [smem:$0x3FFE];
	[sflag:s5] =	ssyncadd.remote.s32 @!p0 $0x1  }
0xba: {  	s26 =	simm.s32 $execute0_lowered;
	[smem:$0x3FD2] =	sst s25  }
0xbb: {  	s6 =	sshll.u32 s26, $0x1;
	_ =	strace $0x80000058;
	[dreg:$0x1] =	wrdreg $0xFFFFFFFF  }
0xbc: {  	s28 =	simm.s32 $_size_execute0_lowered;
	s4 =	sadd.s32 s4, s6;
	[dreg:$0x0] =	wrdreg $0x0  }
0xbd: {  	s6 =	sshll.u32 s28, $0x1;
	[dreg:$0x2] =	wrdreg s4  }
0xbe: {  	[dreg:$0x3] =	wrdreg s6  }
0xbf: {  	[dreg:$0x4] =	wrdreg $0xC0  }
0xc0: {  	_ =	task [dreg:s22], $0x5FFFF  }
0xc1: {  	[dreg:$0x1] =	wrdreg $0xFFFFFFFF  }
0xc2: {  	[dreg:$0x0] =	wrdreg $0x60  }
0xc3: {  	[dreg:$0x2] =	wrdreg s24  }
0xc4: {  	[dreg:$0x3] =	wrdreg s17  }
0xc5: {  	[dreg:$0x4] =	wrdreg $0x58000  }
0xc6: {  	[dreg:$0x5] =	wrdreg $0x9  }
0xc7: {  	_ =	task.clear_ibuf [dreg:s22], $0x6FFFF;
	_ =	strace $0x90000058  }
0xc8: {  	s29 =	simm.s32 $0x9;
	_ =	strace $0x8000005A  }
0xc9: {  	_ =	swait.ge [sflag:s29], $0x1  }
0xca: {  	[sflag:s29] =	ssyncadd.s32 $0xFFFFFFFF  }
0xcb: {  	_ =	strace $0x9000005A  }
0xcc: {  	_ =	sfence  }
0xcd: {  	s30 =	sld [smem:$0x0];
	_ =	sdelay $0x2  }
0xce: {  	s31 =	sshll.u32 s1, $0xD;
	s1 =	sshrl.u32 s1, $0x2  }
0xcf: {  	s4 =	sand.u32 $0x4000, s31;
	s1 =	sadd.s32 s1, s30  }
0xd0: {  	s0 =	sor.u32 s4, s0;
	s1 =	sshll.u32 s1, $0x11  }
0xd1: {  	s0 =	sor.u32 s1, s0  }
0xd2: {  	s0 =	sadd.s32 $0x8F2B, s0  }
0xd3: {  	[sflag:s0] =	ssyncadd.remote.s32 $0x1  }
0xd4: {  	_ =	sfence.sel $0xFFFF  }
0xd5: {  	[dreg:$0x0] =	wrdreg $0xFFFFFFFF;
	(pc) =	sbr.abs _section_cstart, $3  }
0xd6: {  	[dreg:$0x1] =	wrdreg $0xFFFFFFFF  }
0xd7: {  	_ =	task.clear_ibuf [dreg:s22], $0x2FFFF;
	_ =	strace $0x9FFFFFFF  }
0xd8: {  	(tm) =	ssettm $0x7FFFFFFF  }
0xd9: {  	_ =	shalt  }
tec
execute0_lowered:
.L_overlay_start_1:
0x0: {  	(tag) =	ssettag $0x1  }
0x1: {  	s0 =	rddreg [dreg:$0x0]  }
0x2: {  	s5 =	rddreg [dreg:$0x1]  }
0x3: {  	s1 =	rddreg [dreg:$0x2];
	s3 =	simm.s32 $0x0;
	s2 =	srdreg.scid  }
0x4: {  	s11 =	stileid.u32;
	s12 =	simm.s32 $0x400;
	s13 =	simm.s32 $0x80  }
0x5: {  	s14 =	simm.s32 $0x800;
	s15 =	simm.s32 $0x1;
	s17 =	simm.s32 $0x100  }
0x6: {  	s18 =	simm.s32 $0x500;
	s19 =	simm.s32 $0x180;
	s20 =	simm.s32 $0x580  }
0x7: {  	s21 =	simm.s32 $0x200;
	s22 =	simm.s32 $0x600;
	s23 =	simm.s32 $0x280  }
0x8: {  	s28 =	simm.s32 $0x380;
	s29 =	simm.s32 $0x780;
	s30 =	simm.s32 $0x5000  }
0x9: {  	s31 =	simm.s32 $0x0;
	[smem:$0x7FF] =	sst s3;
	s2 =	sand.u32 $0x1, s2  }
0xa: {  	s4 =	sadd.s32 $0x132C00, s0;
	s7 =	sshll.u32 s11, $0x7;
	s8 =	smul.u32 $0x50000, s11  }
0xb: {  	s11 =	smul.u32 $0x2800, s11;
	_ =	strace $0x80000059;
	s6 =	sshll.u32 s2, $0xB  }
0xc: {  	s24 =	ssub.s32 $0x2, s2;
	s9 =	smul.u32 $0x28000, s2;
	s6 =	sor.u32 s7, s6  }
0xd: {  	s25 =	sshrl.u32 s24, $0x1;
	s26 =	sshrl.u32 s8, $0x2;
	s0 =	sadd.s32 s6, s0  }
0xe: {  	s10 =	ssub.s32 s24, s25;
	s2 =	sadd.s32 s26, s1;
	s5 =	sadd.s32 s9, s5  }
0xf: {  	s24 =	simm.s32 $0x680;
	s25 =	simm.s32 $0x300;
	s26 =	simm.s32 $0x700  }
0x10: {  	s6 =	sadd.s32 $0xAC00, s0;
	s7 =	sadd.s32 $0x26200, s0;
	s8 =	smax.u32 s10, $0x1  }
0x11: {  	v0 =	vimm.f32 $0.0e+00;
	s9 =	sadd.s32 s11, s5;
	s10 =	simm.s32 $0x4800;
	s11 =	simm.s32 $0x2  }
.LBB2_1:
0x12: {  	s0 =	simm.s32 $0x0;
	s5 =	simm.s32 $0x200  }
.LBB2_2:
0x13: {  	p0 =	sne.s32 s5, $0x1E00;
	[tilespmem:s0+$0x4870] =	vst v0  }
0x14: {  	[tilespmem:s0+$0x4800] =	vst v0  }
0x15: {  	[tilespmem:s0+$0x4810] =	vst v0  }
.Ltmp0:
0x16: {  	[tilespmem:s0+$0x4820] =	vst v0;
	(pc) =	sbr.rel @p0 .LBB2_2-.Ltmp0, $4  }
0x17: {  	[tilespmem:s0+$0x4830] =	vst v0  }
0x18: {  	[tilespmem:s0+$0x4840] =	vst v0  }
0x19: {  	[tilespmem:s0+$0x4850] =	vst v0  }
0x1a: {  	[tilespmem:s0+$0x4860] =	vst v0;
	s0 =	sshra.s32 s5, $0x2;
	s5 =	sadd.s32 $0x200, s5  }
0x1b: {  	[tilespmem:s0+$0x4870] =	vst v0  }
0x1c: {  	[tilespmem:s0+$0x4800] =	vst v0  }
0x1d: {  	[tilespmem:s0+$0x4810] =	vst v0  }
0x1e: {  	[tilespmem:s0+$0x4820] =	vst v0  }
0x1f: {  	[tilespmem:s0+$0x4830] =	vst v0  }
0x20: {  	[tilespmem:s0+$0x4840] =	vst v0  }
0x21: {  	[tilespmem:s0+$0x4850] =	vst v0  }
0x22: {  	[tilespmem:s0+$0x4860] =	vst v0;
	s16 =	sadd.s32 $0x0, s2  }
0x23: {  	[spmem:s16] =	stream.linear.scatter [tilespmem:s10], [sflag:$0x2], $0x800, $0x38;
	[tilespmem:$0x19800] =	vst v63  }
0x24: {  	s0 =	simm.s32 $0x2000;
	_ =	swait.ge [sflag:s11], $0x800  }
.LBB2_4:
0x25: {  	s5 =	sshra.s32 s0, $0x2;
	[sflag:s11] =	ssyncset.done $0x0;
	p0 =	sne.s32 s0, $0x4E000  }
.Ltmp1:
0x26: {  	s5 =	sadd.s32 s5, s2;
	[sflag:s11] =	ssyncadd.s32 $0xFFFFF800;
	(pc) =	sbr.rel @p0 .LBB2_4-.Ltmp1, $3  }
0x27: {  	[spmem:s5] =	stream.linear.scatter [tilespmem:s10], [sflag:$0x2], $0x800, $0x38;
	[tilespmem:$0x19800] =	vst v63  }
0x28: {  	s0 =	sadd.s32 $0x2000, s0;
	_ =	sdelay $0x1  }
0x29: {  	_ =	swait.ge [sflag:s11], $0x800  }
0x2a: {  	[sflag:s11] =	ssyncset.done $0x0  }
0x2b: {  	s0 =	simm.s32 $0x0;
	[sflag:s11] =	ssyncadd.s32 $0xFFFFF800  }
0x2c: {  	[tilespmem:s0], [sflag:$0x2] =	stream.linear.gather [hbm4b:s6+s0], $0x400, $0x38;
	[tilespmem:$0x19800] =	vst v63  }
0x2d: {  	_ =	swait.ge [sflag:s11], $0x400  }
0x2e: {  	[sflag:s11] =	ssyncset.done $0x0  }
0x2f: {  	[sflag:s11] =	ssyncadd.s32 $0xFFFFFC00  }
0x30: {  	[tilespmem:s12], [sflag:$0x2] =	stream.linear.gather [hbm4b:s7+s0], $0x400, $0x38;
	[tilespmem:$0x19800] =	vst v63  }
0x31: {  	_ =	swait.ge [sflag:s11], $0x400  }
0x32: {  	[sflag:s11] =	ssyncset.done $0x0  }
0x33: {  	[sflag:s11] =	ssyncadd.s32 $0xFFFFFC00  }
0x34: {  	[bflag:$0x0] =	sbarrier.arrive $0xFFFF  }
0x35: {  	[tilespmem:s14], [sflag:$0x1] =	stream.indirect.gather [hbm4b:s4+s13], $0x80, s0, s13, $0xb8;
	[tilespmem:$0x19800] =	vst v63  }
0x36: {  	_ =	swait.ge [sflag:s15], $0x4000  }
0x37: {  	[sflag:s15] =	ssyncset.done $0x0  }
0x38: {  	[sflag:s15] =	ssyncadd.s32 $0xFFFFC000  }
0x39: {  	[spmem:s1] =	stream.indirect.scatter.add.f32 [tilespmem:s14], [sflag:$0x2], $0x80, s12, s13, $0xb8;
	[tilespmem:$0x19800] =	vst v63  }
0x3a: {  	_ =	swait.ge [sflag:s11], $0x4000  }
0x3b: {  	[sflag:s11] =	ssyncset.done $0x0  }
0x3c: {  	[sflag:s11] =	ssyncadd.s32 $0xFFFFC000  }
0x3d: {  	[tilespmem:s14], [sflag:$0x1] =	stream.indirect.gather [hbm4b:s4+s13], $0x80, s13, s13, $0xb8;
	[tilespmem:$0x19800] =	vst v63  }
0x3e: {  	_ =	swait.ge [sflag:s15], $0x4000  }
0x3f: {  	[sflag:s15] =	ssyncset.done $0x0  }
0x40: {  	s5 =	simm.s32 $0x480;
	[sflag:s15] =	ssyncadd.s32 $0xFFFFC000  }
0x41: {  	[spmem:s1] =	stream.indirect.scatter.add.f32 [tilespmem:s14], [sflag:$0x2], $0x80, s5, s13, $0xb8;
	[tilespmem:$0x19800] =	vst v63  }
0x42: {  	_ =	swait.ge [sflag:s11], $0x4000  }
0x43: {  	[sflag:s11] =	ssyncset.done $0x0  }
0x44: {  	[sflag:s11] =	ssyncadd.s32 $0xFFFFC000  }
0x45: {  	[tilespmem:s14], [sflag:$0x1] =	stream.indirect.gather [hbm4b:s4+s13], $0x80, s17, s13, $0xb8;
	[tilespmem:$0x19800] =	vst v63  }
0x46: {  	_ =	swait.ge [sflag:s15], $0x4000  }
0x47: {  	[sflag:s15] =	ssyncset.done $0x0  }
0x48: {  	[sflag:s15] =	ssyncadd.s32 $0xFFFFC000  }
0x49: {  	[spmem:s1] =	stream.indirect.scatter.add.f32 [tilespmem:s14], [sflag:$0x2], $0x80, s18, s13, $0xb8;
	[tilespmem:$0x19800] =	vst v63  }
0x4a: {  	_ =	swait.ge [sflag:s11], $0x4000  }
0x4b: {  	[sflag:s11] =	ssyncset.done $0x0  }
0x4c: {  	[sflag:s11] =	ssyncadd.s32 $0xFFFFC000  }
0x4d: {  	[tilespmem:s14], [sflag:$0x1] =	stream.indirect.gather [hbm4b:s4+s13], $0x80, s19, s13, $0xb8;
	[tilespmem:$0x19800] =	vst v63  }
0x4e: {  	_ =	swait.ge [sflag:s15], $0x4000  }
0x4f: {  	[sflag:s15] =	ssyncset.done $0x0  }
0x50: {  	[sflag:s15] =	ssyncadd.s32 $0xFFFFC000  }
0x51: {  	[spmem:s1] =	stream.indirect.scatter.add.f32 [tilespmem:s14], [sflag:$0x2], $0x80, s20, s13, $0xb8;
	[tilespmem:$0x19800] =	vst v63  }
0x52: {  	_ =	swait.ge [sflag:s11], $0x4000  }
0x53: {  	[sflag:s11] =	ssyncset.done $0x0  }
0x54: {  	[sflag:s11] =	ssyncadd.s32 $0xFFFFC000  }
0x55: {  	[tilespmem:s14], [sflag:$0x1] =	stream.indirect.gather [hbm4b:s4+s13], $0x80, s21, s13, $0xb8;
	[tilespmem:$0x19800] =	vst v63  }
0x56: {  	_ =	swait.ge [sflag:s15], $0x4000  }
0x57: {  	[sflag:s15] =	ssyncset.done $0x0  }
0x58: {  	[sflag:s15] =	ssyncadd.s32 $0xFFFFC000  }
0x59: {  	[spmem:s1] =	stream.indirect.scatter.add.f32 [tilespmem:s14], [sflag:$0x2], $0x80, s22, s13, $0xb8;
	[tilespmem:$0x19800] =	vst v63  }
0x5a: {  	_ =	swait.ge [sflag:s11], $0x4000  }
0x5b: {  	[sflag:s11] =	ssyncset.done $0x0  }
0x5c: {  	[sflag:s11] =	ssyncadd.s32 $0xFFFFC000  }
0x5d: {  	[tilespmem:s14], [sflag:$0x1] =	stream.indirect.gather [hbm4b:s4+s13], $0x80, s23, s13, $0xb8;
	[tilespmem:$0x19800] =	vst v63  }
0x5e: {  	_ =	swait.ge [sflag:s15], $0x4000  }
0x5f: {  	[sflag:s15] =	ssyncset.done $0x0  }
0x60: {  	[sflag:s15] =	ssyncadd.s32 $0xFFFFC000  }
0x61: {  	[spmem:s1] =	stream.indirect.scatter.add.f32 [tilespmem:s14], [sflag:$0x2], $0x80, s24, s13, $0xb8;
	[tilespmem:$0x19800] =	vst v63  }
0x62: {  	_ =	swait.ge [sflag:s11], $0x4000  }
0x63: {  	[sflag:s11] =	ssyncset.done $0x0  }
0x64: {  	[sflag:s11] =	ssyncadd.s32 $0xFFFFC000  }
0x65: {  	[tilespmem:s14], [sflag:$0x1] =	stream.indirect.gather [hbm4b:s4+s13], $0x80, s25, s13, $0xb8;
	[tilespmem:$0x19800] =	vst v63  }
0x66: {  	_ =	swait.ge [sflag:s15], $0x4000  }
0x67: {  	[sflag:s15] =	ssyncset.done $0x0  }
0x68: {  	[sflag:s15] =	ssyncadd.s32 $0xFFFFC000  }
0x69: {  	[spmem:s1] =	stream.indirect.scatter.add.f32 [tilespmem:s14], [sflag:$0x2], $0x80, s26, s13, $0xb8;
	[tilespmem:$0x19800] =	vst v63  }
0x6a: {  	_ =	swait.ge [sflag:s11], $0x4000  }
0x6b: {  	[sflag:s11] =	ssyncset.done $0x0  }
0x6c: {  	[sflag:s11] =	ssyncadd.s32 $0xFFFFC000  }
0x6d: {  	[tilespmem:s14], [sflag:$0x1] =	stream.indirect.gather [hbm4b:s4+s13], $0x80, s28, s13, $0xb8;
	[tilespmem:$0x19800] =	vst v63  }
0x6e: {  	_ =	swait.ge [sflag:s15], $0x4000  }
0x6f: {  	[sflag:s15] =	ssyncset.done $0x0  }
0x70: {  	[sflag:s15] =	ssyncadd.s32 $0xFFFFC000  }
0x71: {  	[spmem:s1] =	stream.indirect.scatter.add.f32 [tilespmem:s14], [sflag:$0x2], $0x80, s29, s13, $0xb8;
	[tilespmem:$0x19800] =	vst v63  }
0x72: {  	_ =	swait.ge [sflag:s11], $0x4000  }
0x73: {  	[sflag:s11] =	ssyncset.done $0x0  }
0x74: {  	[sflag:s11] =	ssyncadd.s32 $0xFFFFC000  }
0x75: {  	[bflag:$0x0] =	sbarrier.arrive $0xFFFF  }
0x76: {  	[tilespmem:s30], [sflag:$0x2] =	stream.linear.gather [spmem:s2], $0x800, $0x38;
	[tilespmem:$0x19800] =	vst v63  }
0x77: {  	_ =	swait.ge [sflag:s11], $0x800  }
0x78: {  	[sflag:s11] =	ssyncset.done $0x0  }
0x79: {  	s16 =	sadd.s32 $0x0, s9;
	[sflag:s11] =	ssyncadd.s32 $0xFFFFF800  }
0x7a: {  	[hbm4b:s16+s3] =	stream.linear.scatter [tilespmem:s30], [sflag:$0x2], $0x800, $0x38;
	[tilespmem:$0x19800] =	vst v63  }
0x7b: {  	_ =	swait.ge [sflag:s11], $0x800  }
0x7c: {  	s0 =	simm.s32 $0x100;
	s5 =	smov.u32 s2;
	[sflag:s11] =	ssyncset.done $0x0  }
.LBB2_6:
0x7d: {  	p0 =	sne.s32 s0, $0x2700;
	[sflag:s11] =	ssyncadd.s32 $0xFFFFF800;
	s5 =	sadd.s32 $0x800, s5  }
0x7e: {  	[tilespmem:s30], [sflag:$0x2] =	stream.linear.gather [spmem:s5], $0x800, $0x38;
	[tilespmem:$0x19800] =	vst v63  }
0x7f: {  	s16 =	smov.u32 s0;
	s0 =	sadd.s32 $0x100, s0;
	_ =	swait.ge [sflag:s11], $0x800  }
.Ltmp2:
0x80: {  	[sflag:s11] =	ssyncset.done $0x0;
	(pc) =	sbr.rel @p0 .LBB2_6-.Ltmp2, $4  }
0x81: {  	s16 =	sadd.s32 s16, s9;
	[sflag:s11] =	ssyncadd.s32 $0xFFFFF800  }
0x82: {  	[hbm4b:s16+s3] =	stream.linear.scatter [tilespmem:s30], [sflag:$0x2], $0x800, $0x38;
	[tilespmem:$0x19800] =	vst v63  }
0x83: {  	_ =	swait.ge [sflag:s11], $0x800  }
0x84: {  	[sflag:s11] =	ssyncset.done $0x0  }
0x85: {  	s31 =	sadd.s32 $0x1, s31  }
0x86: {  	p0 =	sne.s32 s31, s8  }
.Ltmp3:
0x87: {  	_ = 	snop;
	(pc) =	sbr.rel @p0 .LBB2_1-.Ltmp3, $2  }
0x88: {  	_ =	sdelay $0x2  }
0x89: {  	[sflag:s11] =	ssyncadd.s32 $0xFFFFF800  }
0x8a: {  	_ =	sfence.sel $0x180000  }
0x8b: {  	[bflag:$0x0] =	sbarrier.arrive $0xFFFF  }
0x8c: {  	_ =	strace $0x90000059  }
0x8d: {  	s0 =	stileid.u32;
	[bflag:$0x2] =	sbarrier.arrive $0xFFFF  }
0x8e: {  	p0 =	sne.s32 s0, $0x0;
	s0 =	rddreg [dreg:$0x3]  }
0x8f: {  	s0 =	sadd.s32 @!p0 $0x100000, s0  }
0x90: {  	[sflag:s0] =	ssyncadd.tile.s32 @!p0 $0x1;
	_ =	shalt  }
.Lfunc_end2:
_tile_overlayer_lowered:
.L_overlay_start_2:
0x91: {  	(tag) =	ssettag $0x2  }
0x92: {  	s0 =	rddreg [dreg:$0x0];
	s2 =	stileid.u32  }
0x93: {  	s1 =	rddreg [dreg:$0x1];
	p0 =	sne.s32 s2, $0x0  }
0x94: {  	s3 =	rddreg [dreg:$0x2];
	[bflag:$0x3] =	sbarrier.arrive $0xFFFF;
	s2 =	simm.s32 @!p0 $0x1C02  }
0x95: {  	[timem:s3], [sflag:s2] =	dma.local @!p0 [hbm:s0], s1  }
0x96: {  	s0 =	simm.s32 @!p0 $0x2  }
0x97: {  	_ =	swait.ge @!p0 [sflag:s0], s1  }
0x98: {  	s1 =	ssub.s32 @!p0 $0x0, s1;
	[sflag:s0] =	ssyncset.done @!p0 $0x0  }
0x99: {  	[sflag:s0] =	ssyncadd.s32 @!p0 s1  }
0x9a: {  	[bflag:$0x3] =	sbarrier.arrive $0xFFFF  }
0x9b: {  	_ =	shalt  }

// kernel: kernel.36.cloned.1.call-start
scs
__scs_entry_jumppad:
0x0: {  	(pc) =	sbr.rel $0x88, $3  }
0x1: {  	(tag) =	ssettag $0x0;
	lr =	simm.s32 $0x1  }
0x2: {  	[smem:$0x3F8F] =	sst lr;
	_ =	strace $0xD0000000  }
0x3: {  	_ = 	snop  }
0x4: {  	_ = 	snop  }
0x5: {  	_ = 	snop  }
0x6: {  	_ = 	snop  }
0x7: {  	_ = 	snop  }
__scs_overlays_trampoline_lowered:
0x8: {  	[smem:$0x3F9E] =	sst s0  }
0x9: {  	[smem:$0x3F9F] =	sst s1  }
0xa: {  	[smem:$0x3FA0] =	sst s2  }
0xb: {  	[smem:$0x3FA1] =	sst s3  }
0xc: {  	[smem:$0x3FA2] =	sst s4  }
0xd: {  	[smem:$0x3FA3] =	sst s5  }
0xe: {  	[smem:$0x3FA4] =	sst s6  }
0xf: {  	[smem:$0x3FA5] =	sst s7  }
0x10: {  	[smem:$0x3FA6] =	sst s8  }
0x11: {  	[smem:$0x3FA7] =	sst s9;
	s0 =	simm.s32 @!p0 $0x0  }
0x12: {  	s1 =	sld [smem:$0x3F8D];
	s0 =	simm.s32 @p0 $0x1  }
0x13: {  	[smem:$0x3FA8] =	sst s0;
	s0 =	simm.s32 @!p1 $0x0  }
0x14: {  	s2 =	sld [smem:$0x3F8C];
	s0 =	simm.s32 @p1 $0x1  }
0x15: {  	[smem:$0x3FA9] =	sst s0;
	s0 =	simm.s32 @!p2 $0x0  }
0x16: {  	s3 =	sld [smem:$0x3FDB];
	s0 =	simm.s32 @p2 $0x1  }
0x17: {  	s4 =	simm.s32 $0x1BF5;
	[smem:$0x3FAB] =	sst s0  }
0x18: {  	s0 =	sld [smem:$0x3F8E];
	_ =	swait.ge [sflag:s4], $0x0  }
0x19: {  	s7 =	sld [smem:$0x3F8F]  }
0x1a: {  	s8 =	sadd.s32 $0xFFFFE003, lr  }
0x1b: {  	s9 =	sadd.s32 $0xFFFFFEF7, lr;
	s5 =	simm.s32 $0xFFFFFFFF;
	p2 =	slt.u32 s8, $0xFFFFF086  }
0x1c: {  	p1 =	slt.u32 s9, $0xF7A;
	s5 =	simm.s32 @!p2 $0x0  }
0x1d: {  	s5 =	simm.s32 @p1 $0x1;
	p0 =	seq.s32 s7, s2  }
0x1e: {  	s7 =	smul.u32 @!p0 $0xF7A, s2;
	p2 =	seq.s32 @!p0 s5, $0x0  }
0x1f: {  	s9 =	smul.u32 $0xF7A, s1;
	s8 =	simm.s32 @!p0 $0x1BF5;
	p2 =	por !p2, p0  }
0x20: {  	[sflag:s8] =	ssyncset.s32 @!p0 $0xFFFFF086;
	s6 =	sadd.s32 @!p0 s3, s7;
	s7 =	simm.s32 @!p0 $0x108  }
0x21: {  	s3 =	sadd.s32 s3, s9;
	s6 =	sadd.s32 @!p0 $0x88, s6;
	s7 =	simm.s32 @p2 $0x1082  }
0x22: {  	[simem:s7], [sflag:s8] =	dma.local @!p0 [hbm:s6], $0xF7A  }
0x23: {  	s9 =	sor.u32 $0xD0000000, s2;
	s6 =	simm.s32 $0x108;
	_ =	swait.ge @!p0 [sflag:s8], $0x0  }
0x24: {  	s3 =	sadd.s32 $0x88, s3;
	s6 =	simm.s32 @!p1 $0x1082;
	[sflag:s4] =	ssyncset.s32 $0xFFFFF086  }
0x25: {  	[simem:s6], [sflag:s4] =	dma.local [hbm:s3], $0xF7A  }
0x26: {  	[smem:$0x3F8F] =	sst s1;
	(tag) =	ssettag s2;
	_ =	strace s9  }
0x27: {  	s1 =	sld [smem:$0x3F9F]  }
0x28: {  	s2 =	sld [smem:$0x3FA0]  }
0x29: {  	s4 =	sld [smem:$0x3FA2]  }
0x2a: {  	p0 =	seq.s32 s5, $0x0;
	s5 =	sld [smem:$0x3FA3]  }
0x2b: {  	s6 =	sld [smem:$0x3FA4]  }
0x2c: {  	s7 =	sld [smem:$0x3FA5]  }
0x2d: {  	s3 =	simm.s32 $0x108;
	s8 =	sld [smem:$0x3FA6]  }
0x2e: {  	s3 =	simm.s32 @!p0 $0x1082;
	s9 =	sld [smem:$0x3FA7]  }
0x2f: {  	lr =	sadd.s32 s0, s3;
	s0 =	sld [smem:$0x3F9E]  }
0x30: {  	s3 =	sld [smem:$0x3FA1]  }
0x31: {  	[smem:$0x3FAA] =	sst s10  }
0x32: {  	s10 =	sld [smem:$0x3FA8];
	_ =	sdelay $0x3  }
0x33: {  	p0 =	seq.s32 s10, $0x1;
	s10 =	sld [smem:$0x3FAA];
	_ =	sdelay $0x3  }
0x34: {  	[smem:$0x3FAA] =	sst s10  }
0x35: {  	s10 =	sld [smem:$0x3FA9];
	_ =	sdelay $0x3  }
0x36: {  	p1 =	seq.s32 s10, $0x1;
	s10 =	sld [smem:$0x3FAA];
	_ =	sdelay $0x3  }
0x37: {  	[smem:$0x3FAA] =	sst s10  }
0x38: {  	s10 =	sld [smem:$0x3FAB]  }
0x39: {  	_ = 	snop;
	(pc) =	sbr.ind lr, $3  }
0x3a: {  	_ = 	snop  }
0x3b: {  	_ = 	snop  }
0x3c: {  	p2 =	seq.s32 s10, $0x1;
	s10 =	sld [smem:$0x3FAA]  }
0x3d: {  	_ =	shalt  }
0x3e: {  	_ =	shalt  }
0x3f: {  	_ =	shalt  }
0x40: {  	_ =	shalt  }
0x41: {  	_ =	shalt  }
0x42: {  	_ =	shalt  }
0x43: {  	_ =	shalt  }
0x44: {  	_ =	shalt  }
0x45: {  	_ =	shalt  }
0x46: {  	_ =	shalt  }
0x47: {  	_ =	shalt  }
0x48: {  	_ =	shalt  }
0x49: {  	_ =	shalt  }
0x4a: {  	_ =	shalt  }
0x4b: {  	_ =	shalt  }
0x4c: {  	_ =	shalt  }
0x4d: {  	_ =	shalt  }
0x4e: {  	_ =	shalt  }
0x4f: {  	_ =	shalt  }
0x50: {  	_ =	shalt  }
0x51: {  	_ =	shalt  }
0x52: {  	_ =	shalt  }
0x53: {  	_ =	shalt  }
0x54: {  	_ =	shalt  }
0x55: {  	_ =	shalt  }
0x56: {  	_ =	shalt  }
0x57: {  	_ =	shalt  }
0x58: {  	_ =	shalt  }
0x59: {  	_ =	shalt  }
0x5a: {  	_ =	shalt  }
0x5b: {  	_ =	shalt  }
0x5c: {  	_ =	shalt  }
0x5d: {  	_ =	shalt  }
0x5e: {  	_ =	shalt  }
0x5f: {  	_ =	shalt  }
0x60: {  	_ =	shalt  }
0x61: {  	_ =	shalt  }
0x62: {  	_ =	shalt  }
0x63: {  	_ =	shalt  }
0x64: {  	_ =	shalt  }
0x65: {  	_ =	shalt  }
0x66: {  	_ =	shalt  }
0x67: {  	_ =	shalt  }
0x68: {  	_ =	shalt  }
0x69: {  	_ =	shalt  }
0x6a: {  	_ =	shalt  }
0x6b: {  	_ =	shalt  }
0x6c: {  	_ =	shalt  }
0x6d: {  	_ =	shalt  }
0x6e: {  	_ =	shalt  }
0x6f: {  	_ =	shalt  }
0x70: {  	_ =	shalt  }
0x71: {  	_ =	shalt  }
0x72: {  	_ =	shalt  }
0x73: {  	_ =	shalt  }
0x74: {  	_ =	shalt  }
0x75: {  	_ =	shalt  }
0x76: {  	_ =	shalt  }
0x77: {  	_ =	shalt  }
0x78: {  	_ =	shalt  }
0x79: {  	_ =	shalt  }
0x7a: {  	_ =	shalt  }
0x7b: {  	_ =	shalt  }
0x7c: {  	_ =	shalt  }
0x7d: {  	_ =	shalt  }
0x7e: {  	_ =	shalt  }
0x7f: {  	_ =	shalt  }
0x80: {  	_ =	shalt  }
0x81: {  	_ =	shalt  }
0x82: {  	_ =	shalt  }
0x83: {  	_ =	shalt  }
0x84: {  	_ =	shalt  }
0x85: {  	_ =	shalt  }
0x86: {  	_ =	shalt  }
0x87: {  	_ =	shalt  }
.Lfunc_end0:
.L_simem_size_0:
called_computation.8_lowered:
.L_overlay_start_0:
0x88: {  	s2 =	sld [smem:$0x3FD9]  }
0x89: {  	s3 =	sld [smem:$0x3FFE];
	_ =	sdelay $0x1  }
0x8a: {  	s1 =	srdreg.scid  }
0x8b: {  	s0 =	sand.u32 $0x1, s1  }
0x8c: {  	s16 =	sshll.u32 s0, $0xA;
	s2 =	sadd.s32 s3, s2  }
0x8d: {  	s2 =	sadd.s32 s2, s16  }
0x8e: {  	[smem:$0x3FB6] =	sst s2  }
0x8f: {  	_ = 	snop  }
0x90: {  	(tm) =	ssettm $0x1  }
0x91: {  	s17 =	sld [smem:$0x3FFB];
	_ =	sdelay $0x3  }
0x92: {  	_ =	strace s17  }
0x93: {  	s2 =	sld [smem:$0x3FFC];
	_ =	sdelay $0x3  }
0x94: {  	_ =	strace s2  }
0x95: {  	s2 =	sld [smem:$0x3FFD];
	_ =	sdelay $0x3  }
0x96: {  	_ =	strace s2  }
0x97: {  	_ =	strace $0x8FFFFFFF  }
0x98: {  	s18 =	sld [smem:$0x3FDB];
	_ =	sdelay $0x1  }
0x99: {  	s19 =	simm.s32 $_scs_section_size  }
0x9a: {  	s4 =	simm.s32 $_size__tile_overlayer_lowered;
	s5 =	simm.s32 $_tile_overlayer_lowered  }
0x9b: {  	s22 =	simm.s32 $0x1BFF;
	s21 =	sshll.u32 s5, $0x1;
	s2 =	sadd.s32 s19, s18  }
0x9c: {  	s6 =	simm.s32 $0x0;
	s20 =	sshll.u32 s4, $0x1;
	s4 =	sadd.s32 s21, s2  }
0x9d: {  	[timem:s6], [sflag:s22] =	dma.local [hbm:s4], s20  }
0x9e: {  	_ =	swait.ge [sflag:s22], s20  }
0x9f: {  	s3 =	ssub.s32 $0x0, s20;
	[sflag:s22] =	ssyncset.done $0x0  }
0xa0: {  	[sflag:s22] =	ssyncadd.s32 s3;
	_ =	sdelay $0x1  }
0xa1: {  	s23 =	simm.s32 $0x1B8B  }
0xa2: {  	_ =	swait.ge [sflag:s23], $0x1  }
0xa3: {  	[sflag:s23] =	ssyncset.done $0x0  }
0xa4: {  	s25 =	simm.s32 $0x1B8E;
	s24 =	sld [smem:$0x3FFE];
	[sflag:s23] =	ssyncadd.s32 $0xFFFFFFFF  }
0xa5: {  	s26 =	simm.s32 $execute0_lowered;
	[smem:$0x3FD2] =	sst s25  }
0xa6: {  	s4 =	sshll.u32 s26, $0x1;
	_ =	strace $0x8000005E;
	[dreg:$0x1] =	wrdreg $0xFFFFFFFF  }
0xa7: {  	s28 =	simm.s32 $_size_execute0_lowered;
	s2 =	sadd.s32 s2, s4;
	[dreg:$0x0] =	wrdreg $0x0  }
0xa8: {  	s4 =	sshll.u32 s28, $0x1;
	[dreg:$0x2] =	wrdreg s2  }
0xa9: {  	[dreg:$0x3] =	wrdreg s4  }
0xaa: {  	[dreg:$0x4] =	wrdreg $0xC0  }
0xab: {  	_ =	task [dreg:s6], $0x5FFFF  }
0xac: {  	[dreg:$0x1] =	wrdreg $0xFFFFFFFF  }
0xad: {  	[dreg:$0x0] =	wrdreg $0x60  }
0xae: {  	[dreg:$0x2] =	wrdreg s24  }
0xaf: {  	[dreg:$0x3] =	wrdreg $0xA0000  }
0xb0: {  	[dreg:$0x4] =	wrdreg $0x9  }
0xb1: {  	_ =	task.clear_ibuf [dreg:s6], $0x5FFFF;
	_ =	strace $0x9000005E  }
0xb2: {  	s29 =	simm.s32 $0x9;
	_ =	strace $0x80000060  }
0xb3: {  	_ =	swait.ge [sflag:s29], $0x1  }
0xb4: {  	[sflag:s29] =	ssyncadd.s32 $0xFFFFFFFF  }
0xb5: {  	_ =	strace $0x90000060  }
0xb6: {  	_ =	sfence  }
0xb7: {  	s30 =	sld [smem:$0x0];
	_ =	sdelay $0x2  }
0xb8: {  	s31 =	sshll.u32 s1, $0xD;
	s1 =	sshrl.u32 s1, $0x2  }
0xb9: {  	s3 =	sand.u32 $0x4000, s31;
	s1 =	sadd.s32 s1, s30  }
0xba: {  	s0 =	sor.u32 s3, s0;
	s1 =	sshll.u32 s1, $0x11  }
0xbb: {  	s0 =	sor.u32 s1, s0  }
0xbc: {  	s0 =	sadd.s32 $0x8F2B, s0  }
0xbd: {  	[sflag:s0] =	ssyncadd.remote.s32 $0x1  }
0xbe: {  	_ =	sfence.sel $0xFFFF  }
0xbf: {  	[dreg:$0x0] =	wrdreg $0xFFFFFFFF;
	(pc) =	sbr.abs _section_cstart, $3  }
0xc0: {  	[dreg:$0x1] =	wrdreg $0xFFFFFFFF  }
0xc1: {  	_ =	task.clear_ibuf [dreg:s6], $0x2FFFF;
	_ =	strace $0x9FFFFFFF  }
0xc2: {  	(tm) =	ssettm $0x7FFFFFFF  }
0xc3: {  	_ =	shalt  }
tec
execute0_lowered:
.L_overlay_start_1:
0x0: {  	(tag) =	ssettag $0x1  }
0x1: {  	s6 =	rddreg [dreg:$0x0]  }
0x2: {  	s0 =	srdreg.scid;
	s2 =	rddreg [dreg:$0x1]  }
0x3: {  	s3 =	simm.s32 $0x0;
	s12 =	simm.s32 $0x2800;
	s13 =	simm.s32 $0x80  }
0x4: {  	s14 =	simm.s32 $0x5000;
	s15 =	simm.s32 $0x1;
	s5 =	sand.u32 $0x1, s0  }
0x5: {  	s16 =	simm.s32 $0x9800;
	s0 =	stileid.u32;
	s8 =	smul.u32 $0x28000, s5  }
0x6: {  	s17 =	simm.s32 $0x0;
	[smem:$0x7FF] =	sst s3;
	s9 =	smul.u32 $0x50000, s0  }
0x7: {  	s1 =	sshll.u32 s5, $0x4;
	s5 =	ssub.s32 $0x2, s5;
	s31 =	smul.u32 $0x2800, s0  }
0x8: {  	s4 =	sor.u32 s0, s1;
	s1 =	rddreg [dreg:$0x2];
	_ =	strace $0x8000005F  }
0x9: {  	s29 =	sshrl.u32 s5, $0x1;
	s7 =	smul.u32 $0x500, s4;
	s4 =	sadd.s32 $0x39200, s6  }
0xa: {  	s10 =	sadd.s32 s8, s6;
	s30 =	sshrl.u32 s9, $0x2;
	s11 =	ssub.s32 s5, s29  }
0xb: {  	s5 =	sadd.s32 s30, s2;
	s8 =	smax.u32 s11, $0x1;
	s9 =	sadd.s32 s31, s10  }
0xc: {  	s10 =	simm.s32 $0x9000;
	s11 =	simm.s32 $0x2;
	s7 =	sadd.s32 s7, s6  }
0xd: {  	v0 =	vimm.f32 $0.0e+00;
	s9 =	sadd.s32 $0x60400, s9;
	s6 =	sadd.s32 $0xBC00, s7;
	s7 =	sadd.s32 $0x2F200, s7  }
.LBB2_1:
0xe: {  	s18 =	simm.s32 $0x0;
	s19 =	simm.s32 $0x200  }
.LBB2_2:
0xf: {  	p0 =	sne.s32 s19, $0x1E00;
	[tilespmem:s18+$0x9070] =	vst v0  }
0x10: {  	[tilespmem:s18+$0x9000] =	vst v0  }
0x11: {  	[tilespmem:s18+$0x9010] =	vst v0  }
.Ltmp0:
0x12: {  	[tilespmem:s18+$0x9020] =	vst v0;
	(pc) =	sbr.rel @p0 .LBB2_2-.Ltmp0, $4  }
0x13: {  	[tilespmem:s18+$0x9030] =	vst v0  }
0x14: {  	[tilespmem:s18+$0x9040] =	vst v0  }
0x15: {  	[tilespmem:s18+$0x9050] =	vst v0  }
0x16: {  	[tilespmem:s18+$0x9060] =	vst v0;
	s18 =	sshra.s32 s19, $0x2;
	s19 =	sadd.s32 $0x200, s19  }
0x17: {  	[tilespmem:s18+$0x9070] =	vst v0  }
0x18: {  	[tilespmem:s18+$0x9000] =	vst v0  }
0x19: {  	[tilespmem:s18+$0x9010] =	vst v0  }
0x1a: {  	[tilespmem:s18+$0x9020] =	vst v0  }
0x1b: {  	[tilespmem:s18+$0x9030] =	vst v0  }
0x1c: {  	[tilespmem:s18+$0x9040] =	vst v0  }
0x1d: {  	[tilespmem:s18+$0x9050] =	vst v0  }
0x1e: {  	[tilespmem:s18+$0x9060] =	vst v0;
	s31 =	sadd.s32 $0x0, s5  }
0x1f: {  	[spmem:s31] =	stream.linear.scatter [tilespmem:s10], [sflag:$0x2], $0x800, $0x38;
	[tilespmem:$0x1E000] =	vst v63  }
0x20: {  	s18 =	simm.s32 $0x2000;
	_ =	swait.ge [sflag:s11], $0x800  }
.LBB2_4:
0x21: {  	s19 =	sshra.s32 s18, $0x2;
	[sflag:s11] =	ssyncset.done $0x0;
	p0 =	sne.s32 s18, $0x4E000  }
.Ltmp1:
0x22: {  	s19 =	sadd.s32 s19, s5;
	[sflag:s11] =	ssyncadd.s32 $0xFFFFF800;
	(pc) =	sbr.rel @p0 .LBB2_4-.Ltmp1, $3  }
0x23: {  	[spmem:s19] =	stream.linear.scatter [tilespmem:s10], [sflag:$0x2], $0x800, $0x38;
	[tilespmem:$0x1E000] =	vst v63  }
0x24: {  	s18 =	sadd.s32 $0x2000, s18;
	_ =	sdelay $0x1  }
0x25: {  	_ =	swait.ge [sflag:s11], $0x800  }
0x26: {  	[sflag:s11] =	ssyncset.done $0x0  }
0x27: {  	s18 =	simm.s32 $0x0;
	[sflag:s11] =	ssyncadd.s32 $0xFFFFF800  }
0x28: {  	[tilespmem:s18], [sflag:$0x2] =	stream.linear.gather [hbm4b:s6+s18], $0x2780, $0x38;
	[tilespmem:$0x1E000] =	vst v63  }
0x29: {  	_ =	swait.ge [sflag:s11], $0x2780  }
0x2a: {  	[sflag:s11] =	ssyncset.done $0x0  }
0x2b: {  	[sflag:s11] =	ssyncadd.s32 $0xFFFFD880  }
0x2c: {  	[tilespmem:s12], [sflag:$0x2] =	stream.linear.gather [hbm4b:s7+s18], $0x2780, $0x38;
	[tilespmem:$0x1E000] =	vst v63  }
0x2d: {  	_ =	swait.ge [sflag:s11], $0x2780  }
0x2e: {  	[sflag:s11] =	ssyncset.done $0x0  }
0x2f: {  	[sflag:s11] =	ssyncadd.s32 $0xFFFFD880  }
0x30: {  	s30 =	simm.s32 $0x0;
	[bflag:$0x0] =	sbarrier.arrive $0xFFFF  }
0x31: {  	[tilespmem:s14], [sflag:$0x1] =	stream.indirect.gather [hbm4b:s4+s13], $0x80, s30, s13, $0xb8;
	[tilespmem:$0x1E000] =	vst v63  }
0x32: {  	_ =	swait.ge [sflag:s15], $0x4000  }
0x33: {  	[sflag:s15] =	ssyncset.done $0x0  }
0x34: {  	s31 =	simm.s32 $0x2800;
	[sflag:s15] =	ssyncadd.s32 $0xFFFFC000  }
0x35: {  	[spmem:s2] =	stream.indirect.scatter.add.f32 [tilespmem:s14], [sflag:$0x2], $0x80, s31, s13, $0xb8;
	[tilespmem:$0x1E000] =	vst v63  }
0x36: {  	_ =	swait.ge [sflag:s11], $0x4000  }
0x37: {  	s19 =	simm.s32 $0x400;
	s18 =	simm.s32 $0x200;
	[sflag:s11] =	ssyncset.done $0x0  }
.LBB2_6:
0x38: {  	s20 =	sshra.s32 s18, $0x2  }
0x39: {  	[sflag:s11] =	ssyncadd.s32 $0xFFFFC000;
	s18 =	smov.u32 s19;
	s21 =	sadd.s32 $0x200, s19  }
0x3a: {  	[tilespmem:s14], [sflag:$0x1] =	stream.indirect.gather [hbm4b:s4+s13], $0x80, s20, s13, $0xb8;
	[tilespmem:$0x1E000] =	vst v63  }
0x3b: {  	p0 =	sne.s32 s19, $0x9C00;
	_ =	swait.ge [sflag:s15], $0x4000  }
.Ltmp2:
0x3c: {  	[sflag:s15] =	ssyncset.done $0x0;
	(pc) =	sbr.rel @p0 .LBB2_6-.Ltmp2, $4  }
0x3d: {  	s19 =	sadd.s32 $0x2800, s20;
	[sflag:s15] =	ssyncadd.s32 $0xFFFFC000  }
0x3e: {  	[spmem:s2] =	stream.indirect.scatter.add.f32 [tilespmem:s14], [sflag:$0x2], $0x80, s19, s13, $0xb8;
	[tilespmem:$0x1E000] =	vst v63  }
0x3f: {  	_ =	swait.ge [sflag:s11], $0x4000  }
0x40: {  	s19 =	smov.u32 s21;
	[sflag:s11] =	ssyncset.done $0x0  }
0x41: {  	s18 =	sshra.s32 s18, $0x2;
	[sflag:s11] =	ssyncadd.s32 $0xFFFFC000  }
0x42: {  	[tilespmem:s14], [sflag:$0x1] =	stream.indirect.gather [hbm4b:s4+s13], $0x80, s18, s13, $0xb8;
	[tilespmem:$0x1E000] =	vst v63  }
0x43: {  	_ =	swait.ge [sflag:s15], $0x4000  }
0x44: {  	[sflag:s15] =	ssyncset.done $0x0  }
0x45: {  	s18 =	sadd.s32 $0x2800, s18;
	[sflag:s15] =	ssyncadd.s32 $0xFFFFC000  }
0x46: {  	[spmem:s2] =	stream.indirect.scatter.add.f32 [tilespmem:s14], [sflag:$0x2], $0x80, s18, s13, $0xb8;
	[tilespmem:$0x1E000] =	vst v63  }
0x47: {  	_ =	swait.ge [sflag:s11], $0x4000  }
0x48: {  	[sflag:s11] =	ssyncset.done $0x0  }
0x49: {  	[sflag:s11] =	ssyncadd.s32 $0xFFFFC000  }
0x4a: {  	[bflag:$0x0] =	sbarrier.arrive $0xFFFF  }
0x4b: {  	[tilespmem:s16], [sflag:$0x2] =	stream.linear.gather [spmem:s5], $0x800, $0x38;
	[tilespmem:$0x1E000] =	vst v63  }
0x4c: {  	_ =	swait.ge [sflag:s11], $0x800  }
0x4d: {  	[sflag:s11] =	ssyncset.done $0x0  }
0x4e: {  	s31 =	sadd.s32 $0x0, s9;
	[sflag:s11] =	ssyncadd.s32 $0xFFFFF800  }
0x4f: {  	[hbm4b:s31+s3] =	stream.linear.scatter [tilespmem:s16], [sflag:$0x2], $0x800, $0x38;
	[tilespmem:$0x1E000] =	vst v63  }
0x50: {  	_ =	swait.ge [sflag:s11], $0x800  }
0x51: {  	s19 =	smov.u32 s5;
	s18 =	simm.s32 $0x100;
	[sflag:s11] =	ssyncset.done $0x0  }
.LBB2_8:
0x52: {  	p0 =	sne.s32 s18, $0x2700;
	[sflag:s11] =	ssyncadd.s32 $0xFFFFF800;
	s19 =	sadd.s32 $0x800, s19  }
0x53: {  	[tilespmem:s16], [sflag:$0x2] =	stream.linear.gather [spmem:s19], $0x800, $0x38;
	[tilespmem:$0x1E000] =	vst v63  }
0x54: {  	s20 =	smov.u32 s18;
	s18 =	sadd.s32 $0x100, s18;
	_ =	swait.ge [sflag:s11], $0x800  }
.Ltmp3:
0x55: {  	[sflag:s11] =	ssyncset.done $0x0;
	(pc) =	sbr.rel @p0 .LBB2_8-.Ltmp3, $4  }
0x56: {  	s20 =	sadd.s32 s20, s9;
	[sflag:s11] =	ssyncadd.s32 $0xFFFFF800  }
0x57: {  	[hbm4b:s20+s3] =	stream.linear.scatter [tilespmem:s16], [sflag:$0x2], $0x800, $0x38;
	[tilespmem:$0x1E000] =	vst v63  }
0x58: {  	_ =	swait.ge [sflag:s11], $0x800  }
0x59: {  	[sflag:s11] =	ssyncset.done $0x0  }
0x5a: {  	s17 =	sadd.s32 $0x1, s17  }
0x5b: {  	p0 =	sne.s32 s17, s8  }
.Ltmp4:
0x5c: {  	_ = 	snop;
	(pc) =	sbr.rel @p0 .LBB2_1-.Ltmp4, $2  }
0x5d: {  	_ =	sdelay $0x2  }
0x5e: {  	[sflag:s11] =	ssyncadd.s32 $0xFFFFF800  }
0x5f: {  	_ =	sfence.sel $0x180000  }
0x60: {  	[bflag:$0x0] =	sbarrier.arrive $0xFFFF  }
0x61: {  	p0 =	sne.s32 s0, $0x0;
	_ =	strace $0x9000005F  }
0x62: {  	s0 =	sadd.s32 @!p0 $0x100000, s1;
	[bflag:$0x2] =	sbarrier.arrive $0xFFFF  }
0x63: {  	[sflag:s0] =	ssyncadd.tile.s32 @!p0 $0x1;
	_ =	shalt  }
.Lfunc_end2:
_tile_overlayer_lowered:
.L_overlay_start_2:
0x64: {  	(tag) =	ssettag $0x2  }
0x65: {  	s0 =	rddreg [dreg:$0x0];
	s2 =	stileid.u32  }
0x66: {  	s1 =	rddreg [dreg:$0x1];
	p0 =	sne.s32 s2, $0x0  }
0x67: {  	s3 =	rddreg [dreg:$0x2];
	[bflag:$0x3] =	sbarrier.arrive $0xFFFF;
	s2 =	simm.s32 @!p0 $0x1C02  }
0x68: {  	[timem:s3], [sflag:s2] =	dma.local @!p0 [hbm:s0], s1  }
0x69: {  	s0 =	simm.s32 @!p0 $0x2  }
0x6a: {  	_ =	swait.ge @!p0 [sflag:s0], s1  }
0x6b: {  	s1 =	ssub.s32 @!p0 $0x0, s1;
	[sflag:s0] =	ssyncset.done @!p0 $0x0  }
0x6c: {  	[sflag:s0] =	ssyncadd.s32 @!p0 s1  }
0x6d: {  	[bflag:$0x3] =	sbarrier.arrive $0xFFFF  }
0x6e: {  	_ =	shalt  }

</sc_bundles>
